<compile_context>
chip_gen: v7x
topology: tpu7x:2x2x1
jax: 0.10.2.dev20260603
libtpu: 0.0.44.dev20260713+nightly
codegen_flags: <defaults>
</compile_context>

<pallas_src>
import functools

import jax
import jax.numpy as jnp
from jax import lax
from jax.experimental import pallas as pl
from jax.experimental.pallas import tpu as pltpu
from jax.experimental.pallas import tpu_sc as plsc

N = 10000
E = 320000
H = 128
OUT = 128
G = 64
NVOCAB = 100

NC = 2
NS = 16
NW = NC * NS
K = 128
NCH = E // K
CWB = NCH // NW
NXW = NCH - CWB * NW
RS = 4
ZR = 640



def _bn(x, gamma, beta):
    mu = jnp.mean(x, axis=0, keepdims=True)
    var = jnp.maximum(jnp.mean(x * x, axis=0, keepdims=True) - mu * mu, 0.0)
    return (x - mu) / jnp.sqrt(var + 1e-5) * gamma + beta


def _embed_layer_body(x_ref, embed_ref, ng_ref, nb_ref, lw_ref, lb_ref, out_ref):
    xi = x_ref[...]
    onehot = (lax.broadcasted_iota(jnp.int32, (NVOCAB, N), 0) == xi[None, :])
    h = lax.dot_general(onehot.astype(jnp.float32), embed_ref[...],
                        (((0,), (0,)), ((), ())),
                        preferred_element_type=jnp.float32)
    hn = _bn(h, ng_ref[...], nb_ref[...])
    out_ref[...] = jnp.maximum(
        jnp.dot(hn, lw_ref[...], preferred_element_type=jnp.float32)
        + lb_ref[...], 0.0)


def _mid_body(h_ref, p_ref, eps_ref, w1_ref, b1_ref, bg_ref, bb_ref,
              w2_ref, b2_ref, ng_ref, nb_ref, lw_ref, lb_ref, out_ref):
    h = h_ref[...]
    agg = p_ref[0] + p_ref[1]
    z = (1.0 + eps_ref[0, 0]) * h + agg
    z = jnp.dot(z, w1_ref[...], preferred_element_type=jnp.float32) + b1_ref[...]
    z = jnp.maximum(_bn(z, bg_ref[...], bb_ref[...]), 0.0)
    h2 = jnp.dot(z, w2_ref[...], preferred_element_type=jnp.float32) + b2_ref[...]
    hn = _bn(h2, ng_ref[...], nb_ref[...])
    out_ref[...] = jnp.maximum(
        jnp.dot(hn, lw_ref[...], preferred_element_type=jnp.float32)
        + lb_ref[...], 0.0)


def _final_body(h_ref, p_ref, eps_ref, w1_ref, b1_ref, bg_ref, bb_ref,
                w2_ref, b2_ref, rw_ref, rb_ref, batch_ref, out_ref):
    h = h_ref[...]
    agg = p_ref[0] + p_ref[1]
    z = (1.0 + eps_ref[0, 0]) * h + agg
    z = jnp.dot(z, w1_ref[...], preferred_element_type=jnp.float32) + b1_ref[...]
    z = jnp.maximum(_bn(z, bg_ref[...], bb_ref[...]), 0.0)
    h2 = jnp.dot(z, w2_ref[...], preferred_element_type=jnp.float32) + b2_ref[...]
    r = jnp.dot(h2, rw_ref[...], preferred_element_type=jnp.float32) + rb_ref[...]
    ind = (lax.broadcasted_iota(jnp.int32, (G, N), 0) == batch_ref[...][None, :])
    out_ref[...] = jnp.dot(ind.astype(jnp.float32), r,
                           preferred_element_type=jnp.float32)


def _tc_call(body, out_shape):
    return pl.pallas_call(body, out_shape=jax.ShapeDtypeStruct(out_shape,
                                                               jnp.float32))



def _make_sc_agg():
    mesh = plsc.VectorSubcoreMesh(core_axis_name="c", subcore_axis_name="s",
                                  num_cores=NC, num_subcores=NS)

    @functools.partial(
        pl.kernel,
        mesh=mesh,
        out_type=jax.ShapeDtypeStruct((NC, N, H), jnp.float32),
        scratch_types=[
            pltpu.VMEM((RS, 2, K), jnp.int32),
            pltpu.VMEM((K, H), jnp.float32),
            pltpu.VMEM((K, H), jnp.float32),
            pltpu.VMEM((16, H), jnp.float32),
            pltpu.VMEM_SHARED((N, H), jnp.float32),
            pltpu.SemaphoreType.DMA,
            pltpu.SemaphoreType.DMA,
            pltpu.SemaphoreType.DMA,
            pltpu.SemaphoreType.DMA,
            pltpu.SemaphoreType.DMA,
        ],
    )
    def sc_agg(h_hbm, ei_hbm, out_hbm,
               ring, rows0, rows1, zbuf, agg_sh,
               sem0, sem1, semz, semi0, semi1):
        cid = lax.axis_index("c")
        sid = lax.axis_index("s")
        wid = cid * NS + sid
        cw = CWB + jnp.where(wid >= NW - NXW, 1, 0)
        sw = CWB * wid + jnp.maximum(wid - (NW - NXW), 0)

        zero = jnp.zeros((16,), jnp.float32)
        for r in range(16):
            for c in range(H // 16):
                zbuf[r, pl.ds(c * 16, 16)] = zero

        def zbody(j, carry):
            off = pl.multiple_of(jnp.minimum(sid * ZR + j * 16, N - 16), 16)
            pltpu.async_copy(zbuf, agg_sh.at[pl.ds(off, 16)], semz)
            return carry
        lax.fori_loop(0, ZR // 16, zbody, 0)

        def stage(t, slot, sem):
            off = pl.multiple_of((sw + t) * K, 128)
            pltpu.async_copy(ei_hbm.at[pl.ds(0, 2), pl.ds(off, K)],
                             ring.at[slot], sem)

        def stage_wait(sem):
            pltpu.make_async_copy(ei_hbm.at[pl.ds(0, 2), pl.ds(0, K)],
                                  ring.at[0], sem).wait()

        def gwait(buf, sem):
            pltpu.make_async_copy(h_hbm.at[ring.at[0, 0]], buf, sem).wait()

        stage(0, 0, semi0)
        stage_wait(semi0)
        stage(1, 1, semi1)
        stage(2, 2, semi0)
        pltpu.async_copy(h_hbm.at[ring.at[0, 0]], rows0, sem0)

        def zdrain(j, carry):
            pltpu.make_async_copy(zbuf, agg_sh.at[pl.ds(0, 16)], semz).wait()
            return carry
        lax.fori_loop(0, ZR // 16, zdrain, 0)
        plsc.subcore_barrier()

        def gbody(g, carry):
            t = 2 * g
            s1 = lax.rem(t + 1, RS)
            s2 = lax.rem(t + 2, RS)
            s3 = lax.rem(t + 3, RS)
            s0 = lax.rem(t, RS)
            stage_wait(semi1)
            pltpu.async_copy(h_hbm.at[ring.at[s1, 0]], rows1, sem1)

            @pl.when(t + 3 < cw)
            def _():
                stage(t + 3, s3, semi1)

            gwait(rows0, sem0)
            pltpu.sync_copy(rows0, agg_sh.at[ring.at[s0, 1]], add=True)

            @pl.when(t + 2 < cw)
            def _():
                stage_wait(semi0)
                pltpu.async_copy(h_hbm.at[ring.at[s2, 0]], rows0, sem0)

            @pl.when(t + 4 < cw)
            def _():
                stage(t + 4, s0, semi0)

            gwait(rows1, sem1)
            pltpu.sync_copy(rows1, agg_sh.at[ring.at[s1, 1]], add=True)
            return carry
        lax.fori_loop(0, CWB // 2, gbody, 0)

        @pl.when(cw > CWB)
        def _():
            gwait(rows0, sem0)
            pltpu.sync_copy(
                rows0, agg_sh.at[ring.at[lax.rem(CWB, RS), 1]], add=True)
        plsc.subcore_barrier()

        wb = pl.multiple_of(jnp.minimum(sid * ZR, N - ZR), 16)
        pltpu.sync_copy(agg_sh.at[pl.ds(wb, ZR)],
                        out_hbm.at[cid, pl.ds(wb, ZR)])

    return sc_agg


_SC_AGG_CACHE = []


def _sc_agg(h, ei):
    if not _SC_AGG_CACHE:
        _SC_AGG_CACHE.append(_make_sc_agg())
    return _SC_AGG_CACHE[0](h, ei)



def kernel(x, edge_index, batch, embed,
           norm0_gamma, norm0_beta, lin0_W, lin0_b, eps0,
           mlp0_W1, mlp0_b1, mlp0_bn_gamma, mlp0_bn_beta, mlp0_W2, mlp0_b2,
           norm1_gamma, norm1_beta, lin1_W, lin1_b, eps1,
           mlp1_W1, mlp1_b1, mlp1_bn_gamma, mlp1_bn_beta, mlp1_W2, mlp1_b2,
           readout_W, readout_b):
    row = lambda v: v.reshape(1, -1)

    h1 = _tc_call(_embed_layer_body, (N, H))(
        x, embed, row(norm0_gamma), row(norm0_beta), lin0_W, row(lin0_b))

    p0 = _sc_agg(h1, edge_index)

    h3 = _tc_call(_mid_body, (N, H))(
        h1, p0, eps0.reshape(1, 1), mlp0_W1, row(mlp0_b1),
        row(mlp0_bn_gamma), row(mlp0_bn_beta), mlp0_W2, row(mlp0_b2),
        row(norm1_gamma), row(norm1_beta), lin1_W, row(lin1_b))

    p1 = _sc_agg(h3, edge_index)

    out = _tc_call(_final_body, (G, OUT))(
        h3, p1, eps1.reshape(1, 1), mlp1_W1, row(mlp1_b1),
        row(mlp1_bn_gamma), row(mlp1_bn_beta), mlp1_W2, row(mlp1_b2),
        readout_W, row(readout_b), batch)

    return out

# --- scband reference (transcript-rebuilt; emitter-appended) ---
"""Pipeline reference for scband-baseline-gin-35553739276822 (READ-ONLY COPY).

The authoritative reference and input builder live on the scoring server;
editing this copy changes nothing except your own understanding.
"""

import jax, jax.numpy as jnp
import numpy as np

N = 10000
E = 320000
H = 128
OUT = 128
L = 2
G = 64

def _bn(x, gamma, beta):
    mu = jnp.mean(x, axis=0, keepdims=True)
    var = jnp.var(x, axis=0, keepdims=True)
    return (x - mu) / jnp.sqrt(var + 1e-5) * gamma + beta

def setup_inputs(seed: int = 0):
    key = jax.random.key(seed)
    ks = jax.random.split(key, 64)
    inp = {}
    inp['x'] = jax.random.randint(ks[0], (N,), 0, 100, dtype=jnp.int32)
    inp['edge_index'] = jax.random.randint(ks[1], (2, E), 0, N, dtype=jnp.int32)
    inp['batch'] = jnp.sort(jax.random.randint(ks[2], (N,), 0, G, dtype=jnp.int32))
    inp['embed'] = jax.random.normal(ks[3], (100, H), dtype=jnp.float32)
    for i in range(L):
        o = 4 + i * 10
        inp['norm%d_gamma' % i] = jnp.ones((H,), jnp.float32)
        inp['norm%d_beta' % i] = jnp.zeros((H,), jnp.float32)
        inp['lin%d_W' % i] = jax.random.normal(ks[o], (H, H), jnp.float32) * 0.05
        inp['lin%d_b' % i] = jnp.zeros((H,), jnp.float32)
        inp['eps%d' % i] = jnp.zeros((), jnp.float32)
        inp['mlp%d_W1' % i] = jax.random.normal(ks[o + 1], (H, H), jnp.float32) * 0.05
        inp['mlp%d_b1' % i] = jnp.zeros((H,), jnp.float32)
        inp['mlp%d_bn_gamma' % i] = jnp.ones((H,), jnp.float32)
        inp['mlp%d_bn_beta' % i] = jnp.zeros((H,), jnp.float32)
        inp['mlp%d_W2' % i] = jax.random.normal(ks[o + 2], (H, H), jnp.float32) * 0.05
        inp['mlp%d_b2' % i] = jnp.zeros((H,), jnp.float32)
    inp['readout_W'] = jax.random.normal(ks[30], (H, OUT), jnp.float32) * 0.05
    inp['readout_b'] = jnp.zeros((OUT,), jnp.float32)
    return inp

def reference(x, edge_index, batch, embed,
              norm0_gamma, norm0_beta, lin0_W, lin0_b, eps0, mlp0_W1, mlp0_b1, mlp0_bn_gamma, mlp0_bn_beta, mlp0_W2, mlp0_b2,
              norm1_gamma, norm1_beta, lin1_W, lin1_b, eps1, mlp1_W1, mlp1_b1, mlp1_bn_gamma, mlp1_bn_beta, mlp1_W2, mlp1_b2,
              readout_W, readout_b):
    h = embed[x]
    src = edge_index[0]
    dst = edge_index[1]
    layers = [
        (norm0_gamma, norm0_beta, lin0_W, lin0_b, eps0, mlp0_W1, mlp0_b1, mlp0_bn_gamma, mlp0_bn_beta, mlp0_W2, mlp0_b2),
        (norm1_gamma, norm1_beta, lin1_W, lin1_b, eps1, mlp1_W1, mlp1_b1, mlp1_bn_gamma, mlp1_bn_beta, mlp1_W2, mlp1_b2),
    ]
    for (ng, nb, lW, lb, eps, W1, b1, bg, bb, W2, b2) in layers:
        h = _bn(h, ng, nb)
        h = jax.nn.relu(h @ lW + lb)
        # dropout p=0.0 -> identity
        agg = jax.ops.segment_sum(h[src], dst, num_segments=N)  # GIN sum aggregation over incoming edges
        z = (1.0 + eps) * h + agg
        z = z @ W1 + b1
        z = _bn(z, bg, bb)
        z = jax.nn.relu(z)
        h = z @ W2 + b2
    h = h @ readout_W + readout_b
    out = jax.ops.segment_sum(h, batch, num_segments=G)  # SumAggregation readout per graph
    return out

if __name__ == "__main__":
    import jax
    _d = setup_inputs()
    print(jax.jit(kernel)(*tuple(_d.values())))

</pallas_src>

<mosaic_0001>
#map = affine_map<(d0, d1) -> (0, 0)>
#map1 = affine_map<(d0, d1) -> (0, 0, 0)>
module attributes {stable_mosaic.version = 14 : i64} {
  func.func @sc_agg(%arg0: i32, %arg1: i32, %arg2: memref<10000x128xf32, #tpu.memory_space<hbm>>, %arg3: memref<2x320000xi32, #tpu.memory_space<hbm>>, %arg4: memref<2x10000x128xf32, #tpu.memory_space<hbm>>, %arg5: memref<4x2x128xi32, #tpu.memory_space<vmem>>, %arg6: memref<128x128xf32, #tpu.memory_space<vmem>>, %arg7: memref<128x128xf32, #tpu.memory_space<vmem>>, %arg8: memref<16x128xf32, #tpu.memory_space<vmem>>, %arg9: memref<10000x128xf32, #tpu.memory_space<vmem_shared>>, %arg10: memref<!tpu.dma_semaphore, #tpu.memory_space<semaphore_mem>>, %arg11: memref<!tpu.dma_semaphore, #tpu.memory_space<semaphore_mem>>, %arg12: memref<!tpu.dma_semaphore, #tpu.memory_space<semaphore_mem>>, %arg13: memref<!tpu.dma_semaphore, #tpu.memory_space<semaphore_mem>>, %arg14: memref<!tpu.dma_semaphore, #tpu.memory_space<semaphore_mem>>) attributes {dimension_semantics = [#tpu.dimension_semantics<core_parallel>, #tpu.dimension_semantics<subcore_parallel>], iteration_bounds = array<i64: 2, 16>, scalar_prefetch = 0 : i64, scratch_operands = 10 : i64, tpu.core_type = #tpu.core_type<sc_vector_subcore>, window_params = [{transform_indices = #map}, {transform_indices = #map}, {transform_indices = #map1}]} {
    %mul3A = arith.constant 16 : i32
    %mul3A_0 = arith.muli %arg0, %mul3A : i32
    %add3A = arith.addi %mul3A_0, %arg1 : i32
    %ge3A = arith.constant 28 : i32
    %ge3A_1 = arith.cmpi sge, %add3A, %ge3A : i32
    %jit3A = arith.constant 1 : i32
    %jit3A_2 = arith.constant 0 : i32
    %select_n3A = arith.select %ge3A_1, %jit3A, %jit3A_2 : i32
    %add3A_3 = arith.constant 78 : i32
    %add3A_4 = arith.addi %add3A_3, %select_n3A : i32
    %mul3A_5 = arith.constant 78 : i32
    %mul3A_6 = arith.muli %mul3A_5, %add3A : i32
    %sub3A = arith.constant 28 : i32
    %sub3A_7 = arith.subi %add3A, %sub3A : i32
    %max3A = arith.constant 0 : i32
    %max3A_8 = arith.maxsi %sub3A_7, %max3A : i32
    %add3A_9 = arith.addi %mul3A_6, %max3A_8 : i32
    %broadcast_in_dim3A = arith.constant 0.000000e+00 : f32
    %broadcast_in_dim3A_10 = vector.broadcast %broadcast_in_dim3A : f32 to vector<16xf32>
    %swap3A = arith.constant 0 : i32
    %swap3A_11 = arith.index_cast %swap3A : i32 to index
    %swap3A_12 = arith.constant 0 : index
    %swap3A_13 = tpu.vector_load %arg8[%swap3A_11, %swap3A_12] {strides = array<i32>} : memref<16x128xf32, #tpu.memory_space<vmem>>, vector<1x16xf32>,
    %swap3A_14 = vector.shape_cast %swap3A_13 : vector<1x16xf32> to vector<16xf32>
    %swap3A_15 = vector.shape_cast %broadcast_in_dim3A_10 : vector<16xf32> to vector<1x16xf32>
    tpu.vector_store %arg8[%swap3A_11, %swap3A_12], %swap3A_15 {strides = array<i32>} : memref<16x128xf32, #tpu.memory_space<vmem>>, vector<1x16xf32>,
    %swap3A_16 = arith.constant 0 : i32
    %swap3A_17 = arith.index_cast %swap3A_16 : i32 to index
    %swap3A_18 = arith.constant 16 : index
    %swap3A_19 = tpu.vector_load %arg8[%swap3A_17, %swap3A_18] {strides = array<i32>} : memref<16x128xf32, #tpu.memory_space<vmem>>, vector<1x16xf32>,
    %swap3A_20 = vector.shape_cast %swap3A_19 : vector<1x16xf32> to vector<16xf32>
    %swap3A_21 = vector.shape_cast %broadcast_in_dim3A_10 : vector<16xf32> to vector<1x16xf32>
    tpu.vector_store %arg8[%swap3A_17, %swap3A_18], %swap3A_21 {strides = array<i32>} : memref<16x128xf32, #tpu.memory_space<vmem>>, vector<1x16xf32>,
    %swap3A_22 = arith.constant 0 : i32
    %swap3A_23 = arith.index_cast %swap3A_22 : i32 to index
    %swap3A_24 = arith.constant 32 : index
    %swap3A_25 = tpu.vector_load %arg8[%swap3A_23, %swap3A_24] {strides = array<i32>} : memref<16x128xf32, #tpu.memory_space<vmem>>, vector<1x16xf32>,
    %swap3A_26 = vector.shape_cast %swap3A_25 : vector<1x16xf32> to vector<16xf32>
    %swap3A_27 = vector.shape_cast %broadcast_in_dim3A_10 : vector<16xf32> to vector<1x16xf32>
    tpu.vector_store %arg8[%swap3A_23, %swap3A_24], %swap3A_27 {strides = array<i32>} : memref<16x128xf32, #tpu.memory_space<vmem>>, vector<1x16xf32>,
    %swap3A_28 = arith.constant 0 : i32
    %swap3A_29 = arith.index_cast %swap3A_28 : i32 to index
    %swap3A_30 = arith.constant 48 : index
    %swap3A_31 = tpu.vector_load %arg8[%swap3A_29, %swap3A_30] {strides = array<i32>} : memref<16x128xf32, #tpu.memory_space<vmem>>, vector<1x16xf32>,
    %swap3A_32 = vector.shape_cast %swap3A_31 : vector<1x16xf32> to vector<16xf32>
    %swap3A_33 = vector.shape_cast %broadcast_in_dim3A_10 : vector<16xf32> to vector<1x16xf32>
    tpu.vector_store %arg8[%swap3A_29, %swap3A_30], %swap3A_33 {strides = array<i32>} : memref<16x128xf32, #tpu.memory_space<vmem>>, vector<1x16xf32>,
    %swap3A_34 = arith.constant 0 : i32
    %swap3A_35 = arith.index_cast %swap3A_34 : i32 to index
    %swap3A_36 = arith.constant 64 : index
    %swap3A_37 = tpu.vector_load %arg8[%swap3A_35, %swap3A_36] {strides = array<i32>} : memref<16x128xf32, #tpu.memory_space<vmem>>, vector<1x16xf32>,
    %swap3A_38 = vector.shape_cast %swap3A_37 : vector<1x16xf32> to vector<16xf32>
    %swap3A_39 = vector.shape_cast %broadcast_in_dim3A_10 : vector<16xf32> to vector<1x16xf32>
    tpu.vector_store %arg8[%swap3A_35, %swap3A_36], %swap3A_39 {strides = array<i32>} : memref<16x128xf32, #tpu.memory_space<vmem>>, vector<1x16xf32>,
    %swap3A_40 = arith.constant 0 : i32
    %swap3A_41 = arith.index_cast %swap3A_40 : i32 to index
    %swap3A_42 = arith.constant 80 : index
    %swap3A_43 = tpu.vector_load %arg8[%swap3A_41, %swap3A_42] {strides = array<i32>} : memref<16x128xf32, #tpu.memory_space<vmem>>, vector<1x16xf32>,
    %swap3A_44 = vector.shape_cast %swap3A_43 : vector<1x16xf32> to vector<16xf32>
    %swap3A_45 = vector.shape_cast %broadcast_in_dim3A_10 : vector<16xf32> to vector<1x16xf32>
    tpu.vector_store %arg8[%swap3A_41, %swap3A_42], %swap3A_45 {strides = array<i32>} : memref<16x128xf32, #tpu.memory_space<vmem>>, vector<1x16xf32>,
    %swap3A_46 = arith.constant 0 : i32
    %swap3A_47 = arith.index_cast %swap3A_46 : i32 to index
    %swap3A_48 = arith.constant 96 : index
    %swap3A_49 = tpu.vector_load %arg8[%swap3A_47, %swap3A_48] {strides = array<i32>} : memref<16x128xf32, #tpu.memory_space<vmem>>, vector<1x16xf32>,
    %swap3A_50 = vector.shape_cast %swap3A_49 : vector<1x16xf32> to vector<16xf32>
    %swap3A_51 = vector.shape_cast %broadcast_in_dim3A_10 : vector<16xf32> to vector<1x16xf32>
    tpu.vector_store %arg8[%swap3A_47, %swap3A_48], %swap3A_51 {strides = array<i32>} : memref<16x128xf32, #tpu.memory_space<vmem>>, vector<1x16xf32>,
    %swap3A_52 = arith.constant 0 : i32
    %swap3A_53 = arith.index_cast %swap3A_52 : i32 to index
    %swap3A_54 = arith.constant 112 : index
    %swap3A_55 = tpu.vector_load %arg8[%swap3A_53, %swap3A_54] {strides = array<i32>} : memref<16x128xf32, #tpu.memory_space<vmem>>, vector<1x16xf32>,
    %swap3A_56 = vector.shape_cast %swap3A_55 : vector<1x16xf32> to vector<16xf32>
    %swap3A_57 = vector.shape_cast %broadcast_in_dim3A_10 : vector<16xf32> to vector<1x16xf32>
    tpu.vector_store %arg8[%swap3A_53, %swap3A_54], %swap3A_57 {strides = array<i32>} : memref<16x128xf32, #tpu.memory_space<vmem>>, vector<1x16xf32>,
    %swap3A_58 = arith.constant 1 : i32
    %swap3A_59 = arith.index_cast %swap3A_58 : i32 to index
    %swap3A_60 = arith.constant 0 : index
    %swap3A_61 = tpu.vector_load %arg8[%swap3A_59, %swap3A_60] {strides = array<i32>} : memref<16x128xf32, #tpu.memory_space<vmem>>, vector<1x16xf32>,
    %swap3A_62 = vector.shape_cast %swap3A_61 : vector<1x16xf32> to vector<16xf32>
    %swap3A_63 = vector.shape_cast %broadcast_in_dim3A_10 : vector<16xf32> to vector<1x16xf32>
    tpu.vector_store %arg8[%swap3A_59, %swap3A_60], %swap3A_63 {strides = array<i32>} : memref<16x128xf32, #tpu.memory_space<vmem>>, vector<1x16xf32>,
    %swap3A_64 = arith.constant 1 : i32
    %swap3A_65 = arith.index_cast %swap3A_64 : i32 to index
    %swap3A_66 = arith.constant 16 : index
    %swap3A_67 = tpu.vector_load %arg8[%swap3A_65, %swap3A_66] {strides = array<i32>} : memref<16x128xf32, #tpu.memory_space<vmem>>, vector<1x16xf32>,
    %swap3A_68 = vector.shape_cast %swap3A_67 : vector<1x16xf32> to vector<16xf32>
    %swap3A_69 = vector.shape_cast %broadcast_in_dim3A_10 : vector<16xf32> to vector<1x16xf32>
    tpu.vector_store %arg8[%swap3A_65, %swap3A_66], %swap3A_69 {strides = array<i32>} : memref<16x128xf32, #tpu.memory_space<vmem>>, vector<1x16xf32>,
    %swap3A_70 = arith.constant 1 : i32
    %swap3A_71 = arith.index_cast %swap3A_70 : i32 to index
    %swap3A_72 = arith.constant 32 : index
    %swap3A_73 = tpu.vector_load %arg8[%swap3A_71, %swap3A_72] {strides = array<i32>} : memref<16x128xf32, #tpu.memory_space<vmem>>, vector<1x16xf32>,
    %swap3A_74 = vector.shape_cast %swap3A_73 : vector<1x16xf32> to vector<16xf32>
    %swap3A_75 = vector.shape_cast %broadcast_in_dim3A_10 : vector<16xf32> to vector<1x16xf32>
    tpu.vector_store %arg8[%swap3A_71, %swap3A_72], %swap3A_75 {strides = array<i32>} : memref<16x128xf32, #tpu.memory_space<vmem>>, vector<1x16xf32>,
    %swap3A_76 = arith.constant 1 : i32
    %swap3A_77 = arith.index_cast %swap3A_76 : i32 to index
    %swap3A_78 = arith.constant 48 : index
    %swap3A_79 = tpu.vector_load %arg8[%swap3A_77, %swap3A_78] {strides = array<i32>} : memref<16x128xf32, #tpu.memory_space<vmem>>, vector<1x16xf32>,
    %swap3A_80 = vector.shape_cast %swap3A_79 : vector<1x16xf32> to vector<16xf32>
    %swap3A_81 = vector.shape_cast %broadcast_in_dim3A_10 : vector<16xf32> to vector<1x16xf32>
    tpu.vector_store %arg8[%swap3A_77, %swap3A_78], %swap3A_81 {strides = array<i32>} : memref<16x128xf32, #tpu.memory_space<vmem>>, vector<1x16xf32>,
    %swap3A_82 = arith.constant 1 : i32
    %swap3A_83 = arith.index_cast %swap3A_82 : i32 to index
    %swap3A_84 = arith.constant 64 : index
    %swap3A_85 = tpu.vector_load %arg8[%swap3A_83, %swap3A_84] {strides = array<i32>} : memref<16x128xf32, #tpu.memory_space<vmem>>, vector<1x16xf32>,
    %swap3A_86 = vector.shape_cast %swap3A_85 : vector<1x16xf32> to vector<16xf32>
    %swap3A_87 = vector.shape_cast %broadcast_in_dim3A_10 : vector<16xf32> to vector<1x16xf32>
    tpu.vector_store %arg8[%swap3A_83, %swap3A_84], %swap3A_87 {strides = array<i32>} : memref<16x128xf32, #tpu.memory_space<vmem>>, vector<1x16xf32>,
    %swap3A_88 = arith.constant 1 : i32
    %swap3A_89 = arith.index_cast %swap3A_88 : i32 to index
    %swap3A_90 = arith.constant 80 : index
    %swap3A_91 = tpu.vector_load %arg8[%swap3A_89, %swap3A_90] {strides = array<i32>} : memref<16x128xf32, #tpu.memory_space<vmem>>, vector<1x16xf32>,
    %swap3A_92 = vector.shape_cast %swap3A_91 : vector<1x16xf32> to vector<16xf32>
    %swap3A_93 = vector.shape_cast %broadcast_in_dim3A_10 : vector<16xf32> to vector<1x16xf32>
    tpu.vector_store %arg8[%swap3A_89, %swap3A_90], %swap3A_93 {strides = array<i32>} : memref<16x128xf32, #tpu.memory_space<vmem>>, vector<1x16xf32>,
    %swap3A_94 = arith.constant 1 : i32
    %swap3A_95 = arith.index_cast %swap3A_94 : i32 to index
    %swap3A_96 = arith.constant 96 : index
    %swap3A_97 = tpu.vector_load %arg8[%swap3A_95, %swap3A_96] {strides = array<i32>} : memref<16x128xf32, #tpu.memory_space<vmem>>, vector<1x16xf32>,
    %swap3A_98 = vector.shape_cast %swap3A_97 : vector<1x16xf32> to vector<16xf32>
    %swap3A_99 = vector.shape_cast %broadcast_in_dim3A_10 : vector<16xf32> to vector<1x16xf32>
    tpu.vector_store %arg8[%swap3A_95, %swap3A_96], %swap3A_99 {strides = array<i32>} : memref<16x128xf32, #tpu.memory_space<vmem>>, vector<1x16xf32>,
    %swap3A_100 = arith.constant 1 : i32
    %swap3A_101 = arith.index_cast %swap3A_100 : i32 to index
    %swap3A_102 = arith.constant 112 : index
    %swap3A_103 = tpu.vector_load %arg8[%swap3A_101, %swap3A_102] {strides = array<i32>} : memref<16x128xf32, #tpu.memory_space<vmem>>, vector<1x16xf32>,
    %swap3A_104 = vector.shape_cast %swap3A_103 : vector<1x16xf32> to vector<16xf32>
    %swap3A_105 = vector.shape_cast %broadcast_in_dim3A_10 : vector<16xf32> to vector<1x16xf32>
    tpu.vector_store %arg8[%swap3A_101, %swap3A_102], %swap3A_105 {strides = array<i32>} : memref<16x128xf32, #tpu.memory_space<vmem>>, vector<1x16xf32>,
    %swap3A_106 = arith.constant 2 : i32
    %swap3A_107 = arith.index_cast %swap3A_106 : i32 to index
    %swap3A_108 = arith.constant 0 : index
    %swap3A_109 = tpu.vector_load %arg8[%swap3A_107, %swap3A_108] {strides = array<i32>} : memref<16x128xf32, #tpu.memory_space<vmem>>, vector<1x16xf32>,
    %swap3A_110 = vector.shape_cast %swap3A_109 : vector<1x16xf32> to vector<16xf32>
    %swap3A_111 = vector.shape_cast %broadcast_in_dim3A_10 : vector<16xf32> to vector<1x16xf32>
    tpu.vector_store %arg8[%swap3A_107, %swap3A_108], %swap3A_111 {strides = array<i32>} : memref<16x128xf32, #tpu.memory_space<vmem>>, vector<1x16xf32>,
    %swap3A_112 = arith.constant 2 : i32
    %swap3A_113 = arith.index_cast %swap3A_112 : i32 to index
    %swap3A_114 = arith.constant 16 : index
    %swap3A_115 = tpu.vector_load %arg8[%swap3A_113, %swap3A_114] {strides = array<i32>} : memref<16x128xf32, #tpu.memory_space<vmem>>, vector<1x16xf32>,
    %swap3A_116 = vector.shape_cast %swap3A_115 : vector<1x16xf32> to vector<16xf32>
    %swap3A_117 = vector.shape_cast %broadcast_in_dim3A_10 : vector<16xf32> to vector<1x16xf32>
    tpu.vector_store %arg8[%swap3A_113, %swap3A_114], %swap3A_117 {strides = array<i32>} : memref<16x128xf32, #tpu.memory_space<vmem>>, vector<1x16xf32>,
    %swap3A_118 = arith.constant 2 : i32
    %swap3A_119 = arith.index_cast %swap3A_118 : i32 to index
    %swap3A_120 = arith.constant 32 : index
    %swap3A_121 = tpu.vector_load %arg8[%swap3A_119, %swap3A_120] {strides = array<i32>} : memref<16x128xf32, #tpu.memory_space<vmem>>, vector<1x16xf32>,
    %swap3A_122 = vector.shape_cast %swap3A_121 : vector<1x16xf32> to vector<16xf32>
    %swap3A_123 = vector.shape_cast %broadcast_in_dim3A_10 : vector<16xf32> to vector<1x16xf32>
    tpu.vector_store %arg8[%swap3A_119, %swap3A_120], %swap3A_123 {strides = array<i32>} : memref<16x128xf32, #tpu.memory_space<vmem>>, vector<1x16xf32>,
    %swap3A_124 = arith.constant 2 : i32
    %swap3A_125 = arith.index_cast %swap3A_124 : i32 to index
    %swap3A_126 = arith.constant 48 : index
    %swap3A_127 = tpu.vector_load %arg8[%swap3A_125, %swap3A_126] {strides = array<i32>} : memref<16x128xf32, #tpu.memory_space<vmem>>, vector<1x16xf32>,
    %swap3A_128 = vector.shape_cast %swap3A_127 : vector<1x16xf32> to vector<16xf32>
    %swap3A_129 = vector.shape_cast %broadcast_in_dim3A_10 : vector<16xf32> to vector<1x16xf32>
    tpu.vector_store %arg8[%swap3A_125, %swap3A_126], %swap3A_129 {strides = array<i32>} : memref<16x128xf32, #tpu.memory_space<vmem>>, vector<1x16xf32>,
    %swap3A_130 = arith.constant 2 : i32
    %swap3A_131 = arith.index_cast %swap3A_130 : i32 to index
    %swap3A_132 = arith.constant 64 : index
    %swap3A_133 = tpu.vector_load %arg8[%swap3A_131, %swap3A_132] {strides = array<i32>} : memref<16x128xf32, #tpu.memory_space<vmem>>, vector<1x16xf32>,
    %swap3A_134 = vector.shape_cast %swap3A_133 : vector<1x16xf32> to vector<16xf32>
    %swap3A_135 = vector.shape_cast %broadcast_in_dim3A_10 : vector<16xf32> to vector<1x16xf32>
    tpu.vector_store %arg8[%swap3A_131, %swap3A_132], %swap3A_135 {strides = array<i32>} : memref<16x128xf32, #tpu.memory_space<vmem>>, vector<1x16xf32>,
    %swap3A_136 = arith.constant 2 : i32
    %swap3A_137 = arith.index_cast %swap3A_136 : i32 to index
    %swap3A_138 = arith.constant 80 : index
    %swap3A_139 = tpu.vector_load %arg8[%swap3A_137, %swap3A_138] {strides = array<i32>} : memref<16x128xf32, #tpu.memory_space<vmem>>, vector<1x16xf32>,
    %swap3A_140 = vector.shape_cast %swap3A_139 : vector<1x16xf32> to vector<16xf32>
    %swap3A_141 = vector.shape_cast %broadcast_in_dim3A_10 : vector<16xf32> to vector<1x16xf32>
    tpu.vector_store %arg8[%swap3A_137, %swap3A_138], %swap3A_141 {strides = array<i32>} : memref<16x128xf32, #tpu.memory_space<vmem>>, vector<1x16xf32>,
    %swap3A_142 = arith.constant 2 : i32
    %swap3A_143 = arith.index_cast %swap3A_142 : i32 to index
    %swap3A_144 = arith.constant 96 : index
    %swap3A_145 = tpu.vector_load %arg8[%swap3A_143, %swap3A_144] {strides = array<i32>} : memref<16x128xf32, #tpu.memory_space<vmem>>, vector<1x16xf32>,
    %swap3A_146 = vector.shape_cast %swap3A_145 : vector<1x16xf32> to vector<16xf32>
    %swap3A_147 = vector.shape_cast %broadcast_in_dim3A_10 : vector<16xf32> to vector<1x16xf32>
    tpu.vector_store %arg8[%swap3A_143, %swap3A_144], %swap3A_147 {strides = array<i32>} : memref<16x128xf32, #tpu.memory_space<vmem>>, vector<1x16xf32>,
    %swap3A_148 = arith.constant 2 : i32
    %swap3A_149 = arith.index_cast %swap3A_148 : i32 to index
    %swap3A_150 = arith.constant 112 : index
    %swap3A_151 = tpu.vector_load %arg8[%swap3A_149, %swap3A_150] {strides = array<i32>} : memref<16x128xf32, #tpu.memory_space<vmem>>, vector<1x16xf32>,
    %swap3A_152 = vector.shape_cast %swap3A_151 : vector<1x16xf32> to vector<16xf32>
    %swap3A_153 = vector.shape_cast %broadcast_in_dim3A_10 : vector<16xf32> to vector<1x16xf32>
    tpu.vector_store %arg8[%swap3A_149, %swap3A_150], %swap3A_153 {strides = array<i32>} : memref<16x128xf32, #tpu.memory_space<vmem>>, vector<1x16xf32>,
    %swap3A_154 = arith.constant 3 : i32
    %swap3A_155 = arith.index_cast %swap3A_154 : i32 to index
    %swap3A_156 = arith.constant 0 : index
    %swap3A_157 = tpu.vector_load %arg8[%swap3A_155, %swap3A_156] {strides = array<i32>} : memref<16x128xf32, #tpu.memory_space<vmem>>, vector<1x16xf32>,
    %swap3A_158 = vector.shape_cast %swap3A_157 : vector<1x16xf32> to vector<16xf32>
    %swap3A_159 = vector.shape_cast %broadcast_in_dim3A_10 : vector<16xf32> to vector<1x16xf32>
    tpu.vector_store %arg8[%swap3A_155, %swap3A_156], %swap3A_159 {strides = array<i32>} : memref<16x128xf32, #tpu.memory_space<vmem>>, vector<1x16xf32>,
    %swap3A_160 = arith.constant 3 : i32
    %swap3A_161 = arith.index_cast %swap3A_160 : i32 to index
    %swap3A_162 = arith.constant 16 : index
    %swap3A_163 = tpu.vector_load %arg8[%swap3A_161, %swap3A_162] {strides = array<i32>} : memref<16x128xf32, #tpu.memory_space<vmem>>, vector<1x16xf32>,
    %swap3A_164 = vector.shape_cast %swap3A_163 : vector<1x16xf32> to vector<16xf32>
    %swap3A_165 = vector.shape_cast %broadcast_in_dim3A_10 : vector<16xf32> to vector<1x16xf32>
    tpu.vector_store %arg8[%swap3A_161, %swap3A_162], %swap3A_165 {strides = array<i32>} : memref<16x128xf32, #tpu.memory_space<vmem>>, vector<1x16xf32>,
    %swap3A_166 = arith.constant 3 : i32
    %swap3A_167 = arith.index_cast %swap3A_166 : i32 to index
    %swap3A_168 = arith.constant 32 : index
    %swap3A_169 = tpu.vector_load %arg8[%swap3A_167, %swap3A_168] {strides = array<i32>} : memref<16x128xf32, #tpu.memory_space<vmem>>, vector<1x16xf32>,
    %swap3A_170 = vector.shape_cast %swap3A_169 : vector<1x16xf32> to vector<16xf32>
    %swap3A_171 = vector.shape_cast %broadcast_in_dim3A_10 : vector<16xf32> to vector<1x16xf32>
    tpu.vector_store %arg8[%swap3A_167, %swap3A_168], %swap3A_171 {strides = array<i32>} : memref<16x128xf32, #tpu.memory_space<vmem>>, vector<1x16xf32>,
    %swap3A_172 = arith.constant 3 : i32
    %swap3A_173 = arith.index_cast %swap3A_172 : i32 to index
    %swap3A_174 = arith.constant 48 : index
    %swap3A_175 = tpu.vector_load %arg8[%swap3A_173, %swap3A_174] {strides = array<i32>} : memref<16x128xf32, #tpu.memory_space<vmem>>, vector<1x16xf32>,
    %swap3A_176 = vector.shape_cast %swap3A_175 : vector<1x16xf32> to vector<16xf32>
    %swap3A_177 = vector.shape_cast %broadcast_in_dim3A_10 : vector<16xf32> to vector<1x16xf32>
    tpu.vector_store %arg8[%swap3A_173, %swap3A_174], %swap3A_177 {strides = array<i32>} : memref<16x128xf32, #tpu.memory_space<vmem>>, vector<1x16xf32>,
    %swap3A_178 = arith.constant 3 : i32
    %swap3A_179 = arith.index_cast %swap3A_178 : i32 to index
    %swap3A_180 = arith.constant 64 : index
    %swap3A_181 = tpu.vector_load %arg8[%swap3A_179, %swap3A_180] {strides = array<i32>} : memref<16x128xf32, #tpu.memory_space<vmem>>, vector<1x16xf32>,
    %swap3A_182 = vector.shape_cast %swap3A_181 : vector<1x16xf32> to vector<16xf32>
    %swap3A_183 = vector.shape_cast %broadcast_in_dim3A_10 : vector<16xf32> to vector<1x16xf32>
    tpu.vector_store %arg8[%swap3A_179, %swap3A_180], %swap3A_183 {strides = array<i32>} : memref<16x128xf32, #tpu.memory_space<vmem>>, vector<1x16xf32>,
    %swap3A_184 = arith.constant 3 : i32
    %swap3A_185 = arith.index_cast %swap3A_184 : i32 to index
    %swap3A_186 = arith.constant 80 : index
    %swap3A_187 = tpu.vector_load %arg8[%swap3A_185, %swap3A_186] {strides = array<i32>} : memref<16x128xf32, #tpu.memory_space<vmem>>, vector<1x16xf32>,
    %swap3A_188 = vector.shape_cast %swap3A_187 : vector<1x16xf32> to vector<16xf32>
    %swap3A_189 = vector.shape_cast %broadcast_in_dim3A_10 : vector<16xf32> to vector<1x16xf32>
    tpu.vector_store %arg8[%swap3A_185, %swap3A_186], %swap3A_189 {strides = array<i32>} : memref<16x128xf32, #tpu.memory_space<vmem>>, vector<1x16xf32>,
    %swap3A_190 = arith.constant 3 : i32
    %swap3A_191 = arith.index_cast %swap3A_190 : i32 to index
    %swap3A_192 = arith.constant 96 : index
    %swap3A_193 = tpu.vector_load %arg8[%swap3A_191, %swap3A_192] {strides = array<i32>} : memref<16x128xf32, #tpu.memory_space<vmem>>, vector<1x16xf32>,
    %swap3A_194 = vector.shape_cast %swap3A_193 : vector<1x16xf32> to vector<16xf32>
    %swap3A_195 = vector.shape_cast %broadcast_in_dim3A_10 : vector<16xf32> to vector<1x16xf32>
    tpu.vector_store %arg8[%swap3A_191, %swap3A_192], %swap3A_195 {strides = array<i32>} : memref<16x128xf32, #tpu.memory_space<vmem>>, vector<1x16xf32>,
    %swap3A_196 = arith.constant 3 : i32
    %swap3A_197 = arith.index_cast %swap3A_196 : i32 to index
    %swap3A_198 = arith.constant 112 : index
    %swap3A_199 = tpu.vector_load %arg8[%swap3A_197, %swap3A_198] {strides = array<i32>} : memref<16x128xf32, #tpu.memory_space<vmem>>, vector<1x16xf32>,
    %swap3A_200 = vector.shape_cast %swap3A_199 : vector<1x16xf32> to vector<16xf32>
    %swap3A_201 = vector.shape_cast %broadcast_in_dim3A_10 : vector<16xf32> to vector<1x16xf32>
    tpu.vector_store %arg8[%swap3A_197, %swap3A_198], %swap3A_201 {strides = array<i32>} : memref<16x128xf32, #tpu.memory_space<vmem>>, vector<1x16xf32>,
    %swap3A_202 = arith.constant 4 : i32
    %swap3A_203 = arith.index_cast %swap3A_202 : i32 to index
    %swap3A_204 = arith.constant 0 : index
    %swap3A_205 = tpu.vector_load %arg8[%swap3A_203, %swap3A_204] {strides = array<i32>} : memref<16x128xf32, #tpu.memory_space<vmem>>, vector<1x16xf32>,
    %swap3A_206 = vector.shape_cast %swap3A_205 : vector<1x16xf32> to vector<16xf32>
    %swap3A_207 = vector.shape_cast %broadcast_in_dim3A_10 : vector<16xf32> to vector<1x16xf32>
    tpu.vector_store %arg8[%swap3A_203, %swap3A_204], %swap3A_207 {strides = array<i32>} : memref<16x128xf32, #tpu.memory_space<vmem>>, vector<1x16xf32>,
    %swap3A_208 = arith.constant 4 : i32
    %swap3A_209 = arith.index_cast %swap3A_208 : i32 to index
    %swap3A_210 = arith.constant 16 : index
    %swap3A_211 = tpu.vector_load %arg8[%swap3A_209, %swap3A_210] {strides = array<i32>} : memref<16x128xf32, #tpu.memory_space<vmem>>, vector<1x16xf32>,
    %swap3A_212 = vector.shape_cast %swap3A_211 : vector<1x16xf32> to vector<16xf32>
    %swap3A_213 = vector.shape_cast %broadcast_in_dim3A_10 : vector<16xf32> to vector<1x16xf32>
    tpu.vector_store %arg8[%swap3A_209, %swap3A_210], %swap3A_213 {strides = array<i32>} : memref<16x128xf32, #tpu.memory_space<vmem>>, vector<1x16xf32>,
    %swap3A_214 = arith.constant 4 : i32
    %swap3A_215 = arith.index_cast %swap3A_214 : i32 to index
    %swap3A_216 = arith.constant 32 : index
    %swap3A_217 = tpu.vector_load %arg8[%swap3A_215, %swap3A_216] {strides = array<i32>} : memref<16x128xf32, #tpu.memory_space<vmem>>, vector<1x16xf32>,
    %swap3A_218 = vector.shape_cast %swap3A_217 : vector<1x16xf32> to vector<16xf32>
    %swap3A_219 = vector.shape_cast %broadcast_in_dim3A_10 : vector<16xf32> to vector<1x16xf32>
    tpu.vector_store %arg8[%swap3A_215, %swap3A_216], %swap3A_219 {strides = array<i32>} : memref<16x128xf32, #tpu.memory_space<vmem>>, vector<1x16xf32>,
    %swap3A_220 = arith.constant 4 : i32
    %swap3A_221 = arith.index_cast %swap3A_220 : i32 to index
    %swap3A_222 = arith.constant 48 : index
    %swap3A_223 = tpu.vector_load %arg8[%swap3A_221, %swap3A_222] {strides = array<i32>} : memref<16x128xf32, #tpu.memory_space<vmem>>, vector<1x16xf32>,
    %swap3A_224 = vector.shape_cast %swap3A_223 : vector<1x16xf32> to vector<16xf32>
    %swap3A_225 = vector.shape_cast %broadcast_in_dim3A_10 : vector<16xf32> to vector<1x16xf32>
    tpu.vector_store %arg8[%swap3A_221, %swap3A_222], %swap3A_225 {strides = array<i32>} : memref<16x128xf32, #tpu.memory_space<vmem>>, vector<1x16xf32>,
    %swap3A_226 = arith.constant 4 : i32
    %swap3A_227 = arith.index_cast %swap3A_226 : i32 to index
    %swap3A_228 = arith.constant 64 : index
    %swap3A_229 = tpu.vector_load %arg8[%swap3A_227, %swap3A_228] {strides = array<i32>} : memref<16x128xf32, #tpu.memory_space<vmem>>, vector<1x16xf32>,
    %swap3A_230 = vector.shape_cast %swap3A_229 : vector<1x16xf32> to vector<16xf32>
    %swap3A_231 = vector.shape_cast %broadcast_in_dim3A_10 : vector<16xf32> to vector<1x16xf32>
    tpu.vector_store %arg8[%swap3A_227, %swap3A_228], %swap3A_231 {strides = array<i32>} : memref<16x128xf32, #tpu.memory_space<vmem>>, vector<1x16xf32>,
    %swap3A_232 = arith.constant 4 : i32
    %swap3A_233 = arith.index_cast %swap3A_232 : i32 to index
    %swap3A_234 = arith.constant 80 : index
    %swap3A_235 = tpu.vector_load %arg8[%swap3A_233, %swap3A_234] {strides = array<i32>} : memref<16x128xf32, #tpu.memory_space<vmem>>, vector<1x16xf32>,
    %swap3A_236 = vector.shape_cast %swap3A_235 : vector<1x16xf32> to vector<16xf32>
    %swap3A_237 = vector.shape_cast %broadcast_in_dim3A_10 : vector<16xf32> to vector<1x16xf32>
    tpu.vector_store %arg8[%swap3A_233, %swap3A_234], %swap3A_237 {strides = array<i32>} : memref<16x128xf32, #tpu.memory_space<vmem>>, vector<1x16xf32>,
    %swap3A_238 = arith.constant 4 : i32
    %swap3A_239 = arith.index_cast %swap3A_238 : i32 to index
    %swap3A_240 = arith.constant 96 : index
    %swap3A_241 = tpu.vector_load %arg8[%swap3A_239, %swap3A_240] {strides = array<i32>} : memref<16x128xf32, #tpu.memory_space<vmem>>, vector<1x16xf32>,
    %swap3A_242 = vector.shape_cast %swap3A_241 : vector<1x16xf32> to vector<16xf32>
    %swap3A_243 = vector.shape_cast %broadcast_in_dim3A_10 : vector<16xf32> to vector<1x16xf32>
    tpu.vector_store %arg8[%swap3A_239, %swap3A_240], %swap3A_243 {strides = array<i32>} : memref<16x128xf32, #tpu.memory_space<vmem>>, vector<1x16xf32>,
    %swap3A_244 = arith.constant 4 : i32
    %swap3A_245 = arith.index_cast %swap3A_244 : i32 to index
    %swap3A_246 = arith.constant 112 : index
    %swap3A_247 = tpu.vector_load %arg8[%swap3A_245, %swap3A_246] {strides = array<i32>} : memref<16x128xf32, #tpu.memory_space<vmem>>, vector<1x16xf32>,
    %swap3A_248 = vector.shape_cast %swap3A_247 : vector<1x16xf32> to vector<16xf32>
    %swap3A_249 = vector.shape_cast %broadcast_in_dim3A_10 : vector<16xf32> to vector<1x16xf32>
    tpu.vector_store %arg8[%swap3A_245, %swap3A_246], %swap3A_249 {strides = array<i32>} : memref<16x128xf32, #tpu.memory_space<vmem>>, vector<1x16xf32>,
    %swap3A_250 = arith.constant 5 : i32
    %swap3A_251 = arith.index_cast %swap3A_250 : i32 to index
    %swap3A_252 = arith.constant 0 : index
    %swap3A_253 = tpu.vector_load %arg8[%swap3A_251, %swap3A_252] {strides = array<i32>} : memref<16x128xf32, #tpu.memory_space<vmem>>, vector<1x16xf32>,
    %swap3A_254 = vector.shape_cast %swap3A_253 : vector<1x16xf32> to vector<16xf32>
    %swap3A_255 = vector.shape_cast %broadcast_in_dim3A_10 : vector<16xf32> to vector<1x16xf32>
    tpu.vector_store %arg8[%swap3A_251, %swap3A_252], %swap3A_255 {strides = array<i32>} : memref<16x128xf32, #tpu.memory_space<vmem>>, vector<1x16xf32>,
    %swap3A_256 = arith.constant 5 : i32
    %swap3A_257 = arith.index_cast %swap3A_256 : i32 to index
    %swap3A_258 = arith.constant 16 : index
    %swap3A_259 = tpu.vector_load %arg8[%swap3A_257, %swap3A_258] {strides = array<i32>} : memref<16x128xf32, #tpu.memory_space<vmem>>, vector<1x16xf32>,
    %swap3A_260 = vector.shape_cast %swap3A_259 : vector<1x16xf32> to vector<16xf32>
    %swap3A_261 = vector.shape_cast %broadcast_in_dim3A_10 : vector<16xf32> to vector<1x16xf32>
    tpu.vector_store %arg8[%swap3A_257, %swap3A_258], %swap3A_261 {strides = array<i32>} : memref<16x128xf32, #tpu.memory_space<vmem>>, vector<1x16xf32>,
    %swap3A_262 = arith.constant 5 : i32
    %swap3A_263 = arith.index_cast %swap3A_262 : i32 to index
    %swap3A_264 = arith.constant 32 : index
    %swap3A_265 = tpu.vector_load %arg8[%swap3A_263, %swap3A_264] {strides = array<i32>} : memref<16x128xf32, #tpu.memory_space<vmem>>, vector<1x16xf32>,
    %swap3A_266 = vector.shape_cast %swap3A_265 : vector<1x16xf32> to vector<16xf32>
    %swap3A_267 = vector.shape_cast %broadcast_in_dim3A_10 : vector<16xf32> to vector<1x16xf32>
    tpu.vector_store %arg8[%swap3A_263, %swap3A_264], %swap3A_267 {strides = array<i32>} : memref<16x128xf32, #tpu.memory_space<vmem>>, vector<1x16xf32>,
    %swap3A_268 = arith.constant 5 : i32
    %swap3A_269 = arith.index_cast %swap3A_268 : i32 to index
    %swap3A_270 = arith.constant 48 : index
    %swap3A_271 = tpu.vector_load %arg8[%swap3A_269, %swap3A_270] {strides = array<i32>} : memref<16x128xf32, #tpu.memory_space<vmem>>, vector<1x16xf32>,
    %swap3A_272 = vector.shape_cast %swap3A_271 : vector<1x16xf32> to vector<16xf32>
    %swap3A_273 = vector.shape_cast %broadcast_in_dim3A_10 : vector<16xf32> to vector<1x16xf32>
    tpu.vector_store %arg8[%swap3A_269, %swap3A_270], %swap3A_273 {strides = array<i32>} : memref<16x128xf32, #tpu.memory_space<vmem>>, vector<1x16xf32>,
    %swap3A_274 = arith.constant 5 : i32
    %swap3A_275 = arith.index_cast %swap3A_274 : i32 to index
    %swap3A_276 = arith.constant 64 : index
    %swap3A_277 = tpu.vector_load %arg8[%swap3A_275, %swap3A_276] {strides = array<i32>} : memref<16x128xf32, #tpu.memory_space<vmem>>, vector<1x16xf32>,
    %swap3A_278 = vector.shape_cast %swap3A_277 : vector<1x16xf32> to vector<16xf32>
    %swap3A_279 = vector.shape_cast %broadcast_in_dim3A_10 : vector<16xf32> to vector<1x16xf32>
    tpu.vector_store %arg8[%swap3A_275, %swap3A_276], %swap3A_279 {strides = array<i32>} : memref<16x128xf32, #tpu.memory_space<vmem>>, vector<1x16xf32>,
    %swap3A_280 = arith.constant 5 : i32
    %swap3A_281 = arith.index_cast %swap3A_280 : i32 to index
    %swap3A_282 = arith.constant 80 : index
    %swap3A_283 = tpu.vector_load %arg8[%swap3A_281, %swap3A_282] {strides = array<i32>} : memref<16x128xf32, #tpu.memory_space<vmem>>, vector<1x16xf32>,
    %swap3A_284 = vector.shape_cast %swap3A_283 : vector<1x16xf32> to vector<16xf32>
    %swap3A_285 = vector.shape_cast %broadcast_in_dim3A_10 : vector<16xf32> to vector<1x16xf32>
    tpu.vector_store %arg8[%swap3A_281, %swap3A_282], %swap3A_285 {strides = array<i32>} : memref<16x128xf32, #tpu.memory_space<vmem>>, vector<1x16xf32>,
    %swap3A_286 = arith.constant 5 : i32
    %swap3A_287 = arith.index_cast %swap3A_286 : i32 to index
    %swap3A_288 = arith.constant 96 : index
    %swap3A_289 = tpu.vector_load %arg8[%swap3A_287, %swap3A_288] {strides = array<i32>} : memref<16x128xf32, #tpu.memory_space<vmem>>, vector<1x16xf32>,
    %swap3A_290 = vector.shape_cast %swap3A_289 : vector<1x16xf32> to vector<16xf32>
    %swap3A_291 = vector.shape_cast %broadcast_in_dim3A_10 : vector<16xf32> to vector<1x16xf32>
    tpu.vector_store %arg8[%swap3A_287, %swap3A_288], %swap3A_291 {strides = array<i32>} : memref<16x128xf32, #tpu.memory_space<vmem>>, vector<1x16xf32>,
    %swap3A_292 = arith.constant 5 : i32
    %swap3A_293 = arith.index_cast %swap3A_292 : i32 to index
    %swap3A_294 = arith.constant 112 : index
    %swap3A_295 = tpu.vector_load %arg8[%swap3A_293, %swap3A_294] {strides = array<i32>} : memref<16x128xf32, #tpu.memory_space<vmem>>, vector<1x16xf32>,
    %swap3A_296 = vector.shape_cast %swap3A_295 : vector<1x16xf32> to vector<16xf32>
    %swap3A_297 = vector.shape_cast %broadcast_in_dim3A_10 : vector<16xf32> to vector<1x16xf32>
    tpu.vector_store %arg8[%swap3A_293, %swap3A_294], %swap3A_297 {strides = array<i32>} : memref<16x128xf32, #tpu.memory_space<vmem>>, vector<1x16xf32>,
    %swap3A_298 = arith.constant 6 : i32
    %swap3A_299 = arith.index_cast %swap3A_298 : i32 to index
    %swap3A_300 = arith.constant 0 : index
    %swap3A_301 = tpu.vector_load %arg8[%swap3A_299, %swap3A_300] {strides = array<i32>} : memref<16x128xf32, #tpu.memory_space<vmem>>, vector<1x16xf32>,
    %swap3A_302 = vector.shape_cast %swap3A_301 : vector<1x16xf32> to vector<16xf32>
    %swap3A_303 = vector.shape_cast %broadcast_in_dim3A_10 : vector<16xf32> to vector<1x16xf32>
    tpu.vector_store %arg8[%swap3A_299, %swap3A_300], %swap3A_303 {strides = array<i32>} : memref<16x128xf32, #tpu.memory_space<vmem>>, vector<1x16xf32>,
    %swap3A_304 = arith.constant 6 : i32
    %swap3A_305 = arith.index_cast %swap3A_304 : i32 to index
    %swap3A_306 = arith.constant 16 : index
    %swap3A_307 = tpu.vector_load %arg8[%swap3A_305, %swap3A_306] {strides = array<i32>} : memref<16x128xf32, #tpu.memory_space<vmem>>, vector<1x16xf32>,
    %swap3A_308 = vector.shape_cast %swap3A_307 : vector<1x16xf32> to vector<16xf32>
    %swap3A_309 = vector.shape_cast %broadcast_in_dim3A_10 : vector<16xf32> to vector<1x16xf32>
    tpu.vector_store %arg8[%swap3A_305, %swap3A_306], %swap3A_309 {strides = array<i32>} : memref<16x128xf32, #tpu.memory_space<vmem>>, vector<1x16xf32>,
    %swap3A_310 = arith.constant 6 : i32
    %swap3A_311 = arith.index_cast %swap3A_310 : i32 to index
    %swap3A_312 = arith.constant 32 : index
    %swap3A_313 = tpu.vector_load %arg8[%swap3A_311, %swap3A_312] {strides = array<i32>} : memref<16x128xf32, #tpu.memory_space<vmem>>, vector<1x16xf32>,
    %swap3A_314 = vector.shape_cast %swap3A_313 : vector<1x16xf32> to vector<16xf32>
    %swap3A_315 = vector.shape_cast %broadcast_in_dim3A_10 : vector<16xf32> to vector<1x16xf32>
    tpu.vector_store %arg8[%swap3A_311, %swap3A_312], %swap3A_315 {strides = array<i32>} : memref<16x128xf32, #tpu.memory_space<vmem>>, vector<1x16xf32>,
    %swap3A_316 = arith.constant 6 : i32
    %swap3A_317 = arith.index_cast %swap3A_316 : i32 to index
    %swap3A_318 = arith.constant 48 : index
    %swap3A_319 = tpu.vector_load %arg8[%swap3A_317, %swap3A_318] {strides = array<i32>} : memref<16x128xf32, #tpu.memory_space<vmem>>, vector<1x16xf32>,
    %swap3A_320 = vector.shape_cast %swap3A_319 : vector<1x16xf32> to vector<16xf32>
    %swap3A_321 = vector.shape_cast %broadcast_in_dim3A_10 : vector<16xf32> to vector<1x16xf32>
    tpu.vector_store %arg8[%swap3A_317, %swap3A_318], %swap3A_321 {strides = array<i32>} : memref<16x128xf32, #tpu.memory_space<vmem>>, vector<1x16xf32>,
    %swap3A_322 = arith.constant 6 : i32
    %swap3A_323 = arith.index_cast %swap3A_322 : i32 to index
    %swap3A_324 = arith.constant 64 : index
    %swap3A_325 = tpu.vector_load %arg8[%swap3A_323, %swap3A_324] {strides = array<i32>} : memref<16x128xf32, #tpu.memory_space<vmem>>, vector<1x16xf32>,
    %swap3A_326 = vector.shape_cast %swap3A_325 : vector<1x16xf32> to vector<16xf32>
    %swap3A_327 = vector.shape_cast %broadcast_in_dim3A_10 : vector<16xf32> to vector<1x16xf32>
    tpu.vector_store %arg8[%swap3A_323, %swap3A_324], %swap3A_327 {strides = array<i32>} : memref<16x128xf32, #tpu.memory_space<vmem>>, vector<1x16xf32>,
    %swap3A_328 = arith.constant 6 : i32
    %swap3A_329 = arith.index_cast %swap3A_328 : i32 to index
    %swap3A_330 = arith.constant 80 : index
    %swap3A_331 = tpu.vector_load %arg8[%swap3A_329, %swap3A_330] {strides = array<i32>} : memref<16x128xf32, #tpu.memory_space<vmem>>, vector<1x16xf32>,
    %swap3A_332 = vector.shape_cast %swap3A_331 : vector<1x16xf32> to vector<16xf32>
    %swap3A_333 = vector.shape_cast %broadcast_in_dim3A_10 : vector<16xf32> to vector<1x16xf32>
    tpu.vector_store %arg8[%swap3A_329, %swap3A_330], %swap3A_333 {strides = array<i32>} : memref<16x128xf32, #tpu.memory_space<vmem>>, vector<1x16xf32>,
    %swap3A_334 = arith.constant 6 : i32
    %swap3A_335 = arith.index_cast %swap3A_334 : i32 to index
    %swap3A_336 = arith.constant 96 : index
    %swap3A_337 = tpu.vector_load %arg8[%swap3A_335, %swap3A_336] {strides = array<i32>} : memref<16x128xf32, #tpu.memory_space<vmem>>, vector<1x16xf32>,
    %swap3A_338 = vector.shape_cast %swap3A_337 : vector<1x16xf32> to vector<16xf32>
    %swap3A_339 = vector.shape_cast %broadcast_in_dim3A_10 : vector<16xf32> to vector<1x16xf32>
    tpu.vector_store %arg8[%swap3A_335, %swap3A_336], %swap3A_339 {strides = array<i32>} : memref<16x128xf32, #tpu.memory_space<vmem>>, vector<1x16xf32>,
    %swap3A_340 = arith.constant 6 : i32
    %swap3A_341 = arith.index_cast %swap3A_340 : i32 to index
    %swap3A_342 = arith.constant 112 : index
    %swap3A_343 = tpu.vector_load %arg8[%swap3A_341, %swap3A_342] {strides = array<i32>} : memref<16x128xf32, #tpu.memory_space<vmem>>, vector<1x16xf32>,
    %swap3A_344 = vector.shape_cast %swap3A_343 : vector<1x16xf32> to vector<16xf32>
    %swap3A_345 = vector.shape_cast %broadcast_in_dim3A_10 : vector<16xf32> to vector<1x16xf32>
    tpu.vector_store %arg8[%swap3A_341, %swap3A_342], %swap3A_345 {strides = array<i32>} : memref<16x128xf32, #tpu.memory_space<vmem>>, vector<1x16xf32>,
    %swap3A_346 = arith.constant 7 : i32
    %swap3A_347 = arith.index_cast %swap3A_346 : i32 to index
    %swap3A_348 = arith.constant 0 : index
    %swap3A_349 = tpu.vector_load %arg8[%swap3A_347, %swap3A_348] {strides = array<i32>} : memref<16x128xf32, #tpu.memory_space<vmem>>, vector<1x16xf32>,
    %swap3A_350 = vector.shape_cast %swap3A_349 : vector<1x16xf32> to vector<16xf32>
    %swap3A_351 = vector.shape_cast %broadcast_in_dim3A_10 : vector<16xf32> to vector<1x16xf32>
    tpu.vector_store %arg8[%swap3A_347, %swap3A_348], %swap3A_351 {strides = array<i32>} : memref<16x128xf32, #tpu.memory_space<vmem>>, vector<1x16xf32>,
    %swap3A_352 = arith.constant 7 : i32
    %swap3A_353 = arith.index_cast %swap3A_352 : i32 to index
    %swap3A_354 = arith.constant 16 : index
    %swap3A_355 = tpu.vector_load %arg8[%swap3A_353, %swap3A_354] {strides = array<i32>} : memref<16x128xf32, #tpu.memory_space<vmem>>, vector<1x16xf32>,
    %swap3A_356 = vector.shape_cast %swap3A_355 : vector<1x16xf32> to vector<16xf32>
    %swap3A_357 = vector.shape_cast %broadcast_in_dim3A_10 : vector<16xf32> to vector<1x16xf32>
    tpu.vector_store %arg8[%swap3A_353, %swap3A_354], %swap3A_357 {strides = array<i32>} : memref<16x128xf32, #tpu.memory_space<vmem>>, vector<1x16xf32>,
    %swap3A_358 = arith.constant 7 : i32
    %swap3A_359 = arith.index_cast %swap3A_358 : i32 to index
    %swap3A_360 = arith.constant 32 : index
    %swap3A_361 = tpu.vector_load %arg8[%swap3A_359, %swap3A_360] {strides = array<i32>} : memref<16x128xf32, #tpu.memory_space<vmem>>, vector<1x16xf32>,
    %swap3A_362 = vector.shape_cast %swap3A_361 : vector<1x16xf32> to vector<16xf32>
    %swap3A_363 = vector.shape_cast %broadcast_in_dim3A_10 : vector<16xf32> to vector<1x16xf32>
    tpu.vector_store %arg8[%swap3A_359, %swap3A_360], %swap3A_363 {strides = array<i32>} : memref<16x128xf32, #tpu.memory_space<vmem>>, vector<1x16xf32>,
    %swap3A_364 = arith.constant 7 : i32
    %swap3A_365 = arith.index_cast %swap3A_364 : i32 to index
    %swap3A_366 = arith.constant 48 : index
    %swap3A_367 = tpu.vector_load %arg8[%swap3A_365, %swap3A_366] {strides = array<i32>} : memref<16x128xf32, #tpu.memory_space<vmem>>, vector<1x16xf32>,
    %swap3A_368 = vector.shape_cast %swap3A_367 : vector<1x16xf32> to vector<16xf32>
    %swap3A_369 = vector.shape_cast %broadcast_in_dim3A_10 : vector<16xf32> to vector<1x16xf32>
    tpu.vector_store %arg8[%swap3A_365, %swap3A_366], %swap3A_369 {strides = array<i32>} : memref<16x128xf32, #tpu.memory_space<vmem>>, vector<1x16xf32>,
    %swap3A_370 = arith.constant 7 : i32
    %swap3A_371 = arith.index_cast %swap3A_370 : i32 to index
    %swap3A_372 = arith.constant 64 : index
    %swap3A_373 = tpu.vector_load %arg8[%swap3A_371, %swap3A_372] {strides = array<i32>} : memref<16x128xf32, #tpu.memory_space<vmem>>, vector<1x16xf32>,
    %swap3A_374 = vector.shape_cast %swap3A_373 : vector<1x16xf32> to vector<16xf32>
    %swap3A_375 = vector.shape_cast %broadcast_in_dim3A_10 : vector<16xf32> to vector<1x16xf32>
    tpu.vector_store %arg8[%swap3A_371, %swap3A_372], %swap3A_375 {strides = array<i32>} : memref<16x128xf32, #tpu.memory_space<vmem>>, vector<1x16xf32>,
    %swap3A_376 = arith.constant 7 : i32
    %swap3A_377 = arith.index_cast %swap3A_376 : i32 to index
    %swap3A_378 = arith.constant 80 : index
    %swap3A_379 = tpu.vector_load %arg8[%swap3A_377, %swap3A_378] {strides = array<i32>} : memref<16x128xf32, #tpu.memory_space<vmem>>, vector<1x16xf32>,
    %swap3A_380 = vector.shape_cast %swap3A_379 : vector<1x16xf32> to vector<16xf32>
    %swap3A_381 = vector.shape_cast %broadcast_in_dim3A_10 : vector<16xf32> to vector<1x16xf32>
    tpu.vector_store %arg8[%swap3A_377, %swap3A_378], %swap3A_381 {strides = array<i32>} : memref<16x128xf32, #tpu.memory_space<vmem>>, vector<1x16xf32>,
    %swap3A_382 = arith.constant 7 : i32
    %swap3A_383 = arith.index_cast %swap3A_382 : i32 to index
    %swap3A_384 = arith.constant 96 : index
    %swap3A_385 = tpu.vector_load %arg8[%swap3A_383, %swap3A_384] {strides = array<i32>} : memref<16x128xf32, #tpu.memory_space<vmem>>, vector<1x16xf32>,
    %swap3A_386 = vector.shape_cast %swap3A_385 : vector<1x16xf32> to vector<16xf32>
    %swap3A_387 = vector.shape_cast %broadcast_in_dim3A_10 : vector<16xf32> to vector<1x16xf32>
    tpu.vector_store %arg8[%swap3A_383, %swap3A_384], %swap3A_387 {strides = array<i32>} : memref<16x128xf32, #tpu.memory_space<vmem>>, vector<1x16xf32>,
    %swap3A_388 = arith.constant 7 : i32
    %swap3A_389 = arith.index_cast %swap3A_388 : i32 to index
    %swap3A_390 = arith.constant 112 : index
    %swap3A_391 = tpu.vector_load %arg8[%swap3A_389, %swap3A_390] {strides = array<i32>} : memref<16x128xf32, #tpu.memory_space<vmem>>, vector<1x16xf32>,
    %swap3A_392 = vector.shape_cast %swap3A_391 : vector<1x16xf32> to vector<16xf32>
    %swap3A_393 = vector.shape_cast %broadcast_in_dim3A_10 : vector<16xf32> to vector<1x16xf32>
    tpu.vector_store %arg8[%swap3A_389, %swap3A_390], %swap3A_393 {strides = array<i32>} : memref<16x128xf32, #tpu.memory_space<vmem>>, vector<1x16xf32>,
    %swap3A_394 = arith.constant 8 : i32
    %swap3A_395 = arith.index_cast %swap3A_394 : i32 to index
    %swap3A_396 = arith.constant 0 : index
    %swap3A_397 = tpu.vector_load %arg8[%swap3A_395, %swap3A_396] {strides = array<i32>} : memref<16x128xf32, #tpu.memory_space<vmem>>, vector<1x16xf32>,
    %swap3A_398 = vector.shape_cast %swap3A_397 : vector<1x16xf32> to vector<16xf32>
    %swap3A_399 = vector.shape_cast %broadcast_in_dim3A_10 : vector<16xf32> to vector<1x16xf32>
    tpu.vector_store %arg8[%swap3A_395, %swap3A_396], %swap3A_399 {strides = array<i32>} : memref<16x128xf32, #tpu.memory_space<vmem>>, vector<1x16xf32>,
    %swap3A_400 = arith.constant 8 : i32
    %swap3A_401 = arith.index_cast %swap3A_400 : i32 to index
    %swap3A_402 = arith.constant 16 : index
    %swap3A_403 = tpu.vector_load %arg8[%swap3A_401, %swap3A_402] {strides = array<i32>} : memref<16x128xf32, #tpu.memory_space<vmem>>, vector<1x16xf32>,
    %swap3A_404 = vector.shape_cast %swap3A_403 : vector<1x16xf32> to vector<16xf32>
    %swap3A_405 = vector.shape_cast %broadcast_in_dim3A_10 : vector<16xf32> to vector<1x16xf32>
    tpu.vector_store %arg8[%swap3A_401, %swap3A_402], %swap3A_405 {strides = array<i32>} : memref<16x128xf32, #tpu.memory_space<vmem>>, vector<1x16xf32>,
    %swap3A_406 = arith.constant 8 : i32
    %swap3A_407 = arith.index_cast %swap3A_406 : i32 to index
    %swap3A_408 = arith.constant 32 : index
    %swap3A_409 = tpu.vector_load %arg8[%swap3A_407, %swap3A_408] {strides = array<i32>} : memref<16x128xf32, #tpu.memory_space<vmem>>, vector<1x16xf32>,
    %swap3A_410 = vector.shape_cast %swap3A_409 : vector<1x16xf32> to vector<16xf32>
    %swap3A_411 = vector.shape_cast %broadcast_in_dim3A_10 : vector<16xf32> to vector<1x16xf32>
    tpu.vector_store %arg8[%swap3A_407, %swap3A_408], %swap3A_411 {strides = array<i32>} : memref<16x128xf32, #tpu.memory_space<vmem>>, vector<1x16xf32>,
    %swap3A_412 = arith.constant 8 : i32
    %swap3A_413 = arith.index_cast %swap3A_412 : i32 to index
    %swap3A_414 = arith.constant 48 : index
    %swap3A_415 = tpu.vector_load %arg8[%swap3A_413, %swap3A_414] {strides = array<i32>} : memref<16x128xf32, #tpu.memory_space<vmem>>, vector<1x16xf32>,
    %swap3A_416 = vector.shape_cast %swap3A_415 : vector<1x16xf32> to vector<16xf32>
    %swap3A_417 = vector.shape_cast %broadcast_in_dim3A_10 : vector<16xf32> to vector<1x16xf32>
    tpu.vector_store %arg8[%swap3A_413, %swap3A_414], %swap3A_417 {strides = array<i32>} : memref<16x128xf32, #tpu.memory_space<vmem>>, vector<1x16xf32>,
    %swap3A_418 = arith.constant 8 : i32
    %swap3A_419 = arith.index_cast %swap3A_418 : i32 to index
    %swap3A_420 = arith.constant 64 : index
    %swap3A_421 = tpu.vector_load %arg8[%swap3A_419, %swap3A_420] {strides = array<i32>} : memref<16x128xf32, #tpu.memory_space<vmem>>, vector<1x16xf32>,
    %swap3A_422 = vector.shape_cast %swap3A_421 : vector<1x16xf32> to vector<16xf32>
    %swap3A_423 = vector.shape_cast %broadcast_in_dim3A_10 : vector<16xf32> to vector<1x16xf32>
    tpu.vector_store %arg8[%swap3A_419, %swap3A_420], %swap3A_423 {strides = array<i32>} : memref<16x128xf32, #tpu.memory_space<vmem>>, vector<1x16xf32>,
    %swap3A_424 = arith.constant 8 : i32
    %swap3A_425 = arith.index_cast %swap3A_424 : i32 to index
    %swap3A_426 = arith.constant 80 : index
    %swap3A_427 = tpu.vector_load %arg8[%swap3A_425, %swap3A_426] {strides = array<i32>} : memref<16x128xf32, #tpu.memory_space<vmem>>, vector<1x16xf32>,
    %swap3A_428 = vector.shape_cast %swap3A_427 : vector<1x16xf32> to vector<16xf32>
    %swap3A_429 = vector.shape_cast %broadcast_in_dim3A_10 : vector<16xf32> to vector<1x16xf32>
    tpu.vector_store %arg8[%swap3A_425, %swap3A_426], %swap3A_429 {strides = array<i32>} : memref<16x128xf32, #tpu.memory_space<vmem>>, vector<1x16xf32>,
    %swap3A_430 = arith.constant 8 : i32
    %swap3A_431 = arith.index_cast %swap3A_430 : i32 to index
    %swap3A_432 = arith.constant 96 : index
    %swap3A_433 = tpu.vector_load %arg8[%swap3A_431, %swap3A_432] {strides = array<i32>} : memref<16x128xf32, #tpu.memory_space<vmem>>, vector<1x16xf32>,
    %swap3A_434 = vector.shape_cast %swap3A_433 : vector<1x16xf32> to vector<16xf32>
    %swap3A_435 = vector.shape_cast %broadcast_in_dim3A_10 : vector<16xf32> to vector<1x16xf32>
    tpu.vector_store %arg8[%swap3A_431, %swap3A_432], %swap3A_435 {strides = array<i32>} : memref<16x128xf32, #tpu.memory_space<vmem>>, vector<1x16xf32>,
    %swap3A_436 = arith.constant 8 : i32
    %swap3A_437 = arith.index_cast %swap3A_436 : i32 to index
    %swap3A_438 = arith.constant 112 : index
    %swap3A_439 = tpu.vector_load %arg8[%swap3A_437, %swap3A_438] {strides = array<i32>} : memref<16x128xf32, #tpu.memory_space<vmem>>, vector<1x16xf32>,
    %swap3A_440 = vector.shape_cast %swap3A_439 : vector<1x16xf32> to vector<16xf32>
    %swap3A_441 = vector.shape_cast %broadcast_in_dim3A_10 : vector<16xf32> to vector<1x16xf32>
    tpu.vector_store %arg8[%swap3A_437, %swap3A_438], %swap3A_441 {strides = array<i32>} : memref<16x128xf32, #tpu.memory_space<vmem>>, vector<1x16xf32>,
    %swap3A_442 = arith.constant 9 : i32
    %swap3A_443 = arith.index_cast %swap3A_442 : i32 to index
    %swap3A_444 = arith.constant 0 : index
    %swap3A_445 = tpu.vector_load %arg8[%swap3A_443, %swap3A_444] {strides = array<i32>} : memref<16x128xf32, #tpu.memory_space<vmem>>, vector<1x16xf32>,
    %swap3A_446 = vector.shape_cast %swap3A_445 : vector<1x16xf32> to vector<16xf32>
    %swap3A_447 = vector.shape_cast %broadcast_in_dim3A_10 : vector<16xf32> to vector<1x16xf32>
    tpu.vector_store %arg8[%swap3A_443, %swap3A_444], %swap3A_447 {strides = array<i32>} : memref<16x128xf32, #tpu.memory_space<vmem>>, vector<1x16xf32>,
    %swap3A_448 = arith.constant 9 : i32
    %swap3A_449 = arith.index_cast %swap3A_448 : i32 to index
    %swap3A_450 = arith.constant 16 : index
    %swap3A_451 = tpu.vector_load %arg8[%swap3A_449, %swap3A_450] {strides = array<i32>} : memref<16x128xf32, #tpu.memory_space<vmem>>, vector<1x16xf32>,
    %swap3A_452 = vector.shape_cast %swap3A_451 : vector<1x16xf32> to vector<16xf32>
    %swap3A_453 = vector.shape_cast %broadcast_in_dim3A_10 : vector<16xf32> to vector<1x16xf32>
    tpu.vector_store %arg8[%swap3A_449, %swap3A_450], %swap3A_453 {strides = array<i32>} : memref<16x128xf32, #tpu.memory_space<vmem>>, vector<1x16xf32>,
    %swap3A_454 = arith.constant 9 : i32
    %swap3A_455 = arith.index_cast %swap3A_454 : i32 to index
    %swap3A_456 = arith.constant 32 : index
    %swap3A_457 = tpu.vector_load %arg8[%swap3A_455, %swap3A_456] {strides = array<i32>} : memref<16x128xf32, #tpu.memory_space<vmem>>, vector<1x16xf32>,
    %swap3A_458 = vector.shape_cast %swap3A_457 : vector<1x16xf32> to vector<16xf32>
    %swap3A_459 = vector.shape_cast %broadcast_in_dim3A_10 : vector<16xf32> to vector<1x16xf32>
    tpu.vector_store %arg8[%swap3A_455, %swap3A_456], %swap3A_459 {strides = array<i32>} : memref<16x128xf32, #tpu.memory_space<vmem>>, vector<1x16xf32>,
    %swap3A_460 = arith.constant 9 : i32
    %swap3A_461 = arith.index_cast %swap3A_460 : i32 to index
    %swap3A_462 = arith.constant 48 : index
    %swap3A_463 = tpu.vector_load %arg8[%swap3A_461, %swap3A_462] {strides = array<i32>} : memref<16x128xf32, #tpu.memory_space<vmem>>, vector<1x16xf32>,
    %swap3A_464 = vector.shape_cast %swap3A_463 : vector<1x16xf32> to vector<16xf32>
    %swap3A_465 = vector.shape_cast %broadcast_in_dim3A_10 : vector<16xf32> to vector<1x16xf32>
    tpu.vector_store %arg8[%swap3A_461, %swap3A_462], %swap3A_465 {strides = array<i32>} : memref<16x128xf32, #tpu.memory_space<vmem>>, vector<1x16xf32>,
    %swap3A_466 = arith.constant 9 : i32
    %swap3A_467 = arith.index_cast %swap3A_466 : i32 to index
    %swap3A_468 = arith.constant 64 : index
    %swap3A_469 = tpu.vector_load %arg8[%swap3A_467, %swap3A_468] {strides = array<i32>} : memref<16x128xf32, #tpu.memory_space<vmem>>, vector<1x16xf32>,
    %swap3A_470 = vector.shape_cast %swap3A_469 : vector<1x16xf32> to vector<16xf32>
    %swap3A_471 = vector.shape_cast %broadcast_in_dim3A_10 : vector<16xf32> to vector<1x16xf32>
    tpu.vector_store %arg8[%swap3A_467, %swap3A_468], %swap3A_471 {strides = array<i32>} : memref<16x128xf32, #tpu.memory_space<vmem>>, vector<1x16xf32>,
    %swap3A_472 = arith.constant 9 : i32
    %swap3A_473 = arith.index_cast %swap3A_472 : i32 to index
    %swap3A_474 = arith.constant 80 : index
    %swap3A_475 = tpu.vector_load %arg8[%swap3A_473, %swap3A_474] {strides = array<i32>} : memref<16x128xf32, #tpu.memory_space<vmem>>, vector<1x16xf32>,
    %swap3A_476 = vector.shape_cast %swap3A_475 : vector<1x16xf32> to vector<16xf32>
    %swap3A_477 = vector.shape_cast %broadcast_in_dim3A_10 : vector<16xf32> to vector<1x16xf32>
    tpu.vector_store %arg8[%swap3A_473, %swap3A_474], %swap3A_477 {strides = array<i32>} : memref<16x128xf32, #tpu.memory_space<vmem>>, vector<1x16xf32>,
    %swap3A_478 = arith.constant 9 : i32
    %swap3A_479 = arith.index_cast %swap3A_478 : i32 to index
    %swap3A_480 = arith.constant 96 : index
    %swap3A_481 = tpu.vector_load %arg8[%swap3A_479, %swap3A_480] {strides = array<i32>} : memref<16x128xf32, #tpu.memory_space<vmem>>, vector<1x16xf32>,
    %swap3A_482 = vector.shape_cast %swap3A_481 : vector<1x16xf32> to vector<16xf32>
    %swap3A_483 = vector.shape_cast %broadcast_in_dim3A_10 : vector<16xf32> to vector<1x16xf32>
    tpu.vector_store %arg8[%swap3A_479, %swap3A_480], %swap3A_483 {strides = array<i32>} : memref<16x128xf32, #tpu.memory_space<vmem>>, vector<1x16xf32>,
    %swap3A_484 = arith.constant 9 : i32
    %swap3A_485 = arith.index_cast %swap3A_484 : i32 to index
    %swap3A_486 = arith.constant 112 : index
    %swap3A_487 = tpu.vector_load %arg8[%swap3A_485, %swap3A_486] {strides = array<i32>} : memref<16x128xf32, #tpu.memory_space<vmem>>, vector<1x16xf32>,
    %swap3A_488 = vector.shape_cast %swap3A_487 : vector<1x16xf32> to vector<16xf32>
    %swap3A_489 = vector.shape_cast %broadcast_in_dim3A_10 : vector<16xf32> to vector<1x16xf32>
    tpu.vector_store %arg8[%swap3A_485, %swap3A_486], %swap3A_489 {strides = array<i32>} : memref<16x128xf32, #tpu.memory_space<vmem>>, vector<1x16xf32>,
    %swap3A_490 = arith.constant 10 : i32
    %swap3A_491 = arith.index_cast %swap3A_490 : i32 to index
    %swap3A_492 = arith.constant 0 : index
    %swap3A_493 = tpu.vector_load %arg8[%swap3A_491, %swap3A_492] {strides = array<i32>} : memref<16x128xf32, #tpu.memory_space<vmem>>, vector<1x16xf32>,
    %swap3A_494 = vector.shape_cast %swap3A_493 : vector<1x16xf32> to vector<16xf32>
    %swap3A_495 = vector.shape_cast %broadcast_in_dim3A_10 : vector<16xf32> to vector<1x16xf32>
    tpu.vector_store %arg8[%swap3A_491, %swap3A_492], %swap3A_495 {strides = array<i32>} : memref<16x128xf32, #tpu.memory_space<vmem>>, vector<1x16xf32>,
    %swap3A_496 = arith.constant 10 : i32
    %swap3A_497 = arith.index_cast %swap3A_496 : i32 to index
    %swap3A_498 = arith.constant 16 : index
    %swap3A_499 = tpu.vector_load %arg8[%swap3A_497, %swap3A_498] {strides = array<i32>} : memref<16x128xf32, #tpu.memory_space<vmem>>, vector<1x16xf32>,
    %swap3A_500 = vector.shape_cast %swap3A_499 : vector<1x16xf32> to vector<16xf32>
    %swap3A_501 = vector.shape_cast %broadcast_in_dim3A_10 : vector<16xf32> to vector<1x16xf32>
    tpu.vector_store %arg8[%swap3A_497, %swap3A_498], %swap3A_501 {strides = array<i32>} : memref<16x128xf32, #tpu.memory_space<vmem>>, vector<1x16xf32>,
    %swap3A_502 = arith.constant 10 : i32
    %swap3A_503 = arith.index_cast %swap3A_502 : i32 to index
    %swap3A_504 = arith.constant 32 : index
    %swap3A_505 = tpu.vector_load %arg8[%swap3A_503, %swap3A_504] {strides = array<i32>} : memref<16x128xf32, #tpu.memory_space<vmem>>, vector<1x16xf32>,
    %swap3A_506 = vector.shape_cast %swap3A_505 : vector<1x16xf32> to vector<16xf32>
    %swap3A_507 = vector.shape_cast %broadcast_in_dim3A_10 : vector<16xf32> to vector<1x16xf32>
    tpu.vector_store %arg8[%swap3A_503, %swap3A_504], %swap3A_507 {strides = array<i32>} : memref<16x128xf32, #tpu.memory_space<vmem>>, vector<1x16xf32>,
    %swap3A_508 = arith.constant 10 : i32
    %swap3A_509 = arith.index_cast %swap3A_508 : i32 to index
    %swap3A_510 = arith.constant 48 : index
    %swap3A_511 = tpu.vector_load %arg8[%swap3A_509, %swap3A_510] {strides = array<i32>} : memref<16x128xf32, #tpu.memory_space<vmem>>, vector<1x16xf32>,
    %swap3A_512 = vector.shape_cast %swap3A_511 : vector<1x16xf32> to vector<16xf32>
    %swap3A_513 = vector.shape_cast %broadcast_in_dim3A_10 : vector<16xf32> to vector<1x16xf32>
    tpu.vector_store %arg8[%swap3A_509, %swap3A_510], %swap3A_513 {strides = array<i32>} : memref<16x128xf32, #tpu.memory_space<vmem>>, vector<1x16xf32>,
    %swap3A_514 = arith.constant 10 : i32
    %swap3A_515 = arith.index_cast %swap3A_514 : i32 to index
    %swap3A_516 = arith.constant 64 : index
    %swap3A_517 = tpu.vector_load %arg8[%swap3A_515, %swap3A_516] {strides = array<i32>} : memref<16x128xf32, #tpu.memory_space<vmem>>, vector<1x16xf32>,
    %swap3A_518 = vector.shape_cast %swap3A_517 : vector<1x16xf32> to vector<16xf32>
    %swap3A_519 = vector.shape_cast %broadcast_in_dim3A_10 : vector<16xf32> to vector<1x16xf32>
    tpu.vector_store %arg8[%swap3A_515, %swap3A_516], %swap3A_519 {strides = array<i32>} : memref<16x128xf32, #tpu.memory_space<vmem>>, vector<1x16xf32>,
    %swap3A_520 = arith.constant 10 : i32
    %swap3A_521 = arith.index_cast %swap3A_520 : i32 to index
    %swap3A_522 = arith.constant 80 : index
    %swap3A_523 = tpu.vector_load %arg8[%swap3A_521, %swap3A_522] {strides = array<i32>} : memref<16x128xf32, #tpu.memory_space<vmem>>, vector<1x16xf32>,
    %swap3A_524 = vector.shape_cast %swap3A_523 : vector<1x16xf32> to vector<16xf32>
    %swap3A_525 = vector.shape_cast %broadcast_in_dim3A_10 : vector<16xf32> to vector<1x16xf32>
    tpu.vector_store %arg8[%swap3A_521, %swap3A_522], %swap3A_525 {strides = array<i32>} : memref<16x128xf32, #tpu.memory_space<vmem>>, vector<1x16xf32>,
    %swap3A_526 = arith.constant 10 : i32
    %swap3A_527 = arith.index_cast %swap3A_526 : i32 to index
    %swap3A_528 = arith.constant 96 : index
    %swap3A_529 = tpu.vector_load %arg8[%swap3A_527, %swap3A_528] {strides = array<i32>} : memref<16x128xf32, #tpu.memory_space<vmem>>, vector<1x16xf32>,
    %swap3A_530 = vector.shape_cast %swap3A_529 : vector<1x16xf32> to vector<16xf32>
    %swap3A_531 = vector.shape_cast %broadcast_in_dim3A_10 : vector<16xf32> to vector<1x16xf32>
    tpu.vector_store %arg8[%swap3A_527, %swap3A_528], %swap3A_531 {strides = array<i32>} : memref<16x128xf32, #tpu.memory_space<vmem>>, vector<1x16xf32>,
    %swap3A_532 = arith.constant 10 : i32
    %swap3A_533 = arith.index_cast %swap3A_532 : i32 to index
    %swap3A_534 = arith.constant 112 : index
    %swap3A_535 = tpu.vector_load %arg8[%swap3A_533, %swap3A_534] {strides = array<i32>} : memref<16x128xf32, #tpu.memory_space<vmem>>, vector<1x16xf32>,
    %swap3A_536 = vector.shape_cast %swap3A_535 : vector<1x16xf32> to vector<16xf32>
    %swap3A_537 = vector.shape_cast %broadcast_in_dim3A_10 : vector<16xf32> to vector<1x16xf32>
    tpu.vector_store %arg8[%swap3A_533, %swap3A_534], %swap3A_537 {strides = array<i32>} : memref<16x128xf32, #tpu.memory_space<vmem>>, vector<1x16xf32>,
    %swap3A_538 = arith.constant 11 : i32
    %swap3A_539 = arith.index_cast %swap3A_538 : i32 to index
    %swap3A_540 = arith.constant 0 : index
    %swap3A_541 = tpu.vector_load %arg8[%swap3A_539, %swap3A_540] {strides = array<i32>} : memref<16x128xf32, #tpu.memory_space<vmem>>, vector<1x16xf32>,
    %swap3A_542 = vector.shape_cast %swap3A_541 : vector<1x16xf32> to vector<16xf32>
    %swap3A_543 = vector.shape_cast %broadcast_in_dim3A_10 : vector<16xf32> to vector<1x16xf32>
    tpu.vector_store %arg8[%swap3A_539, %swap3A_540], %swap3A_543 {strides = array<i32>} : memref<16x128xf32, #tpu.memory_space<vmem>>, vector<1x16xf32>,
    %swap3A_544 = arith.constant 11 : i32
    %swap3A_545 = arith.index_cast %swap3A_544 : i32 to index
    %swap3A_546 = arith.constant 16 : index
    %swap3A_547 = tpu.vector_load %arg8[%swap3A_545, %swap3A_546] {strides = array<i32>} : memref<16x128xf32, #tpu.memory_space<vmem>>, vector<1x16xf32>,
    %swap3A_548 = vector.shape_cast %swap3A_547 : vector<1x16xf32> to vector<16xf32>
    %swap3A_549 = vector.shape_cast %broadcast_in_dim3A_10 : vector<16xf32> to vector<1x16xf32>
    tpu.vector_store %arg8[%swap3A_545, %swap3A_546], %swap3A_549 {strides = array<i32>} : memref<16x128xf32, #tpu.memory_space<vmem>>, vector<1x16xf32>,
    %swap3A_550 = arith.constant 11 : i32
    %swap3A_551 = arith.index_cast %swap3A_550 : i32 to index
    %swap3A_552 = arith.constant 32 : index
    %swap3A_553 = tpu.vector_load %arg8[%swap3A_551, %swap3A_552] {strides = array<i32>} : memref<16x128xf32, #tpu.memory_space<vmem>>, vector<1x16xf32>,
    %swap3A_554 = vector.shape_cast %swap3A_553 : vector<1x16xf32> to vector<16xf32>
    %swap3A_555 = vector.shape_cast %broadcast_in_dim3A_10 : vector<16xf32> to vector<1x16xf32>
    tpu.vector_store %arg8[%swap3A_551, %swap3A_552], %swap3A_555 {strides = array<i32>} : memref<16x128xf32, #tpu.memory_space<vmem>>, vector<1x16xf32>,
    %swap3A_556 = arith.constant 11 : i32
    %swap3A_557 = arith.index_cast %swap3A_556 : i32 to index
    %swap3A_558 = arith.constant 48 : index
    %swap3A_559 = tpu.vector_load %arg8[%swap3A_557, %swap3A_558] {strides = array<i32>} : memref<16x128xf32, #tpu.memory_space<vmem>>, vector<1x16xf32>,
    %swap3A_560 = vector.shape_cast %swap3A_559 : vector<1x16xf32> to vector<16xf32>
    %swap3A_561 = vector.shape_cast %broadcast_in_dim3A_10 : vector<16xf32> to vector<1x16xf32>
    tpu.vector_store %arg8[%swap3A_557, %swap3A_558], %swap3A_561 {strides = array<i32>} : memref<16x128xf32, #tpu.memory_space<vmem>>, vector<1x16xf32>,
    %swap3A_562 = arith.constant 11 : i32
    %swap3A_563 = arith.index_cast %swap3A_562 : i32 to index
    %swap3A_564 = arith.constant 64 : index
    %swap3A_565 = tpu.vector_load %arg8[%swap3A_563, %swap3A_564] {strides = array<i32>} : memref<16x128xf32, #tpu.memory_space<vmem>>, vector<1x16xf32>,
    %swap3A_566 = vector.shape_cast %swap3A_565 : vector<1x16xf32> to vector<16xf32>
    %swap3A_567 = vector.shape_cast %broadcast_in_dim3A_10 : vector<16xf32> to vector<1x16xf32>
    tpu.vector_store %arg8[%swap3A_563, %swap3A_564], %swap3A_567 {strides = array<i32>} : memref<16x128xf32, #tpu.memory_space<vmem>>, vector<1x16xf32>,
    %swap3A_568 = arith.constant 11 : i32
    %swap3A_569 = arith.index_cast %swap3A_568 : i32 to index
    %swap3A_570 = arith.constant 80 : index
    %swap3A_571 = tpu.vector_load %arg8[%swap3A_569, %swap3A_570] {strides = array<i32>} : memref<16x128xf32, #tpu.memory_space<vmem>>, vector<1x16xf32>,
    %swap3A_572 = vector.shape_cast %swap3A_571 : vector<1x16xf32> to vector<16xf32>
    %swap3A_573 = vector.shape_cast %broadcast_in_dim3A_10 : vector<16xf32> to vector<1x16xf32>
    tpu.vector_store %arg8[%swap3A_569, %swap3A_570], %swap3A_573 {strides = array<i32>} : memref<16x128xf32, #tpu.memory_space<vmem>>, vector<1x16xf32>,
    %swap3A_574 = arith.constant 11 : i32
    %swap3A_575 = arith.index_cast %swap3A_574 : i32 to index
    %swap3A_576 = arith.constant 96 : index
    %swap3A_577 = tpu.vector_load %arg8[%swap3A_575, %swap3A_576] {strides = array<i32>} : memref<16x128xf32, #tpu.memory_space<vmem>>, vector<1x16xf32>,
    %swap3A_578 = vector.shape_cast %swap3A_577 : vector<1x16xf32> to vector<16xf32>
    %swap3A_579 = vector.shape_cast %broadcast_in_dim3A_10 : vector<16xf32> to vector<1x16xf32>
    tpu.vector_store %arg8[%swap3A_575, %swap3A_576], %swap3A_579 {strides = array<i32>} : memref<16x128xf32, #tpu.memory_space<vmem>>, vector<1x16xf32>,
    %swap3A_580 = arith.constant 11 : i32
    %swap3A_581 = arith.index_cast %swap3A_580 : i32 to index
    %swap3A_582 = arith.constant 112 : index
    %swap3A_583 = tpu.vector_load %arg8[%swap3A_581, %swap3A_582] {strides = array<i32>} : memref<16x128xf32, #tpu.memory_space<vmem>>, vector<1x16xf32>,
    %swap3A_584 = vector.shape_cast %swap3A_583 : vector<1x16xf32> to vector<16xf32>
    %swap3A_585 = vector.shape_cast %broadcast_in_dim3A_10 : vector<16xf32> to vector<1x16xf32>
    tpu.vector_store %arg8[%swap3A_581, %swap3A_582], %swap3A_585 {strides = array<i32>} : memref<16x128xf32, #tpu.memory_space<vmem>>, vector<1x16xf32>,
    %swap3A_586 = arith.constant 12 : i32
    %swap3A_587 = arith.index_cast %swap3A_586 : i32 to index
    %swap3A_588 = arith.constant 0 : index
    %swap3A_589 = tpu.vector_load %arg8[%swap3A_587, %swap3A_588] {strides = array<i32>} : memref<16x128xf32, #tpu.memory_space<vmem>>, vector<1x16xf32>,
    %swap3A_590 = vector.shape_cast %swap3A_589 : vector<1x16xf32> to vector<16xf32>
    %swap3A_591 = vector.shape_cast %broadcast_in_dim3A_10 : vector<16xf32> to vector<1x16xf32>
    tpu.vector_store %arg8[%swap3A_587, %swap3A_588], %swap3A_591 {strides = array<i32>} : memref<16x128xf32, #tpu.memory_space<vmem>>, vector<1x16xf32>,
    %swap3A_592 = arith.constant 12 : i32
    %swap3A_593 = arith.index_cast %swap3A_592 : i32 to index
    %swap3A_594 = arith.constant 16 : index
    %swap3A_595 = tpu.vector_load %arg8[%swap3A_593, %swap3A_594] {strides = array<i32>} : memref<16x128xf32, #tpu.memory_space<vmem>>, vector<1x16xf32>,
    %swap3A_596 = vector.shape_cast %swap3A_595 : vector<1x16xf32> to vector<16xf32>
    %swap3A_597 = vector.shape_cast %broadcast_in_dim3A_10 : vector<16xf32> to vector<1x16xf32>
    tpu.vector_store %arg8[%swap3A_593, %swap3A_594], %swap3A_597 {strides = array<i32>} : memref<16x128xf32, #tpu.memory_space<vmem>>, vector<1x16xf32>,
    %swap3A_598 = arith.constant 12 : i32
    %swap3A_599 = arith.index_cast %swap3A_598 : i32 to index
    %swap3A_600 = arith.constant 32 : index
    %swap3A_601 = tpu.vector_load %arg8[%swap3A_599, %swap3A_600] {strides = array<i32>} : memref<16x128xf32, #tpu.memory_space<vmem>>, vector<1x16xf32>,
    %swap3A_602 = vector.shape_cast %swap3A_601 : vector<1x16xf32> to vector<16xf32>
    %swap3A_603 = vector.shape_cast %broadcast_in_dim3A_10 : vector<16xf32> to vector<1x16xf32>
    tpu.vector_store %arg8[%swap3A_599, %swap3A_600], %swap3A_603 {strides = array<i32>} : memref<16x128xf32, #tpu.memory_space<vmem>>, vector<1x16xf32>,
    %swap3A_604 = arith.constant 12 : i32
    %swap3A_605 = arith.index_cast %swap3A_604 : i32 to index
    %swap3A_606 = arith.constant 48 : index
    %swap3A_607 = tpu.vector_load %arg8[%swap3A_605, %swap3A_606] {strides = array<i32>} : memref<16x128xf32, #tpu.memory_space<vmem>>, vector<1x16xf32>,
    %swap3A_608 = vector.shape_cast %swap3A_607 : vector<1x16xf32> to vector<16xf32>
    %swap3A_609 = vector.shape_cast %broadcast_in_dim3A_10 : vector<16xf32> to vector<1x16xf32>
    tpu.vector_store %arg8[%swap3A_605, %swap3A_606], %swap3A_609 {strides = array<i32>} : memref<16x128xf32, #tpu.memory_space<vmem>>, vector<1x16xf32>,
    %swap3A_610 = arith.constant 12 : i32
    %swap3A_611 = arith.index_cast %swap3A_610 : i32 to index
    %swap3A_612 = arith.constant 64 : index
    %swap3A_613 = tpu.vector_load %arg8[%swap3A_611, %swap3A_612] {strides = array<i32>} : memref<16x128xf32, #tpu.memory_space<vmem>>, vector<1x16xf32>,
    %swap3A_614 = vector.shape_cast %swap3A_613 : vector<1x16xf32> to vector<16xf32>
    %swap3A_615 = vector.shape_cast %broadcast_in_dim3A_10 : vector<16xf32> to vector<1x16xf32>
    tpu.vector_store %arg8[%swap3A_611, %swap3A_612], %swap3A_615 {strides = array<i32>} : memref<16x128xf32, #tpu.memory_space<vmem>>, vector<1x16xf32>,
    %swap3A_616 = arith.constant 12 : i32
    %swap3A_617 = arith.index_cast %swap3A_616 : i32 to index
    %swap3A_618 = arith.constant 80 : index
    %swap3A_619 = tpu.vector_load %arg8[%swap3A_617, %swap3A_618] {strides = array<i32>} : memref<16x128xf32, #tpu.memory_space<vmem>>, vector<1x16xf32>,
    %swap3A_620 = vector.shape_cast %swap3A_619 : vector<1x16xf32> to vector<16xf32>
    %swap3A_621 = vector.shape_cast %broadcast_in_dim3A_10 : vector<16xf32> to vector<1x16xf32>
    tpu.vector_store %arg8[%swap3A_617, %swap3A_618], %swap3A_621 {strides = array<i32>} : memref<16x128xf32, #tpu.memory_space<vmem>>, vector<1x16xf32>,
    %swap3A_622 = arith.constant 12 : i32
    %swap3A_623 = arith.index_cast %swap3A_622 : i32 to index
    %swap3A_624 = arith.constant 96 : index
    %swap3A_625 = tpu.vector_load %arg8[%swap3A_623, %swap3A_624] {strides = array<i32>} : memref<16x128xf32, #tpu.memory_space<vmem>>, vector<1x16xf32>,
    %swap3A_626 = vector.shape_cast %swap3A_625 : vector<1x16xf32> to vector<16xf32>
    %swap3A_627 = vector.shape_cast %broadcast_in_dim3A_10 : vector<16xf32> to vector<1x16xf32>
    tpu.vector_store %arg8[%swap3A_623, %swap3A_624], %swap3A_627 {strides = array<i32>} : memref<16x128xf32, #tpu.memory_space<vmem>>, vector<1x16xf32>,
    %swap3A_628 = arith.constant 12 : i32
    %swap3A_629 = arith.index_cast %swap3A_628 : i32 to index
    %swap3A_630 = arith.constant 112 : index
    %swap3A_631 = tpu.vector_load %arg8[%swap3A_629, %swap3A_630] {strides = array<i32>} : memref<16x128xf32, #tpu.memory_space<vmem>>, vector<1x16xf32>,
    %swap3A_632 = vector.shape_cast %swap3A_631 : vector<1x16xf32> to vector<16xf32>
    %swap3A_633 = vector.shape_cast %broadcast_in_dim3A_10 : vector<16xf32> to vector<1x16xf32>
    tpu.vector_store %arg8[%swap3A_629, %swap3A_630], %swap3A_633 {strides = array<i32>} : memref<16x128xf32, #tpu.memory_space<vmem>>, vector<1x16xf32>,
    %swap3A_634 = arith.constant 13 : i32
    %swap3A_635 = arith.index_cast %swap3A_634 : i32 to index
    %swap3A_636 = arith.constant 0 : index
    %swap3A_637 = tpu.vector_load %arg8[%swap3A_635, %swap3A_636] {strides = array<i32>} : memref<16x128xf32, #tpu.memory_space<vmem>>, vector<1x16xf32>,
    %swap3A_638 = vector.shape_cast %swap3A_637 : vector<1x16xf32> to vector<16xf32>
    %swap3A_639 = vector.shape_cast %broadcast_in_dim3A_10 : vector<16xf32> to vector<1x16xf32>
    tpu.vector_store %arg8[%swap3A_635, %swap3A_636], %swap3A_639 {strides = array<i32>} : memref<16x128xf32, #tpu.memory_space<vmem>>, vector<1x16xf32>,
    %swap3A_640 = arith.constant 13 : i32
    %swap3A_641 = arith.index_cast %swap3A_640 : i32 to index
    %swap3A_642 = arith.constant 16 : index
    %swap3A_643 = tpu.vector_load %arg8[%swap3A_641, %swap3A_642] {strides = array<i32>} : memref<16x128xf32, #tpu.memory_space<vmem>>, vector<1x16xf32>,
    %swap3A_644 = vector.shape_cast %swap3A_643 : vector<1x16xf32> to vector<16xf32>
    %swap3A_645 = vector.shape_cast %broadcast_in_dim3A_10 : vector<16xf32> to vector<1x16xf32>
    tpu.vector_store %arg8[%swap3A_641, %swap3A_642], %swap3A_645 {strides = array<i32>} : memref<16x128xf32, #tpu.memory_space<vmem>>, vector<1x16xf32>,
    %swap3A_646 = arith.constant 13 : i32
    %swap3A_647 = arith.index_cast %swap3A_646 : i32 to index
    %swap3A_648 = arith.constant 32 : index
    %swap3A_649 = tpu.vector_load %arg8[%swap3A_647, %swap3A_648] {strides = array<i32>} : memref<16x128xf32, #tpu.memory_space<vmem>>, vector<1x16xf32>,
    %swap3A_650 = vector.shape_cast %swap3A_649 : vector<1x16xf32> to vector<16xf32>
    %swap3A_651 = vector.shape_cast %broadcast_in_dim3A_10 : vector<16xf32> to vector<1x16xf32>
    tpu.vector_store %arg8[%swap3A_647, %swap3A_648], %swap3A_651 {strides = array<i32>} : memref<16x128xf32, #tpu.memory_space<vmem>>, vector<1x16xf32>,
    %swap3A_652 = arith.constant 13 : i32
    %swap3A_653 = arith.index_cast %swap3A_652 : i32 to index
    %swap3A_654 = arith.constant 48 : index
    %swap3A_655 = tpu.vector_load %arg8[%swap3A_653, %swap3A_654] {strides = array<i32>} : memref<16x128xf32, #tpu.memory_space<vmem>>, vector<1x16xf32>,
    %swap3A_656 = vector.shape_cast %swap3A_655 : vector<1x16xf32> to vector<16xf32>
    %swap3A_657 = vector.shape_cast %broadcast_in_dim3A_10 : vector<16xf32> to vector<1x16xf32>
    tpu.vector_store %arg8[%swap3A_653, %swap3A_654], %swap3A_657 {strides = array<i32>} : memref<16x128xf32, #tpu.memory_space<vmem>>, vector<1x16xf32>,
    %swap3A_658 = arith.constant 13 : i32
    %swap3A_659 = arith.index_cast %swap3A_658 : i32 to index
    %swap3A_660 = arith.constant 64 : index
    %swap3A_661 = tpu.vector_load %arg8[%swap3A_659, %swap3A_660] {strides = array<i32>} : memref<16x128xf32, #tpu.memory_space<vmem>>, vector<1x16xf32>,
    %swap3A_662 = vector.shape_cast %swap3A_661 : vector<1x16xf32> to vector<16xf32>
    %swap3A_663 = vector.shape_cast %broadcast_in_dim3A_10 : vector<16xf32> to vector<1x16xf32>
    tpu.vector_store %arg8[%swap3A_659, %swap3A_660], %swap3A_663 {strides = array<i32>} : memref<16x128xf32, #tpu.memory_space<vmem>>, vector<1x16xf32>,
    %swap3A_664 = arith.constant 13 : i32
    %swap3A_665 = arith.index_cast %swap3A_664 : i32 to index
    %swap3A_666 = arith.constant 80 : index
    %swap3A_667 = tpu.vector_load %arg8[%swap3A_665, %swap3A_666] {strides = array<i32>} : memref<16x128xf32, #tpu.memory_space<vmem>>, vector<1x16xf32>,
    %swap3A_668 = vector.shape_cast %swap3A_667 : vector<1x16xf32> to vector<16xf32>
    %swap3A_669 = vector.shape_cast %broadcast_in_dim3A_10 : vector<16xf32> to vector<1x16xf32>
    tpu.vector_store %arg8[%swap3A_665, %swap3A_666], %swap3A_669 {strides = array<i32>} : memref<16x128xf32, #tpu.memory_space<vmem>>, vector<1x16xf32>,
    %swap3A_670 = arith.constant 13 : i32
    %swap3A_671 = arith.index_cast %swap3A_670 : i32 to index
    %swap3A_672 = arith.constant 96 : index
    %swap3A_673 = tpu.vector_load %arg8[%swap3A_671, %swap3A_672] {strides = array<i32>} : memref<16x128xf32, #tpu.memory_space<vmem>>, vector<1x16xf32>,
    %swap3A_674 = vector.shape_cast %swap3A_673 : vector<1x16xf32> to vector<16xf32>
    %swap3A_675 = vector.shape_cast %broadcast_in_dim3A_10 : vector<16xf32> to vector<1x16xf32>
    tpu.vector_store %arg8[%swap3A_671, %swap3A_672], %swap3A_675 {strides = array<i32>} : memref<16x128xf32, #tpu.memory_space<vmem>>, vector<1x16xf32>,
    %swap3A_676 = arith.constant 13 : i32
    %swap3A_677 = arith.index_cast %swap3A_676 : i32 to index
    %swap3A_678 = arith.constant 112 : index
    %swap3A_679 = tpu.vector_load %arg8[%swap3A_677, %swap3A_678] {strides = array<i32>} : memref<16x128xf32, #tpu.memory_space<vmem>>, vector<1x16xf32>,
    %swap3A_680 = vector.shape_cast %swap3A_679 : vector<1x16xf32> to vector<16xf32>
    %swap3A_681 = vector.shape_cast %broadcast_in_dim3A_10 : vector<16xf32> to vector<1x16xf32>
    tpu.vector_store %arg8[%swap3A_677, %swap3A_678], %swap3A_681 {strides = array<i32>} : memref<16x128xf32, #tpu.memory_space<vmem>>, vector<1x16xf32>,
    %swap3A_682 = arith.constant 14 : i32
    %swap3A_683 = arith.index_cast %swap3A_682 : i32 to index
    %swap3A_684 = arith.constant 0 : index
    %swap3A_685 = tpu.vector_load %arg8[%swap3A_683, %swap3A_684] {strides = array<i32>} : memref<16x128xf32, #tpu.memory_space<vmem>>, vector<1x16xf32>,
    %swap3A_686 = vector.shape_cast %swap3A_685 : vector<1x16xf32> to vector<16xf32>
    %swap3A_687 = vector.shape_cast %broadcast_in_dim3A_10 : vector<16xf32> to vector<1x16xf32>
    tpu.vector_store %arg8[%swap3A_683, %swap3A_684], %swap3A_687 {strides = array<i32>} : memref<16x128xf32, #tpu.memory_space<vmem>>, vector<1x16xf32>,
    %swap3A_688 = arith.constant 14 : i32
    %swap3A_689 = arith.index_cast %swap3A_688 : i32 to index
    %swap3A_690 = arith.constant 16 : index
    %swap3A_691 = tpu.vector_load %arg8[%swap3A_689, %swap3A_690] {strides = array<i32>} : memref<16x128xf32, #tpu.memory_space<vmem>>, vector<1x16xf32>,
    %swap3A_692 = vector.shape_cast %swap3A_691 : vector<1x16xf32> to vector<16xf32>
    %swap3A_693 = vector.shape_cast %broadcast_in_dim3A_10 : vector<16xf32> to vector<1x16xf32>
    tpu.vector_store %arg8[%swap3A_689, %swap3A_690], %swap3A_693 {strides = array<i32>} : memref<16x128xf32, #tpu.memory_space<vmem>>, vector<1x16xf32>,
    %swap3A_694 = arith.constant 14 : i32
    %swap3A_695 = arith.index_cast %swap3A_694 : i32 to index
    %swap3A_696 = arith.constant 32 : index
    %swap3A_697 = tpu.vector_load %arg8[%swap3A_695, %swap3A_696] {strides = array<i32>} : memref<16x128xf32, #tpu.memory_space<vmem>>, vector<1x16xf32>,
    %swap3A_698 = vector.shape_cast %swap3A_697 : vector<1x16xf32> to vector<16xf32>
    %swap3A_699 = vector.shape_cast %broadcast_in_dim3A_10 : vector<16xf32> to vector<1x16xf32>
    tpu.vector_store %arg8[%swap3A_695, %swap3A_696], %swap3A_699 {strides = array<i32>} : memref<16x128xf32, #tpu.memory_space<vmem>>, vector<1x16xf32>,
    %swap3A_700 = arith.constant 14 : i32
    %swap3A_701 = arith.index_cast %swap3A_700 : i32 to index
    %swap3A_702 = arith.constant 48 : index
    %swap3A_703 = tpu.vector_load %arg8[%swap3A_701, %swap3A_702] {strides = array<i32>} : memref<16x128xf32, #tpu.memory_space<vmem>>, vector<1x16xf32>,
    %swap3A_704 = vector.shape_cast %swap3A_703 : vector<1x16xf32> to vector<16xf32>
    %swap3A_705 = vector.shape_cast %broadcast_in_dim3A_10 : vector<16xf32> to vector<1x16xf32>
    tpu.vector_store %arg8[%swap3A_701, %swap3A_702], %swap3A_705 {strides = array<i32>} : memref<16x128xf32, #tpu.memory_space<vmem>>, vector<1x16xf32>,
    %swap3A_706 = arith.constant 14 : i32
    %swap3A_707 = arith.index_cast %swap3A_706 : i32 to index
    %swap3A_708 = arith.constant 64 : index
    %swap3A_709 = tpu.vector_load %arg8[%swap3A_707, %swap3A_708] {strides = array<i32>} : memref<16x128xf32, #tpu.memory_space<vmem>>, vector<1x16xf32>,
    %swap3A_710 = vector.shape_cast %swap3A_709 : vector<1x16xf32> to vector<16xf32>
    %swap3A_711 = vector.shape_cast %broadcast_in_dim3A_10 : vector<16xf32> to vector<1x16xf32>
    tpu.vector_store %arg8[%swap3A_707, %swap3A_708], %swap3A_711 {strides = array<i32>} : memref<16x128xf32, #tpu.memory_space<vmem>>, vector<1x16xf32>,
    %swap3A_712 = arith.constant 14 : i32
    %swap3A_713 = arith.index_cast %swap3A_712 : i32 to index
    %swap3A_714 = arith.constant 80 : index
    %swap3A_715 = tpu.vector_load %arg8[%swap3A_713, %swap3A_714] {strides = array<i32>} : memref<16x128xf32, #tpu.memory_space<vmem>>, vector<1x16xf32>,
    %swap3A_716 = vector.shape_cast %swap3A_715 : vector<1x16xf32> to vector<16xf32>
    %swap3A_717 = vector.shape_cast %broadcast_in_dim3A_10 : vector<16xf32> to vector<1x16xf32>
    tpu.vector_store %arg8[%swap3A_713, %swap3A_714], %swap3A_717 {strides = array<i32>} : memref<16x128xf32, #tpu.memory_space<vmem>>, vector<1x16xf32>,
    %swap3A_718 = arith.constant 14 : i32
    %swap3A_719 = arith.index_cast %swap3A_718 : i32 to index
    %swap3A_720 = arith.constant 96 : index
    %swap3A_721 = tpu.vector_load %arg8[%swap3A_719, %swap3A_720] {strides = array<i32>} : memref<16x128xf32, #tpu.memory_space<vmem>>, vector<1x16xf32>,
    %swap3A_722 = vector.shape_cast %swap3A_721 : vector<1x16xf32> to vector<16xf32>
    %swap3A_723 = vector.shape_cast %broadcast_in_dim3A_10 : vector<16xf32> to vector<1x16xf32>
    tpu.vector_store %arg8[%swap3A_719, %swap3A_720], %swap3A_723 {strides = array<i32>} : memref<16x128xf32, #tpu.memory_space<vmem>>, vector<1x16xf32>,
    %swap3A_724 = arith.constant 14 : i32
    %swap3A_725 = arith.index_cast %swap3A_724 : i32 to index
    %swap3A_726 = arith.constant 112 : index
    %swap3A_727 = tpu.vector_load %arg8[%swap3A_725, %swap3A_726] {strides = array<i32>} : memref<16x128xf32, #tpu.memory_space<vmem>>, vector<1x16xf32>,
    %swap3A_728 = vector.shape_cast %swap3A_727 : vector<1x16xf32> to vector<16xf32>
    %swap3A_729 = vector.shape_cast %broadcast_in_dim3A_10 : vector<16xf32> to vector<1x16xf32>
    tpu.vector_store %arg8[%swap3A_725, %swap3A_726], %swap3A_729 {strides = array<i32>} : memref<16x128xf32, #tpu.memory_space<vmem>>, vector<1x16xf32>,
    %swap3A_730 = arith.constant 15 : i32
    %swap3A_731 = arith.index_cast %swap3A_730 : i32 to index
    %swap3A_732 = arith.constant 0 : index
    %swap3A_733 = tpu.vector_load %arg8[%swap3A_731, %swap3A_732] {strides = array<i32>} : memref<16x128xf32, #tpu.memory_space<vmem>>, vector<1x16xf32>,
    %swap3A_734 = vector.shape_cast %swap3A_733 : vector<1x16xf32> to vector<16xf32>
    %swap3A_735 = vector.shape_cast %broadcast_in_dim3A_10 : vector<16xf32> to vector<1x16xf32>
    tpu.vector_store %arg8[%swap3A_731, %swap3A_732], %swap3A_735 {strides = array<i32>} : memref<16x128xf32, #tpu.memory_space<vmem>>, vector<1x16xf32>,
    %swap3A_736 = arith.constant 15 : i32
    %swap3A_737 = arith.index_cast %swap3A_736 : i32 to index
    %swap3A_738 = arith.constant 16 : index
    %swap3A_739 = tpu.vector_load %arg8[%swap3A_737, %swap3A_738] {strides = array<i32>} : memref<16x128xf32, #tpu.memory_space<vmem>>, vector<1x16xf32>,
    %swap3A_740 = vector.shape_cast %swap3A_739 : vector<1x16xf32> to vector<16xf32>
    %swap3A_741 = vector.shape_cast %broadcast_in_dim3A_10 : vector<16xf32> to vector<1x16xf32>
    tpu.vector_store %arg8[%swap3A_737, %swap3A_738], %swap3A_741 {strides = array<i32>} : memref<16x128xf32, #tpu.memory_space<vmem>>, vector<1x16xf32>,
    %swap3A_742 = arith.constant 15 : i32
    %swap3A_743 = arith.index_cast %swap3A_742 : i32 to index
    %swap3A_744 = arith.constant 32 : index
    %swap3A_745 = tpu.vector_load %arg8[%swap3A_743, %swap3A_744] {strides = array<i32>} : memref<16x128xf32, #tpu.memory_space<vmem>>, vector<1x16xf32>,
    %swap3A_746 = vector.shape_cast %swap3A_745 : vector<1x16xf32> to vector<16xf32>
    %swap3A_747 = vector.shape_cast %broadcast_in_dim3A_10 : vector<16xf32> to vector<1x16xf32>
    tpu.vector_store %arg8[%swap3A_743, %swap3A_744], %swap3A_747 {strides = array<i32>} : memref<16x128xf32, #tpu.memory_space<vmem>>, vector<1x16xf32>,
    %swap3A_748 = arith.constant 15 : i32
    %swap3A_749 = arith.index_cast %swap3A_748 : i32 to index
    %swap3A_750 = arith.constant 48 : index
    %swap3A_751 = tpu.vector_load %arg8[%swap3A_749, %swap3A_750] {strides = array<i32>} : memref<16x128xf32, #tpu.memory_space<vmem>>, vector<1x16xf32>,
    %swap3A_752 = vector.shape_cast %swap3A_751 : vector<1x16xf32> to vector<16xf32>
    %swap3A_753 = vector.shape_cast %broadcast_in_dim3A_10 : vector<16xf32> to vector<1x16xf32>
    tpu.vector_store %arg8[%swap3A_749, %swap3A_750], %swap3A_753 {strides = array<i32>} : memref<16x128xf32, #tpu.memory_space<vmem>>, vector<1x16xf32>,
    %swap3A_754 = arith.constant 15 : i32
    %swap3A_755 = arith.index_cast %swap3A_754 : i32 to index
    %swap3A_756 = arith.constant 64 : index
    %swap3A_757 = tpu.vector_load %arg8[%swap3A_755, %swap3A_756] {strides = array<i32>} : memref<16x128xf32, #tpu.memory_space<vmem>>, vector<1x16xf32>,
    %swap3A_758 = vector.shape_cast %swap3A_757 : vector<1x16xf32> to vector<16xf32>
    %swap3A_759 = vector.shape_cast %broadcast_in_dim3A_10 : vector<16xf32> to vector<1x16xf32>
    tpu.vector_store %arg8[%swap3A_755, %swap3A_756], %swap3A_759 {strides = array<i32>} : memref<16x128xf32, #tpu.memory_space<vmem>>, vector<1x16xf32>,
    %swap3A_760 = arith.constant 15 : i32
    %swap3A_761 = arith.index_cast %swap3A_760 : i32 to index
    %swap3A_762 = arith.constant 80 : index
    %swap3A_763 = tpu.vector_load %arg8[%swap3A_761, %swap3A_762] {strides = array<i32>} : memref<16x128xf32, #tpu.memory_space<vmem>>, vector<1x16xf32>,
    %swap3A_764 = vector.shape_cast %swap3A_763 : vector<1x16xf32> to vector<16xf32>
    %swap3A_765 = vector.shape_cast %broadcast_in_dim3A_10 : vector<16xf32> to vector<1x16xf32>
    tpu.vector_store %arg8[%swap3A_761, %swap3A_762], %swap3A_765 {strides = array<i32>} : memref<16x128xf32, #tpu.memory_space<vmem>>, vector<1x16xf32>,
    %swap3A_766 = arith.constant 15 : i32
    %swap3A_767 = arith.index_cast %swap3A_766 : i32 to index
    %swap3A_768 = arith.constant 96 : index
    %swap3A_769 = tpu.vector_load %arg8[%swap3A_767, %swap3A_768] {strides = array<i32>} : memref<16x128xf32, #tpu.memory_space<vmem>>, vector<1x16xf32>,
    %swap3A_770 = vector.shape_cast %swap3A_769 : vector<1x16xf32> to vector<16xf32>
    %swap3A_771 = vector.shape_cast %broadcast_in_dim3A_10 : vector<16xf32> to vector<1x16xf32>
    tpu.vector_store %arg8[%swap3A_767, %swap3A_768], %swap3A_771 {strides = array<i32>} : memref<16x128xf32, #tpu.memory_space<vmem>>, vector<1x16xf32>,
    %swap3A_772 = arith.constant 15 : i32
    %swap3A_773 = arith.index_cast %swap3A_772 : i32 to index
    %swap3A_774 = arith.constant 112 : index
    %swap3A_775 = tpu.vector_load %arg8[%swap3A_773, %swap3A_774] {strides = array<i32>} : memref<16x128xf32, #tpu.memory_space<vmem>>, vector<1x16xf32>,
    %swap3A_776 = vector.shape_cast %swap3A_775 : vector<1x16xf32> to vector<16xf32>
    %swap3A_777 = vector.shape_cast %broadcast_in_dim3A_10 : vector<16xf32> to vector<1x16xf32>
    tpu.vector_store %arg8[%swap3A_773, %swap3A_774], %swap3A_777 {strides = array<i32>} : memref<16x128xf32, #tpu.memory_space<vmem>>, vector<1x16xf32>,
    %scan3A = arith.constant 0 : i32
    %scan3A_778 = arith.constant 0 : i32
    %scan3A_779 = arith.constant 40 : i32
    %scan3A_780 = arith.addi %scan3A_778, %scan3A_779 : i32
    %scan3A_781 = arith.constant 1 : i32
    scf.for %scan3A_876 = %scan3A_778 to %scan3A_780 step %scan3A_781  : i32 {
      %mul3A_877 = arith.constant 640 : i32
      %mul3A_878 = arith.muli %arg1, %mul3A_877 : i32
      %mul3A_879 = arith.constant 16 : i32
      %mul3A_880 = arith.muli %scan3A_876, %mul3A_879 : i32
      %add3A_881 = arith.addi %mul3A_878, %mul3A_880 : i32
      %min3A_882 = arith.constant 9984 : i32
      %min3A_883 = arith.minsi %add3A_881, %min3A_882 : i32
      %multiple_of3A_884 = tpu.assume_multiple %min3A_883, 16 : i32
      %dma_start3A_885 = arith.constant 0 : i32
      %dma_start3A_886 = tpu.memref_slice %arg9[%multiple_of3A_884, %dma_start3A_885] : memref<10000x128xf32, #tpu.memory_space<vmem_shared>> -> memref<16x128xf32, #tpu.memory_space<vmem_shared>>
      %dma_start3A_887 = arith.constant 0 : i32
      %dma_start3A_888 = tpu.memref_slice %arg9[%multiple_of3A_884, %dma_start3A_887] : memref<10000x128xf32, #tpu.memory_space<vmem_shared>> -> memref<16x128xf32, #tpu.memory_space<vmem_shared>>
      tpu.enqueue_dma source(%arg8 : memref<16x128xf32, #tpu.memory_space<vmem>>) target(%dma_start3A_888 : memref<16x128xf32, #tpu.memory_space<vmem_shared>>) target_semaphore(%arg12 : memref<!tpu.dma_semaphore, #tpu.memory_space<semaphore_mem>>)
    }
    %scan3A_782 = arith.constant 40 : i32
    %add3A_783 = arith.constant 0 : i32
    %add3A_784 = arith.addi %add3A_9, %add3A_783 : i32
    %mul3A_785 = arith.constant 128 : i32
    %mul3A_786 = arith.muli %add3A_784, %mul3A_785 : i32
    %multiple_of3A = tpu.assume_multiple %mul3A_786, 128 : i32
    %dma_start3A = arith.constant 0 : i32
    %dma_start3A_787 = arith.constant 0 : i32
    %dma_start3A_788 = arith.constant 0 : i32
    %dma_start3A_789 = tpu.memref_slice %arg5[%dma_start3A, %dma_start3A_787, %dma_start3A_788] : memref<4x2x128xi32, #tpu.memory_space<vmem>> -> memref<1x2x128xi32, #tpu.memory_space<vmem>>
    %dma_start3A_790 = tpu.memref_squeeze %dma_start3A_789 : memref<1x2x128xi32, #tpu.memory_space<vmem>> -> memref<2x128xi32, #tpu.memory_space<vmem>>
    %dma_start3A_791 = arith.constant 0 : i32
    %dma_start3A_792 = tpu.memref_slice %arg3[%dma_start3A_791, %multiple_of3A] : memref<2x320000xi32, #tpu.memory_space<hbm>> -> memref<2x128xi32, #tpu.memory_space<hbm>>
    %dma_start3A_793 = arith.constant 0 : i32
    %dma_start3A_794 = arith.constant 0 : i32
    %dma_start3A_795 = tpu.memref_slice %arg5[%dma_start3A, %dma_start3A_793, %dma_start3A_794] : memref<4x2x128xi32, #tpu.memory_space<vmem>> -> memref<1x2x128xi32, #tpu.memory_space<vmem>>
    %dma_start3A_796 = tpu.memref_squeeze %dma_start3A_795 : memref<1x2x128xi32, #tpu.memory_space<vmem>> -> memref<2x128xi32, #tpu.memory_space<vmem>>
    %dma_start3A_797 = arith.constant 0 : i32
    %dma_start3A_798 = tpu.memref_slice %arg3[%dma_start3A_797, %multiple_of3A] : memref<2x320000xi32, #tpu.memory_space<hbm>> -> memref<2x128xi32, #tpu.memory_space<hbm>>
    tpu.enqueue_dma source(%dma_start3A_798 : memref<2x128xi32, #tpu.memory_space<hbm>>) target(%dma_start3A_796 : memref<2x128xi32, #tpu.memory_space<vmem>>) target_semaphore(%arg13 : memref<!tpu.dma_semaphore, #tpu.memory_space<semaphore_mem>>)
    %dma_wait3A = arith.constant 0 : i32
    %dma_wait3A_799 = arith.constant 0 : i32
    %dma_wait3A_800 = arith.constant 0 : i32
    %dma_wait3A_801 = tpu.memref_slice %arg5[%dma_wait3A, %dma_wait3A_799, %dma_wait3A_800] : memref<4x2x128xi32, #tpu.memory_space<vmem>> -> memref<1x2x128xi32, #tpu.memory_space<vmem>>
    %dma_wait3A_802 = tpu.memref_squeeze %dma_wait3A_801 : memref<1x2x128xi32, #tpu.memory_space<vmem>> -> memref<2x128xi32, #tpu.memory_space<vmem>>
    %dma_wait3A_803 = arith.constant 0 : i32
    %dma_wait3A_804 = arith.constant 0 : i32
    %dma_wait3A_805 = tpu.memref_slice %arg3[%dma_wait3A_803, %dma_wait3A_804] : memref<2x320000xi32, #tpu.memory_space<hbm>> -> memref<2x128xi32, #tpu.memory_space<hbm>>
    %dma_wait3A_806 = arith.constant 0 : i32
    %dma_wait3A_807 = arith.constant 0 : i32
    %dma_wait3A_808 = tpu.memref_slice %arg5[%dma_wait3A, %dma_wait3A_806, %dma_wait3A_807] : memref<4x2x128xi32, #tpu.memory_space<vmem>> -> memref<1x2x128xi32, #tpu.memory_space<vmem>>
    %dma_wait3A_809 = tpu.memref_squeeze %dma_wait3A_808 : memref<1x2x128xi32, #tpu.memory_space<vmem>> -> memref<2x128xi32, #tpu.memory_space<vmem>>
    %dma_wait3A_810 = arith.constant 0 : i32
    %dma_wait3A_811 = arith.constant 0 : i32
    %dma_wait3A_812 = tpu.memref_slice %arg3[%dma_wait3A_810, %dma_wait3A_811] : memref<2x320000xi32, #tpu.memory_space<hbm>> -> memref<2x128xi32, #tpu.memory_space<hbm>>
    tpu.wait_dma2 semaphore(%arg13 : memref<!tpu.dma_semaphore, #tpu.memory_space<semaphore_mem>>) src(%dma_wait3A_812 : memref<2x128xi32, #tpu.memory_space<hbm>>) dst(%dma_wait3A_809 : memref<2x128xi32, #tpu.memory_space<vmem>>)
    %add3A_813 = arith.constant 1 : i32
    %add3A_814 = arith.addi %add3A_9, %add3A_813 : i32
    %mul3A_815 = arith.constant 128 : i32
    %mul3A_816 = arith.muli %add3A_814, %mul3A_815 : i32
    %multiple_of3A_817 = tpu.assume_multiple %mul3A_816, 128 : i32
    %dma_start3A_818 = arith.constant 1 : i32
    %dma_start3A_819 = arith.constant 0 : i32
    %dma_start3A_820 = arith.constant 0 : i32
    %dma_start3A_821 = tpu.memref_slice %arg5[%dma_start3A_818, %dma_start3A_819, %dma_start3A_820] : memref<4x2x128xi32, #tpu.memory_space<vmem>> -> memref<1x2x128xi32, #tpu.memory_space<vmem>>
    %dma_start3A_822 = tpu.memref_squeeze %dma_start3A_821 : memref<1x2x128xi32, #tpu.memory_space<vmem>> -> memref<2x128xi32, #tpu.memory_space<vmem>>
    %dma_start3A_823 = arith.constant 0 : i32
    %dma_start3A_824 = tpu.memref_slice %arg3[%dma_start3A_823, %multiple_of3A_817] : memref<2x320000xi32, #tpu.memory_space<hbm>> -> memref<2x128xi32, #tpu.memory_space<hbm>>
    %dma_start3A_825 = arith.constant 0 : i32
    %dma_start3A_826 = arith.constant 0 : i32
    %dma_start3A_827 = tpu.memref_slice %arg5[%dma_start3A_818, %dma_start3A_825, %dma_start3A_826] : memref<4x2x128xi32, #tpu.memory_space<vmem>> -> memref<1x2x128xi32, #tpu.memory_space<vmem>>
    %dma_start3A_828 = tpu.memref_squeeze %dma_start3A_827 : memref<1x2x128xi32, #tpu.memory_space<vmem>> -> memref<2x128xi32, #tpu.memory_space<vmem>>
    %dma_start3A_829 = arith.constant 0 : i32
    %dma_start3A_830 = tpu.memref_slice %arg3[%dma_start3A_829, %multiple_of3A_817] : memref<2x320000xi32, #tpu.memory_space<hbm>> -> memref<2x128xi32, #tpu.memory_space<hbm>>
    tpu.enqueue_dma source(%dma_start3A_830 : memref<2x128xi32, #tpu.memory_space<hbm>>) target(%dma_start3A_828 : memref<2x128xi32, #tpu.memory_space<vmem>>) target_semaphore(%arg14 : memref<!tpu.dma_semaphore, #tpu.memory_space<semaphore_mem>>)
    %add3A_831 = arith.constant 2 : i32
    %add3A_832 = arith.addi %add3A_9, %add3A_831 : i32
    %mul3A_833 = arith.constant 128 : i32
    %mul3A_834 = arith.muli %add3A_832, %mul3A_833 : i32
    %multiple_of3A_835 = tpu.assume_multiple %mul3A_834, 128 : i32
    %dma_start3A_836 = arith.constant 2 : i32
    %dma_start3A_837 = arith.constant 0 : i32
    %dma_start3A_838 = arith.constant 0 : i32
    %dma_start3A_839 = tpu.memref_slice %arg5[%dma_start3A_836, %dma_start3A_837, %dma_start3A_838] : memref<4x2x128xi32, #tpu.memory_space<vmem>> -> memref<1x2x128xi32, #tpu.memory_space<vmem>>
    %dma_start3A_840 = tpu.memref_squeeze %dma_start3A_839 : memref<1x2x128xi32, #tpu.memory_space<vmem>> -> memref<2x128xi32, #tpu.memory_space<vmem>>
    %dma_start3A_841 = arith.constant 0 : i32
    %dma_start3A_842 = tpu.memref_slice %arg3[%dma_start3A_841, %multiple_of3A_835] : memref<2x320000xi32, #tpu.memory_space<hbm>> -> memref<2x128xi32, #tpu.memory_space<hbm>>
    %dma_start3A_843 = arith.constant 0 : i32
    %dma_start3A_844 = arith.constant 0 : i32
    %dma_start3A_845 = tpu.memref_slice %arg5[%dma_start3A_836, %dma_start3A_843, %dma_start3A_844] : memref<4x2x128xi32, #tpu.memory_space<vmem>> -> memref<1x2x128xi32, #tpu.memory_space<vmem>>
    %dma_start3A_846 = tpu.memref_squeeze %dma_start3A_845 : memref<1x2x128xi32, #tpu.memory_space<vmem>> -> memref<2x128xi32, #tpu.memory_space<vmem>>
    %dma_start3A_847 = arith.constant 0 : i32
    %dma_start3A_848 = tpu.memref_slice %arg3[%dma_start3A_847, %multiple_of3A_835] : memref<2x320000xi32, #tpu.memory_space<hbm>> -> memref<2x128xi32, #tpu.memory_space<hbm>>
    tpu.enqueue_dma source(%dma_start3A_848 : memref<2x128xi32, #tpu.memory_space<hbm>>) target(%dma_start3A_846 : memref<2x128xi32, #tpu.memory_space<vmem>>) target_semaphore(%arg13 : memref<!tpu.dma_semaphore, #tpu.memory_space<semaphore_mem>>)
    %dma_start3A_849 = arith.constant 0 : i32
    %dma_start3A_850 = arith.constant 0 : i32
    %dma_start3A_851 = arith.constant 0 : i32
    %dma_start3A_852 = tpu.memref_slice %arg5[%dma_start3A_849, %dma_start3A_850, %dma_start3A_851] : memref<4x2x128xi32, #tpu.memory_space<vmem>> -> memref<1x1x128xi32, #tpu.memory_space<vmem>>
    %dma_start3A_853 = tpu.memref_squeeze %dma_start3A_852 : memref<1x1x128xi32, #tpu.memory_space<vmem>> -> memref<128xi32, #tpu.memory_space<vmem>>
    %dma_start3A_854 = arith.constant 0 : i32
    %dma_start3A_855 = arith.constant 0 : i32
    %dma_start3A_856 = tpu.memref_slice %arg2[%dma_start3A_854, %dma_start3A_855] : memref<10000x128xf32, #tpu.memory_space<hbm>> -> memref<10000x128xf32, #tpu.memory_space<hbm>>
    tpu.enqueue_indirect_dma source(%dma_start3A_856 : memref<10000x128xf32, #tpu.memory_space<hbm>>) target(%arg6 : memref<128x128xf32, #tpu.memory_space<vmem>>) offsets(%dma_start3A_853 : memref<128xi32, #tpu.memory_space<vmem>>) semaphore(%arg10 : memref<!tpu.dma_semaphore, #tpu.memory_space<semaphore_mem>>)
    %scan3A_857 = arith.constant 0 : i32
    %scan3A_858 = arith.constant 0 : i32
    %scan3A_859 = arith.constant 40 : i32
    %scan3A_860 = arith.addi %scan3A_858, %scan3A_859 : i32
    %scan3A_861 = arith.constant 1 : i32
    scf.for %scan3A_876 = %scan3A_858 to %scan3A_860 step %scan3A_861  : i32 {
      %dma_wait3A_877 = arith.constant 0 : i32
      %dma_wait3A_878 = arith.constant 0 : i32
      %dma_wait3A_879 = tpu.memref_slice %arg9[%dma_wait3A_877, %dma_wait3A_878] : memref<10000x128xf32, #tpu.memory_space<vmem_shared>> -> memref<16x128xf32, #tpu.memory_space<vmem_shared>>
      %dma_wait3A_880 = arith.constant 0 : i32
      %dma_wait3A_881 = arith.constant 0 : i32
      %dma_wait3A_882 = tpu.memref_slice %arg9[%dma_wait3A_880, %dma_wait3A_881] : memref<10000x128xf32, #tpu.memory_space<vmem_shared>> -> memref<16x128xf32, #tpu.memory_space<vmem_shared>>
      tpu.wait_dma2 semaphore(%arg12 : memref<!tpu.dma_semaphore, #tpu.memory_space<semaphore_mem>>) src(%arg8 : memref<16x128xf32, #tpu.memory_space<vmem>>) dst(%dma_wait3A_882 : memref<16x128xf32, #tpu.memory_space<vmem_shared>>)
    }
    %scan3A_862 = arith.constant 40 : i32
    %barrier3A = arith.constant 0 : index
    tpu.barrier barrier_id(%barrier3A)
    %scan3A_863 = arith.constant 0 : i32
    %scan3A_864 = arith.constant 0 : i32
    %scan3A_865 = arith.constant 39 : i32
    %scan3A_866 = arith.addi %scan3A_864, %scan3A_865 : i32
    %scan3A_867 = arith.constant 1 : i32
    scf.for %scan3A_876 = %scan3A_864 to %scan3A_866 step %scan3A_867  : i32 {
      %mul3A_877 = arith.constant 2 : i32
      %mul3A_878 = arith.muli %mul3A_877, %scan3A_876 : i32
      %add3A_879 = arith.constant 1 : i32
      %add3A_880 = arith.addi %mul3A_878, %add3A_879 : i32
      %rem3A = arith.constant 4 : i32
      %rem3A_881 = arith.remsi %add3A_880, %rem3A : i32
      %add3A_882 = arith.constant 2 : i32
      %add3A_883 = arith.addi %mul3A_878, %add3A_882 : i32
      %rem3A_884 = arith.constant 4 : i32
      %rem3A_885 = arith.remsi %add3A_883, %rem3A_884 : i32
      %add3A_886 = arith.constant 3 : i32
      %add3A_887 = arith.addi %mul3A_878, %add3A_886 : i32
      %rem3A_888 = arith.constant 4 : i32
      %rem3A_889 = arith.remsi %add3A_887, %rem3A_888 : i32
      %rem3A_890 = arith.constant 4 : i32
      %rem3A_891 = arith.remsi %mul3A_878, %rem3A_890 : i32
      %dma_wait3A_892 = arith.constant 0 : i32
      %dma_wait3A_893 = arith.constant 0 : i32
      %dma_wait3A_894 = arith.constant 0 : i32
      %dma_wait3A_895 = tpu.memref_slice %arg5[%dma_wait3A_892, %dma_wait3A_893, %dma_wait3A_894] : memref<4x2x128xi32, #tpu.memory_space<vmem>> -> memref<1x2x128xi32, #tpu.memory_space<vmem>>
      %dma_wait3A_896 = tpu.memref_squeeze %dma_wait3A_895 : memref<1x2x128xi32, #tpu.memory_space<vmem>> -> memref<2x128xi32, #tpu.memory_space<vmem>>
      %dma_wait3A_897 = arith.constant 0 : i32
      %dma_wait3A_898 = arith.constant 0 : i32
      %dma_wait3A_899 = tpu.memref_slice %arg3[%dma_wait3A_897, %dma_wait3A_898] : memref<2x320000xi32, #tpu.memory_space<hbm>> -> memref<2x128xi32, #tpu.memory_space<hbm>>
      %dma_wait3A_900 = arith.constant 0 : i32
      %dma_wait3A_901 = arith.constant 0 : i32
      %dma_wait3A_902 = tpu.memref_slice %arg5[%dma_wait3A_892, %dma_wait3A_900, %dma_wait3A_901] : memref<4x2x128xi32, #tpu.memory_space<vmem>> -> memref<1x2x128xi32, #tpu.memory_space<vmem>>
      %dma_wait3A_903 = tpu.memref_squeeze %dma_wait3A_902 : memref<1x2x128xi32, #tpu.memory_space<vmem>> -> memref<2x128xi32, #tpu.memory_space<vmem>>
      %dma_wait3A_904 = arith.constant 0 : i32
      %dma_wait3A_905 = arith.constant 0 : i32
      %dma_wait3A_906 = tpu.memref_slice %arg3[%dma_wait3A_904, %dma_wait3A_905] : memref<2x320000xi32, #tpu.memory_space<hbm>> -> memref<2x128xi32, #tpu.memory_space<hbm>>
      tpu.wait_dma2 semaphore(%arg14 : memref<!tpu.dma_semaphore, #tpu.memory_space<semaphore_mem>>) src(%dma_wait3A_906 : memref<2x128xi32, #tpu.memory_space<hbm>>) dst(%dma_wait3A_903 : memref<2x128xi32, #tpu.memory_space<vmem>>)
      %dma_start3A_907 = arith.constant 0 : i32
      %dma_start3A_908 = arith.constant 0 : i32
      %dma_start3A_909 = tpu.memref_slice %arg5[%rem3A_881, %dma_start3A_907, %dma_start3A_908] : memref<4x2x128xi32, #tpu.memory_space<vmem>> -> memref<1x1x128xi32, #tpu.memory_space<vmem>>
      %dma_start3A_910 = tpu.memref_squeeze %dma_start3A_909 : memref<1x1x128xi32, #tpu.memory_space<vmem>> -> memref<128xi32, #tpu.memory_space<vmem>>
      %dma_start3A_911 = arith.constant 0 : i32
      %dma_start3A_912 = arith.constant 0 : i32
      %dma_start3A_913 = tpu.memref_slice %arg2[%dma_start3A_911, %dma_start3A_912] : memref<10000x128xf32, #tpu.memory_space<hbm>> -> memref<10000x128xf32, #tpu.memory_space<hbm>>
      tpu.enqueue_indirect_dma source(%dma_start3A_913 : memref<10000x128xf32, #tpu.memory_space<hbm>>) target(%arg7 : memref<128x128xf32, #tpu.memory_space<vmem>>) offsets(%dma_start3A_910 : memref<128xi32, #tpu.memory_space<vmem>>) semaphore(%arg11 : memref<!tpu.dma_semaphore, #tpu.memory_space<semaphore_mem>>)
      %add3A_914 = arith.constant 3 : i32
      %add3A_915 = arith.addi %mul3A_878, %add3A_914 : i32
      %lt3A = arith.cmpi slt, %add3A_915, %add3A_4 : i32
      %convert_element_type3A_916 = arith.extui %lt3A : i1 to i32
      %cond3A_917 = arith.constant 0 : i32
      %cond3A_918 = arith.cmpi ne, %convert_element_type3A_916, %cond3A_917 : i32
      scf.if %cond3A_918 {
        %add3A_948 = arith.constant 3 : i32
        %add3A_949 = arith.addi %mul3A_878, %add3A_948 : i32
        %add3A_950 = arith.addi %add3A_9, %add3A_949 : i32
        %mul3A_951 = arith.constant 128 : i32
        %mul3A_952 = arith.muli %add3A_950, %mul3A_951 : i32
        %multiple_of3A_953 = tpu.assume_multiple %mul3A_952, 128 : i32
        %dma_start3A_954 = arith.constant 0 : i32
        %dma_start3A_955 = arith.constant 0 : i32
        %dma_start3A_956 = tpu.memref_slice %arg5[%rem3A_889, %dma_start3A_954, %dma_start3A_955] : memref<4x2x128xi32, #tpu.memory_space<vmem>> -> memref<1x2x128xi32, #tpu.memory_space<vmem>>
        %dma_start3A_957 = tpu.memref_squeeze %dma_start3A_956 : memref<1x2x128xi32, #tpu.memory_space<vmem>> -> memref<2x128xi32, #tpu.memory_space<vmem>>
        %dma_start3A_958 = arith.constant 0 : i32
        %dma_start3A_959 = tpu.memref_slice %arg3[%dma_start3A_958, %multiple_of3A_953] : memref<2x320000xi32, #tpu.memory_space<hbm>> -> memref<2x128xi32, #tpu.memory_space<hbm>>
        %dma_start3A_960 = arith.constant 0 : i32
        %dma_start3A_961 = arith.constant 0 : i32
        %dma_start3A_962 = tpu.memref_slice %arg5[%rem3A_889, %dma_start3A_960, %dma_start3A_961] : memref<4x2x128xi32, #tpu.memory_space<vmem>> -> memref<1x2x128xi32, #tpu.memory_space<vmem>>
        %dma_start3A_963 = tpu.memref_squeeze %dma_start3A_962 : memref<1x2x128xi32, #tpu.memory_space<vmem>> -> memref<2x128xi32, #tpu.memory_space<vmem>>
        %dma_start3A_964 = arith.constant 0 : i32
        %dma_start3A_965 = tpu.memref_slice %arg3[%dma_start3A_964, %multiple_of3A_953] : memref<2x320000xi32, #tpu.memory_space<hbm>> -> memref<2x128xi32, #tpu.memory_space<hbm>>
        tpu.enqueue_dma source(%dma_start3A_965 : memref<2x128xi32, #tpu.memory_space<hbm>>) target(%dma_start3A_963 : memref<2x128xi32, #tpu.memory_space<vmem>>) target_semaphore(%arg14 : memref<!tpu.dma_semaphore, #tpu.memory_space<semaphore_mem>>)
      } else {
      }
      %dma_wait3A_919 = arith.constant 0 : i32
      %dma_wait3A_920 = arith.constant 0 : i32
      %dma_wait3A_921 = arith.constant 0 : i32
      %dma_wait3A_922 = tpu.memref_slice %arg5[%dma_wait3A_919, %dma_wait3A_920, %dma_wait3A_921] : memref<4x2x128xi32, #tpu.memory_space<vmem>> -> memref<1x1x128xi32, #tpu.memory_space<vmem>>
      %dma_wait3A_923 = tpu.memref_squeeze %dma_wait3A_922 : memref<1x1x128xi32, #tpu.memory_space<vmem>> -> memref<128xi32, #tpu.memory_space<vmem>>
      %dma_wait3A_924 = arith.constant 0 : i32
      %dma_wait3A_925 = arith.constant 0 : i32
      %dma_wait3A_926 = tpu.memref_slice %arg2[%dma_wait3A_924, %dma_wait3A_925] : memref<10000x128xf32, #tpu.memory_space<hbm>> -> memref<10000x128xf32, #tpu.memory_space<hbm>>
      tpu.wait_indirect_dma semaphore(%arg10 : memref<!tpu.dma_semaphore, #tpu.memory_space<semaphore_mem>>) src(%dma_wait3A_926 : memref<10000x128xf32, #tpu.memory_space<hbm>>) dst(%arg6 : memref<128x128xf32, #tpu.memory_space<vmem>>)
      %run_scoped3A = arith.constant 1 : i32
      "tpu.region"() ({
        %run_scoped3A_948 = tpu.sem_alloc : memref<!tpu.dma_semaphore, #tpu.memory_space<semaphore_mem>>
        %dma_start3A_949 = arith.constant 0 : i32
        %dma_start3A_950 = tpu.memref_slice %arg5[%rem3A_891, %run_scoped3A, %dma_start3A_949] : memref<4x2x128xi32, #tpu.memory_space<vmem>> -> memref<1x1x128xi32, #tpu.memory_space<vmem>>
        %dma_start3A_951 = tpu.memref_squeeze %dma_start3A_950 : memref<1x1x128xi32, #tpu.memory_space<vmem>> -> memref<128xi32, #tpu.memory_space<vmem>>
        %dma_start3A_952 = arith.constant 0 : i32
        %dma_start3A_953 = arith.constant 0 : i32
        %dma_start3A_954 = tpu.memref_slice %arg9[%dma_start3A_952, %dma_start3A_953] : memref<10000x128xf32, #tpu.memory_space<vmem_shared>> -> memref<10000x128xf32, #tpu.memory_space<vmem_shared>>
        tpu.enqueue_indirect_dma source(%arg6 : memref<128x128xf32, #tpu.memory_space<vmem>>) target(%dma_start3A_954 : memref<10000x128xf32, #tpu.memory_space<vmem_shared>>) offsets(%dma_start3A_951 : memref<128xi32, #tpu.memory_space<vmem>>) semaphore(%run_scoped3A_948 : memref<!tpu.dma_semaphore, #tpu.memory_space<semaphore_mem>>) {add = true}
        %dma_wait3A_955 = arith.constant 0 : i32
        %dma_wait3A_956 = tpu.memref_slice %arg5[%rem3A_891, %run_scoped3A, %dma_wait3A_955] : memref<4x2x128xi32, #tpu.memory_space<vmem>> -> memref<1x1x128xi32, #tpu.memory_space<vmem>>
        %dma_wait3A_957 = tpu.memref_squeeze %dma_wait3A_956 : memref<1x1x128xi32, #tpu.memory_space<vmem>> -> memref<128xi32, #tpu.memory_space<vmem>>
        %dma_wait3A_958 = arith.constant 0 : i32
        %dma_wait3A_959 = arith.constant 0 : i32
        %dma_wait3A_960 = tpu.memref_slice %arg9[%dma_wait3A_958, %dma_wait3A_959] : memref<10000x128xf32, #tpu.memory_space<vmem_shared>> -> memref<10000x128xf32, #tpu.memory_space<vmem_shared>>
        tpu.wait_indirect_dma semaphore(%run_scoped3A_948 : memref<!tpu.dma_semaphore, #tpu.memory_space<semaphore_mem>>) src(%arg6 : memref<128x128xf32, #tpu.memory_space<vmem>>) dst(%dma_wait3A_960 : memref<10000x128xf32, #tpu.memory_space<vmem_shared>>)
        tpu.yield
      }) : () -> ()
      %add3A_927 = arith.constant 2 : i32
      %add3A_928 = arith.addi %mul3A_878, %add3A_927 : i32
      %lt3A_929 = arith.cmpi slt, %add3A_928, %add3A_4 : i32
      %convert_element_type3A_930 = arith.extui %lt3A_929 : i1 to i32
      %cond3A_931 = arith.constant 0 : i32
      %cond3A_932 = arith.cmpi ne, %convert_element_type3A_930, %cond3A_931 : i32
      scf.if %cond3A_932 {
        %dma_wait3A_948 = arith.constant 0 : i32
        %dma_wait3A_949 = arith.constant 0 : i32
        %dma_wait3A_950 = arith.constant 0 : i32
        %dma_wait3A_951 = tpu.memref_slice %arg5[%dma_wait3A_948, %dma_wait3A_949, %dma_wait3A_950] : memref<4x2x128xi32, #tpu.memory_space<vmem>> -> memref<1x2x128xi32, #tpu.memory_space<vmem>>
        %dma_wait3A_952 = tpu.memref_squeeze %dma_wait3A_951 : memref<1x2x128xi32, #tpu.memory_space<vmem>> -> memref<2x128xi32, #tpu.memory_space<vmem>>
        %dma_wait3A_953 = arith.constant 0 : i32
        %dma_wait3A_954 = arith.constant 0 : i32
        %dma_wait3A_955 = tpu.memref_slice %arg3[%dma_wait3A_953, %dma_wait3A_954] : memref<2x320000xi32, #tpu.memory_space<hbm>> -> memref<2x128xi32, #tpu.memory_space<hbm>>
        %dma_wait3A_956 = arith.constant 0 : i32
        %dma_wait3A_957 = arith.constant 0 : i32
        %dma_wait3A_958 = tpu.memref_slice %arg5[%dma_wait3A_948, %dma_wait3A_956, %dma_wait3A_957] : memref<4x2x128xi32, #tpu.memory_space<vmem>> -> memref<1x2x128xi32, #tpu.memory_space<vmem>>
        %dma_wait3A_959 = tpu.memref_squeeze %dma_wait3A_958 : memref<1x2x128xi32, #tpu.memory_space<vmem>> -> memref<2x128xi32, #tpu.memory_space<vmem>>
        %dma_wait3A_960 = arith.constant 0 : i32
        %dma_wait3A_961 = arith.constant 0 : i32
        %dma_wait3A_962 = tpu.memref_slice %arg3[%dma_wait3A_960, %dma_wait3A_961] : memref<2x320000xi32, #tpu.memory_space<hbm>> -> memref<2x128xi32, #tpu.memory_space<hbm>>
        tpu.wait_dma2 semaphore(%arg13 : memref<!tpu.dma_semaphore, #tpu.memory_space<semaphore_mem>>) src(%dma_wait3A_962 : memref<2x128xi32, #tpu.memory_space<hbm>>) dst(%dma_wait3A_959 : memref<2x128xi32, #tpu.memory_space<vmem>>)
        %dma_start3A_963 = arith.constant 0 : i32
        %dma_start3A_964 = arith.constant 0 : i32
        %dma_start3A_965 = tpu.memref_slice %arg5[%rem3A_885, %dma_start3A_963, %dma_start3A_964] : memref<4x2x128xi32, #tpu.memory_space<vmem>> -> memref<1x1x128xi32, #tpu.memory_space<vmem>>
        %dma_start3A_966 = tpu.memref_squeeze %dma_start3A_965 : memref<1x1x128xi32, #tpu.memory_space<vmem>> -> memref<128xi32, #tpu.memory_space<vmem>>
        %dma_start3A_967 = arith.constant 0 : i32
        %dma_start3A_968 = arith.constant 0 : i32
        %dma_start3A_969 = tpu.memref_slice %arg2[%dma_start3A_967, %dma_start3A_968] : memref<10000x128xf32, #tpu.memory_space<hbm>> -> memref<10000x128xf32, #tpu.memory_space<hbm>>
        tpu.enqueue_indirect_dma source(%dma_start3A_969 : memref<10000x128xf32, #tpu.memory_space<hbm>>) target(%arg6 : memref<128x128xf32, #tpu.memory_space<vmem>>) offsets(%dma_start3A_966 : memref<128xi32, #tpu.memory_space<vmem>>) semaphore(%arg10 : memref<!tpu.dma_semaphore, #tpu.memory_space<semaphore_mem>>)
      } else {
      }
      %add3A_933 = arith.constant 4 : i32
      %add3A_934 = arith.addi %mul3A_878, %add3A_933 : i32
      %lt3A_935 = arith.cmpi slt, %add3A_934, %add3A_4 : i32
      %convert_element_type3A_936 = arith.extui %lt3A_935 : i1 to i32
      %cond3A_937 = arith.constant 0 : i32
      %cond3A_938 = arith.cmpi ne, %convert_element_type3A_936, %cond3A_937 : i32
      scf.if %cond3A_938 {
        %add3A_948 = arith.constant 4 : i32
        %add3A_949 = arith.addi %mul3A_878, %add3A_948 : i32
        %add3A_950 = arith.addi %add3A_9, %add3A_949 : i32
        %mul3A_951 = arith.constant 128 : i32
        %mul3A_952 = arith.muli %add3A_950, %mul3A_951 : i32
        %multiple_of3A_953 = tpu.assume_multiple %mul3A_952, 128 : i32
        %dma_start3A_954 = arith.constant 0 : i32
        %dma_start3A_955 = arith.constant 0 : i32
        %dma_start3A_956 = tpu.memref_slice %arg5[%rem3A_891, %dma_start3A_954, %dma_start3A_955] : memref<4x2x128xi32, #tpu.memory_space<vmem>> -> memref<1x2x128xi32, #tpu.memory_space<vmem>>
        %dma_start3A_957 = tpu.memref_squeeze %dma_start3A_956 : memref<1x2x128xi32, #tpu.memory_space<vmem>> -> memref<2x128xi32, #tpu.memory_space<vmem>>
        %dma_start3A_958 = arith.constant 0 : i32
        %dma_start3A_959 = tpu.memref_slice %arg3[%dma_start3A_958, %multiple_of3A_953] : memref<2x320000xi32, #tpu.memory_space<hbm>> -> memref<2x128xi32, #tpu.memory_space<hbm>>
        %dma_start3A_960 = arith.constant 0 : i32
        %dma_start3A_961 = arith.constant 0 : i32
        %dma_start3A_962 = tpu.memref_slice %arg5[%rem3A_891, %dma_start3A_960, %dma_start3A_961] : memref<4x2x128xi32, #tpu.memory_space<vmem>> -> memref<1x2x128xi32, #tpu.memory_space<vmem>>
        %dma_start3A_963 = tpu.memref_squeeze %dma_start3A_962 : memref<1x2x128xi32, #tpu.memory_space<vmem>> -> memref<2x128xi32, #tpu.memory_space<vmem>>
        %dma_start3A_964 = arith.constant 0 : i32
        %dma_start3A_965 = tpu.memref_slice %arg3[%dma_start3A_964, %multiple_of3A_953] : memref<2x320000xi32, #tpu.memory_space<hbm>> -> memref<2x128xi32, #tpu.memory_space<hbm>>
        tpu.enqueue_dma source(%dma_start3A_965 : memref<2x128xi32, #tpu.memory_space<hbm>>) target(%dma_start3A_963 : memref<2x128xi32, #tpu.memory_space<vmem>>) target_semaphore(%arg13 : memref<!tpu.dma_semaphore, #tpu.memory_space<semaphore_mem>>)
      } else {
      }
      %dma_wait3A_939 = arith.constant 0 : i32
      %dma_wait3A_940 = arith.constant 0 : i32
      %dma_wait3A_941 = arith.constant 0 : i32
      %dma_wait3A_942 = tpu.memref_slice %arg5[%dma_wait3A_939, %dma_wait3A_940, %dma_wait3A_941] : memref<4x2x128xi32, #tpu.memory_space<vmem>> -> memref<1x1x128xi32, #tpu.memory_space<vmem>>
      %dma_wait3A_943 = tpu.memref_squeeze %dma_wait3A_942 : memref<1x1x128xi32, #tpu.memory_space<vmem>> -> memref<128xi32, #tpu.memory_space<vmem>>
      %dma_wait3A_944 = arith.constant 0 : i32
      %dma_wait3A_945 = arith.constant 0 : i32
      %dma_wait3A_946 = tpu.memref_slice %arg2[%dma_wait3A_944, %dma_wait3A_945] : memref<10000x128xf32, #tpu.memory_space<hbm>> -> memref<10000x128xf32, #tpu.memory_space<hbm>>
      tpu.wait_indirect_dma semaphore(%arg11 : memref<!tpu.dma_semaphore, #tpu.memory_space<semaphore_mem>>) src(%dma_wait3A_946 : memref<10000x128xf32, #tpu.memory_space<hbm>>) dst(%arg7 : memref<128x128xf32, #tpu.memory_space<vmem>>)
      %run_scoped3A_947 = arith.constant 1 : i32
      "tpu.region"() ({
        %run_scoped3A_948 = tpu.sem_alloc : memref<!tpu.dma_semaphore, #tpu.memory_space<semaphore_mem>>
        %dma_start3A_949 = arith.constant 0 : i32
        %dma_start3A_950 = tpu.memref_slice %arg5[%rem3A_881, %run_scoped3A_947, %dma_start3A_949] : memref<4x2x128xi32, #tpu.memory_space<vmem>> -> memref<1x1x128xi32, #tpu.memory_space<vmem>>
        %dma_start3A_951 = tpu.memref_squeeze %dma_start3A_950 : memref<1x1x128xi32, #tpu.memory_space<vmem>> -> memref<128xi32, #tpu.memory_space<vmem>>
        %dma_start3A_952 = arith.constant 0 : i32
        %dma_start3A_953 = arith.constant 0 : i32
        %dma_start3A_954 = tpu.memref_slice %arg9[%dma_start3A_952, %dma_start3A_953] : memref<10000x128xf32, #tpu.memory_space<vmem_shared>> -> memref<10000x128xf32, #tpu.memory_space<vmem_shared>>
        tpu.enqueue_indirect_dma source(%arg7 : memref<128x128xf32, #tpu.memory_space<vmem>>) target(%dma_start3A_954 : memref<10000x128xf32, #tpu.memory_space<vmem_shared>>) offsets(%dma_start3A_951 : memref<128xi32, #tpu.memory_space<vmem>>) semaphore(%run_scoped3A_948 : memref<!tpu.dma_semaphore, #tpu.memory_space<semaphore_mem>>) {add = true}
        %dma_wait3A_955 = arith.constant 0 : i32
        %dma_wait3A_956 = tpu.memref_slice %arg5[%rem3A_881, %run_scoped3A_947, %dma_wait3A_955] : memref<4x2x128xi32, #tpu.memory_space<vmem>> -> memref<1x1x128xi32, #tpu.memory_space<vmem>>
        %dma_wait3A_957 = tpu.memref_squeeze %dma_wait3A_956 : memref<1x1x128xi32, #tpu.memory_space<vmem>> -> memref<128xi32, #tpu.memory_space<vmem>>
        %dma_wait3A_958 = arith.constant 0 : i32
        %dma_wait3A_959 = arith.constant 0 : i32
        %dma_wait3A_960 = tpu.memref_slice %arg9[%dma_wait3A_958, %dma_wait3A_959] : memref<10000x128xf32, #tpu.memory_space<vmem_shared>> -> memref<10000x128xf32, #tpu.memory_space<vmem_shared>>
        tpu.wait_indirect_dma semaphore(%run_scoped3A_948 : memref<!tpu.dma_semaphore, #tpu.memory_space<semaphore_mem>>) src(%arg7 : memref<128x128xf32, #tpu.memory_space<vmem>>) dst(%dma_wait3A_960 : memref<10000x128xf32, #tpu.memory_space<vmem_shared>>)
        tpu.yield
      }) : () -> ()
    }
    %scan3A_868 = arith.constant 39 : i32
    %gt3A = arith.constant 78 : i32
    %gt3A_869 = arith.cmpi sgt, %add3A_4, %gt3A : i32
    %convert_element_type3A = arith.extui %gt3A_869 : i1 to i32
    %cond3A = arith.constant 0 : i32
    %cond3A_870 = arith.cmpi ne, %convert_element_type3A, %cond3A : i32
    scf.if %cond3A_870 {
      %dma_wait3A_876 = arith.constant 0 : i32
      %dma_wait3A_877 = arith.constant 0 : i32
      %dma_wait3A_878 = arith.constant 0 : i32
      %dma_wait3A_879 = tpu.memref_slice %arg5[%dma_wait3A_876, %dma_wait3A_877, %dma_wait3A_878] : memref<4x2x128xi32, #tpu.memory_space<vmem>> -> memref<1x1x128xi32, #tpu.memory_space<vmem>>
      %dma_wait3A_880 = tpu.memref_squeeze %dma_wait3A_879 : memref<1x1x128xi32, #tpu.memory_space<vmem>> -> memref<128xi32, #tpu.memory_space<vmem>>
      %dma_wait3A_881 = arith.constant 0 : i32
      %dma_wait3A_882 = arith.constant 0 : i32
      %dma_wait3A_883 = tpu.memref_slice %arg2[%dma_wait3A_881, %dma_wait3A_882] : memref<10000x128xf32, #tpu.memory_space<hbm>> -> memref<10000x128xf32, #tpu.memory_space<hbm>>
      tpu.wait_indirect_dma semaphore(%arg10 : memref<!tpu.dma_semaphore, #tpu.memory_space<semaphore_mem>>) src(%dma_wait3A_883 : memref<10000x128xf32, #tpu.memory_space<hbm>>) dst(%arg6 : memref<128x128xf32, #tpu.memory_space<vmem>>)
      %rem3A = arith.constant 78 : i32
      %rem3A_884 = arith.constant 4 : i32
      %rem3A_885 = arith.remsi %rem3A, %rem3A_884 : i32
      %run_scoped3A = arith.constant 1 : i32
      "tpu.region"() ({
        %run_scoped3A_886 = tpu.sem_alloc : memref<!tpu.dma_semaphore, #tpu.memory_space<semaphore_mem>>
        %dma_start3A_887 = arith.constant 0 : i32
        %dma_start3A_888 = tpu.memref_slice %arg5[%rem3A_885, %run_scoped3A, %dma_start3A_887] : memref<4x2x128xi32, #tpu.memory_space<vmem>> -> memref<1x1x128xi32, #tpu.memory_space<vmem>>
        %dma_start3A_889 = tpu.memref_squeeze %dma_start3A_888 : memref<1x1x128xi32, #tpu.memory_space<vmem>> -> memref<128xi32, #tpu.memory_space<vmem>>
        %dma_start3A_890 = arith.constant 0 : i32
        %dma_start3A_891 = arith.constant 0 : i32
        %dma_start3A_892 = tpu.memref_slice %arg9[%dma_start3A_890, %dma_start3A_891] : memref<10000x128xf32, #tpu.memory_space<vmem_shared>> -> memref<10000x128xf32, #tpu.memory_space<vmem_shared>>
        tpu.enqueue_indirect_dma source(%arg6 : memref<128x128xf32, #tpu.memory_space<vmem>>) target(%dma_start3A_892 : memref<10000x128xf32, #tpu.memory_space<vmem_shared>>) offsets(%dma_start3A_889 : memref<128xi32, #tpu.memory_space<vmem>>) semaphore(%run_scoped3A_886 : memref<!tpu.dma_semaphore, #tpu.memory_space<semaphore_mem>>) {add = true}
        %dma_wait3A_893 = arith.constant 0 : i32
        %dma_wait3A_894 = tpu.memref_slice %arg5[%rem3A_885, %run_scoped3A, %dma_wait3A_893] : memref<4x2x128xi32, #tpu.memory_space<vmem>> -> memref<1x1x128xi32, #tpu.memory_space<vmem>>
        %dma_wait3A_895 = tpu.memref_squeeze %dma_wait3A_894 : memref<1x1x128xi32, #tpu.memory_space<vmem>> -> memref<128xi32, #tpu.memory_space<vmem>>
        %dma_wait3A_896 = arith.constant 0 : i32
        %dma_wait3A_897 = arith.constant 0 : i32
        %dma_wait3A_898 = tpu.memref_slice %arg9[%dma_wait3A_896, %dma_wait3A_897] : memref<10000x128xf32, #tpu.memory_space<vmem_shared>> -> memref<10000x128xf32, #tpu.memory_space<vmem_shared>>
        tpu.wait_indirect_dma semaphore(%run_scoped3A_886 : memref<!tpu.dma_semaphore, #tpu.memory_space<semaphore_mem>>) src(%arg6 : memref<128x128xf32, #tpu.memory_space<vmem>>) dst(%dma_wait3A_898 : memref<10000x128xf32, #tpu.memory_space<vmem_shared>>)
        tpu.yield
      }) : () -> ()
    } else {
    }
    %barrier3A_871 = arith.constant 0 : index
    tpu.barrier barrier_id(%barrier3A_871)
    %mul3A_872 = arith.constant 640 : i32
    %mul3A_873 = arith.muli %arg1, %mul3A_872 : i32
    %min3A = arith.constant 9360 : i32
    %min3A_874 = arith.minsi %mul3A_873, %min3A : i32
    %multiple_of3A_875 = tpu.assume_multiple %min3A_874, 16 : i32
    "tpu.region"() ({
      %run_scoped3A = tpu.sem_alloc : memref<!tpu.dma_semaphore, #tpu.memory_space<semaphore_mem>>
      %dma_start3A_876 = arith.constant 0 : i32
      %dma_start3A_877 = tpu.memref_slice %arg4[%arg0, %multiple_of3A_875, %dma_start3A_876] : memref<2x10000x128xf32, #tpu.memory_space<hbm>> -> memref<1x640x128xf32, #tpu.memory_space<hbm>>
      %dma_start3A_878 = tpu.memref_squeeze %dma_start3A_877 : memref<1x640x128xf32, #tpu.memory_space<hbm>> -> memref<640x128xf32, #tpu.memory_space<hbm>>
      %dma_start3A_879 = arith.constant 0 : i32
      %dma_start3A_880 = tpu.memref_slice %arg9[%multiple_of3A_875, %dma_start3A_879] : memref<10000x128xf32, #tpu.memory_space<vmem_shared>> -> memref<640x128xf32, #tpu.memory_space<vmem_shared>>
      tpu.enqueue_dma source(%dma_start3A_880 : memref<640x128xf32, #tpu.memory_space<vmem_shared>>) target(%dma_start3A_878 : memref<640x128xf32, #tpu.memory_space<hbm>>) target_semaphore(%run_scoped3A : memref<!tpu.dma_semaphore, #tpu.memory_space<semaphore_mem>>)
      %dma_wait3A_881 = arith.constant 0 : i32
      %dma_wait3A_882 = tpu.memref_slice %arg4[%arg0, %multiple_of3A_875, %dma_wait3A_881] : memref<2x10000x128xf32, #tpu.memory_space<hbm>> -> memref<1x640x128xf32, #tpu.memory_space<hbm>>
      %dma_wait3A_883 = tpu.memref_squeeze %dma_wait3A_882 : memref<1x640x128xf32, #tpu.memory_space<hbm>> -> memref<640x128xf32, #tpu.memory_space<hbm>>
      %dma_wait3A_884 = arith.constant 0 : i32
      %dma_wait3A_885 = tpu.memref_slice %arg9[%multiple_of3A_875, %dma_wait3A_884] : memref<10000x128xf32, #tpu.memory_space<vmem_shared>> -> memref<640x128xf32, #tpu.memory_space<vmem_shared>>
      tpu.wait_dma2 semaphore(%run_scoped3A : memref<!tpu.dma_semaphore, #tpu.memory_space<semaphore_mem>>) src(%dma_wait3A_885 : memref<640x128xf32, #tpu.memory_space<vmem_shared>>) dst(%dma_wait3A_883 : memref<640x128xf32, #tpu.memory_space<hbm>>)
      tpu.yield
    }) : () -> ()
    return
  }
}

#map = affine_map<(d0, d1) -> (0, 0)>
#map1 = affine_map<(d0, d1) -> (0, 0, 0)>
module attributes {stable_mosaic.version = 14 : i64} {
  func.func @sc_agg(%arg0: i32, %arg1: i32, %arg2: memref<10000x128xf32, #tpu.memory_space<hbm>>, %arg3: memref<2x320000xi32, #tpu.memory_space<hbm>>, %arg4: memref<2x10000x128xf32, #tpu.memory_space<hbm>>, %arg5: memref<4x2x128xi32, #tpu.memory_space<vmem>>, %arg6: memref<128x128xf32, #tpu.memory_space<vmem>>, %arg7: memref<128x128xf32, #tpu.memory_space<vmem>>, %arg8: memref<16x128xf32, #tpu.memory_space<vmem>>, %arg9: memref<10000x128xf32, #tpu.memory_space<vmem_shared>>, %arg10: memref<!tpu.dma_semaphore, #tpu.memory_space<semaphore_mem>>, %arg11: memref<!tpu.dma_semaphore, #tpu.memory_space<semaphore_mem>>, %arg12: memref<!tpu.dma_semaphore, #tpu.memory_space<semaphore_mem>>, %arg13: memref<!tpu.dma_semaphore, #tpu.memory_space<semaphore_mem>>, %arg14: memref<!tpu.dma_semaphore, #tpu.memory_space<semaphore_mem>>) attributes {dimension_semantics = [#tpu.dimension_semantics<core_parallel>, #tpu.dimension_semantics<subcore_parallel>], iteration_bounds = array<i64: 2, 16>, scalar_prefetch = 0 : i64, scratch_operands = 10 : i64, tpu.core_type = #tpu.core_type<sc_vector_subcore>, window_params = [{transform_indices = #map}, {transform_indices = #map}, {transform_indices = #map1}]} {
    %mul3A = arith.constant 16 : i32
    %mul3A_0 = arith.muli %arg0, %mul3A : i32
    %add3A = arith.addi %mul3A_0, %arg1 : i32
    %ge3A = arith.constant 28 : i32
    %ge3A_1 = arith.cmpi sge, %add3A, %ge3A : i32
    %jit3A = arith.constant 1 : i32
    %jit3A_2 = arith.constant 0 : i32
    %select_n3A = arith.select %ge3A_1, %jit3A, %jit3A_2 : i32
    %add3A_3 = arith.constant 78 : i32
    %add3A_4 = arith.addi %add3A_3, %select_n3A : i32
    %mul3A_5 = arith.constant 78 : i32
    %mul3A_6 = arith.muli %mul3A_5, %add3A : i32
    %sub3A = arith.constant 28 : i32
    %sub3A_7 = arith.subi %add3A, %sub3A : i32
    %max3A = arith.constant 0 : i32
    %max3A_8 = arith.maxsi %sub3A_7, %max3A : i32
    %add3A_9 = arith.addi %mul3A_6, %max3A_8 : i32
    %broadcast_in_dim3A = arith.constant 0.000000e+00 : f32
    %broadcast_in_dim3A_10 = vector.broadcast %broadcast_in_dim3A : f32 to vector<16xf32>
    %swap3A = arith.constant 0 : i32
    %swap3A_11 = arith.index_cast %swap3A : i32 to index
    %swap3A_12 = arith.constant 0 : index
    %swap3A_13 = tpu.vector_load %arg8[%swap3A_11, %swap3A_12] {strides = array<i32>} : memref<16x128xf32, #tpu.memory_space<vmem>>, vector<1x16xf32>,
    %swap3A_14 = vector.shape_cast %swap3A_13 : vector<1x16xf32> to vector<16xf32>
    %swap3A_15 = vector.shape_cast %broadcast_in_dim3A_10 : vector<16xf32> to vector<1x16xf32>
    tpu.vector_store %arg8[%swap3A_11, %swap3A_12], %swap3A_15 {strides = array<i32>} : memref<16x128xf32, #tpu.memory_space<vmem>>, vector<1x16xf32>,
    %swap3A_16 = arith.constant 0 : i32
    %swap3A_17 = arith.index_cast %swap3A_16 : i32 to index
    %swap3A_18 = arith.constant 16 : index
    %swap3A_19 = tpu.vector_load %arg8[%swap3A_17, %swap3A_18] {strides = array<i32>} : memref<16x128xf32, #tpu.memory_space<vmem>>, vector<1x16xf32>,
    %swap3A_20 = vector.shape_cast %swap3A_19 : vector<1x16xf32> to vector<16xf32>
    %swap3A_21 = vector.shape_cast %broadcast_in_dim3A_10 : vector<16xf32> to vector<1x16xf32>
    tpu.vector_store %arg8[%swap3A_17, %swap3A_18], %swap3A_21 {strides = array<i32>} : memref<16x128xf32, #tpu.memory_space<vmem>>, vector<1x16xf32>,
    %swap3A_22 = arith.constant 0 : i32
    %swap3A_23 = arith.index_cast %swap3A_22 : i32 to index
    %swap3A_24 = arith.constant 32 : index
    %swap3A_25 = tpu.vector_load %arg8[%swap3A_23, %swap3A_24] {strides = array<i32>} : memref<16x128xf32, #tpu.memory_space<vmem>>, vector<1x16xf32>,
    %swap3A_26 = vector.shape_cast %swap3A_25 : vector<1x16xf32> to vector<16xf32>
    %swap3A_27 = vector.shape_cast %broadcast_in_dim3A_10 : vector<16xf32> to vector<1x16xf32>
    tpu.vector_store %arg8[%swap3A_23, %swap3A_24], %swap3A_27 {strides = array<i32>} : memref<16x128xf32, #tpu.memory_space<vmem>>, vector<1x16xf32>,
    %swap3A_28 = arith.constant 0 : i32
    %swap3A_29 = arith.index_cast %swap3A_28 : i32 to index
    %swap3A_30 = arith.constant 48 : index
    %swap3A_31 = tpu.vector_load %arg8[%swap3A_29, %swap3A_30] {strides = array<i32>} : memref<16x128xf32, #tpu.memory_space<vmem>>, vector<1x16xf32>,
    %swap3A_32 = vector.shape_cast %swap3A_31 : vector<1x16xf32> to vector<16xf32>
    %swap3A_33 = vector.shape_cast %broadcast_in_dim3A_10 : vector<16xf32> to vector<1x16xf32>
    tpu.vector_store %arg8[%swap3A_29, %swap3A_30], %swap3A_33 {strides = array<i32>} : memref<16x128xf32, #tpu.memory_space<vmem>>, vector<1x16xf32>,
    %swap3A_34 = arith.constant 0 : i32
    %swap3A_35 = arith.index_cast %swap3A_34 : i32 to index
    %swap3A_36 = arith.constant 64 : index
    %swap3A_37 = tpu.vector_load %arg8[%swap3A_35, %swap3A_36] {strides = array<i32>} : memref<16x128xf32, #tpu.memory_space<vmem>>, vector<1x16xf32>,
    %swap3A_38 = vector.shape_cast %swap3A_37 : vector<1x16xf32> to vector<16xf32>
    %swap3A_39 = vector.shape_cast %broadcast_in_dim3A_10 : vector<16xf32> to vector<1x16xf32>
    tpu.vector_store %arg8[%swap3A_35, %swap3A_36], %swap3A_39 {strides = array<i32>} : memref<16x128xf32, #tpu.memory_space<vmem>>, vector<1x16xf32>,
    %swap3A_40 = arith.constant 0 : i32
    %swap3A_41 = arith.index_cast %swap3A_40 : i32 to index
    %swap3A_42 = arith.constant 80 : index
    %swap3A_43 = tpu.vector_load %arg8[%swap3A_41, %swap3A_42] {strides = array<i32>} : memref<16x128xf32, #tpu.memory_space<vmem>>, vector<1x16xf32>,
    %swap3A_44 = vector.shape_cast %swap3A_43 : vector<1x16xf32> to vector<16xf32>
    %swap3A_45 = vector.shape_cast %broadcast_in_dim3A_10 : vector<16xf32> to vector<1x16xf32>
    tpu.vector_store %arg8[%swap3A_41, %swap3A_42], %swap3A_45 {strides = array<i32>} : memref<16x128xf32, #tpu.memory_space<vmem>>, vector<1x16xf32>,
    %swap3A_46 = arith.constant 0 : i32
    %swap3A_47 = arith.index_cast %swap3A_46 : i32 to index
    %swap3A_48 = arith.constant 96 : index
    %swap3A_49 = tpu.vector_load %arg8[%swap3A_47, %swap3A_48] {strides = array<i32>} : memref<16x128xf32, #tpu.memory_space<vmem>>, vector<1x16xf32>,
    %swap3A_50 = vector.shape_cast %swap3A_49 : vector<1x16xf32> to vector<16xf32>
    %swap3A_51 = vector.shape_cast %broadcast_in_dim3A_10 : vector<16xf32> to vector<1x16xf32>
    tpu.vector_store %arg8[%swap3A_47, %swap3A_48], %swap3A_51 {strides = array<i32>} : memref<16x128xf32, #tpu.memory_space<vmem>>, vector<1x16xf32>,
    %swap3A_52 = arith.constant 0 : i32
    %swap3A_53 = arith.index_cast %swap3A_52 : i32 to index
    %swap3A_54 = arith.constant 112 : index
    %swap3A_55 = tpu.vector_load %arg8[%swap3A_53, %swap3A_54] {strides = array<i32>} : memref<16x128xf32, #tpu.memory_space<vmem>>, vector<1x16xf32>,
    %swap3A_56 = vector.shape_cast %swap3A_55 : vector<1x16xf32> to vector<16xf32>
    %swap3A_57 = vector.shape_cast %broadcast_in_dim3A_10 : vector<16xf32> to vector<1x16xf32>
    tpu.vector_store %arg8[%swap3A_53, %swap3A_54], %swap3A_57 {strides = array<i32>} : memref<16x128xf32, #tpu.memory_space<vmem>>, vector<1x16xf32>,
    %swap3A_58 = arith.constant 1 : i32
    %swap3A_59 = arith.index_cast %swap3A_58 : i32 to index
    %swap3A_60 = arith.constant 0 : index
    %swap3A_61 = tpu.vector_load %arg8[%swap3A_59, %swap3A_60] {strides = array<i32>} : memref<16x128xf32, #tpu.memory_space<vmem>>, vector<1x16xf32>,
    %swap3A_62 = vector.shape_cast %swap3A_61 : vector<1x16xf32> to vector<16xf32>
    %swap3A_63 = vector.shape_cast %broadcast_in_dim3A_10 : vector<16xf32> to vector<1x16xf32>
    tpu.vector_store %arg8[%swap3A_59, %swap3A_60], %swap3A_63 {strides = array<i32>} : memref<16x128xf32, #tpu.memory_space<vmem>>, vector<1x16xf32>,
    %swap3A_64 = arith.constant 1 : i32
    %swap3A_65 = arith.index_cast %swap3A_64 : i32 to index
    %swap3A_66 = arith.constant 16 : index
    %swap3A_67 = tpu.vector_load %arg8[%swap3A_65, %swap3A_66] {strides = array<i32>} : memref<16x128xf32, #tpu.memory_space<vmem>>, vector<1x16xf32>,
    %swap3A_68 = vector.shape_cast %swap3A_67 : vector<1x16xf32> to vector<16xf32>
    %swap3A_69 = vector.shape_cast %broadcast_in_dim3A_10 : vector<16xf32> to vector<1x16xf32>
    tpu.vector_store %arg8[%swap3A_65, %swap3A_66], %swap3A_69 {strides = array<i32>} : memref<16x128xf32, #tpu.memory_space<vmem>>, vector<1x16xf32>,
    %swap3A_70 = arith.constant 1 : i32
    %swap3A_71 = arith.index_cast %swap3A_70 : i32 to index
    %swap3A_72 = arith.constant 32 : index
    %swap3A_73 = tpu.vector_load %arg8[%swap3A_71, %swap3A_72] {strides = array<i32>} : memref<16x128xf32, #tpu.memory_space<vmem>>, vector<1x16xf32>,
    %swap3A_74 = vector.shape_cast %swap3A_73 : vector<1x16xf32> to vector<16xf32>
    %swap3A_75 = vector.shape_cast %broadcast_in_dim3A_10 : vector<16xf32> to vector<1x16xf32>
    tpu.vector_store %arg8[%swap3A_71, %swap3A_72], %swap3A_75 {strides = array<i32>} : memref<16x128xf32, #tpu.memory_space<vmem>>, vector<1x16xf32>,
    %swap3A_76 = arith.constant 1 : i32
    %swap3A_77 = arith.index_cast %swap3A_76 : i32 to index
    %swap3A_78 = arith.constant 48 : index
    %swap3A_79 = tpu.vector_load %arg8[%swap3A_77, %swap3A_78] {strides = array<i32>} : memref<16x128xf32, #tpu.memory_space<vmem>>, vector<1x16xf32>,
    %swap3A_80 = vector.shape_cast %swap3A_79 : vector<1x16xf32> to vector<16xf32>
    %swap3A_81 = vector.shape_cast %broadcast_in_dim3A_10 : vector<16xf32> to vector<1x16xf32>
    tpu.vector_store %arg8[%swap3A_77, %swap3A_78], %swap3A_81 {strides = array<i32>} : memref<16x128xf32, #tpu.memory_space<vmem>>, vector<1x16xf32>,
    %swap3A_82 = arith.constant 1 : i32
    %swap3A_83 = arith.index_cast %swap3A_82 : i32 to index
    %swap3A_84 = arith.constant 64 : index
    %swap3A_85 = tpu.vector_load %arg8[%swap3A_83, %swap3A_84] {strides = array<i32>} : memref<16x128xf32, #tpu.memory_space<vmem>>, vector<1x16xf32>,
    %swap3A_86 = vector.shape_cast %swap3A_85 : vector<1x16xf32> to vector<16xf32>
    %swap3A_87 = vector.shape_cast %broadcast_in_dim3A_10 : vector<16xf32> to vector<1x16xf32>
    tpu.vector_store %arg8[%swap3A_83, %swap3A_84], %swap3A_87 {strides = array<i32>} : memref<16x128xf32, #tpu.memory_space<vmem>>, vector<1x16xf32>,
    %swap3A_88 = arith.constant 1 : i32
    %swap3A_89 = arith.index_cast %swap3A_88 : i32 to index
    %swap3A_90 = arith.constant 80 : index
    %swap3A_91 = tpu.vector_load %arg8[%swap3A_89, %swap3A_90] {strides = array<i32>} : memref<16x128xf32, #tpu.memory_space<vmem>>, vector<1x16xf32>,
    %swap3A_92 = vector.shape_cast %swap3A_91 : vector<1x16xf32> to vector<16xf32>
    %swap3A_93 = vector.shape_cast %broadcast_in_dim3A_10 : vector<16xf32> to vector<1x16xf32>
    tpu.vector_store %arg8[%swap3A_89, %swap3A_90], %swap3A_93 {strides = array<i32>} : memref<16x128xf32, #tpu.memory_space<vmem>>, vector<1x16xf32>,
    %swap3A_94 = arith.constant 1 : i32
    %swap3A_95 = arith.index_cast %swap3A_94 : i32 to index
    %swap3A_96 = arith.constant 96 : index
    %swap3A_97 = tpu.vector_load %arg8[%swap3A_95, %swap3A_96] {strides = array<i32>} : memref<16x128xf32, #tpu.memory_space<vmem>>, vector<1x16xf32>,
    %swap3A_98 = vector.shape_cast %swap3A_97 : vector<1x16xf32> to vector<16xf32>
    %swap3A_99 = vector.shape_cast %broadcast_in_dim3A_10 : vector<16xf32> to vector<1x16xf32>
    tpu.vector_store %arg8[%swap3A_95, %swap3A_96], %swap3A_99 {strides = array<i32>} : memref<16x128xf32, #tpu.memory_space<vmem>>, vector<1x16xf32>,
    %swap3A_100 = arith.constant 1 : i32
    %swap3A_101 = arith.index_cast %swap3A_100 : i32 to index
    %swap3A_102 = arith.constant 112 : index
    %swap3A_103 = tpu.vector_load %arg8[%swap3A_101, %swap3A_102] {strides = array<i32>} : memref<16x128xf32, #tpu.memory_space<vmem>>, vector<1x16xf32>,
    %swap3A_104 = vector.shape_cast %swap3A_103 : vector<1x16xf32> to vector<16xf32>
    %swap3A_105 = vector.shape_cast %broadcast_in_dim3A_10 : vector<16xf32> to vector<1x16xf32>
    tpu.vector_store %arg8[%swap3A_101, %swap3A_102], %swap3A_105 {strides = array<i32>} : memref<16x128xf32, #tpu.memory_space<vmem>>, vector<1x16xf32>,
    %swap3A_106 = arith.constant 2 : i32
    %swap3A_107 = arith.index_cast %swap3A_106 : i32 to index
    %swap3A_108 = arith.constant 0 : index
    %swap3A_109 = tpu.vector_load %arg8[%swap3A_107, %swap3A_108] {strides = array<i32>} : memref<16x128xf32, #tpu.memory_space<vmem>>, vector<1x16xf32>,
    %swap3A_110 = vector.shape_cast %swap3A_109 : vector<1x16xf32> to vector<16xf32>
    %swap3A_111 = vector.shape_cast %broadcast_in_dim3A_10 : vector<16xf32> to vector<1x16xf32>
    tpu.vector_store %arg8[%swap3A_107, %swap3A_108], %swap3A_111 {strides = array<i32>} : memref<16x128xf32, #tpu.memory_space<vmem>>, vector<1x16xf32>,
    %swap3A_112 = arith.constant 2 : i32
    %swap3A_113 = arith.index_cast %swap3A_112 : i32 to index
    %swap3A_114 = arith.constant 16 : index
    %swap3A_115 = tpu.vector_load %arg8[%swap3A_113, %swap3A_114] {strides = array<i32>} : memref<16x128xf32, #tpu.memory_space<vmem>>, vector<1x16xf32>,
    %swap3A_116 = vector.shape_cast %swap3A_115 : vector<1x16xf32> to vector<16xf32>
    %swap3A_117 = vector.shape_cast %broadcast_in_dim3A_10 : vector<16xf32> to vector<1x16xf32>
    tpu.vector_store %arg8[%swap3A_113, %swap3A_114], %swap3A_117 {strides = array<i32>} : memref<16x128xf32, #tpu.memory_space<vmem>>, vector<1x16xf32>,
    %swap3A_118 = arith.constant 2 : i32
    %swap3A_119 = arith.index_cast %swap3A_118 : i32 to index
    %swap3A_120 = arith.constant 32 : index
    %swap3A_121 = tpu.vector_load %arg8[%swap3A_119, %swap3A_120] {strides = array<i32>} : memref<16x128xf32, #tpu.memory_space<vmem>>, vector<1x16xf32>,
    %swap3A_122 = vector.shape_cast %swap3A_121 : vector<1x16xf32> to vector<16xf32>
    %swap3A_123 = vector.shape_cast %broadcast_in_dim3A_10 : vector<16xf32> to vector<1x16xf32>
    tpu.vector_store %arg8[%swap3A_119, %swap3A_120], %swap3A_123 {strides = array<i32>} : memref<16x128xf32, #tpu.memory_space<vmem>>, vector<1x16xf32>,
    %swap3A_124 = arith.constant 2 : i32
    %swap3A_125 = arith.index_cast %swap3A_124 : i32 to index
    %swap3A_126 = arith.constant 48 : index
    %swap3A_127 = tpu.vector_load %arg8[%swap3A_125, %swap3A_126] {strides = array<i32>} : memref<16x128xf32, #tpu.memory_space<vmem>>, vector<1x16xf32>,
    %swap3A_128 = vector.shape_cast %swap3A_127 : vector<1x16xf32> to vector<16xf32>
    %swap3A_129 = vector.shape_cast %broadcast_in_dim3A_10 : vector<16xf32> to vector<1x16xf32>
    tpu.vector_store %arg8[%swap3A_125, %swap3A_126], %swap3A_129 {strides = array<i32>} : memref<16x128xf32, #tpu.memory_space<vmem>>, vector<1x16xf32>,
    %swap3A_130 = arith.constant 2 : i32
    %swap3A_131 = arith.index_cast %swap3A_130 : i32 to index
    %swap3A_132 = arith.constant 64 : index
    %swap3A_133 = tpu.vector_load %arg8[%swap3A_131, %swap3A_132] {strides = array<i32>} : memref<16x128xf32, #tpu.memory_space<vmem>>, vector<1x16xf32>,
    %swap3A_134 = vector.shape_cast %swap3A_133 : vector<1x16xf32> to vector<16xf32>
    %swap3A_135 = vector.shape_cast %broadcast_in_dim3A_10 : vector<16xf32> to vector<1x16xf32>
    tpu.vector_store %arg8[%swap3A_131, %swap3A_132], %swap3A_135 {strides = array<i32>} : memref<16x128xf32, #tpu.memory_space<vmem>>, vector<1x16xf32>,
    %swap3A_136 = arith.constant 2 : i32
    %swap3A_137 = arith.index_cast %swap3A_136 : i32 to index
    %swap3A_138 = arith.constant 80 : index
    %swap3A_139 = tpu.vector_load %arg8[%swap3A_137, %swap3A_138] {strides = array<i32>} : memref<16x128xf32, #tpu.memory_space<vmem>>, vector<1x16xf32>,
    %swap3A_140 = vector.shape_cast %swap3A_139 : vector<1x16xf32> to vector<16xf32>
    %swap3A_141 = vector.shape_cast %broadcast_in_dim3A_10 : vector<16xf32> to vector<1x16xf32>
    tpu.vector_store %arg8[%swap3A_137, %swap3A_138], %swap3A_141 {strides = array<i32>} : memref<16x128xf32, #tpu.memory_space<vmem>>, vector<1x16xf32>,
    %swap3A_142 = arith.constant 2 : i32
    %swap3A_143 = arith.index_cast %swap3A_142 : i32 to index
    %swap3A_144 = arith.constant 96 : index
    %swap3A_145 = tpu.vector_load %arg8[%swap3A_143, %swap3A_144] {strides = array<i32>} : memref<16x128xf32, #tpu.memory_space<vmem>>, vector<1x16xf32>,
    %swap3A_146 = vector.shape_cast %swap3A_145 : vector<1x16xf32> to vector<16xf32>
    %swap3A_147 = vector.shape_cast %broadcast_in_dim3A_10 : vector<16xf32> to vector<1x16xf32>
    tpu.vector_store %arg8[%swap3A_143, %swap3A_144], %swap3A_147 {strides = array<i32>} : memref<16x128xf32, #tpu.memory_space<vmem>>, vector<1x16xf32>,
    %swap3A_148 = arith.constant 2 : i32
    %swap3A_149 = arith.index_cast %swap3A_148 : i32 to index
    %swap3A_150 = arith.constant 112 : index
    %swap3A_151 = tpu.vector_load %arg8[%swap3A_149, %swap3A_150] {strides = array<i32>} : memref<16x128xf32, #tpu.memory_space<vmem>>, vector<1x16xf32>,
    %swap3A_152 = vector.shape_cast %swap3A_151 : vector<1x16xf32> to vector<16xf32>
    %swap3A_153 = vector.shape_cast %broadcast_in_dim3A_10 : vector<16xf32> to vector<1x16xf32>
    tpu.vector_store %arg8[%swap3A_149, %swap3A_150], %swap3A_153 {strides = array<i32>} : memref<16x128xf32, #tpu.memory_space<vmem>>, vector<1x16xf32>,
    %swap3A_154 = arith.constant 3 : i32
    %swap3A_155 = arith.index_cast %swap3A_154 : i32 to index
    %swap3A_156 = arith.constant 0 : index
    %swap3A_157 = tpu.vector_load %arg8[%swap3A_155, %swap3A_156] {strides = array<i32>} : memref<16x128xf32, #tpu.memory_space<vmem>>, vector<1x16xf32>,
    %swap3A_158 = vector.shape_cast %swap3A_157 : vector<1x16xf32> to vector<16xf32>
    %swap3A_159 = vector.shape_cast %broadcast_in_dim3A_10 : vector<16xf32> to vector<1x16xf32>
    tpu.vector_store %arg8[%swap3A_155, %swap3A_156], %swap3A_159 {strides = array<i32>} : memref<16x128xf32, #tpu.memory_space<vmem>>, vector<1x16xf32>,
    %swap3A_160 = arith.constant 3 : i32
    %swap3A_161 = arith.index_cast %swap3A_160 : i32 to index
    %swap3A_162 = arith.constant 16 : index
    %swap3A_163 = tpu.vector_load %arg8[%swap3A_161, %swap3A_162] {strides = array<i32>} : memref<16x128xf32, #tpu.memory_space<vmem>>, vector<1x16xf32>,
    %swap3A_164 = vector.shape_cast %swap3A_163 : vector<1x16xf32> to vector<16xf32>
    %swap3A_165 = vector.shape_cast %broadcast_in_dim3A_10 : vector<16xf32> to vector<1x16xf32>
    tpu.vector_store %arg8[%swap3A_161, %swap3A_162], %swap3A_165 {strides = array<i32>} : memref<16x128xf32, #tpu.memory_space<vmem>>, vector<1x16xf32>,
    %swap3A_166 = arith.constant 3 : i32
    %swap3A_167 = arith.index_cast %swap3A_166 : i32 to index
    %swap3A_168 = arith.constant 32 : index
    %swap3A_169 = tpu.vector_load %arg8[%swap3A_167, %swap3A_168] {strides = array<i32>} : memref<16x128xf32, #tpu.memory_space<vmem>>, vector<1x16xf32>,
    %swap3A_170 = vector.shape_cast %swap3A_169 : vector<1x16xf32> to vector<16xf32>
    %swap3A_171 = vector.shape_cast %broadcast_in_dim3A_10 : vector<16xf32> to vector<1x16xf32>
    tpu.vector_store %arg8[%swap3A_167, %swap3A_168], %swap3A_171 {strides = array<i32>} : memref<16x128xf32, #tpu.memory_space<vmem>>, vector<1x16xf32>,
    %swap3A_172 = arith.constant 3 : i32
    %swap3A_173 = arith.index_cast %swap3A_172 : i32 to index
    %swap3A_174 = arith.constant 48 : index
    %swap3A_175 = tpu.vector_load %arg8[%swap3A_173, %swap3A_174] {strides = array<i32>} : memref<16x128xf32, #tpu.memory_space<vmem>>, vector<1x16xf32>,
    %swap3A_176 = vector.shape_cast %swap3A_175 : vector<1x16xf32> to vector<16xf32>
    %swap3A_177 = vector.shape_cast %broadcast_in_dim3A_10 : vector<16xf32> to vector<1x16xf32>
    tpu.vector_store %arg8[%swap3A_173, %swap3A_174], %swap3A_177 {strides = array<i32>} : memref<16x128xf32, #tpu.memory_space<vmem>>, vector<1x16xf32>,
    %swap3A_178 = arith.constant 3 : i32
    %swap3A_179 = arith.index_cast %swap3A_178 : i32 to index
    %swap3A_180 = arith.constant 64 : index
    %swap3A_181 = tpu.vector_load %arg8[%swap3A_179, %swap3A_180] {strides = array<i32>} : memref<16x128xf32, #tpu.memory_space<vmem>>, vector<1x16xf32>,
    %swap3A_182 = vector.shape_cast %swap3A_181 : vector<1x16xf32> to vector<16xf32>
    %swap3A_183 = vector.shape_cast %broadcast_in_dim3A_10 : vector<16xf32> to vector<1x16xf32>
    tpu.vector_store %arg8[%swap3A_179, %swap3A_180], %swap3A_183 {strides = array<i32>} : memref<16x128xf32, #tpu.memory_space<vmem>>, vector<1x16xf32>,
    %swap3A_184 = arith.constant 3 : i32
    %swap3A_185 = arith.index_cast %swap3A_184 : i32 to index
    %swap3A_186 = arith.constant 80 : index
    %swap3A_187 = tpu.vector_load %arg8[%swap3A_185, %swap3A_186] {strides = array<i32>} : memref<16x128xf32, #tpu.memory_space<vmem>>, vector<1x16xf32>,
    %swap3A_188 = vector.shape_cast %swap3A_187 : vector<1x16xf32> to vector<16xf32>
    %swap3A_189 = vector.shape_cast %broadcast_in_dim3A_10 : vector<16xf32> to vector<1x16xf32>
    tpu.vector_store %arg8[%swap3A_185, %swap3A_186], %swap3A_189 {strides = array<i32>} : memref<16x128xf32, #tpu.memory_space<vmem>>, vector<1x16xf32>,
    %swap3A_190 = arith.constant 3 : i32
    %swap3A_191 = arith.index_cast %swap3A_190 : i32 to index
    %swap3A_192 = arith.constant 96 : index
    %swap3A_193 = tpu.vector_load %arg8[%swap3A_191, %swap3A_192] {strides = array<i32>} : memref<16x128xf32, #tpu.memory_space<vmem>>, vector<1x16xf32>,
    %swap3A_194 = vector.shape_cast %swap3A_193 : vector<1x16xf32> to vector<16xf32>
    %swap3A_195 = vector.shape_cast %broadcast_in_dim3A_10 : vector<16xf32> to vector<1x16xf32>
    tpu.vector_store %arg8[%swap3A_191, %swap3A_192], %swap3A_195 {strides = array<i32>} : memref<16x128xf32, #tpu.memory_space<vmem>>, vector<1x16xf32>,
    %swap3A_196 = arith.constant 3 : i32
    %swap3A_197 = arith.index_cast %swap3A_196 : i32 to index
    %swap3A_198 = arith.constant 112 : index
    %swap3A_199 = tpu.vector_load %arg8[%swap3A_197, %swap3A_198] {strides = array<i32>} : memref<16x128xf32, #tpu.memory_space<vmem>>, vector<1x16xf32>,
    %swap3A_200 = vector.shape_cast %swap3A_199 : vector<1x16xf32> to vector<16xf32>
    %swap3A_201 = vector.shape_cast %broadcast_in_dim3A_10 : vector<16xf32> to vector<1x16xf32>
    tpu.vector_store %arg8[%swap3A_197, %swap3A_198], %swap3A_201 {strides = array<i32>} : memref<16x128xf32, #tpu.memory_space<vmem>>, vector<1x16xf32>,
    %swap3A_202 = arith.constant 4 : i32
    %swap3A_203 = arith.index_cast %swap3A_202 : i32 to index
    %swap3A_204 = arith.constant 0 : index
    %swap3A_205 = tpu.vector_load %arg8[%swap3A_203, %swap3A_204] {strides = array<i32>} : memref<16x128xf32, #tpu.memory_space<vmem>>, vector<1x16xf32>,
    %swap3A_206 = vector.shape_cast %swap3A_205 : vector<1x16xf32> to vector<16xf32>
    %swap3A_207 = vector.shape_cast %broadcast_in_dim3A_10 : vector<16xf32> to vector<1x16xf32>
    tpu.vector_store %arg8[%swap3A_203, %swap3A_204], %swap3A_207 {strides = array<i32>} : memref<16x128xf32, #tpu.memory_space<vmem>>, vector<1x16xf32>,
    %swap3A_208 = arith.constant 4 : i32
    %swap3A_209 = arith.index_cast %swap3A_208 : i32 to index
    %swap3A_210 = arith.constant 16 : index
    %swap3A_211 = tpu.vector_load %arg8[%swap3A_209, %swap3A_210] {strides = array<i32>} : memref<16x128xf32, #tpu.memory_space<vmem>>, vector<1x16xf32>,
    %swap3A_212 = vector.shape_cast %swap3A_211 : vector<1x16xf32> to vector<16xf32>
    %swap3A_213 = vector.shape_cast %broadcast_in_dim3A_10 : vector<16xf32> to vector<1x16xf32>
    tpu.vector_store %arg8[%swap3A_209, %swap3A_210], %swap3A_213 {strides = array<i32>} : memref<16x128xf32, #tpu.memory_space<vmem>>, vector<1x16xf32>,
    %swap3A_214 = arith.constant 4 : i32
    %swap3A_215 = arith.index_cast %swap3A_214 : i32 to index
    %swap3A_216 = arith.constant 32 : index
    %swap3A_217 = tpu.vector_load %arg8[%swap3A_215, %swap3A_216] {strides = array<i32>} : memref<16x128xf32, #tpu.memory_space<vmem>>, vector<1x16xf32>,
    %swap3A_218 = vector.shape_cast %swap3A_217 : vector<1x16xf32> to vector<16xf32>
    %swap3A_219 = vector.shape_cast %broadcast_in_dim3A_10 : vector<16xf32> to vector<1x16xf32>
    tpu.vector_store %arg8[%swap3A_215, %swap3A_216], %swap3A_219 {strides = array<i32>} : memref<16x128xf32, #tpu.memory_space<vmem>>, vector<1x16xf32>,
    %swap3A_220 = arith.constant 4 : i32
    %swap3A_221 = arith.index_cast %swap3A_220 : i32 to index
    %swap3A_222 = arith.constant 48 : index
    %swap3A_223 = tpu.vector_load %arg8[%swap3A_221, %swap3A_222] {strides = array<i32>} : memref<16x128xf32, #tpu.memory_space<vmem>>, vector<1x16xf32>,
    %swap3A_224 = vector.shape_cast %swap3A_223 : vector<1x16xf32> to vector<16xf32>
    %swap3A_225 = vector.shape_cast %broadcast_in_dim3A_10 : vector<16xf32> to vector<1x16xf32>
    tpu.vector_store %arg8[%swap3A_221, %swap3A_222], %swap3A_225 {strides = array<i32>} : memref<16x128xf32, #tpu.memory_space<vmem>>, vector<1x16xf32>,
    %swap3A_226 = arith.constant 4 : i32
    %swap3A_227 = arith.index_cast %swap3A_226 : i32 to index
    %swap3A_228 = arith.constant 64 : index
    %swap3A_229 = tpu.vector_load %arg8[%swap3A_227, %swap3A_228] {strides = array<i32>} : memref<16x128xf32, #tpu.memory_space<vmem>>, vector<1x16xf32>,
    %swap3A_230 = vector.shape_cast %swap3A_229 : vector<1x16xf32> to vector<16xf32>
    %swap3A_231 = vector.shape_cast %broadcast_in_dim3A_10 : vector<16xf32> to vector<1x16xf32>
    tpu.vector_store %arg8[%swap3A_227, %swap3A_228], %swap3A_231 {strides = array<i32>} : memref<16x128xf32, #tpu.memory_space<vmem>>, vector<1x16xf32>,
    %swap3A_232 = arith.constant 4 : i32
    %swap3A_233 = arith.index_cast %swap3A_232 : i32 to index
    %swap3A_234 = arith.constant 80 : index
    %swap3A_235 = tpu.vector_load %arg8[%swap3A_233, %swap3A_234] {strides = array<i32>} : memref<16x128xf32, #tpu.memory_space<vmem>>, vector<1x16xf32>,
    %swap3A_236 = vector.shape_cast %swap3A_235 : vector<1x16xf32> to vector<16xf32>
    %swap3A_237 = vector.shape_cast %broadcast_in_dim3A_10 : vector<16xf32> to vector<1x16xf32>
    tpu.vector_store %arg8[%swap3A_233, %swap3A_234], %swap3A_237 {strides = array<i32>} : memref<16x128xf32, #tpu.memory_space<vmem>>, vector<1x16xf32>,
    %swap3A_238 = arith.constant 4 : i32
    %swap3A_239 = arith.index_cast %swap3A_238 : i32 to index
    %swap3A_240 = arith.constant 96 : index
    %swap3A_241 = tpu.vector_load %arg8[%swap3A_239, %swap3A_240] {strides = array<i32>} : memref<16x128xf32, #tpu.memory_space<vmem>>, vector<1x16xf32>,
    %swap3A_242 = vector.shape_cast %swap3A_241 : vector<1x16xf32> to vector<16xf32>
    %swap3A_243 = vector.shape_cast %broadcast_in_dim3A_10 : vector<16xf32> to vector<1x16xf32>
    tpu.vector_store %arg8[%swap3A_239, %swap3A_240], %swap3A_243 {strides = array<i32>} : memref<16x128xf32, #tpu.memory_space<vmem>>, vector<1x16xf32>,
    %swap3A_244 = arith.constant 4 : i32
    %swap3A_245 = arith.index_cast %swap3A_244 : i32 to index
    %swap3A_246 = arith.constant 112 : index
    %swap3A_247 = tpu.vector_load %arg8[%swap3A_245, %swap3A_246] {strides = array<i32>} : memref<16x128xf32, #tpu.memory_space<vmem>>, vector<1x16xf32>,
    %swap3A_248 = vector.shape_cast %swap3A_247 : vector<1x16xf32> to vector<16xf32>
    %swap3A_249 = vector.shape_cast %broadcast_in_dim3A_10 : vector<16xf32> to vector<1x16xf32>
    tpu.vector_store %arg8[%swap3A_245, %swap3A_246], %swap3A_249 {strides = array<i32>} : memref<16x128xf32, #tpu.memory_space<vmem>>, vector<1x16xf32>,
    %swap3A_250 = arith.constant 5 : i32
    %swap3A_251 = arith.index_cast %swap3A_250 : i32 to index
    %swap3A_252 = arith.constant 0 : index
    %swap3A_253 = tpu.vector_load %arg8[%swap3A_251, %swap3A_252] {strides = array<i32>} : memref<16x128xf32, #tpu.memory_space<vmem>>, vector<1x16xf32>,
    %swap3A_254 = vector.shape_cast %swap3A_253 : vector<1x16xf32> to vector<16xf32>
    %swap3A_255 = vector.shape_cast %broadcast_in_dim3A_10 : vector<16xf32> to vector<1x16xf32>
    tpu.vector_store %arg8[%swap3A_251, %swap3A_252], %swap3A_255 {strides = array<i32>} : memref<16x128xf32, #tpu.memory_space<vmem>>, vector<1x16xf32>,
    %swap3A_256 = arith.constant 5 : i32
    %swap3A_257 = arith.index_cast %swap3A_256 : i32 to index
    %swap3A_258 = arith.constant 16 : index
    %swap3A_259 = tpu.vector_load %arg8[%swap3A_257, %swap3A_258] {strides = array<i32>} : memref<16x128xf32, #tpu.memory_space<vmem>>, vector<1x16xf32>,
    %swap3A_260 = vector.shape_cast %swap3A_259 : vector<1x16xf32> to vector<16xf32>
    %swap3A_261 = vector.shape_cast %broadcast_in_dim3A_10 : vector<16xf32> to vector<1x16xf32>
    tpu.vector_store %arg8[%swap3A_257, %swap3A_258], %swap3A_261 {strides = array<i32>} : memref<16x128xf32, #tpu.memory_space<vmem>>, vector<1x16xf32>,
    %swap3A_262 = arith.constant 5 : i32
    %swap3A_263 = arith.index_cast %swap3A_262 : i32 to index
    %swap3A_264 = arith.constant 32 : index
    %swap3A_265 = tpu.vector_load %arg8[%swap3A_263, %swap3A_264] {strides = array<i32>} : memref<16x128xf32, #tpu.memory_space<vmem>>, vector<1x16xf32>,
    %swap3A_266 = vector.shape_cast %swap3A_265 : vector<1x16xf32> to vector<16xf32>
    %swap3A_267 = vector.shape_cast %broadcast_in_dim3A_10 : vector<16xf32> to vector<1x16xf32>
    tpu.vector_store %arg8[%swap3A_263, %swap3A_264], %swap3A_267 {strides = array<i32>} : memref<16x128xf32, #tpu.memory_space<vmem>>, vector<1x16xf32>,
    %swap3A_268 = arith.constant 5 : i32
    %swap3A_269 = arith.index_cast %swap3A_268 : i32 to index
    %swap3A_270 = arith.constant 48 : index
    %swap3A_271 = tpu.vector_load %arg8[%swap3A_269, %swap3A_270] {strides = array<i32>} : memref<16x128xf32, #tpu.memory_space<vmem>>, vector<1x16xf32>,
    %swap3A_272 = vector.shape_cast %swap3A_271 : vector<1x16xf32> to vector<16xf32>
    %swap3A_273 = vector.shape_cast %broadcast_in_dim3A_10 : vector<16xf32> to vector<1x16xf32>
    tpu.vector_store %arg8[%swap3A_269, %swap3A_270], %swap3A_273 {strides = array<i32>} : memref<16x128xf32, #tpu.memory_space<vmem>>, vector<1x16xf32>,
    %swap3A_274 = arith.constant 5 : i32
    %swap3A_275 = arith.index_cast %swap3A_274 : i32 to index
    %swap3A_276 = arith.constant 64 : index
    %swap3A_277 = tpu.vector_load %arg8[%swap3A_275, %swap3A_276] {strides = array<i32>} : memref<16x128xf32, #tpu.memory_space<vmem>>, vector<1x16xf32>,
    %swap3A_278 = vector.shape_cast %swap3A_277 : vector<1x16xf32> to vector<16xf32>
    %swap3A_279 = vector.shape_cast %broadcast_in_dim3A_10 : vector<16xf32> to vector<1x16xf32>
    tpu.vector_store %arg8[%swap3A_275, %swap3A_276], %swap3A_279 {strides = array<i32>} : memref<16x128xf32, #tpu.memory_space<vmem>>, vector<1x16xf32>,
    %swap3A_280 = arith.constant 5 : i32
    %swap3A_281 = arith.index_cast %swap3A_280 : i32 to index
    %swap3A_282 = arith.constant 80 : index
    %swap3A_283 = tpu.vector_load %arg8[%swap3A_281, %swap3A_282] {strides = array<i32>} : memref<16x128xf32, #tpu.memory_space<vmem>>, vector<1x16xf32>,
    %swap3A_284 = vector.shape_cast %swap3A_283 : vector<1x16xf32> to vector<16xf32>
    %swap3A_285 = vector.shape_cast %broadcast_in_dim3A_10 : vector<16xf32> to vector<1x16xf32>
    tpu.vector_store %arg8[%swap3A_281, %swap3A_282], %swap3A_285 {strides = array<i32>} : memref<16x128xf32, #tpu.memory_space<vmem>>, vector<1x16xf32>,
    %swap3A_286 = arith.constant 5 : i32
    %swap3A_287 = arith.index_cast %swap3A_286 : i32 to index
    %swap3A_288 = arith.constant 96 : index
    %swap3A_289 = tpu.vector_load %arg8[%swap3A_287, %swap3A_288] {strides = array<i32>} : memref<16x128xf32, #tpu.memory_space<vmem>>, vector<1x16xf32>,
    %swap3A_290 = vector.shape_cast %swap3A_289 : vector<1x16xf32> to vector<16xf32>
    %swap3A_291 = vector.shape_cast %broadcast_in_dim3A_10 : vector<16xf32> to vector<1x16xf32>
    tpu.vector_store %arg8[%swap3A_287, %swap3A_288], %swap3A_291 {strides = array<i32>} : memref<16x128xf32, #tpu.memory_space<vmem>>, vector<1x16xf32>,
    %swap3A_292 = arith.constant 5 : i32
    %swap3A_293 = arith.index_cast %swap3A_292 : i32 to index
    %swap3A_294 = arith.constant 112 : index
    %swap3A_295 = tpu.vector_load %arg8[%swap3A_293, %swap3A_294] {strides = array<i32>} : memref<16x128xf32, #tpu.memory_space<vmem>>, vector<1x16xf32>,
    %swap3A_296 = vector.shape_cast %swap3A_295 : vector<1x16xf32> to vector<16xf32>
    %swap3A_297 = vector.shape_cast %broadcast_in_dim3A_10 : vector<16xf32> to vector<1x16xf32>
    tpu.vector_store %arg8[%swap3A_293, %swap3A_294], %swap3A_297 {strides = array<i32>} : memref<16x128xf32, #tpu.memory_space<vmem>>, vector<1x16xf32>,
    %swap3A_298 = arith.constant 6 : i32
    %swap3A_299 = arith.index_cast %swap3A_298 : i32 to index
    %swap3A_300 = arith.constant 0 : index
    %swap3A_301 = tpu.vector_load %arg8[%swap3A_299, %swap3A_300] {strides = array<i32>} : memref<16x128xf32, #tpu.memory_space<vmem>>, vector<1x16xf32>,
    %swap3A_302 = vector.shape_cast %swap3A_301 : vector<1x16xf32> to vector<16xf32>
    %swap3A_303 = vector.shape_cast %broadcast_in_dim3A_10 : vector<16xf32> to vector<1x16xf32>
    tpu.vector_store %arg8[%swap3A_299, %swap3A_300], %swap3A_303 {strides = array<i32>} : memref<16x128xf32, #tpu.memory_space<vmem>>, vector<1x16xf32>,
    %swap3A_304 = arith.constant 6 : i32
    %swap3A_305 = arith.index_cast %swap3A_304 : i32 to index
    %swap3A_306 = arith.constant 16 : index
    %swap3A_307 = tpu.vector_load %arg8[%swap3A_305, %swap3A_306] {strides = array<i32>} : memref<16x128xf32, #tpu.memory_space<vmem>>, vector<1x16xf32>,
    %swap3A_308 = vector.shape_cast %swap3A_307 : vector<1x16xf32> to vector<16xf32>
    %swap3A_309 = vector.shape_cast %broadcast_in_dim3A_10 : vector<16xf32> to vector<1x16xf32>
    tpu.vector_store %arg8[%swap3A_305, %swap3A_306], %swap3A_309 {strides = array<i32>} : memref<16x128xf32, #tpu.memory_space<vmem>>, vector<1x16xf32>,
    %swap3A_310 = arith.constant 6 : i32
    %swap3A_311 = arith.index_cast %swap3A_310 : i32 to index
    %swap3A_312 = arith.constant 32 : index
    %swap3A_313 = tpu.vector_load %arg8[%swap3A_311, %swap3A_312] {strides = array<i32>} : memref<16x128xf32, #tpu.memory_space<vmem>>, vector<1x16xf32>,
    %swap3A_314 = vector.shape_cast %swap3A_313 : vector<1x16xf32> to vector<16xf32>
    %swap3A_315 = vector.shape_cast %broadcast_in_dim3A_10 : vector<16xf32> to vector<1x16xf32>
    tpu.vector_store %arg8[%swap3A_311, %swap3A_312], %swap3A_315 {strides = array<i32>} : memref<16x128xf32, #tpu.memory_space<vmem>>, vector<1x16xf32>,
    %swap3A_316 = arith.constant 6 : i32
    %swap3A_317 = arith.index_cast %swap3A_316 : i32 to index
    %swap3A_318 = arith.constant 48 : index
    %swap3A_319 = tpu.vector_load %arg8[%swap3A_317, %swap3A_318] {strides = array<i32>} : memref<16x128xf32, #tpu.memory_space<vmem>>, vector<1x16xf32>,
    %swap3A_320 = vector.shape_cast %swap3A_319 : vector<1x16xf32> to vector<16xf32>
    %swap3A_321 = vector.shape_cast %broadcast_in_dim3A_10 : vector<16xf32> to vector<1x16xf32>
    tpu.vector_store %arg8[%swap3A_317, %swap3A_318], %swap3A_321 {strides = array<i32>} : memref<16x128xf32, #tpu.memory_space<vmem>>, vector<1x16xf32>,
    %swap3A_322 = arith.constant 6 : i32
    %swap3A_323 = arith.index_cast %swap3A_322 : i32 to index
    %swap3A_324 = arith.constant 64 : index
    %swap3A_325 = tpu.vector_load %arg8[%swap3A_323, %swap3A_324] {strides = array<i32>} : memref<16x128xf32, #tpu.memory_space<vmem>>, vector<1x16xf32>,
    %swap3A_326 = vector.shape_cast %swap3A_325 : vector<1x16xf32> to vector<16xf32>
    %swap3A_327 = vector.shape_cast %broadcast_in_dim3A_10 : vector<16xf32> to vector<1x16xf32>
    tpu.vector_store %arg8[%swap3A_323, %swap3A_324], %swap3A_327 {strides = array<i32>} : memref<16x128xf32, #tpu.memory_space<vmem>>, vector<1x16xf32>,
    %swap3A_328 = arith.constant 6 : i32
    %swap3A_329 = arith.index_cast %swap3A_328 : i32 to index
    %swap3A_330 = arith.constant 80 : index
    %swap3A_331 = tpu.vector_load %arg8[%swap3A_329, %swap3A_330] {strides = array<i32>} : memref<16x128xf32, #tpu.memory_space<vmem>>, vector<1x16xf32>,
    %swap3A_332 = vector.shape_cast %swap3A_331 : vector<1x16xf32> to vector<16xf32>
    %swap3A_333 = vector.shape_cast %broadcast_in_dim3A_10 : vector<16xf32> to vector<1x16xf32>
    tpu.vector_store %arg8[%swap3A_329, %swap3A_330], %swap3A_333 {strides = array<i32>} : memref<16x128xf32, #tpu.memory_space<vmem>>, vector<1x16xf32>,
    %swap3A_334 = arith.constant 6 : i32
    %swap3A_335 = arith.index_cast %swap3A_334 : i32 to index
    %swap3A_336 = arith.constant 96 : index
    %swap3A_337 = tpu.vector_load %arg8[%swap3A_335, %swap3A_336] {strides = array<i32>} : memref<16x128xf32, #tpu.memory_space<vmem>>, vector<1x16xf32>,
    %swap3A_338 = vector.shape_cast %swap3A_337 : vector<1x16xf32> to vector<16xf32>
    %swap3A_339 = vector.shape_cast %broadcast_in_dim3A_10 : vector<16xf32> to vector<1x16xf32>
    tpu.vector_store %arg8[%swap3A_335, %swap3A_336], %swap3A_339 {strides = array<i32>} : memref<16x128xf32, #tpu.memory_space<vmem>>, vector<1x16xf32>,
    %swap3A_340 = arith.constant 6 : i32
    %swap3A_341 = arith.index_cast %swap3A_340 : i32 to index
    %swap3A_342 = arith.constant 112 : index
    %swap3A_343 = tpu.vector_load %arg8[%swap3A_341, %swap3A_342] {strides = array<i32>} : memref<16x128xf32, #tpu.memory_space<vmem>>, vector<1x16xf32>,
    %swap3A_344 = vector.shape_cast %swap3A_343 : vector<1x16xf32> to vector<16xf32>
    %swap3A_345 = vector.shape_cast %broadcast_in_dim3A_10 : vector<16xf32> to vector<1x16xf32>
    tpu.vector_store %arg8[%swap3A_341, %swap3A_342], %swap3A_345 {strides = array<i32>} : memref<16x128xf32, #tpu.memory_space<vmem>>, vector<1x16xf32>,
    %swap3A_346 = arith.constant 7 : i32
    %swap3A_347 = arith.index_cast %swap3A_346 : i32 to index
    %swap3A_348 = arith.constant 0 : index
    %swap3A_349 = tpu.vector_load %arg8[%swap3A_347, %swap3A_348] {strides = array<i32>} : memref<16x128xf32, #tpu.memory_space<vmem>>, vector<1x16xf32>,
    %swap3A_350 = vector.shape_cast %swap3A_349 : vector<1x16xf32> to vector<16xf32>
    %swap3A_351 = vector.shape_cast %broadcast_in_dim3A_10 : vector<16xf32> to vector<1x16xf32>
    tpu.vector_store %arg8[%swap3A_347, %swap3A_348], %swap3A_351 {strides = array<i32>} : memref<16x128xf32, #tpu.memory_space<vmem>>, vector<1x16xf32>,
    %swap3A_352 = arith.constant 7 : i32
    %swap3A_353 = arith.index_cast %swap3A_352 : i32 to index
    %swap3A_354 = arith.constant 16 : index
    %swap3A_355 = tpu.vector_load %arg8[%swap3A_353, %swap3A_354] {strides = array<i32>} : memref<16x128xf32, #tpu.memory_space<vmem>>, vector<1x16xf32>,
    %swap3A_356 = vector.shape_cast %swap3A_355 : vector<1x16xf32> to vector<16xf32>
    %swap3A_357 = vector.shape_cast %broadcast_in_dim3A_10 : vector<16xf32> to vector<1x16xf32>
    tpu.vector_store %arg8[%swap3A_353, %swap3A_354], %swap3A_357 {strides = array<i32>} : memref<16x128xf32, #tpu.memory_space<vmem>>, vector<1x16xf32>,
    %swap3A_358 = arith.constant 7 : i32
    %swap3A_359 = arith.index_cast %swap3A_358 : i32 to index
    %swap3A_360 = arith.constant 32 : index
    %swap3A_361 = tpu.vector_load %arg8[%swap3A_359, %swap3A_360] {strides = array<i32>} : memref<16x128xf32, #tpu.memory_space<vmem>>, vector<1x16xf32>,
    %swap3A_362 = vector.shape_cast %swap3A_361 : vector<1x16xf32> to vector<16xf32>
    %swap3A_363 = vector.shape_cast %broadcast_in_dim3A_10 : vector<16xf32> to vector<1x16xf32>
    tpu.vector_store %arg8[%swap3A_359, %swap3A_360], %swap3A_363 {strides = array<i32>} : memref<16x128xf32, #tpu.memory_space<vmem>>, vector<1x16xf32>,
    %swap3A_364 = arith.constant 7 : i32
    %swap3A_365 = arith.index_cast %swap3A_364 : i32 to index
    %swap3A_366 = arith.constant 48 : index
    %swap3A_367 = tpu.vector_load %arg8[%swap3A_365, %swap3A_366] {strides = array<i32>} : memref<16x128xf32, #tpu.memory_space<vmem>>, vector<1x16xf32>,
    %swap3A_368 = vector.shape_cast %swap3A_367 : vector<1x16xf32> to vector<16xf32>
    %swap3A_369 = vector.shape_cast %broadcast_in_dim3A_10 : vector<16xf32> to vector<1x16xf32>
    tpu.vector_store %arg8[%swap3A_365, %swap3A_366], %swap3A_369 {strides = array<i32>} : memref<16x128xf32, #tpu.memory_space<vmem>>, vector<1x16xf32>,
    %swap3A_370 = arith.constant 7 : i32
    %swap3A_371 = arith.index_cast %swap3A_370 : i32 to index
    %swap3A_372 = arith.constant 64 : index
    %swap3A_373 = tpu.vector_load %arg8[%swap3A_371, %swap3A_372] {strides = array<i32>} : memref<16x128xf32, #tpu.memory_space<vmem>>, vector<1x16xf32>,
    %swap3A_374 = vector.shape_cast %swap3A_373 : vector<1x16xf32> to vector<16xf32>
    %swap3A_375 = vector.shape_cast %broadcast_in_dim3A_10 : vector<16xf32> to vector<1x16xf32>
    tpu.vector_store %arg8[%swap3A_371, %swap3A_372], %swap3A_375 {strides = array<i32>} : memref<16x128xf32, #tpu.memory_space<vmem>>, vector<1x16xf32>,
    %swap3A_376 = arith.constant 7 : i32
    %swap3A_377 = arith.index_cast %swap3A_376 : i32 to index
    %swap3A_378 = arith.constant 80 : index
    %swap3A_379 = tpu.vector_load %arg8[%swap3A_377, %swap3A_378] {strides = array<i32>} : memref<16x128xf32, #tpu.memory_space<vmem>>, vector<1x16xf32>,
    %swap3A_380 = vector.shape_cast %swap3A_379 : vector<1x16xf32> to vector<16xf32>
    %swap3A_381 = vector.shape_cast %broadcast_in_dim3A_10 : vector<16xf32> to vector<1x16xf32>
    tpu.vector_store %arg8[%swap3A_377, %swap3A_378], %swap3A_381 {strides = array<i32>} : memref<16x128xf32, #tpu.memory_space<vmem>>, vector<1x16xf32>,
    %swap3A_382 = arith.constant 7 : i32
    %swap3A_383 = arith.index_cast %swap3A_382 : i32 to index
    %swap3A_384 = arith.constant 96 : index
    %swap3A_385 = tpu.vector_load %arg8[%swap3A_383, %swap3A_384] {strides = array<i32>} : memref<16x128xf32, #tpu.memory_space<vmem>>, vector<1x16xf32>,
    %swap3A_386 = vector.shape_cast %swap3A_385 : vector<1x16xf32> to vector<16xf32>
    %swap3A_387 = vector.shape_cast %broadcast_in_dim3A_10 : vector<16xf32> to vector<1x16xf32>
    tpu.vector_store %arg8[%swap3A_383, %swap3A_384], %swap3A_387 {strides = array<i32>} : memref<16x128xf32, #tpu.memory_space<vmem>>, vector<1x16xf32>,
    %swap3A_388 = arith.constant 7 : i32
    %swap3A_389 = arith.index_cast %swap3A_388 : i32 to index
    %swap3A_390 = arith.constant 112 : index
    %swap3A_391 = tpu.vector_load %arg8[%swap3A_389, %swap3A_390] {strides = array<i32>} : memref<16x128xf32, #tpu.memory_space<vmem>>, vector<1x16xf32>,
    %swap3A_392 = vector.shape_cast %swap3A_391 : vector<1x16xf32> to vector<16xf32>
    %swap3A_393 = vector.shape_cast %broadcast_in_dim3A_10 : vector<16xf32> to vector<1x16xf32>
    tpu.vector_store %arg8[%swap3A_389, %swap3A_390], %swap3A_393 {strides = array<i32>} : memref<16x128xf32, #tpu.memory_space<vmem>>, vector<1x16xf32>,
    %swap3A_394 = arith.constant 8 : i32
    %swap3A_395 = arith.index_cast %swap3A_394 : i32 to index
    %swap3A_396 = arith.constant 0 : index
    %swap3A_397 = tpu.vector_load %arg8[%swap3A_395, %swap3A_396] {strides = array<i32>} : memref<16x128xf32, #tpu.memory_space<vmem>>, vector<1x16xf32>,
    %swap3A_398 = vector.shape_cast %swap3A_397 : vector<1x16xf32> to vector<16xf32>
    %swap3A_399 = vector.shape_cast %broadcast_in_dim3A_10 : vector<16xf32> to vector<1x16xf32>
    tpu.vector_store %arg8[%swap3A_395, %swap3A_396], %swap3A_399 {strides = array<i32>} : memref<16x128xf32, #tpu.memory_space<vmem>>, vector<1x16xf32>,
    %swap3A_400 = arith.constant 8 : i32
    %swap3A_401 = arith.index_cast %swap3A_400 : i32 to index
    %swap3A_402 = arith.constant 16 : index
    %swap3A_403 = tpu.vector_load %arg8[%swap3A_401, %swap3A_402] {strides = array<i32>} : memref<16x128xf32, #tpu.memory_space<vmem>>, vector<1x16xf32>,
    %swap3A_404 = vector.shape_cast %swap3A_403 : vector<1x16xf32> to vector<16xf32>
    %swap3A_405 = vector.shape_cast %broadcast_in_dim3A_10 : vector<16xf32> to vector<1x16xf32>
    tpu.vector_store %arg8[%swap3A_401, %swap3A_402], %swap3A_405 {strides = array<i32>} : memref<16x128xf32, #tpu.memory_space<vmem>>, vector<1x16xf32>,
    %swap3A_406 = arith.constant 8 : i32
    %swap3A_407 = arith.index_cast %swap3A_406 : i32 to index
    %swap3A_408 = arith.constant 32 : index
    %swap3A_409 = tpu.vector_load %arg8[%swap3A_407, %swap3A_408] {strides = array<i32>} : memref<16x128xf32, #tpu.memory_space<vmem>>, vector<1x16xf32>,
    %swap3A_410 = vector.shape_cast %swap3A_409 : vector<1x16xf32> to vector<16xf32>
    %swap3A_411 = vector.shape_cast %broadcast_in_dim3A_10 : vector<16xf32> to vector<1x16xf32>
    tpu.vector_store %arg8[%swap3A_407, %swap3A_408], %swap3A_411 {strides = array<i32>} : memref<16x128xf32, #tpu.memory_space<vmem>>, vector<1x16xf32>,
    %swap3A_412 = arith.constant 8 : i32
    %swap3A_413 = arith.index_cast %swap3A_412 : i32 to index
    %swap3A_414 = arith.constant 48 : index
    %swap3A_415 = tpu.vector_load %arg8[%swap3A_413, %swap3A_414] {strides = array<i32>} : memref<16x128xf32, #tpu.memory_space<vmem>>, vector<1x16xf32>,
    %swap3A_416 = vector.shape_cast %swap3A_415 : vector<1x16xf32> to vector<16xf32>
    %swap3A_417 = vector.shape_cast %broadcast_in_dim3A_10 : vector<16xf32> to vector<1x16xf32>
    tpu.vector_store %arg8[%swap3A_413, %swap3A_414], %swap3A_417 {strides = array<i32>} : memref<16x128xf32, #tpu.memory_space<vmem>>, vector<1x16xf32>,
    %swap3A_418 = arith.constant 8 : i32
    %swap3A_419 = arith.index_cast %swap3A_418 : i32 to index
    %swap3A_420 = arith.constant 64 : index
    %swap3A_421 = tpu.vector_load %arg8[%swap3A_419, %swap3A_420] {strides = array<i32>} : memref<16x128xf32, #tpu.memory_space<vmem>>, vector<1x16xf32>,
    %swap3A_422 = vector.shape_cast %swap3A_421 : vector<1x16xf32> to vector<16xf32>
    %swap3A_423 = vector.shape_cast %broadcast_in_dim3A_10 : vector<16xf32> to vector<1x16xf32>
    tpu.vector_store %arg8[%swap3A_419, %swap3A_420], %swap3A_423 {strides = array<i32>} : memref<16x128xf32, #tpu.memory_space<vmem>>, vector<1x16xf32>,
    %swap3A_424 = arith.constant 8 : i32
    %swap3A_425 = arith.index_cast %swap3A_424 : i32 to index
    %swap3A_426 = arith.constant 80 : index
    %swap3A_427 = tpu.vector_load %arg8[%swap3A_425, %swap3A_426] {strides = array<i32>} : memref<16x128xf32, #tpu.memory_space<vmem>>, vector<1x16xf32>,
    %swap3A_428 = vector.shape_cast %swap3A_427 : vector<1x16xf32> to vector<16xf32>
    %swap3A_429 = vector.shape_cast %broadcast_in_dim3A_10 : vector<16xf32> to vector<1x16xf32>
    tpu.vector_store %arg8[%swap3A_425, %swap3A_426], %swap3A_429 {strides = array<i32>} : memref<16x128xf32, #tpu.memory_space<vmem>>, vector<1x16xf32>,
    %swap3A_430 = arith.constant 8 : i32
    %swap3A_431 = arith.index_cast %swap3A_430 : i32 to index
    %swap3A_432 = arith.constant 96 : index
    %swap3A_433 = tpu.vector_load %arg8[%swap3A_431, %swap3A_432] {strides = array<i32>} : memref<16x128xf32, #tpu.memory_space<vmem>>, vector<1x16xf32>,
    %swap3A_434 = vector.shape_cast %swap3A_433 : vector<1x16xf32> to vector<16xf32>
    %swap3A_435 = vector.shape_cast %broadcast_in_dim3A_10 : vector<16xf32> to vector<1x16xf32>
    tpu.vector_store %arg8[%swap3A_431, %swap3A_432], %swap3A_435 {strides = array<i32>} : memref<16x128xf32, #tpu.memory_space<vmem>>, vector<1x16xf32>,
    %swap3A_436 = arith.constant 8 : i32
    %swap3A_437 = arith.index_cast %swap3A_436 : i32 to index
    %swap3A_438 = arith.constant 112 : index
    %swap3A_439 = tpu.vector_load %arg8[%swap3A_437, %swap3A_438] {strides = array<i32>} : memref<16x128xf32, #tpu.memory_space<vmem>>, vector<1x16xf32>,
    %swap3A_440 = vector.shape_cast %swap3A_439 : vector<1x16xf32> to vector<16xf32>
    %swap3A_441 = vector.shape_cast %broadcast_in_dim3A_10 : vector<16xf32> to vector<1x16xf32>
    tpu.vector_store %arg8[%swap3A_437, %swap3A_438], %swap3A_441 {strides = array<i32>} : memref<16x128xf32, #tpu.memory_space<vmem>>, vector<1x16xf32>,
    %swap3A_442 = arith.constant 9 : i32
    %swap3A_443 = arith.index_cast %swap3A_442 : i32 to index
    %swap3A_444 = arith.constant 0 : index
    %swap3A_445 = tpu.vector_load %arg8[%swap3A_443, %swap3A_444] {strides = array<i32>} : memref<16x128xf32, #tpu.memory_space<vmem>>, vector<1x16xf32>,
    %swap3A_446 = vector.shape_cast %swap3A_445 : vector<1x16xf32> to vector<16xf32>
    %swap3A_447 = vector.shape_cast %broadcast_in_dim3A_10 : vector<16xf32> to vector<1x16xf32>
    tpu.vector_store %arg8[%swap3A_443, %swap3A_444], %swap3A_447 {strides = array<i32>} : memref<16x128xf32, #tpu.memory_space<vmem>>, vector<1x16xf32>,
    %swap3A_448 = arith.constant 9 : i32
    %swap3A_449 = arith.index_cast %swap3A_448 : i32 to index
    %swap3A_450 = arith.constant 16 : index
    %swap3A_451 = tpu.vector_load %arg8[%swap3A_449, %swap3A_450] {strides = array<i32>} : memref<16x128xf32, #tpu.memory_space<vmem>>, vector<1x16xf32>,
    %swap3A_452 = vector.shape_cast %swap3A_451 : vector<1x16xf32> to vector<16xf32>
    %swap3A_453 = vector.shape_cast %broadcast_in_dim3A_10 : vector<16xf32> to vector<1x16xf32>
    tpu.vector_store %arg8[%swap3A_449, %swap3A_450], %swap3A_453 {strides = array<i32>} : memref<16x128xf32, #tpu.memory_space<vmem>>, vector<1x16xf32>,
    %swap3A_454 = arith.constant 9 : i32
    %swap3A_455 = arith.index_cast %swap3A_454 : i32 to index
    %swap3A_456 = arith.constant 32 : index
    %swap3A_457 = tpu.vector_load %arg8[%swap3A_455, %swap3A_456] {strides = array<i32>} : memref<16x128xf32, #tpu.memory_space<vmem>>, vector<1x16xf32>,
    %swap3A_458 = vector.shape_cast %swap3A_457 : vector<1x16xf32> to vector<16xf32>
    %swap3A_459 = vector.shape_cast %broadcast_in_dim3A_10 : vector<16xf32> to vector<1x16xf32>
    tpu.vector_store %arg8[%swap3A_455, %swap3A_456], %swap3A_459 {strides = array<i32>} : memref<16x128xf32, #tpu.memory_space<vmem>>, vector<1x16xf32>,
    %swap3A_460 = arith.constant 9 : i32
    %swap3A_461 = arith.index_cast %swap3A_460 : i32 to index
    %swap3A_462 = arith.constant 48 : index
    %swap3A_463 = tpu.vector_load %arg8[%swap3A_461, %swap3A_462] {strides = array<i32>} : memref<16x128xf32, #tpu.memory_space<vmem>>, vector<1x16xf32>,
    %swap3A_464 = vector.shape_cast %swap3A_463 : vector<1x16xf32> to vector<16xf32>
    %swap3A_465 = vector.shape_cast %broadcast_in_dim3A_10 : vector<16xf32> to vector<1x16xf32>
    tpu.vector_store %arg8[%swap3A_461, %swap3A_462], %swap3A_465 {strides = array<i32>} : memref<16x128xf32, #tpu.memory_space<vmem>>, vector<1x16xf32>,
    %swap3A_466 = arith.constant 9 : i32
    %swap3A_467 = arith.index_cast %swap3A_466 : i32 to index
    %swap3A_468 = arith.constant 64 : index
    %swap3A_469 = tpu.vector_load %arg8[%swap3A_467, %swap3A_468] {strides = array<i32>} : memref<16x128xf32, #tpu.memory_space<vmem>>, vector<1x16xf32>,
    %swap3A_470 = vector.shape_cast %swap3A_469 : vector<1x16xf32> to vector<16xf32>
    %swap3A_471 = vector.shape_cast %broadcast_in_dim3A_10 : vector<16xf32> to vector<1x16xf32>
    tpu.vector_store %arg8[%swap3A_467, %swap3A_468], %swap3A_471 {strides = array<i32>} : memref<16x128xf32, #tpu.memory_space<vmem>>, vector<1x16xf32>,
    %swap3A_472 = arith.constant 9 : i32
    %swap3A_473 = arith.index_cast %swap3A_472 : i32 to index
    %swap3A_474 = arith.constant 80 : index
    %swap3A_475 = tpu.vector_load %arg8[%swap3A_473, %swap3A_474] {strides = array<i32>} : memref<16x128xf32, #tpu.memory_space<vmem>>, vector<1x16xf32>,
    %swap3A_476 = vector.shape_cast %swap3A_475 : vector<1x16xf32> to vector<16xf32>
    %swap3A_477 = vector.shape_cast %broadcast_in_dim3A_10 : vector<16xf32> to vector<1x16xf32>
    tpu.vector_store %arg8[%swap3A_473, %swap3A_474], %swap3A_477 {strides = array<i32>} : memref<16x128xf32, #tpu.memory_space<vmem>>, vector<1x16xf32>,
    %swap3A_478 = arith.constant 9 : i32
    %swap3A_479 = arith.index_cast %swap3A_478 : i32 to index
    %swap3A_480 = arith.constant 96 : index
    %swap3A_481 = tpu.vector_load %arg8[%swap3A_479, %swap3A_480] {strides = array<i32>} : memref<16x128xf32, #tpu.memory_space<vmem>>, vector<1x16xf32>,
    %swap3A_482 = vector.shape_cast %swap3A_481 : vector<1x16xf32> to vector<16xf32>
    %swap3A_483 = vector.shape_cast %broadcast_in_dim3A_10 : vector<16xf32> to vector<1x16xf32>
    tpu.vector_store %arg8[%swap3A_479, %swap3A_480], %swap3A_483 {strides = array<i32>} : memref<16x128xf32, #tpu.memory_space<vmem>>, vector<1x16xf32>,
    %swap3A_484 = arith.constant 9 : i32
    %swap3A_485 = arith.index_cast %swap3A_484 : i32 to index
    %swap3A_486 = arith.constant 112 : index
    %swap3A_487 = tpu.vector_load %arg8[%swap3A_485, %swap3A_486] {strides = array<i32>} : memref<16x128xf32, #tpu.memory_space<vmem>>, vector<1x16xf32>,
    %swap3A_488 = vector.shape_cast %swap3A_487 : vector<1x16xf32> to vector<16xf32>
    %swap3A_489 = vector.shape_cast %broadcast_in_dim3A_10 : vector<16xf32> to vector<1x16xf32>
    tpu.vector_store %arg8[%swap3A_485, %swap3A_486], %swap3A_489 {strides = array<i32>} : memref<16x128xf32, #tpu.memory_space<vmem>>, vector<1x16xf32>,
    %swap3A_490 = arith.constant 10 : i32
    %swap3A_491 = arith.index_cast %swap3A_490 : i32 to index
    %swap3A_492 = arith.constant 0 : index
    %swap3A_493 = tpu.vector_load %arg8[%swap3A_491, %swap3A_492] {strides = array<i32>} : memref<16x128xf32, #tpu.memory_space<vmem>>, vector<1x16xf32>,
    %swap3A_494 = vector.shape_cast %swap3A_493 : vector<1x16xf32> to vector<16xf32>
    %swap3A_495 = vector.shape_cast %broadcast_in_dim3A_10 : vector<16xf32> to vector<1x16xf32>
    tpu.vector_store %arg8[%swap3A_491, %swap3A_492], %swap3A_495 {strides = array<i32>} : memref<16x128xf32, #tpu.memory_space<vmem>>, vector<1x16xf32>,
    %swap3A_496 = arith.constant 10 : i32
    %swap3A_497 = arith.index_cast %swap3A_496 : i32 to index
    %swap3A_498 = arith.constant 16 : index
    %swap3A_499 = tpu.vector_load %arg8[%swap3A_497, %swap3A_498] {strides = array<i32>} : memref<16x128xf32, #tpu.memory_space<vmem>>, vector<1x16xf32>,
    %swap3A_500 = vector.shape_cast %swap3A_499 : vector<1x16xf32> to vector<16xf32>
    %swap3A_501 = vector.shape_cast %broadcast_in_dim3A_10 : vector<16xf32> to vector<1x16xf32>
    tpu.vector_store %arg8[%swap3A_497, %swap3A_498], %swap3A_501 {strides = array<i32>} : memref<16x128xf32, #tpu.memory_space<vmem>>, vector<1x16xf32>,
    %swap3A_502 = arith.constant 10 : i32
    %swap3A_503 = arith.index_cast %swap3A_502 : i32 to index
    %swap3A_504 = arith.constant 32 : index
    %swap3A_505 = tpu.vector_load %arg8[%swap3A_503, %swap3A_504] {strides = array<i32>} : memref<16x128xf32, #tpu.memory_space<vmem>>, vector<1x16xf32>,
    %swap3A_506 = vector.shape_cast %swap3A_505 : vector<1x16xf32> to vector<16xf32>
    %swap3A_507 = vector.shape_cast %broadcast_in_dim3A_10 : vector<16xf32> to vector<1x16xf32>
    tpu.vector_store %arg8[%swap3A_503, %swap3A_504], %swap3A_507 {strides = array<i32>} : memref<16x128xf32, #tpu.memory_space<vmem>>, vector<1x16xf32>,
    %swap3A_508 = arith.constant 10 : i32
    %swap3A_509 = arith.index_cast %swap3A_508 : i32 to index
    %swap3A_510 = arith.constant 48 : index
    %swap3A_511 = tpu.vector_load %arg8[%swap3A_509, %swap3A_510] {strides = array<i32>} : memref<16x128xf32, #tpu.memory_space<vmem>>, vector<1x16xf32>,
    %swap3A_512 = vector.shape_cast %swap3A_511 : vector<1x16xf32> to vector<16xf32>
    %swap3A_513 = vector.shape_cast %broadcast_in_dim3A_10 : vector<16xf32> to vector<1x16xf32>
    tpu.vector_store %arg8[%swap3A_509, %swap3A_510], %swap3A_513 {strides = array<i32>} : memref<16x128xf32, #tpu.memory_space<vmem>>, vector<1x16xf32>,
    %swap3A_514 = arith.constant 10 : i32
    %swap3A_515 = arith.index_cast %swap3A_514 : i32 to index
    %swap3A_516 = arith.constant 64 : index
    %swap3A_517 = tpu.vector_load %arg8[%swap3A_515, %swap3A_516] {strides = array<i32>} : memref<16x128xf32, #tpu.memory_space<vmem>>, vector<1x16xf32>,
    %swap3A_518 = vector.shape_cast %swap3A_517 : vector<1x16xf32> to vector<16xf32>
    %swap3A_519 = vector.shape_cast %broadcast_in_dim3A_10 : vector<16xf32> to vector<1x16xf32>
    tpu.vector_store %arg8[%swap3A_515, %swap3A_516], %swap3A_519 {strides = array<i32>} : memref<16x128xf32, #tpu.memory_space<vmem>>, vector<1x16xf32>,
    %swap3A_520 = arith.constant 10 : i32
    %swap3A_521 = arith.index_cast %swap3A_520 : i32 to index
    %swap3A_522 = arith.constant 80 : index
    %swap3A_523 = tpu.vector_load %arg8[%swap3A_521, %swap3A_522] {strides = array<i32>} : memref<16x128xf32, #tpu.memory_space<vmem>>, vector<1x16xf32>,
    %swap3A_524 = vector.shape_cast %swap3A_523 : vector<1x16xf32> to vector<16xf32>
    %swap3A_525 = vector.shape_cast %broadcast_in_dim3A_10 : vector<16xf32> to vector<1x16xf32>
    tpu.vector_store %arg8[%swap3A_521, %swap3A_522], %swap3A_525 {strides = array<i32>} : memref<16x128xf32, #tpu.memory_space<vmem>>, vector<1x16xf32>,
    %swap3A_526 = arith.constant 10 : i32
    %swap3A_527 = arith.index_cast %swap3A_526 : i32 to index
    %swap3A_528 = arith.constant 96 : index
    %swap3A_529 = tpu.vector_load %arg8[%swap3A_527, %swap3A_528] {strides = array<i32>} : memref<16x128xf32, #tpu.memory_space<vmem>>, vector<1x16xf32>,
    %swap3A_530 = vector.shape_cast %swap3A_529 : vector<1x16xf32> to vector<16xf32>
    %swap3A_531 = vector.shape_cast %broadcast_in_dim3A_10 : vector<16xf32> to vector<1x16xf32>
    tpu.vector_store %arg8[%swap3A_527, %swap3A_528], %swap3A_531 {strides = array<i32>} : memref<16x128xf32, #tpu.memory_space<vmem>>, vector<1x16xf32>,
    %swap3A_532 = arith.constant 10 : i32
    %swap3A_533 = arith.index_cast %swap3A_532 : i32 to index
    %swap3A_534 = arith.constant 112 : index
    %swap3A_535 = tpu.vector_load %arg8[%swap3A_533, %swap3A_534] {strides = array<i32>} : memref<16x128xf32, #tpu.memory_space<vmem>>, vector<1x16xf32>,
    %swap3A_536 = vector.shape_cast %swap3A_535 : vector<1x16xf32> to vector<16xf32>
    %swap3A_537 = vector.shape_cast %broadcast_in_dim3A_10 : vector<16xf32> to vector<1x16xf32>
    tpu.vector_store %arg8[%swap3A_533, %swap3A_534], %swap3A_537 {strides = array<i32>} : memref<16x128xf32, #tpu.memory_space<vmem>>, vector<1x16xf32>,
    %swap3A_538 = arith.constant 11 : i32
    %swap3A_539 = arith.index_cast %swap3A_538 : i32 to index
    %swap3A_540 = arith.constant 0 : index
    %swap3A_541 = tpu.vector_load %arg8[%swap3A_539, %swap3A_540] {strides = array<i32>} : memref<16x128xf32, #tpu.memory_space<vmem>>, vector<1x16xf32>,
    %swap3A_542 = vector.shape_cast %swap3A_541 : vector<1x16xf32> to vector<16xf32>
    %swap3A_543 = vector.shape_cast %broadcast_in_dim3A_10 : vector<16xf32> to vector<1x16xf32>
    tpu.vector_store %arg8[%swap3A_539, %swap3A_540], %swap3A_543 {strides = array<i32>} : memref<16x128xf32, #tpu.memory_space<vmem>>, vector<1x16xf32>,
    %swap3A_544 = arith.constant 11 : i32
    %swap3A_545 = arith.index_cast %swap3A_544 : i32 to index
    %swap3A_546 = arith.constant 16 : index
    %swap3A_547 = tpu.vector_load %arg8[%swap3A_545, %swap3A_546] {strides = array<i32>} : memref<16x128xf32, #tpu.memory_space<vmem>>, vector<1x16xf32>,
    %swap3A_548 = vector.shape_cast %swap3A_547 : vector<1x16xf32> to vector<16xf32>
    %swap3A_549 = vector.shape_cast %broadcast_in_dim3A_10 : vector<16xf32> to vector<1x16xf32>
    tpu.vector_store %arg8[%swap3A_545, %swap3A_546], %swap3A_549 {strides = array<i32>} : memref<16x128xf32, #tpu.memory_space<vmem>>, vector<1x16xf32>,
    %swap3A_550 = arith.constant 11 : i32
    %swap3A_551 = arith.index_cast %swap3A_550 : i32 to index
    %swap3A_552 = arith.constant 32 : index
    %swap3A_553 = tpu.vector_load %arg8[%swap3A_551, %swap3A_552] {strides = array<i32>} : memref<16x128xf32, #tpu.memory_space<vmem>>, vector<1x16xf32>,
    %swap3A_554 = vector.shape_cast %swap3A_553 : vector<1x16xf32> to vector<16xf32>
    %swap3A_555 = vector.shape_cast %broadcast_in_dim3A_10 : vector<16xf32> to vector<1x16xf32>
    tpu.vector_store %arg8[%swap3A_551, %swap3A_552], %swap3A_555 {strides = array<i32>} : memref<16x128xf32, #tpu.memory_space<vmem>>, vector<1x16xf32>,
    %swap3A_556 = arith.constant 11 : i32
    %swap3A_557 = arith.index_cast %swap3A_556 : i32 to index
    %swap3A_558 = arith.constant 48 : index
    %swap3A_559 = tpu.vector_load %arg8[%swap3A_557, %swap3A_558] {strides = array<i32>} : memref<16x128xf32, #tpu.memory_space<vmem>>, vector<1x16xf32>,
    %swap3A_560 = vector.shape_cast %swap3A_559 : vector<1x16xf32> to vector<16xf32>
    %swap3A_561 = vector.shape_cast %broadcast_in_dim3A_10 : vector<16xf32> to vector<1x16xf32>
    tpu.vector_store %arg8[%swap3A_557, %swap3A_558], %swap3A_561 {strides = array<i32>} : memref<16x128xf32, #tpu.memory_space<vmem>>, vector<1x16xf32>,
    %swap3A_562 = arith.constant 11 : i32
    %swap3A_563 = arith.index_cast %swap3A_562 : i32 to index
    %swap3A_564 = arith.constant 64 : index
    %swap3A_565 = tpu.vector_load %arg8[%swap3A_563, %swap3A_564] {strides = array<i32>} : memref<16x128xf32, #tpu.memory_space<vmem>>, vector<1x16xf32>,
    %swap3A_566 = vector.shape_cast %swap3A_565 : vector<1x16xf32> to vector<16xf32>
    %swap3A_567 = vector.shape_cast %broadcast_in_dim3A_10 : vector<16xf32> to vector<1x16xf32>
    tpu.vector_store %arg8[%swap3A_563, %swap3A_564], %swap3A_567 {strides = array<i32>} : memref<16x128xf32, #tpu.memory_space<vmem>>, vector<1x16xf32>,
    %swap3A_568 = arith.constant 11 : i32
    %swap3A_569 = arith.index_cast %swap3A_568 : i32 to index
    %swap3A_570 = arith.constant 80 : index
    %swap3A_571 = tpu.vector_load %arg8[%swap3A_569, %swap3A_570] {strides = array<i32>} : memref<16x128xf32, #tpu.memory_space<vmem>>, vector<1x16xf32>,
    %swap3A_572 = vector.shape_cast %swap3A_571 : vector<1x16xf32> to vector<16xf32>
    %swap3A_573 = vector.shape_cast %broadcast_in_dim3A_10 : vector<16xf32> to vector<1x16xf32>
    tpu.vector_store %arg8[%swap3A_569, %swap3A_570], %swap3A_573 {strides = array<i32>} : memref<16x128xf32, #tpu.memory_space<vmem>>, vector<1x16xf32>,
    %swap3A_574 = arith.constant 11 : i32
    %swap3A_575 = arith.index_cast %swap3A_574 : i32 to index
    %swap3A_576 = arith.constant 96 : index
    %swap3A_577 = tpu.vector_load %arg8[%swap3A_575, %swap3A_576] {strides = array<i32>} : memref<16x128xf32, #tpu.memory_space<vmem>>, vector<1x16xf32>,
    %swap3A_578 = vector.shape_cast %swap3A_577 : vector<1x16xf32> to vector<16xf32>
    %swap3A_579 = vector.shape_cast %broadcast_in_dim3A_10 : vector<16xf32> to vector<1x16xf32>
    tpu.vector_store %arg8[%swap3A_575, %swap3A_576], %swap3A_579 {strides = array<i32>} : memref<16x128xf32, #tpu.memory_space<vmem>>, vector<1x16xf32>,
    %swap3A_580 = arith.constant 11 : i32
    %swap3A_581 = arith.index_cast %swap3A_580 : i32 to index
    %swap3A_582 = arith.constant 112 : index
    %swap3A_583 = tpu.vector_load %arg8[%swap3A_581, %swap3A_582] {strides = array<i32>} : memref<16x128xf32, #tpu.memory_space<vmem>>, vector<1x16xf32>,
    %swap3A_584 = vector.shape_cast %swap3A_583 : vector<1x16xf32> to vector<16xf32>
    %swap3A_585 = vector.shape_cast %broadcast_in_dim3A_10 : vector<16xf32> to vector<1x16xf32>
    tpu.vector_store %arg8[%swap3A_581, %swap3A_582], %swap3A_585 {strides = array<i32>} : memref<16x128xf32, #tpu.memory_space<vmem>>, vector<1x16xf32>,
    %swap3A_586 = arith.constant 12 : i32
    %swap3A_587 = arith.index_cast %swap3A_586 : i32 to index
    %swap3A_588 = arith.constant 0 : index
    %swap3A_589 = tpu.vector_load %arg8[%swap3A_587, %swap3A_588] {strides = array<i32>} : memref<16x128xf32, #tpu.memory_space<vmem>>, vector<1x16xf32>,
    %swap3A_590 = vector.shape_cast %swap3A_589 : vector<1x16xf32> to vector<16xf32>
    %swap3A_591 = vector.shape_cast %broadcast_in_dim3A_10 : vector<16xf32> to vector<1x16xf32>
    tpu.vector_store %arg8[%swap3A_587, %swap3A_588], %swap3A_591 {strides = array<i32>} : memref<16x128xf32, #tpu.memory_space<vmem>>, vector<1x16xf32>,
    %swap3A_592 = arith.constant 12 : i32
    %swap3A_593 = arith.index_cast %swap3A_592 : i32 to index
    %swap3A_594 = arith.constant 16 : index
    %swap3A_595 = tpu.vector_load %arg8[%swap3A_593, %swap3A_594] {strides = array<i32>} : memref<16x128xf32, #tpu.memory_space<vmem>>, vector<1x16xf32>,
    %swap3A_596 = vector.shape_cast %swap3A_595 : vector<1x16xf32> to vector<16xf32>
    %swap3A_597 = vector.shape_cast %broadcast_in_dim3A_10 : vector<16xf32> to vector<1x16xf32>
    tpu.vector_store %arg8[%swap3A_593, %swap3A_594], %swap3A_597 {strides = array<i32>} : memref<16x128xf32, #tpu.memory_space<vmem>>, vector<1x16xf32>,
    %swap3A_598 = arith.constant 12 : i32
    %swap3A_599 = arith.index_cast %swap3A_598 : i32 to index
    %swap3A_600 = arith.constant 32 : index
    %swap3A_601 = tpu.vector_load %arg8[%swap3A_599, %swap3A_600] {strides = array<i32>} : memref<16x128xf32, #tpu.memory_space<vmem>>, vector<1x16xf32>,
    %swap3A_602 = vector.shape_cast %swap3A_601 : vector<1x16xf32> to vector<16xf32>
    %swap3A_603 = vector.shape_cast %broadcast_in_dim3A_10 : vector<16xf32> to vector<1x16xf32>
    tpu.vector_store %arg8[%swap3A_599, %swap3A_600], %swap3A_603 {strides = array<i32>} : memref<16x128xf32, #tpu.memory_space<vmem>>, vector<1x16xf32>,
    %swap3A_604 = arith.constant 12 : i32
    %swap3A_605 = arith.index_cast %swap3A_604 : i32 to index
    %swap3A_606 = arith.constant 48 : index
    %swap3A_607 = tpu.vector_load %arg8[%swap3A_605, %swap3A_606] {strides = array<i32>} : memref<16x128xf32, #tpu.memory_space<vmem>>, vector<1x16xf32>,
    %swap3A_608 = vector.shape_cast %swap3A_607 : vector<1x16xf32> to vector<16xf32>
    %swap3A_609 = vector.shape_cast %broadcast_in_dim3A_10 : vector<16xf32> to vector<1x16xf32>
    tpu.vector_store %arg8[%swap3A_605, %swap3A_606], %swap3A_609 {strides = array<i32>} : memref<16x128xf32, #tpu.memory_space<vmem>>, vector<1x16xf32>,
    %swap3A_610 = arith.constant 12 : i32
    %swap3A_611 = arith.index_cast %swap3A_610 : i32 to index
    %swap3A_612 = arith.constant 64 : index
    %swap3A_613 = tpu.vector_load %arg8[%swap3A_611, %swap3A_612] {strides = array<i32>} : memref<16x128xf32, #tpu.memory_space<vmem>>, vector<1x16xf32>,
    %swap3A_614 = vector.shape_cast %swap3A_613 : vector<1x16xf32> to vector<16xf32>
    %swap3A_615 = vector.shape_cast %broadcast_in_dim3A_10 : vector<16xf32> to vector<1x16xf32>
    tpu.vector_store %arg8[%swap3A_611, %swap3A_612], %swap3A_615 {strides = array<i32>} : memref<16x128xf32, #tpu.memory_space<vmem>>, vector<1x16xf32>,
    %swap3A_616 = arith.constant 12 : i32
    %swap3A_617 = arith.index_cast %swap3A_616 : i32 to index
    %swap3A_618 = arith.constant 80 : index
    %swap3A_619 = tpu.vector_load %arg8[%swap3A_617, %swap3A_618] {strides = array<i32>} : memref<16x128xf32, #tpu.memory_space<vmem>>, vector<1x16xf32>,
    %swap3A_620 = vector.shape_cast %swap3A_619 : vector<1x16xf32> to vector<16xf32>
    %swap3A_621 = vector.shape_cast %broadcast_in_dim3A_10 : vector<16xf32> to vector<1x16xf32>
    tpu.vector_store %arg8[%swap3A_617, %swap3A_618], %swap3A_621 {strides = array<i32>} : memref<16x128xf32, #tpu.memory_space<vmem>>, vector<1x16xf32>,
    %swap3A_622 = arith.constant 12 : i32
    %swap3A_623 = arith.index_cast %swap3A_622 : i32 to index
    %swap3A_624 = arith.constant 96 : index
    %swap3A_625 = tpu.vector_load %arg8[%swap3A_623, %swap3A_624] {strides = array<i32>} : memref<16x128xf32, #tpu.memory_space<vmem>>, vector<1x16xf32>,
    %swap3A_626 = vector.shape_cast %swap3A_625 : vector<1x16xf32> to vector<16xf32>
    %swap3A_627 = vector.shape_cast %broadcast_in_dim3A_10 : vector<16xf32> to vector<1x16xf32>
    tpu.vector_store %arg8[%swap3A_623, %swap3A_624], %swap3A_627 {strides = array<i32>} : memref<16x128xf32, #tpu.memory_space<vmem>>, vector<1x16xf32>,
    %swap3A_628 = arith.constant 12 : i32
    %swap3A_629 = arith.index_cast %swap3A_628 : i32 to index
    %swap3A_630 = arith.constant 112 : index
    %swap3A_631 = tpu.vector_load %arg8[%swap3A_629, %swap3A_630] {strides = array<i32>} : memref<16x128xf32, #tpu.memory_space<vmem>>, vector<1x16xf32>,
    %swap3A_632 = vector.shape_cast %swap3A_631 : vector<1x16xf32> to vector<16xf32>
    %swap3A_633 = vector.shape_cast %broadcast_in_dim3A_10 : vector<16xf32> to vector<1x16xf32>
    tpu.vector_store %arg8[%swap3A_629, %swap3A_630], %swap3A_633 {strides = array<i32>} : memref<16x128xf32, #tpu.memory_space<vmem>>, vector<1x16xf32>,
    %swap3A_634 = arith.constant 13 : i32
    %swap3A_635 = arith.index_cast %swap3A_634 : i32 to index
    %swap3A_636 = arith.constant 0 : index
    %swap3A_637 = tpu.vector_load %arg8[%swap3A_635, %swap3A_636] {strides = array<i32>} : memref<16x128xf32, #tpu.memory_space<vmem>>, vector<1x16xf32>,
    %swap3A_638 = vector.shape_cast %swap3A_637 : vector<1x16xf32> to vector<16xf32>
    %swap3A_639 = vector.shape_cast %broadcast_in_dim3A_10 : vector<16xf32> to vector<1x16xf32>
    tpu.vector_store %arg8[%swap3A_635, %swap3A_636], %swap3A_639 {strides = array<i32>} : memref<16x128xf32, #tpu.memory_space<vmem>>, vector<1x16xf32>,
    %swap3A_640 = arith.constant 13 : i32
    %swap3A_641 = arith.index_cast %swap3A_640 : i32 to index
    %swap3A_642 = arith.constant 16 : index
    %swap3A_643 = tpu.vector_load %arg8[%swap3A_641, %swap3A_642] {strides = array<i32>} : memref<16x128xf32, #tpu.memory_space<vmem>>, vector<1x16xf32>,
    %swap3A_644 = vector.shape_cast %swap3A_643 : vector<1x16xf32> to vector<16xf32>
    %swap3A_645 = vector.shape_cast %broadcast_in_dim3A_10 : vector<16xf32> to vector<1x16xf32>
    tpu.vector_store %arg8[%swap3A_641, %swap3A_642], %swap3A_645 {strides = array<i32>} : memref<16x128xf32, #tpu.memory_space<vmem>>, vector<1x16xf32>,
    %swap3A_646 = arith.constant 13 : i32
    %swap3A_647 = arith.index_cast %swap3A_646 : i32 to index
    %swap3A_648 = arith.constant 32 : index
    %swap3A_649 = tpu.vector_load %arg8[%swap3A_647, %swap3A_648] {strides = array<i32>} : memref<16x128xf32, #tpu.memory_space<vmem>>, vector<1x16xf32>,
    %swap3A_650 = vector.shape_cast %swap3A_649 : vector<1x16xf32> to vector<16xf32>
    %swap3A_651 = vector.shape_cast %broadcast_in_dim3A_10 : vector<16xf32> to vector<1x16xf32>
    tpu.vector_store %arg8[%swap3A_647, %swap3A_648], %swap3A_651 {strides = array<i32>} : memref<16x128xf32, #tpu.memory_space<vmem>>, vector<1x16xf32>,
    %swap3A_652 = arith.constant 13 : i32
    %swap3A_653 = arith.index_cast %swap3A_652 : i32 to index
    %swap3A_654 = arith.constant 48 : index
    %swap3A_655 = tpu.vector_load %arg8[%swap3A_653, %swap3A_654] {strides = array<i32>} : memref<16x128xf32, #tpu.memory_space<vmem>>, vector<1x16xf32>,
    %swap3A_656 = vector.shape_cast %swap3A_655 : vector<1x16xf32> to vector<16xf32>
    %swap3A_657 = vector.shape_cast %broadcast_in_dim3A_10 : vector<16xf32> to vector<1x16xf32>
    tpu.vector_store %arg8[%swap3A_653, %swap3A_654], %swap3A_657 {strides = array<i32>} : memref<16x128xf32, #tpu.memory_space<vmem>>, vector<1x16xf32>,
    %swap3A_658 = arith.constant 13 : i32
    %swap3A_659 = arith.index_cast %swap3A_658 : i32 to index
    %swap3A_660 = arith.constant 64 : index
    %swap3A_661 = tpu.vector_load %arg8[%swap3A_659, %swap3A_660] {strides = array<i32>} : memref<16x128xf32, #tpu.memory_space<vmem>>, vector<1x16xf32>,
    %swap3A_662 = vector.shape_cast %swap3A_661 : vector<1x16xf32> to vector<16xf32>
    %swap3A_663 = vector.shape_cast %broadcast_in_dim3A_10 : vector<16xf32> to vector<1x16xf32>
    tpu.vector_store %arg8[%swap3A_659, %swap3A_660], %swap3A_663 {strides = array<i32>} : memref<16x128xf32, #tpu.memory_space<vmem>>, vector<1x16xf32>,
    %swap3A_664 = arith.constant 13 : i32
    %swap3A_665 = arith.index_cast %swap3A_664 : i32 to index
    %swap3A_666 = arith.constant 80 : index
    %swap3A_667 = tpu.vector_load %arg8[%swap3A_665, %swap3A_666] {strides = array<i32>} : memref<16x128xf32, #tpu.memory_space<vmem>>, vector<1x16xf32>,
    %swap3A_668 = vector.shape_cast %swap3A_667 : vector<1x16xf32> to vector<16xf32>
    %swap3A_669 = vector.shape_cast %broadcast_in_dim3A_10 : vector<16xf32> to vector<1x16xf32>
    tpu.vector_store %arg8[%swap3A_665, %swap3A_666], %swap3A_669 {strides = array<i32>} : memref<16x128xf32, #tpu.memory_space<vmem>>, vector<1x16xf32>,
    %swap3A_670 = arith.constant 13 : i32
    %swap3A_671 = arith.index_cast %swap3A_670 : i32 to index
    %swap3A_672 = arith.constant 96 : index
    %swap3A_673 = tpu.vector_load %arg8[%swap3A_671, %swap3A_672] {strides = array<i32>} : memref<16x128xf32, #tpu.memory_space<vmem>>, vector<1x16xf32>,
    %swap3A_674 = vector.shape_cast %swap3A_673 : vector<1x16xf32> to vector<16xf32>
    %swap3A_675 = vector.shape_cast %broadcast_in_dim3A_10 : vector<16xf32> to vector<1x16xf32>
    tpu.vector_store %arg8[%swap3A_671, %swap3A_672], %swap3A_675 {strides = array<i32>} : memref<16x128xf32, #tpu.memory_space<vmem>>, vector<1x16xf32>,
    %swap3A_676 = arith.constant 13 : i32
    %swap3A_677 = arith.index_cast %swap3A_676 : i32 to index
    %swap3A_678 = arith.constant 112 : index
    %swap3A_679 = tpu.vector_load %arg8[%swap3A_677, %swap3A_678] {strides = array<i32>} : memref<16x128xf32, #tpu.memory_space<vmem>>, vector<1x16xf32>,
    %swap3A_680 = vector.shape_cast %swap3A_679 : vector<1x16xf32> to vector<16xf32>
    %swap3A_681 = vector.shape_cast %broadcast_in_dim3A_10 : vector<16xf32> to vector<1x16xf32>
    tpu.vector_store %arg8[%swap3A_677, %swap3A_678], %swap3A_681 {strides = array<i32>} : memref<16x128xf32, #tpu.memory_space<vmem>>, vector<1x16xf32>,
    %swap3A_682 = arith.constant 14 : i32
    %swap3A_683 = arith.index_cast %swap3A_682 : i32 to index
    %swap3A_684 = arith.constant 0 : index
    %swap3A_685 = tpu.vector_load %arg8[%swap3A_683, %swap3A_684] {strides = array<i32>} : memref<16x128xf32, #tpu.memory_space<vmem>>, vector<1x16xf32>,
    %swap3A_686 = vector.shape_cast %swap3A_685 : vector<1x16xf32> to vector<16xf32>
    %swap3A_687 = vector.shape_cast %broadcast_in_dim3A_10 : vector<16xf32> to vector<1x16xf32>
    tpu.vector_store %arg8[%swap3A_683, %swap3A_684], %swap3A_687 {strides = array<i32>} : memref<16x128xf32, #tpu.memory_space<vmem>>, vector<1x16xf32>,
    %swap3A_688 = arith.constant 14 : i32
    %swap3A_689 = arith.index_cast %swap3A_688 : i32 to index
    %swap3A_690 = arith.constant 16 : index
    %swap3A_691 = tpu.vector_load %arg8[%swap3A_689, %swap3A_690] {strides = array<i32>} : memref<16x128xf32, #tpu.memory_space<vmem>>, vector<1x16xf32>,
    %swap3A_692 = vector.shape_cast %swap3A_691 : vector<1x16xf32> to vector<16xf32>
    %swap3A_693 = vector.shape_cast %broadcast_in_dim3A_10 : vector<16xf32> to vector<1x16xf32>
    tpu.vector_store %arg8[%swap3A_689, %swap3A_690], %swap3A_693 {strides = array<i32>} : memref<16x128xf32, #tpu.memory_space<vmem>>, vector<1x16xf32>,
    %swap3A_694 = arith.constant 14 : i32
    %swap3A_695 = arith.index_cast %swap3A_694 : i32 to index
    %swap3A_696 = arith.constant 32 : index
    %swap3A_697 = tpu.vector_load %arg8[%swap3A_695, %swap3A_696] {strides = array<i32>} : memref<16x128xf32, #tpu.memory_space<vmem>>, vector<1x16xf32>,
    %swap3A_698 = vector.shape_cast %swap3A_697 : vector<1x16xf32> to vector<16xf32>
    %swap3A_699 = vector.shape_cast %broadcast_in_dim3A_10 : vector<16xf32> to vector<1x16xf32>
    tpu.vector_store %arg8[%swap3A_695, %swap3A_696], %swap3A_699 {strides = array<i32>} : memref<16x128xf32, #tpu.memory_space<vmem>>, vector<1x16xf32>,
    %swap3A_700 = arith.constant 14 : i32
    %swap3A_701 = arith.index_cast %swap3A_700 : i32 to index
    %swap3A_702 = arith.constant 48 : index
    %swap3A_703 = tpu.vector_load %arg8[%swap3A_701, %swap3A_702] {strides = array<i32>} : memref<16x128xf32, #tpu.memory_space<vmem>>, vector<1x16xf32>,
    %swap3A_704 = vector.shape_cast %swap3A_703 : vector<1x16xf32> to vector<16xf32>
    %swap3A_705 = vector.shape_cast %broadcast_in_dim3A_10 : vector<16xf32> to vector<1x16xf32>
    tpu.vector_store %arg8[%swap3A_701, %swap3A_702], %swap3A_705 {strides = array<i32>} : memref<16x128xf32, #tpu.memory_space<vmem>>, vector<1x16xf32>,
    %swap3A_706 = arith.constant 14 : i32
    %swap3A_707 = arith.index_cast %swap3A_706 : i32 to index
    %swap3A_708 = arith.constant 64 : index
    %swap3A_709 = tpu.vector_load %arg8[%swap3A_707, %swap3A_708] {strides = array<i32>} : memref<16x128xf32, #tpu.memory_space<vmem>>, vector<1x16xf32>,
    %swap3A_710 = vector.shape_cast %swap3A_709 : vector<1x16xf32> to vector<16xf32>
    %swap3A_711 = vector.shape_cast %broadcast_in_dim3A_10 : vector<16xf32> to vector<1x16xf32>
    tpu.vector_store %arg8[%swap3A_707, %swap3A_708], %swap3A_711 {strides = array<i32>} : memref<16x128xf32, #tpu.memory_space<vmem>>, vector<1x16xf32>,
    %swap3A_712 = arith.constant 14 : i32
    %swap3A_713 = arith.index_cast %swap3A_712 : i32 to index
    %swap3A_714 = arith.constant 80 : index
    %swap3A_715 = tpu.vector_load %arg8[%swap3A_713, %swap3A_714] {strides = array<i32>} : memref<16x128xf32, #tpu.memory_space<vmem>>, vector<1x16xf32>,
    %swap3A_716 = vector.shape_cast %swap3A_715 : vector<1x16xf32> to vector<16xf32>
    %swap3A_717 = vector.shape_cast %broadcast_in_dim3A_10 : vector<16xf32> to vector<1x16xf32>
    tpu.vector_store %arg8[%swap3A_713, %swap3A_714], %swap3A_717 {strides = array<i32>} : memref<16x128xf32, #tpu.memory_space<vmem>>, vector<1x16xf32>,
    %swap3A_718 = arith.constant 14 : i32
    %swap3A_719 = arith.index_cast %swap3A_718 : i32 to index
    %swap3A_720 = arith.constant 96 : index
    %swap3A_721 = tpu.vector_load %arg8[%swap3A_719, %swap3A_720] {strides = array<i32>} : memref<16x128xf32, #tpu.memory_space<vmem>>, vector<1x16xf32>,
    %swap3A_722 = vector.shape_cast %swap3A_721 : vector<1x16xf32> to vector<16xf32>
    %swap3A_723 = vector.shape_cast %broadcast_in_dim3A_10 : vector<16xf32> to vector<1x16xf32>
    tpu.vector_store %arg8[%swap3A_719, %swap3A_720], %swap3A_723 {strides = array<i32>} : memref<16x128xf32, #tpu.memory_space<vmem>>, vector<1x16xf32>,
    %swap3A_724 = arith.constant 14 : i32
    %swap3A_725 = arith.index_cast %swap3A_724 : i32 to index
    %swap3A_726 = arith.constant 112 : index
    %swap3A_727 = tpu.vector_load %arg8[%swap3A_725, %swap3A_726] {strides = array<i32>} : memref<16x128xf32, #tpu.memory_space<vmem>>, vector<1x16xf32>,
    %swap3A_728 = vector.shape_cast %swap3A_727 : vector<1x16xf32> to vector<16xf32>
    %swap3A_729 = vector.shape_cast %broadcast_in_dim3A_10 : vector<16xf32> to vector<1x16xf32>
    tpu.vector_store %arg8[%swap3A_725, %swap3A_726], %swap3A_729 {strides = array<i32>} : memref<16x128xf32, #tpu.memory_space<vmem>>, vector<1x16xf32>,
    %swap3A_730 = arith.constant 15 : i32
    %swap3A_731 = arith.index_cast %swap3A_730 : i32 to index
    %swap3A_732 = arith.constant 0 : index
    %swap3A_733 = tpu.vector_load %arg8[%swap3A_731, %swap3A_732] {strides = array<i32>} : memref<16x128xf32, #tpu.memory_space<vmem>>, vector<1x16xf32>,
    %swap3A_734 = vector.shape_cast %swap3A_733 : vector<1x16xf32> to vector<16xf32>
    %swap3A_735 = vector.shape_cast %broadcast_in_dim3A_10 : vector<16xf32> to vector<1x16xf32>
    tpu.vector_store %arg8[%swap3A_731, %swap3A_732], %swap3A_735 {strides = array<i32>} : memref<16x128xf32, #tpu.memory_space<vmem>>, vector<1x16xf32>,
    %swap3A_736 = arith.constant 15 : i32
    %swap3A_737 = arith.index_cast %swap3A_736 : i32 to index
    %swap3A_738 = arith.constant 16 : index
    %swap3A_739 = tpu.vector_load %arg8[%swap3A_737, %swap3A_738] {strides = array<i32>} : memref<16x128xf32, #tpu.memory_space<vmem>>, vector<1x16xf32>,
    %swap3A_740 = vector.shape_cast %swap3A_739 : vector<1x16xf32> to vector<16xf32>
    %swap3A_741 = vector.shape_cast %broadcast_in_dim3A_10 : vector<16xf32> to vector<1x16xf32>
    tpu.vector_store %arg8[%swap3A_737, %swap3A_738], %swap3A_741 {strides = array<i32>} : memref<16x128xf32, #tpu.memory_space<vmem>>, vector<1x16xf32>,
    %swap3A_742 = arith.constant 15 : i32
    %swap3A_743 = arith.index_cast %swap3A_742 : i32 to index
    %swap3A_744 = arith.constant 32 : index
    %swap3A_745 = tpu.vector_load %arg8[%swap3A_743, %swap3A_744] {strides = array<i32>} : memref<16x128xf32, #tpu.memory_space<vmem>>, vector<1x16xf32>,
    %swap3A_746 = vector.shape_cast %swap3A_745 : vector<1x16xf32> to vector<16xf32>
    %swap3A_747 = vector.shape_cast %broadcast_in_dim3A_10 : vector<16xf32> to vector<1x16xf32>
    tpu.vector_store %arg8[%swap3A_743, %swap3A_744], %swap3A_747 {strides = array<i32>} : memref<16x128xf32, #tpu.memory_space<vmem>>, vector<1x16xf32>,
    %swap3A_748 = arith.constant 15 : i32
    %swap3A_749 = arith.index_cast %swap3A_748 : i32 to index
    %swap3A_750 = arith.constant 48 : index
    %swap3A_751 = tpu.vector_load %arg8[%swap3A_749, %swap3A_750] {strides = array<i32>} : memref<16x128xf32, #tpu.memory_space<vmem>>, vector<1x16xf32>,
    %swap3A_752 = vector.shape_cast %swap3A_751 : vector<1x16xf32> to vector<16xf32>
    %swap3A_753 = vector.shape_cast %broadcast_in_dim3A_10 : vector<16xf32> to vector<1x16xf32>
    tpu.vector_store %arg8[%swap3A_749, %swap3A_750], %swap3A_753 {strides = array<i32>} : memref<16x128xf32, #tpu.memory_space<vmem>>, vector<1x16xf32>,
    %swap3A_754 = arith.constant 15 : i32
    %swap3A_755 = arith.index_cast %swap3A_754 : i32 to index
    %swap3A_756 = arith.constant 64 : index
    %swap3A_757 = tpu.vector_load %arg8[%swap3A_755, %swap3A_756] {strides = array<i32>} : memref<16x128xf32, #tpu.memory_space<vmem>>, vector<1x16xf32>,
    %swap3A_758 = vector.shape_cast %swap3A_757 : vector<1x16xf32> to vector<16xf32>
    %swap3A_759 = vector.shape_cast %broadcast_in_dim3A_10 : vector<16xf32> to vector<1x16xf32>
    tpu.vector_store %arg8[%swap3A_755, %swap3A_756], %swap3A_759 {strides = array<i32>} : memref<16x128xf32, #tpu.memory_space<vmem>>, vector<1x16xf32>,
    %swap3A_760 = arith.constant 15 : i32
    %swap3A_761 = arith.index_cast %swap3A_760 : i32 to index
    %swap3A_762 = arith.constant 80 : index
    %swap3A_763 = tpu.vector_load %arg8[%swap3A_761, %swap3A_762] {strides = array<i32>} : memref<16x128xf32, #tpu.memory_space<vmem>>, vector<1x16xf32>,
    %swap3A_764 = vector.shape_cast %swap3A_763 : vector<1x16xf32> to vector<16xf32>
    %swap3A_765 = vector.shape_cast %broadcast_in_dim3A_10 : vector<16xf32> to vector<1x16xf32>
    tpu.vector_store %arg8[%swap3A_761, %swap3A_762], %swap3A_765 {strides = array<i32>} : memref<16x128xf32, #tpu.memory_space<vmem>>, vector<1x16xf32>,
    %swap3A_766 = arith.constant 15 : i32
    %swap3A_767 = arith.index_cast %swap3A_766 : i32 to index
    %swap3A_768 = arith.constant 96 : index
    %swap3A_769 = tpu.vector_load %arg8[%swap3A_767, %swap3A_768] {strides = array<i32>} : memref<16x128xf32, #tpu.memory_space<vmem>>, vector<1x16xf32>,
    %swap3A_770 = vector.shape_cast %swap3A_769 : vector<1x16xf32> to vector<16xf32>
    %swap3A_771 = vector.shape_cast %broadcast_in_dim3A_10 : vector<16xf32> to vector<1x16xf32>
    tpu.vector_store %arg8[%swap3A_767, %swap3A_768], %swap3A_771 {strides = array<i32>} : memref<16x128xf32, #tpu.memory_space<vmem>>, vector<1x16xf32>,
    %swap3A_772 = arith.constant 15 : i32
    %swap3A_773 = arith.index_cast %swap3A_772 : i32 to index
    %swap3A_774 = arith.constant 112 : index
    %swap3A_775 = tpu.vector_load %arg8[%swap3A_773, %swap3A_774] {strides = array<i32>} : memref<16x128xf32, #tpu.memory_space<vmem>>, vector<1x16xf32>,
    %swap3A_776 = vector.shape_cast %swap3A_775 : vector<1x16xf32> to vector<16xf32>
    %swap3A_777 = vector.shape_cast %broadcast_in_dim3A_10 : vector<16xf32> to vector<1x16xf32>
    tpu.vector_store %arg8[%swap3A_773, %swap3A_774], %swap3A_777 {strides = array<i32>} : memref<16x128xf32, #tpu.memory_space<vmem>>, vector<1x16xf32>,
    %scan3A = arith.constant 0 : i32
    %scan3A_778 = arith.constant 0 : i32
    %scan3A_779 = arith.constant 40 : i32
    %scan3A_780 = arith.addi %scan3A_778, %scan3A_779 : i32
    %scan3A_781 = arith.constant 1 : i32
    scf.for %scan3A_876 = %scan3A_778 to %scan3A_780 step %scan3A_781  : i32 {
      %mul3A_877 = arith.constant 640 : i32
      %mul3A_878 = arith.muli %arg1, %mul3A_877 : i32
      %mul3A_879 = arith.constant 16 : i32
      %mul3A_880 = arith.muli %scan3A_876, %mul3A_879 : i32
      %add3A_881 = arith.addi %mul3A_878, %mul3A_880 : i32
      %min3A_882 = arith.constant 9984 : i32
      %min3A_883 = arith.minsi %add3A_881, %min3A_882 : i32
      %multiple_of3A_884 = tpu.assume_multiple %min3A_883, 16 : i32
      %dma_start3A_885 = arith.constant 0 : i32
      %dma_start3A_886 = tpu.memref_slice %arg9[%multiple_of3A_884, %dma_start3A_885] : memref<10000x128xf32, #tpu.memory_space<vmem_shared>> -> memref<16x128xf32, #tpu.memory_space<vmem_shared>>
      %dma_start3A_887 = arith.constant 0 : i32
      %dma_start3A_888 = tpu.memref_slice %arg9[%multiple_of3A_884, %dma_start3A_887] : memref<10000x128xf32, #tpu.memory_space<vmem_shared>> -> memref<16x128xf32, #tpu.memory_space<vmem_shared>>
      tpu.enqueue_dma source(%arg8 : memref<16x128xf32, #tpu.memory_space<vmem>>) target(%dma_start3A_888 : memref<16x128xf32, #tpu.memory_space<vmem_shared>>) target_semaphore(%arg12 : memref<!tpu.dma_semaphore, #tpu.memory_space<semaphore_mem>>)
    }
    %scan3A_782 = arith.constant 40 : i32
    %add3A_783 = arith.constant 0 : i32
    %add3A_784 = arith.addi %add3A_9, %add3A_783 : i32
    %mul3A_785 = arith.constant 128 : i32
    %mul3A_786 = arith.muli %add3A_784, %mul3A_785 : i32
    %multiple_of3A = tpu.assume_multiple %mul3A_786, 128 : i32
    %dma_start3A = arith.constant 0 : i32
    %dma_start3A_787 = arith.constant 0 : i32
    %dma_start3A_788 = arith.constant 0 : i32
    %dma_start3A_789 = tpu.memref_slice %arg5[%dma_start3A, %dma_start3A_787, %dma_start3A_788] : memref<4x2x128xi32, #tpu.memory_space<vmem>> -> memref<1x2x128xi32, #tpu.memory_space<vmem>>
    %dma_start3A_790 = tpu.memref_squeeze %dma_start3A_789 : memref<1x2x128xi32, #tpu.memory_space<vmem>> -> memref<2x128xi32, #tpu.memory_space<vmem>>
    %dma_start3A_791 = arith.constant 0 : i32
    %dma_start3A_792 = tpu.memref_slice %arg3[%dma_start3A_791, %multiple_of3A] : memref<2x320000xi32, #tpu.memory_space<hbm>> -> memref<2x128xi32, #tpu.memory_space<hbm>>
    %dma_start3A_793 = arith.constant 0 : i32
    %dma_start3A_794 = arith.constant 0 : i32
    %dma_start3A_795 = tpu.memref_slice %arg5[%dma_start3A, %dma_start3A_793, %dma_start3A_794] : memref<4x2x128xi32, #tpu.memory_space<vmem>> -> memref<1x2x128xi32, #tpu.memory_space<vmem>>
    %dma_start3A_796 = tpu.memref_squeeze %dma_start3A_795 : memref<1x2x128xi32, #tpu.memory_space<vmem>> -> memref<2x128xi32, #tpu.memory_space<vmem>>
    %dma_start3A_797 = arith.constant 0 : i32
    %dma_start3A_798 = tpu.memref_slice %arg3[%dma_start3A_797, %multiple_of3A] : memref<2x320000xi32, #tpu.memory_space<hbm>> -> memref<2x128xi32, #tpu.memory_space<hbm>>
    tpu.enqueue_dma source(%dma_start3A_798 : memref<2x128xi32, #tpu.memory_space<hbm>>) target(%dma_start3A_796 : memref<2x128xi32, #tpu.memory_space<vmem>>) target_semaphore(%arg13 : memref<!tpu.dma_semaphore, #tpu.memory_space<semaphore_mem>>)
    %dma_wait3A = arith.constant 0 : i32
    %dma_wait3A_799 = arith.constant 0 : i32
    %dma_wait3A_800 = arith.constant 0 : i32
    %dma_wait3A_801 = tpu.memref_slice %arg5[%dma_wait3A, %dma_wait3A_799, %dma_wait3A_800] : memref<4x2x128xi32, #tpu.memory_space<vmem>> -> memref<1x2x128xi32, #tpu.memory_space<vmem>>
    %dma_wait3A_802 = tpu.memref_squeeze %dma_wait3A_801 : memref<1x2x128xi32, #tpu.memory_space<vmem>> -> memref<2x128xi32, #tpu.memory_space<vmem>>
    %dma_wait3A_803 = arith.constant 0 : i32
    %dma_wait3A_804 = arith.constant 0 : i32
    %dma_wait3A_805 = tpu.memref_slice %arg3[%dma_wait3A_803, %dma_wait3A_804] : memref<2x320000xi32, #tpu.memory_space<hbm>> -> memref<2x128xi32, #tpu.memory_space<hbm>>
    %dma_wait3A_806 = arith.constant 0 : i32
    %dma_wait3A_807 = arith.constant 0 : i32
    %dma_wait3A_808 = tpu.memref_slice %arg5[%dma_wait3A, %dma_wait3A_806, %dma_wait3A_807] : memref<4x2x128xi32, #tpu.memory_space<vmem>> -> memref<1x2x128xi32, #tpu.memory_space<vmem>>
    %dma_wait3A_809 = tpu.memref_squeeze %dma_wait3A_808 : memref<1x2x128xi32, #tpu.memory_space<vmem>> -> memref<2x128xi32, #tpu.memory_space<vmem>>
    %dma_wait3A_810 = arith.constant 0 : i32
    %dma_wait3A_811 = arith.constant 0 : i32
    %dma_wait3A_812 = tpu.memref_slice %arg3[%dma_wait3A_810, %dma_wait3A_811] : memref<2x320000xi32, #tpu.memory_space<hbm>> -> memref<2x128xi32, #tpu.memory_space<hbm>>
    tpu.wait_dma2 semaphore(%arg13 : memref<!tpu.dma_semaphore, #tpu.memory_space<semaphore_mem>>) src(%dma_wait3A_812 : memref<2x128xi32, #tpu.memory_space<hbm>>) dst(%dma_wait3A_809 : memref<2x128xi32, #tpu.memory_space<vmem>>)
    %add3A_813 = arith.constant 1 : i32
    %add3A_814 = arith.addi %add3A_9, %add3A_813 : i32
    %mul3A_815 = arith.constant 128 : i32
    %mul3A_816 = arith.muli %add3A_814, %mul3A_815 : i32
    %multiple_of3A_817 = tpu.assume_multiple %mul3A_816, 128 : i32
    %dma_start3A_818 = arith.constant 1 : i32
    %dma_start3A_819 = arith.constant 0 : i32
    %dma_start3A_820 = arith.constant 0 : i32
    %dma_start3A_821 = tpu.memref_slice %arg5[%dma_start3A_818, %dma_start3A_819, %dma_start3A_820] : memref<4x2x128xi32, #tpu.memory_space<vmem>> -> memref<1x2x128xi32, #tpu.memory_space<vmem>>
    %dma_start3A_822 = tpu.memref_squeeze %dma_start3A_821 : memref<1x2x128xi32, #tpu.memory_space<vmem>> -> memref<2x128xi32, #tpu.memory_space<vmem>>
    %dma_start3A_823 = arith.constant 0 : i32
    %dma_start3A_824 = tpu.memref_slice %arg3[%dma_start3A_823, %multiple_of3A_817] : memref<2x320000xi32, #tpu.memory_space<hbm>> -> memref<2x128xi32, #tpu.memory_space<hbm>>
    %dma_start3A_825 = arith.constant 0 : i32
    %dma_start3A_826 = arith.constant 0 : i32
    %dma_start3A_827 = tpu.memref_slice %arg5[%dma_start3A_818, %dma_start3A_825, %dma_start3A_826] : memref<4x2x128xi32, #tpu.memory_space<vmem>> -> memref<1x2x128xi32, #tpu.memory_space<vmem>>
    %dma_start3A_828 = tpu.memref_squeeze %dma_start3A_827 : memref<1x2x128xi32, #tpu.memory_space<vmem>> -> memref<2x128xi32, #tpu.memory_space<vmem>>
    %dma_start3A_829 = arith.constant 0 : i32
    %dma_start3A_830 = tpu.memref_slice %arg3[%dma_start3A_829, %multiple_of3A_817] : memref<2x320000xi32, #tpu.memory_space<hbm>> -> memref<2x128xi32, #tpu.memory_space<hbm>>
    tpu.enqueue_dma source(%dma_start3A_830 : memref<2x128xi32, #tpu.memory_space<hbm>>) target(%dma_start3A_828 : memref<2x128xi32, #tpu.memory_space<vmem>>) target_semaphore(%arg14 : memref<!tpu.dma_semaphore, #tpu.memory_space<semaphore_mem>>)
    %add3A_831 = arith.constant 2 : i32
    %add3A_832 = arith.addi %add3A_9, %add3A_831 : i32
    %mul3A_833 = arith.constant 128 : i32
    %mul3A_834 = arith.muli %add3A_832, %mul3A_833 : i32
    %multiple_of3A_835 = tpu.assume_multiple %mul3A_834, 128 : i32
    %dma_start3A_836 = arith.constant 2 : i32
    %dma_start3A_837 = arith.constant 0 : i32
    %dma_start3A_838 = arith.constant 0 : i32
    %dma_start3A_839 = tpu.memref_slice %arg5[%dma_start3A_836, %dma_start3A_837, %dma_start3A_838] : memref<4x2x128xi32, #tpu.memory_space<vmem>> -> memref<1x2x128xi32, #tpu.memory_space<vmem>>
    %dma_start3A_840 = tpu.memref_squeeze %dma_start3A_839 : memref<1x2x128xi32, #tpu.memory_space<vmem>> -> memref<2x128xi32, #tpu.memory_space<vmem>>
    %dma_start3A_841 = arith.constant 0 : i32
    %dma_start3A_842 = tpu.memref_slice %arg3[%dma_start3A_841, %multiple_of3A_835] : memref<2x320000xi32, #tpu.memory_space<hbm>> -> memref<2x128xi32, #tpu.memory_space<hbm>>
    %dma_start3A_843 = arith.constant 0 : i32
    %dma_start3A_844 = arith.constant 0 : i32
    %dma_start3A_845 = tpu.memref_slice %arg5[%dma_start3A_836, %dma_start3A_843, %dma_start3A_844] : memref<4x2x128xi32, #tpu.memory_space<vmem>> -> memref<1x2x128xi32, #tpu.memory_space<vmem>>
    %dma_start3A_846 = tpu.memref_squeeze %dma_start3A_845 : memref<1x2x128xi32, #tpu.memory_space<vmem>> -> memref<2x128xi32, #tpu.memory_space<vmem>>
    %dma_start3A_847 = arith.constant 0 : i32
    %dma_start3A_848 = tpu.memref_slice %arg3[%dma_start3A_847, %multiple_of3A_835] : memref<2x320000xi32, #tpu.memory_space<hbm>> -> memref<2x128xi32, #tpu.memory_space<hbm>>
    tpu.enqueue_dma source(%dma_start3A_848 : memref<2x128xi32, #tpu.memory_space<hbm>>) target(%dma_start3A_846 : memref<2x128xi32, #tpu.memory_space<vmem>>) target_semaphore(%arg13 : memref<!tpu.dma_semaphore, #tpu.memory_space<semaphore_mem>>)
    %dma_start3A_849 = arith.constant 0 : i32
    %dma_start3A_850 = arith.constant 0 : i32
    %dma_start3A_851 = arith.constant 0 : i32
    %dma_start3A_852 = tpu.memref_slice %arg5[%dma_start3A_849, %dma_start3A_850, %dma_start3A_851] : memref<4x2x128xi32, #tpu.memory_space<vmem>> -> memref<1x1x128xi32, #tpu.memory_space<vmem>>
    %dma_start3A_853 = tpu.memref_squeeze %dma_start3A_852 : memref<1x1x128xi32, #tpu.memory_space<vmem>> -> memref<128xi32, #tpu.memory_space<vmem>>
    %dma_start3A_854 = arith.constant 0 : i32
    %dma_start3A_855 = arith.constant 0 : i32
    %dma_start3A_856 = tpu.memref_slice %arg2[%dma_start3A_854, %dma_start3A_855] : memref<10000x128xf32, #tpu.memory_space<hbm>> -> memref<10000x128xf32, #tpu.memory_space<hbm>>
    tpu.enqueue_indirect_dma source(%dma_start3A_856 : memref<10000x128xf32, #tpu.memory_space<hbm>>) target(%arg6 : memref<128x128xf32, #tpu.memory_space<vmem>>) offsets(%dma_start3A_853 : memref<128xi32, #tpu.memory_space<vmem>>) semaphore(%arg10 : memref<!tpu.dma_semaphore, #tpu.memory_space<semaphore_mem>>)
    %scan3A_857 = arith.constant 0 : i32
    %scan3A_858 = arith.constant 0 : i32
    %scan3A_859 = arith.constant 40 : i32
    %scan3A_860 = arith.addi %scan3A_858, %scan3A_859 : i32
    %scan3A_861 = arith.constant 1 : i32
    scf.for %scan3A_876 = %scan3A_858 to %scan3A_860 step %scan3A_861  : i32 {
      %dma_wait3A_877 = arith.constant 0 : i32
      %dma_wait3A_878 = arith.constant 0 : i32
      %dma_wait3A_879 = tpu.memref_slice %arg9[%dma_wait3A_877, %dma_wait3A_878] : memref<10000x128xf32, #tpu.memory_space<vmem_shared>> -> memref<16x128xf32, #tpu.memory_space<vmem_shared>>
      %dma_wait3A_880 = arith.constant 0 : i32
      %dma_wait3A_881 = arith.constant 0 : i32
      %dma_wait3A_882 = tpu.memref_slice %arg9[%dma_wait3A_880, %dma_wait3A_881] : memref<10000x128xf32, #tpu.memory_space<vmem_shared>> -> memref<16x128xf32, #tpu.memory_space<vmem_shared>>
      tpu.wait_dma2 semaphore(%arg12 : memref<!tpu.dma_semaphore, #tpu.memory_space<semaphore_mem>>) src(%arg8 : memref<16x128xf32, #tpu.memory_space<vmem>>) dst(%dma_wait3A_882 : memref<16x128xf32, #tpu.memory_space<vmem_shared>>)
    }
    %scan3A_862 = arith.constant 40 : i32
    %barrier3A = arith.constant 0 : index
    tpu.barrier barrier_id(%barrier3A)
    %scan3A_863 = arith.constant 0 : i32
    %scan3A_864 = arith.constant 0 : i32
    %scan3A_865 = arith.constant 39 : i32
    %scan3A_866 = arith.addi %scan3A_864, %scan3A_865 : i32
    %scan3A_867 = arith.constant 1 : i32
    scf.for %scan3A_876 = %scan3A_864 to %scan3A_866 step %scan3A_867  : i32 {
      %mul3A_877 = arith.constant 2 : i32
      %mul3A_878 = arith.muli %mul3A_877, %scan3A_876 : i32
      %add3A_879 = arith.constant 1 : i32
      %add3A_880 = arith.addi %mul3A_878, %add3A_879 : i32
      %rem3A = arith.constant 4 : i32
      %rem3A_881 = arith.remsi %add3A_880, %rem3A : i32
      %add3A_882 = arith.constant 2 : i32
      %add3A_883 = arith.addi %mul3A_878, %add3A_882 : i32
      %rem3A_884 = arith.constant 4 : i32
      %rem3A_885 = arith.remsi %add3A_883, %rem3A_884 : i32
      %add3A_886 = arith.constant 3 : i32
      %add3A_887 = arith.addi %mul3A_878, %add3A_886 : i32
      %rem3A_888 = arith.constant 4 : i32
      %rem3A_889 = arith.remsi %add3A_887, %rem3A_888 : i32
      %rem3A_890 = arith.constant 4 : i32
      %rem3A_891 = arith.remsi %mul3A_878, %rem3A_890 : i32
      %dma_wait3A_892 = arith.constant 0 : i32
      %dma_wait3A_893 = arith.constant 0 : i32
      %dma_wait3A_894 = arith.constant 0 : i32
      %dma_wait3A_895 = tpu.memref_slice %arg5[%dma_wait3A_892, %dma_wait3A_893, %dma_wait3A_894] : memref<4x2x128xi32, #tpu.memory_space<vmem>> -> memref<1x2x128xi32, #tpu.memory_space<vmem>>
      %dma_wait3A_896 = tpu.memref_squeeze %dma_wait3A_895 : memref<1x2x128xi32, #tpu.memory_space<vmem>> -> memref<2x128xi32, #tpu.memory_space<vmem>>
      %dma_wait3A_897 = arith.constant 0 : i32
      %dma_wait3A_898 = arith.constant 0 : i32
      %dma_wait3A_899 = tpu.memref_slice %arg3[%dma_wait3A_897, %dma_wait3A_898] : memref<2x320000xi32, #tpu.memory_space<hbm>> -> memref<2x128xi32, #tpu.memory_space<hbm>>
      %dma_wait3A_900 = arith.constant 0 : i32
      %dma_wait3A_901 = arith.constant 0 : i32
      %dma_wait3A_902 = tpu.memref_slice %arg5[%dma_wait3A_892, %dma_wait3A_900, %dma_wait3A_901] : memref<4x2x128xi32, #tpu.memory_space<vmem>> -> memref<1x2x128xi32, #tpu.memory_space<vmem>>
      %dma_wait3A_903 = tpu.memref_squeeze %dma_wait3A_902 : memref<1x2x128xi32, #tpu.memory_space<vmem>> -> memref<2x128xi32, #tpu.memory_space<vmem>>
      %dma_wait3A_904 = arith.constant 0 : i32
      %dma_wait3A_905 = arith.constant 0 : i32
      %dma_wait3A_906 = tpu.memref_slice %arg3[%dma_wait3A_904, %dma_wait3A_905] : memref<2x320000xi32, #tpu.memory_space<hbm>> -> memref<2x128xi32, #tpu.memory_space<hbm>>
      tpu.wait_dma2 semaphore(%arg14 : memref<!tpu.dma_semaphore, #tpu.memory_space<semaphore_mem>>) src(%dma_wait3A_906 : memref<2x128xi32, #tpu.memory_space<hbm>>) dst(%dma_wait3A_903 : memref<2x128xi32, #tpu.memory_space<vmem>>)
      %dma_start3A_907 = arith.constant 0 : i32
      %dma_start3A_908 = arith.constant 0 : i32
      %dma_start3A_909 = tpu.memref_slice %arg5[%rem3A_881, %dma_start3A_907, %dma_start3A_908] : memref<4x2x128xi32, #tpu.memory_space<vmem>> -> memref<1x1x128xi32, #tpu.memory_space<vmem>>
      %dma_start3A_910 = tpu.memref_squeeze %dma_start3A_909 : memref<1x1x128xi32, #tpu.memory_space<vmem>> -> memref<128xi32, #tpu.memory_space<vmem>>
      %dma_start3A_911 = arith.constant 0 : i32
      %dma_start3A_912 = arith.constant 0 : i32
      %dma_start3A_913 = tpu.memref_slice %arg2[%dma_start3A_911, %dma_start3A_912] : memref<10000x128xf32, #tpu.memory_space<hbm>> -> memref<10000x128xf32, #tpu.memory_space<hbm>>
      tpu.enqueue_indirect_dma source(%dma_start3A_913 : memref<10000x128xf32, #tpu.memory_space<hbm>>) target(%arg7 : memref<128x128xf32, #tpu.memory_space<vmem>>) offsets(%dma_start3A_910 : memref<128xi32, #tpu.memory_space<vmem>>) semaphore(%arg11 : memref<!tpu.dma_semaphore, #tpu.memory_space<semaphore_mem>>)
      %add3A_914 = arith.constant 3 : i32
      %add3A_915 = arith.addi %mul3A_878, %add3A_914 : i32
      %lt3A = arith.cmpi slt, %add3A_915, %add3A_4 : i32
      %convert_element_type3A_916 = arith.extui %lt3A : i1 to i32
      %cond3A_917 = arith.constant 0 : i32
      %cond3A_918 = arith.cmpi ne, %convert_element_type3A_916, %cond3A_917 : i32
      scf.if %cond3A_918 {
        %add3A_948 = arith.constant 3 : i32
        %add3A_949 = arith.addi %mul3A_878, %add3A_948 : i32
        %add3A_950 = arith.addi %add3A_9, %add3A_949 : i32
        %mul3A_951 = arith.constant 128 : i32
        %mul3A_952 = arith.muli %add3A_950, %mul3A_951 : i32
        %multiple_of3A_953 = tpu.assume_multiple %mul3A_952, 128 : i32
        %dma_start3A_954 = arith.constant 0 : i32
        %dma_start3A_955 = arith.constant 0 : i32
        %dma_start3A_956 = tpu.memref_slice %arg5[%rem3A_889, %dma_start3A_954, %dma_start3A_955] : memref<4x2x128xi32, #tpu.memory_space<vmem>> -> memref<1x2x128xi32, #tpu.memory_space<vmem>>
        %dma_start3A_957 = tpu.memref_squeeze %dma_start3A_956 : memref<1x2x128xi32, #tpu.memory_space<vmem>> -> memref<2x128xi32, #tpu.memory_space<vmem>>
        %dma_start3A_958 = arith.constant 0 : i32
        %dma_start3A_959 = tpu.memref_slice %arg3[%dma_start3A_958, %multiple_of3A_953] : memref<2x320000xi32, #tpu.memory_space<hbm>> -> memref<2x128xi32, #tpu.memory_space<hbm>>
        %dma_start3A_960 = arith.constant 0 : i32
        %dma_start3A_961 = arith.constant 0 : i32
        %dma_start3A_962 = tpu.memref_slice %arg5[%rem3A_889, %dma_start3A_960, %dma_start3A_961] : memref<4x2x128xi32, #tpu.memory_space<vmem>> -> memref<1x2x128xi32, #tpu.memory_space<vmem>>
        %dma_start3A_963 = tpu.memref_squeeze %dma_start3A_962 : memref<1x2x128xi32, #tpu.memory_space<vmem>> -> memref<2x128xi32, #tpu.memory_space<vmem>>
        %dma_start3A_964 = arith.constant 0 : i32
        %dma_start3A_965 = tpu.memref_slice %arg3[%dma_start3A_964, %multiple_of3A_953] : memref<2x320000xi32, #tpu.memory_space<hbm>> -> memref<2x128xi32, #tpu.memory_space<hbm>>
        tpu.enqueue_dma source(%dma_start3A_965 : memref<2x128xi32, #tpu.memory_space<hbm>>) target(%dma_start3A_963 : memref<2x128xi32, #tpu.memory_space<vmem>>) target_semaphore(%arg14 : memref<!tpu.dma_semaphore, #tpu.memory_space<semaphore_mem>>)
      } else {
      }
      %dma_wait3A_919 = arith.constant 0 : i32
      %dma_wait3A_920 = arith.constant 0 : i32
      %dma_wait3A_921 = arith.constant 0 : i32
      %dma_wait3A_922 = tpu.memref_slice %arg5[%dma_wait3A_919, %dma_wait3A_920, %dma_wait3A_921] : memref<4x2x128xi32, #tpu.memory_space<vmem>> -> memref<1x1x128xi32, #tpu.memory_space<vmem>>
      %dma_wait3A_923 = tpu.memref_squeeze %dma_wait3A_922 : memref<1x1x128xi32, #tpu.memory_space<vmem>> -> memref<128xi32, #tpu.memory_space<vmem>>
      %dma_wait3A_924 = arith.constant 0 : i32
      %dma_wait3A_925 = arith.constant 0 : i32
      %dma_wait3A_926 = tpu.memref_slice %arg2[%dma_wait3A_924, %dma_wait3A_925] : memref<10000x128xf32, #tpu.memory_space<hbm>> -> memref<10000x128xf32, #tpu.memory_space<hbm>>
      tpu.wait_indirect_dma semaphore(%arg10 : memref<!tpu.dma_semaphore, #tpu.memory_space<semaphore_mem>>) src(%dma_wait3A_926 : memref<10000x128xf32, #tpu.memory_space<hbm>>) dst(%arg6 : memref<128x128xf32, #tpu.memory_space<vmem>>)
      %run_scoped3A = arith.constant 1 : i32
      "tpu.region"() ({
        %run_scoped3A_948 = tpu.sem_alloc : memref<!tpu.dma_semaphore, #tpu.memory_space<semaphore_mem>>
        %dma_start3A_949 = arith.constant 0 : i32
        %dma_start3A_950 = tpu.memref_slice %arg5[%rem3A_891, %run_scoped3A, %dma_start3A_949] : memref<4x2x128xi32, #tpu.memory_space<vmem>> -> memref<1x1x128xi32, #tpu.memory_space<vmem>>
        %dma_start3A_951 = tpu.memref_squeeze %dma_start3A_950 : memref<1x1x128xi32, #tpu.memory_space<vmem>> -> memref<128xi32, #tpu.memory_space<vmem>>
        %dma_start3A_952 = arith.constant 0 : i32
        %dma_start3A_953 = arith.constant 0 : i32
        %dma_start3A_954 = tpu.memref_slice %arg9[%dma_start3A_952, %dma_start3A_953] : memref<10000x128xf32, #tpu.memory_space<vmem_shared>> -> memref<10000x128xf32, #tpu.memory_space<vmem_shared>>
        tpu.enqueue_indirect_dma source(%arg6 : memref<128x128xf32, #tpu.memory_space<vmem>>) target(%dma_start3A_954 : memref<10000x128xf32, #tpu.memory_space<vmem_shared>>) offsets(%dma_start3A_951 : memref<128xi32, #tpu.memory_space<vmem>>) semaphore(%run_scoped3A_948 : memref<!tpu.dma_semaphore, #tpu.memory_space<semaphore_mem>>) {add = true}
        %dma_wait3A_955 = arith.constant 0 : i32
        %dma_wait3A_956 = tpu.memref_slice %arg5[%rem3A_891, %run_scoped3A, %dma_wait3A_955] : memref<4x2x128xi32, #tpu.memory_space<vmem>> -> memref<1x1x128xi32, #tpu.memory_space<vmem>>
        %dma_wait3A_957 = tpu.memref_squeeze %dma_wait3A_956 : memref<1x1x128xi32, #tpu.memory_space<vmem>> -> memref<128xi32, #tpu.memory_space<vmem>>
        %dma_wait3A_958 = arith.constant 0 : i32
        %dma_wait3A_959 = arith.constant 0 : i32
        %dma_wait3A_960 = tpu.memref_slice %arg9[%dma_wait3A_958, %dma_wait3A_959] : memref<10000x128xf32, #tpu.memory_space<vmem_shared>> -> memref<10000x128xf32, #tpu.memory_space<vmem_shared>>
        tpu.wait_indirect_dma semaphore(%run_scoped3A_948 : memref<!tpu.dma_semaphore, #tpu.memory_space<semaphore_mem>>) src(%arg6 : memref<128x128xf32, #tpu.memory_space<vmem>>) dst(%dma_wait3A_960 : memref<10000x128xf32, #tpu.memory_space<vmem_shared>>)
        tpu.yield
      }) : () -> ()
      %add3A_927 = arith.constant 2 : i32
      %add3A_928 = arith.addi %mul3A_878, %add3A_927 : i32
      %lt3A_929 = arith.cmpi slt, %add3A_928, %add3A_4 : i32
      %convert_element_type3A_930 = arith.extui %lt3A_929 : i1 to i32
      %cond3A_931 = arith.constant 0 : i32
      %cond3A_932 = arith.cmpi ne, %convert_element_type3A_930, %cond3A_931 : i32
      scf.if %cond3A_932 {
        %dma_wait3A_948 = arith.constant 0 : i32
        %dma_wait3A_949 = arith.constant 0 : i32
        %dma_wait3A_950 = arith.constant 0 : i32
        %dma_wait3A_951 = tpu.memref_slice %arg5[%dma_wait3A_948, %dma_wait3A_949, %dma_wait3A_950] : memref<4x2x128xi32, #tpu.memory_space<vmem>> -> memref<1x2x128xi32, #tpu.memory_space<vmem>>
        %dma_wait3A_952 = tpu.memref_squeeze %dma_wait3A_951 : memref<1x2x128xi32, #tpu.memory_space<vmem>> -> memref<2x128xi32, #tpu.memory_space<vmem>>
        %dma_wait3A_953 = arith.constant 0 : i32
        %dma_wait3A_954 = arith.constant 0 : i32
        %dma_wait3A_955 = tpu.memref_slice %arg3[%dma_wait3A_953, %dma_wait3A_954] : memref<2x320000xi32, #tpu.memory_space<hbm>> -> memref<2x128xi32, #tpu.memory_space<hbm>>
        %dma_wait3A_956 = arith.constant 0 : i32
        %dma_wait3A_957 = arith.constant 0 : i32
        %dma_wait3A_958 = tpu.memref_slice %arg5[%dma_wait3A_948, %dma_wait3A_956, %dma_wait3A_957] : memref<4x2x128xi32, #tpu.memory_space<vmem>> -> memref<1x2x128xi32, #tpu.memory_space<vmem>>
        %dma_wait3A_959 = tpu.memref_squeeze %dma_wait3A_958 : memref<1x2x128xi32, #tpu.memory_space<vmem>> -> memref<2x128xi32, #tpu.memory_space<vmem>>
        %dma_wait3A_960 = arith.constant 0 : i32
        %dma_wait3A_961 = arith.constant 0 : i32
        %dma_wait3A_962 = tpu.memref_slice %arg3[%dma_wait3A_960, %dma_wait3A_961] : memref<2x320000xi32, #tpu.memory_space<hbm>> -> memref<2x128xi32, #tpu.memory_space<hbm>>
        tpu.wait_dma2 semaphore(%arg13 : memref<!tpu.dma_semaphore, #tpu.memory_space<semaphore_mem>>) src(%dma_wait3A_962 : memref<2x128xi32, #tpu.memory_space<hbm>>) dst(%dma_wait3A_959 : memref<2x128xi32, #tpu.memory_space<vmem>>)
        %dma_start3A_963 = arith.constant 0 : i32
        %dma_start3A_964 = arith.constant 0 : i32
        %dma_start3A_965 = tpu.memref_slice %arg5[%rem3A_885, %dma_start3A_963, %dma_start3A_964] : memref<4x2x128xi32, #tpu.memory_space<vmem>> -> memref<1x1x128xi32, #tpu.memory_space<vmem>>
        %dma_start3A_966 = tpu.memref_squeeze %dma_start3A_965 : memref<1x1x128xi32, #tpu.memory_space<vmem>> -> memref<128xi32, #tpu.memory_space<vmem>>
        %dma_start3A_967 = arith.constant 0 : i32
        %dma_start3A_968 = arith.constant 0 : i32
        %dma_start3A_969 = tpu.memref_slice %arg2[%dma_start3A_967, %dma_start3A_968] : memref<10000x128xf32, #tpu.memory_space<hbm>> -> memref<10000x128xf32, #tpu.memory_space<hbm>>
        tpu.enqueue_indirect_dma source(%dma_start3A_969 : memref<10000x128xf32, #tpu.memory_space<hbm>>) target(%arg6 : memref<128x128xf32, #tpu.memory_space<vmem>>) offsets(%dma_start3A_966 : memref<128xi32, #tpu.memory_space<vmem>>) semaphore(%arg10 : memref<!tpu.dma_semaphore, #tpu.memory_space<semaphore_mem>>)
      } else {
      }
      %add3A_933 = arith.constant 4 : i32
      %add3A_934 = arith.addi %mul3A_878, %add3A_933 : i32
      %lt3A_935 = arith.cmpi slt, %add3A_934, %add3A_4 : i32
      %convert_element_type3A_936 = arith.extui %lt3A_935 : i1 to i32
      %cond3A_937 = arith.constant 0 : i32
      %cond3A_938 = arith.cmpi ne, %convert_element_type3A_936, %cond3A_937 : i32
      scf.if %cond3A_938 {
        %add3A_948 = arith.constant 4 : i32
        %add3A_949 = arith.addi %mul3A_878, %add3A_948 : i32
        %add3A_950 = arith.addi %add3A_9, %add3A_949 : i32
        %mul3A_951 = arith.constant 128 : i32
        %mul3A_952 = arith.muli %add3A_950, %mul3A_951 : i32
        %multiple_of3A_953 = tpu.assume_multiple %mul3A_952, 128 : i32
        %dma_start3A_954 = arith.constant 0 : i32
        %dma_start3A_955 = arith.constant 0 : i32
        %dma_start3A_956 = tpu.memref_slice %arg5[%rem3A_891, %dma_start3A_954, %dma_start3A_955] : memref<4x2x128xi32, #tpu.memory_space<vmem>> -> memref<1x2x128xi32, #tpu.memory_space<vmem>>
        %dma_start3A_957 = tpu.memref_squeeze %dma_start3A_956 : memref<1x2x128xi32, #tpu.memory_space<vmem>> -> memref<2x128xi32, #tpu.memory_space<vmem>>
        %dma_start3A_958 = arith.constant 0 : i32
        %dma_start3A_959 = tpu.memref_slice %arg3[%dma_start3A_958, %multiple_of3A_953] : memref<2x320000xi32, #tpu.memory_space<hbm>> -> memref<2x128xi32, #tpu.memory_space<hbm>>
        %dma_start3A_960 = arith.constant 0 : i32
        %dma_start3A_961 = arith.constant 0 : i32
        %dma_start3A_962 = tpu.memref_slice %arg5[%rem3A_891, %dma_start3A_960, %dma_start3A_961] : memref<4x2x128xi32, #tpu.memory_space<vmem>> -> memref<1x2x128xi32, #tpu.memory_space<vmem>>
        %dma_start3A_963 = tpu.memref_squeeze %dma_start3A_962 : memref<1x2x128xi32, #tpu.memory_space<vmem>> -> memref<2x128xi32, #tpu.memory_space<vmem>>
        %dma_start3A_964 = arith.constant 0 : i32
        %dma_start3A_965 = tpu.memref_slice %arg3[%dma_start3A_964, %multiple_of3A_953] : memref<2x320000xi32, #tpu.memory_space<hbm>> -> memref<2x128xi32, #tpu.memory_space<hbm>>
        tpu.enqueue_dma source(%dma_start3A_965 : memref<2x128xi32, #tpu.memory_space<hbm>>) target(%dma_start3A_963 : memref<2x128xi32, #tpu.memory_space<vmem>>) target_semaphore(%arg13 : memref<!tpu.dma_semaphore, #tpu.memory_space<semaphore_mem>>)
      } else {
      }
      %dma_wait3A_939 = arith.constant 0 : i32
      %dma_wait3A_940 = arith.constant 0 : i32
      %dma_wait3A_941 = arith.constant 0 : i32
      %dma_wait3A_942 = tpu.memref_slice %arg5[%dma_wait3A_939, %dma_wait3A_940, %dma_wait3A_941] : memref<4x2x128xi32, #tpu.memory_space<vmem>> -> memref<1x1x128xi32, #tpu.memory_space<vmem>>
      %dma_wait3A_943 = tpu.memref_squeeze %dma_wait3A_942 : memref<1x1x128xi32, #tpu.memory_space<vmem>> -> memref<128xi32, #tpu.memory_space<vmem>>
      %dma_wait3A_944 = arith.constant 0 : i32
      %dma_wait3A_945 = arith.constant 0 : i32
      %dma_wait3A_946 = tpu.memref_slice %arg2[%dma_wait3A_944, %dma_wait3A_945] : memref<10000x128xf32, #tpu.memory_space<hbm>> -> memref<10000x128xf32, #tpu.memory_space<hbm>>
      tpu.wait_indirect_dma semaphore(%arg11 : memref<!tpu.dma_semaphore, #tpu.memory_space<semaphore_mem>>) src(%dma_wait3A_946 : memref<10000x128xf32, #tpu.memory_space<hbm>>) dst(%arg7 : memref<128x128xf32, #tpu.memory_space<vmem>>)
      %run_scoped3A_947 = arith.constant 1 : i32
      "tpu.region"() ({
        %run_scoped3A_948 = tpu.sem_alloc : memref<!tpu.dma_semaphore, #tpu.memory_space<semaphore_mem>>
        %dma_start3A_949 = arith.constant 0 : i32
        %dma_start3A_950 = tpu.memref_slice %arg5[%rem3A_881, %run_scoped3A_947, %dma_start3A_949] : memref<4x2x128xi32, #tpu.memory_space<vmem>> -> memref<1x1x128xi32, #tpu.memory_space<vmem>>
        %dma_start3A_951 = tpu.memref_squeeze %dma_start3A_950 : memref<1x1x128xi32, #tpu.memory_space<vmem>> -> memref<128xi32, #tpu.memory_space<vmem>>
        %dma_start3A_952 = arith.constant 0 : i32
        %dma_start3A_953 = arith.constant 0 : i32
        %dma_start3A_954 = tpu.memref_slice %arg9[%dma_start3A_952, %dma_start3A_953] : memref<10000x128xf32, #tpu.memory_space<vmem_shared>> -> memref<10000x128xf32, #tpu.memory_space<vmem_shared>>
        tpu.enqueue_indirect_dma source(%arg7 : memref<128x128xf32, #tpu.memory_space<vmem>>) target(%dma_start3A_954 : memref<10000x128xf32, #tpu.memory_space<vmem_shared>>) offsets(%dma_start3A_951 : memref<128xi32, #tpu.memory_space<vmem>>) semaphore(%run_scoped3A_948 : memref<!tpu.dma_semaphore, #tpu.memory_space<semaphore_mem>>) {add = true}
        %dma_wait3A_955 = arith.constant 0 : i32
        %dma_wait3A_956 = tpu.memref_slice %arg5[%rem3A_881, %run_scoped3A_947, %dma_wait3A_955] : memref<4x2x128xi32, #tpu.memory_space<vmem>> -> memref<1x1x128xi32, #tpu.memory_space<vmem>>
        %dma_wait3A_957 = tpu.memref_squeeze %dma_wait3A_956 : memref<1x1x128xi32, #tpu.memory_space<vmem>> -> memref<128xi32, #tpu.memory_space<vmem>>
        %dma_wait3A_958 = arith.constant 0 : i32
        %dma_wait3A_959 = arith.constant 0 : i32
        %dma_wait3A_960 = tpu.memref_slice %arg9[%dma_wait3A_958, %dma_wait3A_959] : memref<10000x128xf32, #tpu.memory_space<vmem_shared>> -> memref<10000x128xf32, #tpu.memory_space<vmem_shared>>
        tpu.wait_indirect_dma semaphore(%run_scoped3A_948 : memref<!tpu.dma_semaphore, #tpu.memory_space<semaphore_mem>>) src(%arg7 : memref<128x128xf32, #tpu.memory_space<vmem>>) dst(%dma_wait3A_960 : memref<10000x128xf32, #tpu.memory_space<vmem_shared>>)
        tpu.yield
      }) : () -> ()
    }
    %scan3A_868 = arith.constant 39 : i32
    %gt3A = arith.constant 78 : i32
    %gt3A_869 = arith.cmpi sgt, %add3A_4, %gt3A : i32
    %convert_element_type3A = arith.extui %gt3A_869 : i1 to i32
    %cond3A = arith.constant 0 : i32
    %cond3A_870 = arith.cmpi ne, %convert_element_type3A, %cond3A : i32
    scf.if %cond3A_870 {
      %dma_wait3A_876 = arith.constant 0 : i32
      %dma_wait3A_877 = arith.constant 0 : i32
      %dma_wait3A_878 = arith.constant 0 : i32
      %dma_wait3A_879 = tpu.memref_slice %arg5[%dma_wait3A_876, %dma_wait3A_877, %dma_wait3A_878] : memref<4x2x128xi32, #tpu.memory_space<vmem>> -> memref<1x1x128xi32, #tpu.memory_space<vmem>>
      %dma_wait3A_880 = tpu.memref_squeeze %dma_wait3A_879 : memref<1x1x128xi32, #tpu.memory_space<vmem>> -> memref<128xi32, #tpu.memory_space<vmem>>
      %dma_wait3A_881 = arith.constant 0 : i32
      %dma_wait3A_882 = arith.constant 0 : i32
      %dma_wait3A_883 = tpu.memref_slice %arg2[%dma_wait3A_881, %dma_wait3A_882] : memref<10000x128xf32, #tpu.memory_space<hbm>> -> memref<10000x128xf32, #tpu.memory_space<hbm>>
      tpu.wait_indirect_dma semaphore(%arg10 : memref<!tpu.dma_semaphore, #tpu.memory_space<semaphore_mem>>) src(%dma_wait3A_883 : memref<10000x128xf32, #tpu.memory_space<hbm>>) dst(%arg6 : memref<128x128xf32, #tpu.memory_space<vmem>>)
      %rem3A = arith.constant 78 : i32
      %rem3A_884 = arith.constant 4 : i32
      %rem3A_885 = arith.remsi %rem3A, %rem3A_884 : i32
      %run_scoped3A = arith.constant 1 : i32
      "tpu.region"() ({
        %run_scoped3A_886 = tpu.sem_alloc : memref<!tpu.dma_semaphore, #tpu.memory_space<semaphore_mem>>
        %dma_start3A_887 = arith.constant 0 : i32
        %dma_start3A_888 = tpu.memref_slice %arg5[%rem3A_885, %run_scoped3A, %dma_start3A_887] : memref<4x2x128xi32, #tpu.memory_space<vmem>> -> memref<1x1x128xi32, #tpu.memory_space<vmem>>
        %dma_start3A_889 = tpu.memref_squeeze %dma_start3A_888 : memref<1x1x128xi32, #tpu.memory_space<vmem>> -> memref<128xi32, #tpu.memory_space<vmem>>
        %dma_start3A_890 = arith.constant 0 : i32
        %dma_start3A_891 = arith.constant 0 : i32
        %dma_start3A_892 = tpu.memref_slice %arg9[%dma_start3A_890, %dma_start3A_891] : memref<10000x128xf32, #tpu.memory_space<vmem_shared>> -> memref<10000x128xf32, #tpu.memory_space<vmem_shared>>
        tpu.enqueue_indirect_dma source(%arg6 : memref<128x128xf32, #tpu.memory_space<vmem>>) target(%dma_start3A_892 : memref<10000x128xf32, #tpu.memory_space<vmem_shared>>) offsets(%dma_start3A_889 : memref<128xi32, #tpu.memory_space<vmem>>) semaphore(%run_scoped3A_886 : memref<!tpu.dma_semaphore, #tpu.memory_space<semaphore_mem>>) {add = true}
        %dma_wait3A_893 = arith.constant 0 : i32
        %dma_wait3A_894 = tpu.memref_slice %arg5[%rem3A_885, %run_scoped3A, %dma_wait3A_893] : memref<4x2x128xi32, #tpu.memory_space<vmem>> -> memref<1x1x128xi32, #tpu.memory_space<vmem>>
        %dma_wait3A_895 = tpu.memref_squeeze %dma_wait3A_894 : memref<1x1x128xi32, #tpu.memory_space<vmem>> -> memref<128xi32, #tpu.memory_space<vmem>>
        %dma_wait3A_896 = arith.constant 0 : i32
        %dma_wait3A_897 = arith.constant 0 : i32
        %dma_wait3A_898 = tpu.memref_slice %arg9[%dma_wait3A_896, %dma_wait3A_897] : memref<10000x128xf32, #tpu.memory_space<vmem_shared>> -> memref<10000x128xf32, #tpu.memory_space<vmem_shared>>
        tpu.wait_indirect_dma semaphore(%run_scoped3A_886 : memref<!tpu.dma_semaphore, #tpu.memory_space<semaphore_mem>>) src(%arg6 : memref<128x128xf32, #tpu.memory_space<vmem>>) dst(%dma_wait3A_898 : memref<10000x128xf32, #tpu.memory_space<vmem_shared>>)
        tpu.yield
      }) : () -> ()
    } else {
    }
    %barrier3A_871 = arith.constant 0 : index
    tpu.barrier barrier_id(%barrier3A_871)
    %mul3A_872 = arith.constant 640 : i32
    %mul3A_873 = arith.muli %arg1, %mul3A_872 : i32
    %min3A = arith.constant 9360 : i32
    %min3A_874 = arith.minsi %mul3A_873, %min3A : i32
    %multiple_of3A_875 = tpu.assume_multiple %min3A_874, 16 : i32
    "tpu.region"() ({
      %run_scoped3A = tpu.sem_alloc : memref<!tpu.dma_semaphore, #tpu.memory_space<semaphore_mem>>
      %dma_start3A_876 = arith.constant 0 : i32
      %dma_start3A_877 = tpu.memref_slice %arg4[%arg0, %multiple_of3A_875, %dma_start3A_876] : memref<2x10000x128xf32, #tpu.memory_space<hbm>> -> memref<1x640x128xf32, #tpu.memory_space<hbm>>
      %dma_start3A_878 = tpu.memref_squeeze %dma_start3A_877 : memref<1x640x128xf32, #tpu.memory_space<hbm>> -> memref<640x128xf32, #tpu.memory_space<hbm>>
      %dma_start3A_879 = arith.constant 0 : i32
      %dma_start3A_880 = tpu.memref_slice %arg9[%multiple_of3A_875, %dma_start3A_879] : memref<10000x128xf32, #tpu.memory_space<vmem_shared>> -> memref<640x128xf32, #tpu.memory_space<vmem_shared>>
      tpu.enqueue_dma source(%dma_start3A_880 : memref<640x128xf32, #tpu.memory_space<vmem_shared>>) target(%dma_start3A_878 : memref<640x128xf32, #tpu.memory_space<hbm>>) target_semaphore(%run_scoped3A : memref<!tpu.dma_semaphore, #tpu.memory_space<semaphore_mem>>)
      %dma_wait3A_881 = arith.constant 0 : i32
      %dma_wait3A_882 = tpu.memref_slice %arg4[%arg0, %multiple_of3A_875, %dma_wait3A_881] : memref<2x10000x128xf32, #tpu.memory_space<hbm>> -> memref<1x640x128xf32, #tpu.memory_space<hbm>>
      %dma_wait3A_883 = tpu.memref_squeeze %dma_wait3A_882 : memref<1x640x128xf32, #tpu.memory_space<hbm>> -> memref<640x128xf32, #tpu.memory_space<hbm>>
      %dma_wait3A_884 = arith.constant 0 : i32
      %dma_wait3A_885 = tpu.memref_slice %arg9[%multiple_of3A_875, %dma_wait3A_884] : memref<10000x128xf32, #tpu.memory_space<vmem_shared>> -> memref<640x128xf32, #tpu.memory_space<vmem_shared>>
      tpu.wait_dma2 semaphore(%run_scoped3A : memref<!tpu.dma_semaphore, #tpu.memory_space<semaphore_mem>>) src(%dma_wait3A_885 : memref<640x128xf32, #tpu.memory_space<vmem_shared>>) dst(%dma_wait3A_883 : memref<640x128xf32, #tpu.memory_space<hbm>>)
      tpu.yield
    }) : () -> ()
    return
  }
}

module attributes {stable_mosaic.version = 14 : i64} {
  func.func @_final_body(%arg0: memref<10000x128xf32, #tpu.memory_space<vmem>>, %arg1: memref<2x10000x128xf32, #tpu.memory_space<vmem>>, %arg2: memref<1x1xf32, #tpu.memory_space<vmem>>, %arg3: memref<128x128xf32, #tpu.memory_space<vmem>>, %arg4: memref<1x128xf32, #tpu.memory_space<vmem>>, %arg5: memref<1x128xf32, #tpu.memory_space<vmem>>, %arg6: memref<1x128xf32, #tpu.memory_space<vmem>>, %arg7: memref<128x128xf32, #tpu.memory_space<vmem>>, %arg8: memref<1x128xf32, #tpu.memory_space<vmem>>, %arg9: memref<128x128xf32, #tpu.memory_space<vmem>>, %arg10: memref<1x128xf32, #tpu.memory_space<vmem>>, %arg11: memref<10000xi32, #tpu.memory_space<vmem>>, %arg12: memref<64x128xf32, #tpu.memory_space<vmem>>) attributes {dimension_semantics = [], scalar_prefetch = 0 : i64, scratch_operands = 0 : i64, tpu.core_type = #tpu.core_type<tc>} {
    %get3A = arith.constant 0 : index
    %get3A_0 = arith.constant 0 : index
    %get3A_1 = vector.load %arg0[%get3A, %get3A_0] : memref<10000x128xf32, #tpu.memory_space<vmem>>, vector<10000x128xf32>
    %get3A_2 = arith.constant 0 : index
    %get3A_3 = arith.constant 0 : index
    %get3A_4 = arith.constant 0 : index
    %get3A_5 = vector.load %arg1[%get3A_2, %get3A_3, %get3A_4] : memref<2x10000x128xf32, #tpu.memory_space<vmem>>, vector<1x10000x128xf32>
    %get3A_6 = vector.shape_cast %get3A_5 : vector<1x10000x128xf32> to vector<10000x128xf32>
    %get3A_7 = arith.constant 1 : index
    %get3A_8 = arith.constant 0 : index
    %get3A_9 = arith.constant 0 : index
    %get3A_10 = vector.load %arg1[%get3A_7, %get3A_8, %get3A_9] : memref<2x10000x128xf32, #tpu.memory_space<vmem>>, vector<1x10000x128xf32>
    %get3A_11 = vector.shape_cast %get3A_10 : vector<1x10000x128xf32> to vector<10000x128xf32>
    %add3A = arith.addf %get3A_6, %get3A_11 : vector<10000x128xf32>
    %get3A_12 = arith.constant 0 : index
    %get3A_13 = arith.constant 0 : index
    %get3A_14 = vector.load %arg2[%get3A_12, %get3A_13] : memref<1x1xf32, #tpu.memory_space<vmem>>, vector<1x1xf32>
    %get3A_15 = vector.extract %get3A_14[0, 0] : f32 from vector<1x1xf32>
    %add3A_16 = arith.constant 1.000000e+00 : f32
    %add3A_17 = arith.addf %add3A_16, %get3A_15 : f32
    %mul3A = vector.broadcast %add3A_17 : f32 to vector<10000x128xf32>
    %mul3A_18 = arith.mulf %mul3A, %get3A_1 : vector<10000x128xf32>
    %add3A_19 = arith.addf %mul3A_18, %add3A : vector<10000x128xf32>
    %get3A_20 = arith.constant 0 : index
    %get3A_21 = arith.constant 0 : index
    %get3A_22 = vector.load %arg3[%get3A_20, %get3A_21] : memref<128x128xf32, #tpu.memory_space<vmem>>, vector<128x128xf32>
    %dot_general3A = arith.constant dense<0.000000e+00> : vector<10000x128xf32>
    %dot_general3A_23 = tpu.matmul %add3A_19, %get3A_22, %dot_general3A {dimension_numbers = #tpu.dot_dimension_numbers<[1], [0], [0], [1], [0, 0, 1, 1], [], []>, transpose_lhs_hint = false} : vector<10000x128xf32>, vector<128x128xf32>, vector<10000x128xf32> -> vector<10000x128xf32>
    %get3A_24 = arith.constant 0 : index
    %get3A_25 = arith.constant 0 : index
    %get3A_26 = vector.load %arg4[%get3A_24, %get3A_25] : memref<1x128xf32, #tpu.memory_space<vmem>>, vector<1x128xf32>
    %add3A_27 = vector.broadcast %get3A_26 : vector<1x128xf32> to vector<10000x128xf32>
    %add3A_28 = arith.addf %dot_general3A_23, %add3A_27 : vector<10000x128xf32>
    %get3A_29 = arith.constant 0 : index
    %get3A_30 = arith.constant 0 : index
    %get3A_31 = vector.load %arg5[%get3A_29, %get3A_30] : memref<1x128xf32, #tpu.memory_space<vmem>>, vector<1x128xf32>
    %get3A_32 = arith.constant 0 : index
    %get3A_33 = arith.constant 0 : index
    %get3A_34 = vector.load %arg6[%get3A_32, %get3A_33] : memref<1x128xf32, #tpu.memory_space<vmem>>, vector<1x128xf32>
    %reduce_sum3A = arith.constant dense<0.000000e+00> : vector<128xf32>
    %reduce_sum3A_35 = vector.multi_reduction <add>, %add3A_28, %reduce_sum3A [0] : vector<10000x128xf32> to vector<128xf32>
    %broadcast_in_dim3A = vector.shape_cast %reduce_sum3A_35 : vector<128xf32> to vector<1x128xf32>
    %div3A = arith.constant 1.000000e+04 : f32
    %div3A_36 = vector.broadcast %div3A : f32 to vector<1x128xf32>
    %div3A_37 = arith.divf %broadcast_in_dim3A, %div3A_36 : vector<1x128xf32>
    %jit3A = arith.constant 0 : i32
    %reduce_sum3A_38 = arith.constant dense<0.000000e+00> : vector<128xf32>
    %reduce_sum3A_39 = vector.multi_reduction <add>, %add3A_28, %reduce_sum3A_38 [0] : vector<10000x128xf32> to vector<128xf32>
    %broadcast_in_dim3A_40 = vector.shape_cast %reduce_sum3A_39 : vector<128xf32> to vector<1x128xf32>
    %div3A_41 = arith.constant 1.000000e+04 : f32
    %div3A_42 = vector.broadcast %div3A_41 : f32 to vector<1x128xf32>
    %div3A_43 = arith.divf %broadcast_in_dim3A_40, %div3A_42 : vector<1x128xf32>
    %sub3A = vector.broadcast %div3A_43 : vector<1x128xf32> to vector<10000x128xf32>
    %sub3A_44 = arith.subf %add3A_28, %sub3A : vector<10000x128xf32>
    %square3A = arith.mulf %sub3A_44, %sub3A_44 : vector<10000x128xf32>
    %convert_element_type3A = arith.sitofp %jit3A : i32 to f32
    %sub3A_45 = arith.constant 1.000000e+04 : f32
    %sub3A_46 = arith.subf %sub3A_45, %convert_element_type3A : f32
    %reduce_sum3A_47 = arith.constant dense<0.000000e+00> : vector<128xf32>
    %reduce_sum3A_48 = vector.multi_reduction <add>, %square3A, %reduce_sum3A_47 [0] : vector<10000x128xf32> to vector<128xf32>
    %broadcast_in_dim3A_49 = vector.shape_cast %reduce_sum3A_48 : vector<128xf32> to vector<1x128xf32>
    %div3A_50 = vector.broadcast %sub3A_46 : f32 to vector<1x128xf32>
    %div3A_51 = arith.divf %broadcast_in_dim3A_49, %div3A_50 : vector<1x128xf32>
    %gt3A = arith.constant 0.000000e+00 : f32
    %gt3A_52 = arith.cmpf ogt, %sub3A_46, %gt3A : f32
    %jit3A_53 = arith.constant 0x7FC00000 : f32
    %broadcast_in_dim3A_54 = vector.broadcast %jit3A_53 : f32 to vector<1x128xf32>
    %select_n3A = arith.select %gt3A_52, %div3A_51, %broadcast_in_dim3A_54 : vector<1x128xf32>
    %sub3A_55 = vector.broadcast %div3A_37 : vector<1x128xf32> to vector<10000x128xf32>
    %sub3A_56 = arith.subf %add3A_28, %sub3A_55 : vector<10000x128xf32>
    %add3A_57 = arith.constant 9.99999974E-6 : f32
    %add3A_58 = vector.broadcast %add3A_57 : f32 to vector<1x128xf32>
    %add3A_59 = arith.addf %select_n3A, %add3A_58 : vector<1x128xf32>
    %sqrt3A = math.sqrt %add3A_59 : vector<1x128xf32>
    %div3A_60 = vector.broadcast %sqrt3A : vector<1x128xf32> to vector<10000x128xf32>
    %div3A_61 = arith.divf %sub3A_56, %div3A_60 : vector<10000x128xf32>
    %mul3A_62 = vector.broadcast %get3A_31 : vector<1x128xf32> to vector<10000x128xf32>
    %mul3A_63 = arith.mulf %div3A_61, %mul3A_62 : vector<10000x128xf32>
    %add3A_64 = vector.broadcast %get3A_34 : vector<1x128xf32> to vector<10000x128xf32>
    %add3A_65 = arith.addf %mul3A_63, %add3A_64 : vector<10000x128xf32>
    %max3A = arith.constant 0.000000e+00 : f32
    %max3A_66 = vector.broadcast %max3A : f32 to vector<10000x128xf32>
    %max3A_67 = arith.maximumf %add3A_65, %max3A_66 : vector<10000x128xf32>
    %get3A_68 = arith.constant 0 : index
    %get3A_69 = arith.constant 0 : index
    %get3A_70 = vector.load %arg7[%get3A_68, %get3A_69] : memref<128x128xf32, #tpu.memory_space<vmem>>, vector<128x128xf32>
    %dot_general3A_71 = arith.constant dense<0.000000e+00> : vector<10000x128xf32>
    %dot_general3A_72 = tpu.matmul %max3A_67, %get3A_70, %dot_general3A_71 {dimension_numbers = #tpu.dot_dimension_numbers<[1], [0], [0], [1], [0, 0, 1, 1], [], []>, transpose_lhs_hint = false} : vector<10000x128xf32>, vector<128x128xf32>, vector<10000x128xf32> -> vector<10000x128xf32>
    %get3A_73 = arith.constant 0 : index
    %get3A_74 = arith.constant 0 : index
    %get3A_75 = vector.load %arg8[%get3A_73, %get3A_74] : memref<1x128xf32, #tpu.memory_space<vmem>>, vector<1x128xf32>
    %add3A_76 = vector.broadcast %get3A_75 : vector<1x128xf32> to vector<10000x128xf32>
    %add3A_77 = arith.addf %dot_general3A_72, %add3A_76 : vector<10000x128xf32>
    %get3A_78 = arith.constant 0 : index
    %get3A_79 = arith.constant 0 : index
    %get3A_80 = vector.load %arg9[%get3A_78, %get3A_79] : memref<128x128xf32, #tpu.memory_space<vmem>>, vector<128x128xf32>
    %dot_general3A_81 = arith.constant dense<0.000000e+00> : vector<10000x128xf32>
    %dot_general3A_82 = tpu.matmul %add3A_77, %get3A_80, %dot_general3A_81 {dimension_numbers = #tpu.dot_dimension_numbers<[1], [0], [0], [1], [0, 0, 1, 1], [], []>, transpose_lhs_hint = false} : vector<10000x128xf32>, vector<128x128xf32>, vector<10000x128xf32> -> vector<10000x128xf32>
    %get3A_83 = arith.constant 0 : index
    %get3A_84 = arith.constant 0 : index
    %get3A_85 = vector.load %arg10[%get3A_83, %get3A_84] : memref<1x128xf32, #tpu.memory_space<vmem>>, vector<1x128xf32>
    %add3A_86 = vector.broadcast %get3A_85 : vector<1x128xf32> to vector<10000x128xf32>
    %add3A_87 = arith.addf %dot_general3A_82, %add3A_86 : vector<10000x128xf32>
    %iota3A = tpu.iota {dimensions = array<i32: 0>} : vector<64x10000xi32>
    %get3A_88 = arith.constant 0 : index
    %get3A_89 = vector.load %arg11[%get3A_88] : memref<10000xi32, #tpu.memory_space<vmem>>, vector<10000xi32>
    %broadcast_in_dim3A_90 = vector.shape_cast %get3A_89 : vector<10000xi32> to vector<1x10000xi32>
    %eq3A = vector.broadcast %broadcast_in_dim3A_90 : vector<1x10000xi32> to vector<64x10000xi32>
    %eq3A_91 = arith.cmpi eq, %iota3A, %eq3A : vector<64x10000xi32>
    %convert_element_type3A_92 = arith.extui %eq3A_91 : vector<64x10000xi1> to vector<64x10000xi32>
    %convert_element_type3A_93 = arith.sitofp %convert_element_type3A_92 : vector<64x10000xi32> to vector<64x10000xf32>
    %dot_general3A_94 = arith.constant dense<0.000000e+00> : vector<64x128xf32>
    %dot_general3A_95 = tpu.matmul %convert_element_type3A_93, %add3A_87, %dot_general3A_94 {dimension_numbers = #tpu.dot_dimension_numbers<[1], [0], [0], [1], [0, 0, 1, 1], [], []>, transpose_lhs_hint = false} : vector<64x10000xf32>, vector<10000x128xf32>, vector<64x128xf32> -> vector<64x128xf32>
    %swap3A = arith.constant 0 : index
    %swap3A_96 = arith.constant 0 : index
    %swap3A_97 = vector.load %arg12[%swap3A, %swap3A_96] : memref<64x128xf32, #tpu.memory_space<vmem>>, vector<64x128xf32>
    tpu.vector_store %arg12[%swap3A, %swap3A_96], %dot_general3A_95 {strides = array<i32>} : memref<64x128xf32, #tpu.memory_space<vmem>>, vector<64x128xf32>,
    return
  }
}

module attributes {stable_mosaic.version = 14 : i64} {
  func.func @_embed_layer_body(%arg0: memref<10000xi32, #tpu.memory_space<vmem>>, %arg1: memref<100x128xf32, #tpu.memory_space<vmem>>, %arg2: memref<1x128xf32, #tpu.memory_space<vmem>>, %arg3: memref<1x128xf32, #tpu.memory_space<vmem>>, %arg4: memref<128x128xf32, #tpu.memory_space<vmem>>, %arg5: memref<1x128xf32, #tpu.memory_space<vmem>>, %arg6: memref<10000x128xf32, #tpu.memory_space<vmem>>) attributes {dimension_semantics = [], scalar_prefetch = 0 : i64, scratch_operands = 0 : i64, tpu.core_type = #tpu.core_type<tc>} {
    %get3A = arith.constant 0 : index
    %get3A_0 = vector.load %arg0[%get3A] : memref<10000xi32, #tpu.memory_space<vmem>>, vector<10000xi32>
    %iota3A = tpu.iota {dimensions = array<i32: 0>} : vector<100x10000xi32>
    %broadcast_in_dim3A = vector.shape_cast %get3A_0 : vector<10000xi32> to vector<1x10000xi32>
    %eq3A = vector.broadcast %broadcast_in_dim3A : vector<1x10000xi32> to vector<100x10000xi32>
    %eq3A_1 = arith.cmpi eq, %iota3A, %eq3A : vector<100x10000xi32>
    %convert_element_type3A = arith.extui %eq3A_1 : vector<100x10000xi1> to vector<100x10000xi32>
    %convert_element_type3A_2 = arith.sitofp %convert_element_type3A : vector<100x10000xi32> to vector<100x10000xf32>
    %get3A_3 = arith.constant 0 : index
    %get3A_4 = arith.constant 0 : index
    %get3A_5 = vector.load %arg1[%get3A_3, %get3A_4] : memref<100x128xf32, #tpu.memory_space<vmem>>, vector<100x128xf32>
    %dot_general3A = arith.constant dense<0.000000e+00> : vector<10000x128xf32>
    %dot_general3A_6 = tpu.matmul %convert_element_type3A_2, %get3A_5, %dot_general3A {dimension_numbers = #tpu.dot_dimension_numbers<[0], [0], [1], [1], [0, 1, 1, 1], [], []>, transpose_lhs_hint = false} : vector<100x10000xf32>, vector<100x128xf32>, vector<10000x128xf32> -> vector<10000x128xf32>
    %get3A_7 = arith.constant 0 : index
    %get3A_8 = arith.constant 0 : index
    %get3A_9 = vector.load %arg2[%get3A_7, %get3A_8] : memref<1x128xf32, #tpu.memory_space<vmem>>, vector<1x128xf32>
    %get3A_10 = arith.constant 0 : index
    %get3A_11 = arith.constant 0 : index
    %get3A_12 = vector.load %arg3[%get3A_10, %get3A_11] : memref<1x128xf32, #tpu.memory_space<vmem>>, vector<1x128xf32>
    %reduce_sum3A = arith.constant dense<0.000000e+00> : vector<128xf32>
    %reduce_sum3A_13 = vector.multi_reduction <add>, %dot_general3A_6, %reduce_sum3A [0] : vector<10000x128xf32> to vector<128xf32>
    %broadcast_in_dim3A_14 = vector.shape_cast %reduce_sum3A_13 : vector<128xf32> to vector<1x128xf32>
    %div3A = arith.constant 1.000000e+04 : f32
    %div3A_15 = vector.broadcast %div3A : f32 to vector<1x128xf32>
    %div3A_16 = arith.divf %broadcast_in_dim3A_14, %div3A_15 : vector<1x128xf32>
    %jit3A = arith.constant 0 : i32
    %reduce_sum3A_17 = arith.constant dense<0.000000e+00> : vector<128xf32>
    %reduce_sum3A_18 = vector.multi_reduction <add>, %dot_general3A_6, %reduce_sum3A_17 [0] : vector<10000x128xf32> to vector<128xf32>
    %broadcast_in_dim3A_19 = vector.shape_cast %reduce_sum3A_18 : vector<128xf32> to vector<1x128xf32>
    %div3A_20 = arith.constant 1.000000e+04 : f32
    %div3A_21 = vector.broadcast %div3A_20 : f32 to vector<1x128xf32>
    %div3A_22 = arith.divf %broadcast_in_dim3A_19, %div3A_21 : vector<1x128xf32>
    %sub3A = vector.broadcast %div3A_22 : vector<1x128xf32> to vector<10000x128xf32>
    %sub3A_23 = arith.subf %dot_general3A_6, %sub3A : vector<10000x128xf32>
    %square3A = arith.mulf %sub3A_23, %sub3A_23 : vector<10000x128xf32>
    %convert_element_type3A_24 = arith.sitofp %jit3A : i32 to f32
    %sub3A_25 = arith.constant 1.000000e+04 : f32
    %sub3A_26 = arith.subf %sub3A_25, %convert_element_type3A_24 : f32
    %reduce_sum3A_27 = arith.constant dense<0.000000e+00> : vector<128xf32>
    %reduce_sum3A_28 = vector.multi_reduction <add>, %square3A, %reduce_sum3A_27 [0] : vector<10000x128xf32> to vector<128xf32>
    %broadcast_in_dim3A_29 = vector.shape_cast %reduce_sum3A_28 : vector<128xf32> to vector<1x128xf32>
    %div3A_30 = vector.broadcast %sub3A_26 : f32 to vector<1x128xf32>
    %div3A_31 = arith.divf %broadcast_in_dim3A_29, %div3A_30 : vector<1x128xf32>
    %gt3A = arith.constant 0.000000e+00 : f32
    %gt3A_32 = arith.cmpf ogt, %sub3A_26, %gt3A : f32
    %jit3A_33 = arith.constant 0x7FC00000 : f32
    %broadcast_in_dim3A_34 = vector.broadcast %jit3A_33 : f32 to vector<1x128xf32>
    %select_n3A = arith.select %gt3A_32, %div3A_31, %broadcast_in_dim3A_34 : vector<1x128xf32>
    %sub3A_35 = vector.broadcast %div3A_16 : vector<1x128xf32> to vector<10000x128xf32>
    %sub3A_36 = arith.subf %dot_general3A_6, %sub3A_35 : vector<10000x128xf32>
    %add3A = arith.constant 9.99999974E-6 : f32
    %add3A_37 = vector.broadcast %add3A : f32 to vector<1x128xf32>
    %add3A_38 = arith.addf %select_n3A, %add3A_37 : vector<1x128xf32>
    %sqrt3A = math.sqrt %add3A_38 : vector<1x128xf32>
    %div3A_39 = vector.broadcast %sqrt3A : vector<1x128xf32> to vector<10000x128xf32>
    %div3A_40 = arith.divf %sub3A_36, %div3A_39 : vector<10000x128xf32>
    %mul3A = vector.broadcast %get3A_9 : vector<1x128xf32> to vector<10000x128xf32>
    %mul3A_41 = arith.mulf %div3A_40, %mul3A : vector<10000x128xf32>
    %add3A_42 = vector.broadcast %get3A_12 : vector<1x128xf32> to vector<10000x128xf32>
    %add3A_43 = arith.addf %mul3A_41, %add3A_42 : vector<10000x128xf32>
    %get3A_44 = arith.constant 0 : index
    %get3A_45 = arith.constant 0 : index
    %get3A_46 = vector.load %arg4[%get3A_44, %get3A_45] : memref<128x128xf32, #tpu.memory_space<vmem>>, vector<128x128xf32>
    %dot_general3A_47 = arith.constant dense<0.000000e+00> : vector<10000x128xf32>
    %dot_general3A_48 = tpu.matmul %add3A_43, %get3A_46, %dot_general3A_47 {dimension_numbers = #tpu.dot_dimension_numbers<[1], [0], [0], [1], [0, 0, 1, 1], [], []>, transpose_lhs_hint = false} : vector<10000x128xf32>, vector<128x128xf32>, vector<10000x128xf32> -> vector<10000x128xf32>
    %get3A_49 = arith.constant 0 : index
    %get3A_50 = arith.constant 0 : index
    %get3A_51 = vector.load %arg5[%get3A_49, %get3A_50] : memref<1x128xf32, #tpu.memory_space<vmem>>, vector<1x128xf32>
    %add3A_52 = vector.broadcast %get3A_51 : vector<1x128xf32> to vector<10000x128xf32>
    %add3A_53 = arith.addf %dot_general3A_48, %add3A_52 : vector<10000x128xf32>
    %max3A = arith.constant 0.000000e+00 : f32
    %max3A_54 = vector.broadcast %max3A : f32 to vector<10000x128xf32>
    %max3A_55 = arith.maximumf %add3A_53, %max3A_54 : vector<10000x128xf32>
    %swap3A = arith.constant 0 : index
    %swap3A_56 = arith.constant 0 : index
    %swap3A_57 = vector.load %arg6[%swap3A, %swap3A_56] : memref<10000x128xf32, #tpu.memory_space<vmem>>, vector<10000x128xf32>
    tpu.vector_store %arg6[%swap3A, %swap3A_56], %max3A_55 {strides = array<i32>} : memref<10000x128xf32, #tpu.memory_space<vmem>>, vector<10000x128xf32>,
    return
  }
}

module attributes {stable_mosaic.version = 14 : i64} {
  func.func @_mid_body(%arg0: memref<10000x128xf32, #tpu.memory_space<vmem>>, %arg1: memref<2x10000x128xf32, #tpu.memory_space<vmem>>, %arg2: memref<1x1xf32, #tpu.memory_space<vmem>>, %arg3: memref<128x128xf32, #tpu.memory_space<vmem>>, %arg4: memref<1x128xf32, #tpu.memory_space<vmem>>, %arg5: memref<1x128xf32, #tpu.memory_space<vmem>>, %arg6: memref<1x128xf32, #tpu.memory_space<vmem>>, %arg7: memref<128x128xf32, #tpu.memory_space<vmem>>, %arg8: memref<1x128xf32, #tpu.memory_space<vmem>>, %arg9: memref<1x128xf32, #tpu.memory_space<vmem>>, %arg10: memref<1x128xf32, #tpu.memory_space<vmem>>, %arg11: memref<128x128xf32, #tpu.memory_space<vmem>>, %arg12: memref<1x128xf32, #tpu.memory_space<vmem>>, %arg13: memref<10000x128xf32, #tpu.memory_space<vmem>>) attributes {dimension_semantics = [], scalar_prefetch = 0 : i64, scratch_operands = 0 : i64, tpu.core_type = #tpu.core_type<tc>} {
    %get3A = arith.constant 0 : index
    %get3A_0 = arith.constant 0 : index
    %get3A_1 = vector.load %arg0[%get3A, %get3A_0] : memref<10000x128xf32, #tpu.memory_space<vmem>>, vector<10000x128xf32>
    %get3A_2 = arith.constant 0 : index
    %get3A_3 = arith.constant 0 : index
    %get3A_4 = arith.constant 0 : index
    %get3A_5 = vector.load %arg1[%get3A_2, %get3A_3, %get3A_4] : memref<2x10000x128xf32, #tpu.memory_space<vmem>>, vector<1x10000x128xf32>
    %get3A_6 = vector.shape_cast %get3A_5 : vector<1x10000x128xf32> to vector<10000x128xf32>
    %get3A_7 = arith.constant 1 : index
    %get3A_8 = arith.constant 0 : index
    %get3A_9 = arith.constant 0 : index
    %get3A_10 = vector.load %arg1[%get3A_7, %get3A_8, %get3A_9] : memref<2x10000x128xf32, #tpu.memory_space<vmem>>, vector<1x10000x128xf32>
    %get3A_11 = vector.shape_cast %get3A_10 : vector<1x10000x128xf32> to vector<10000x128xf32>
    %add3A = arith.addf %get3A_6, %get3A_11 : vector<10000x128xf32>
    %get3A_12 = arith.constant 0 : index
    %get3A_13 = arith.constant 0 : index
    %get3A_14 = vector.load %arg2[%get3A_12, %get3A_13] : memref<1x1xf32, #tpu.memory_space<vmem>>, vector<1x1xf32>
    %get3A_15 = vector.extract %get3A_14[0, 0] : f32 from vector<1x1xf32>
    %add3A_16 = arith.constant 1.000000e+00 : f32
    %add3A_17 = arith.addf %add3A_16, %get3A_15 : f32
    %mul3A = vector.broadcast %add3A_17 : f32 to vector<10000x128xf32>
    %mul3A_18 = arith.mulf %mul3A, %get3A_1 : vector<10000x128xf32>
    %add3A_19 = arith.addf %mul3A_18, %add3A : vector<10000x128xf32>
    %get3A_20 = arith.constant 0 : index
    %get3A_21 = arith.constant 0 : index
    %get3A_22 = vector.load %arg3[%get3A_20, %get3A_21] : memref<128x128xf32, #tpu.memory_space<vmem>>, vector<128x128xf32>
    %dot_general3A = arith.constant dense<0.000000e+00> : vector<10000x128xf32>
    %dot_general3A_23 = tpu.matmul %add3A_19, %get3A_22, %dot_general3A {dimension_numbers = #tpu.dot_dimension_numbers<[1], [0], [0], [1], [0, 0, 1, 1], [], []>, transpose_lhs_hint = false} : vector<10000x128xf32>, vector<128x128xf32>, vector<10000x128xf32> -> vector<10000x128xf32>
    %get3A_24 = arith.constant 0 : index
    %get3A_25 = arith.constant 0 : index
    %get3A_26 = vector.load %arg4[%get3A_24, %get3A_25] : memref<1x128xf32, #tpu.memory_space<vmem>>, vector<1x128xf32>
    %add3A_27 = vector.broadcast %get3A_26 : vector<1x128xf32> to vector<10000x128xf32>
    %add3A_28 = arith.addf %dot_general3A_23, %add3A_27 : vector<10000x128xf32>
    %get3A_29 = arith.constant 0 : index
    %get3A_30 = arith.constant 0 : index
    %get3A_31 = vector.load %arg5[%get3A_29, %get3A_30] : memref<1x128xf32, #tpu.memory_space<vmem>>, vector<1x128xf32>
    %get3A_32 = arith.constant 0 : index
    %get3A_33 = arith.constant 0 : index
    %get3A_34 = vector.load %arg6[%get3A_32, %get3A_33] : memref<1x128xf32, #tpu.memory_space<vmem>>, vector<1x128xf32>
    %reduce_sum3A = arith.constant dense<0.000000e+00> : vector<128xf32>
    %reduce_sum3A_35 = vector.multi_reduction <add>, %add3A_28, %reduce_sum3A [0] : vector<10000x128xf32> to vector<128xf32>
    %broadcast_in_dim3A = vector.shape_cast %reduce_sum3A_35 : vector<128xf32> to vector<1x128xf32>
    %div3A = arith.constant 1.000000e+04 : f32
    %div3A_36 = vector.broadcast %div3A : f32 to vector<1x128xf32>
    %div3A_37 = arith.divf %broadcast_in_dim3A, %div3A_36 : vector<1x128xf32>
    %jit3A = arith.constant 0 : i32
    %reduce_sum3A_38 = arith.constant dense<0.000000e+00> : vector<128xf32>
    %reduce_sum3A_39 = vector.multi_reduction <add>, %add3A_28, %reduce_sum3A_38 [0] : vector<10000x128xf32> to vector<128xf32>
    %broadcast_in_dim3A_40 = vector.shape_cast %reduce_sum3A_39 : vector<128xf32> to vector<1x128xf32>
    %div3A_41 = arith.constant 1.000000e+04 : f32
    %div3A_42 = vector.broadcast %div3A_41 : f32 to vector<1x128xf32>
    %div3A_43 = arith.divf %broadcast_in_dim3A_40, %div3A_42 : vector<1x128xf32>
    %sub3A = vector.broadcast %div3A_43 : vector<1x128xf32> to vector<10000x128xf32>
    %sub3A_44 = arith.subf %add3A_28, %sub3A : vector<10000x128xf32>
    %square3A = arith.mulf %sub3A_44, %sub3A_44 : vector<10000x128xf32>
    %convert_element_type3A = arith.sitofp %jit3A : i32 to f32
    %sub3A_45 = arith.constant 1.000000e+04 : f32
    %sub3A_46 = arith.subf %sub3A_45, %convert_element_type3A : f32
    %reduce_sum3A_47 = arith.constant dense<0.000000e+00> : vector<128xf32>
    %reduce_sum3A_48 = vector.multi_reduction <add>, %square3A, %reduce_sum3A_47 [0] : vector<10000x128xf32> to vector<128xf32>
    %broadcast_in_dim3A_49 = vector.shape_cast %reduce_sum3A_48 : vector<128xf32> to vector<1x128xf32>
    %div3A_50 = vector.broadcast %sub3A_46 : f32 to vector<1x128xf32>
    %div3A_51 = arith.divf %broadcast_in_dim3A_49, %div3A_50 : vector<1x128xf32>
    %gt3A = arith.constant 0.000000e+00 : f32
    %gt3A_52 = arith.cmpf ogt, %sub3A_46, %gt3A : f32
    %jit3A_53 = arith.constant 0x7FC00000 : f32
    %broadcast_in_dim3A_54 = vector.broadcast %jit3A_53 : f32 to vector<1x128xf32>
    %select_n3A = arith.select %gt3A_52, %div3A_51, %broadcast_in_dim3A_54 : vector<1x128xf32>
    %sub3A_55 = vector.broadcast %div3A_37 : vector<1x128xf32> to vector<10000x128xf32>
    %sub3A_56 = arith.subf %add3A_28, %sub3A_55 : vector<10000x128xf32>
    %add3A_57 = arith.constant 9.99999974E-6 : f32
    %add3A_58 = vector.broadcast %add3A_57 : f32 to vector<1x128xf32>
    %add3A_59 = arith.addf %select_n3A, %add3A_58 : vector<1x128xf32>
    %sqrt3A = math.sqrt %add3A_59 : vector<1x128xf32>
    %div3A_60 = vector.broadcast %sqrt3A : vector<1x128xf32> to vector<10000x128xf32>
    %div3A_61 = arith.divf %sub3A_56, %div3A_60 : vector<10000x128xf32>
    %mul3A_62 = vector.broadcast %get3A_31 : vector<1x128xf32> to vector<10000x128xf32>
    %mul3A_63 = arith.mulf %div3A_61, %mul3A_62 : vector<10000x128xf32>
    %add3A_64 = vector.broadcast %get3A_34 : vector<1x128xf32> to vector<10000x128xf32>
    %add3A_65 = arith.addf %mul3A_63, %add3A_64 : vector<10000x128xf32>
    %max3A = arith.constant 0.000000e+00 : f32
    %max3A_66 = vector.broadcast %max3A : f32 to vector<10000x128xf32>
    %max3A_67 = arith.maximumf %add3A_65, %max3A_66 : vector<10000x128xf32>
    %get3A_68 = arith.constant 0 : index
    %get3A_69 = arith.constant 0 : index
    %get3A_70 = vector.load %arg7[%get3A_68, %get3A_69] : memref<128x128xf32, #tpu.memory_space<vmem>>, vector<128x128xf32>
    %dot_general3A_71 = arith.constant dense<0.000000e+00> : vector<10000x128xf32>
    %dot_general3A_72 = tpu.matmul %max3A_67, %get3A_70, %dot_general3A_71 {dimension_numbers = #tpu.dot_dimension_numbers<[1], [0], [0], [1], [0, 0, 1, 1], [], []>, transpose_lhs_hint = false} : vector<10000x128xf32>, vector<128x128xf32>, vector<10000x128xf32> -> vector<10000x128xf32>
    %get3A_73 = arith.constant 0 : index
    %get3A_74 = arith.constant 0 : index
    %get3A_75 = vector.load %arg8[%get3A_73, %get3A_74] : memref<1x128xf32, #tpu.memory_space<vmem>>, vector<1x128xf32>
    %add3A_76 = vector.broadcast %get3A_75 : vector<1x128xf32> to vector<10000x128xf32>
    %add3A_77 = arith.addf %dot_general3A_72, %add3A_76 : vector<10000x128xf32>
    %get3A_78 = arith.constant 0 : index
    %get3A_79 = arith.constant 0 : index
    %get3A_80 = vector.load %arg9[%get3A_78, %get3A_79] : memref<1x128xf32, #tpu.memory_space<vmem>>, vector<1x128xf32>
    %get3A_81 = arith.constant 0 : index
    %get3A_82 = arith.constant 0 : index
    %get3A_83 = vector.load %arg10[%get3A_81, %get3A_82] : memref<1x128xf32, #tpu.memory_space<vmem>>, vector<1x128xf32>
    %reduce_sum3A_84 = arith.constant dense<0.000000e+00> : vector<128xf32>
    %reduce_sum3A_85 = vector.multi_reduction <add>, %add3A_77, %reduce_sum3A_84 [0] : vector<10000x128xf32> to vector<128xf32>
    %broadcast_in_dim3A_86 = vector.shape_cast %reduce_sum3A_85 : vector<128xf32> to vector<1x128xf32>
    %div3A_87 = arith.constant 1.000000e+04 : f32
    %div3A_88 = vector.broadcast %div3A_87 : f32 to vector<1x128xf32>
    %div3A_89 = arith.divf %broadcast_in_dim3A_86, %div3A_88 : vector<1x128xf32>
    %jit3A_90 = arith.constant 0 : i32
    %reduce_sum3A_91 = arith.constant dense<0.000000e+00> : vector<128xf32>
    %reduce_sum3A_92 = vector.multi_reduction <add>, %add3A_77, %reduce_sum3A_91 [0] : vector<10000x128xf32> to vector<128xf32>
    %broadcast_in_dim3A_93 = vector.shape_cast %reduce_sum3A_92 : vector<128xf32> to vector<1x128xf32>
    %div3A_94 = arith.constant 1.000000e+04 : f32
    %div3A_95 = vector.broadcast %div3A_94 : f32 to vector<1x128xf32>
    %div3A_96 = arith.divf %broadcast_in_dim3A_93, %div3A_95 : vector<1x128xf32>
    %sub3A_97 = vector.broadcast %div3A_96 : vector<1x128xf32> to vector<10000x128xf32>
    %sub3A_98 = arith.subf %add3A_77, %sub3A_97 : vector<10000x128xf32>
    %square3A_99 = arith.mulf %sub3A_98, %sub3A_98 : vector<10000x128xf32>
    %convert_element_type3A_100 = arith.sitofp %jit3A_90 : i32 to f32
    %sub3A_101 = arith.constant 1.000000e+04 : f32
    %sub3A_102 = arith.subf %sub3A_101, %convert_element_type3A_100 : f32
    %reduce_sum3A_103 = arith.constant dense<0.000000e+00> : vector<128xf32>
    %reduce_sum3A_104 = vector.multi_reduction <add>, %square3A_99, %reduce_sum3A_103 [0] : vector<10000x128xf32> to vector<128xf32>
    %broadcast_in_dim3A_105 = vector.shape_cast %reduce_sum3A_104 : vector<128xf32> to vector<1x128xf32>
    %div3A_106 = vector.broadcast %sub3A_102 : f32 to vector<1x128xf32>
    %div3A_107 = arith.divf %broadcast_in_dim3A_105, %div3A_106 : vector<1x128xf32>
    %gt3A_108 = arith.constant 0.000000e+00 : f32
    %gt3A_109 = arith.cmpf ogt, %sub3A_102, %gt3A_108 : f32
    %jit3A_110 = arith.constant 0x7FC00000 : f32
    %broadcast_in_dim3A_111 = vector.broadcast %jit3A_110 : f32 to vector<1x128xf32>
    %select_n3A_112 = arith.select %gt3A_109, %div3A_107, %broadcast_in_dim3A_111 : vector<1x128xf32>
    %sub3A_113 = vector.broadcast %div3A_89 : vector<1x128xf32> to vector<10000x128xf32>
    %sub3A_114 = arith.subf %add3A_77, %sub3A_113 : vector<10000x128xf32>
    %add3A_115 = arith.constant 9.99999974E-6 : f32
    %add3A_116 = vector.broadcast %add3A_115 : f32 to vector<1x128xf32>
    %add3A_117 = arith.addf %select_n3A_112, %add3A_116 : vector<1x128xf32>
    %sqrt3A_118 = math.sqrt %add3A_117 : vector<1x128xf32>
    %div3A_119 = vector.broadcast %sqrt3A_118 : vector<1x128xf32> to vector<10000x128xf32>
    %div3A_120 = arith.divf %sub3A_114, %div3A_119 : vector<10000x128xf32>
    %mul3A_121 = vector.broadcast %get3A_80 : vector<1x128xf32> to vector<10000x128xf32>
    %mul3A_122 = arith.mulf %div3A_120, %mul3A_121 : vector<10000x128xf32>
    %add3A_123 = vector.broadcast %get3A_83 : vector<1x128xf32> to vector<10000x128xf32>
    %add3A_124 = arith.addf %mul3A_122, %add3A_123 : vector<10000x128xf32>
    %get3A_125 = arith.constant 0 : index
    %get3A_126 = arith.constant 0 : index
    %get3A_127 = vector.load %arg11[%get3A_125, %get3A_126] : memref<128x128xf32, #tpu.memory_space<vmem>>, vector<128x128xf32>
    %dot_general3A_128 = arith.constant dense<0.000000e+00> : vector<10000x128xf32>
    %dot_general3A_129 = tpu.matmul %add3A_124, %get3A_127, %dot_general3A_128 {dimension_numbers = #tpu.dot_dimension_numbers<[1], [0], [0], [1], [0, 0, 1, 1], [], []>, transpose_lhs_hint = false} : vector<10000x128xf32>, vector<128x128xf32>, vector<10000x128xf32> -> vector<10000x128xf32>
    %get3A_130 = arith.constant 0 : index
    %get3A_131 = arith.constant 0 : index
    %get3A_132 = vector.load %arg12[%get3A_130, %get3A_131] : memref<1x128xf32, #tpu.memory_space<vmem>>, vector<1x128xf32>
    %add3A_133 = vector.broadcast %get3A_132 : vector<1x128xf32> to vector<10000x128xf32>
    %add3A_134 = arith.addf %dot_general3A_129, %add3A_133 : vector<10000x128xf32>
    %max3A_135 = arith.constant 0.000000e+00 : f32
    %max3A_136 = vector.broadcast %max3A_135 : f32 to vector<10000x128xf32>
    %max3A_137 = arith.maximumf %add3A_134, %max3A_136 : vector<10000x128xf32>
    %swap3A = arith.constant 0 : index
    %swap3A_138 = arith.constant 0 : index
    %swap3A_139 = vector.load %arg13[%swap3A, %swap3A_138] : memref<10000x128xf32, #tpu.memory_space<vmem>>, vector<10000x128xf32>
    tpu.vector_store %arg13[%swap3A, %swap3A_138], %max3A_137 {strides = array<i32>} : memref<10000x128xf32, #tpu.memory_space<vmem>>, vector<10000x128xf32>,
    return
  }
}

</mosaic_0001>

<sc_bundles>
// kernel: kernel.10.cloned.1.call-start
scs
__scs_entry_jumppad:
0x0: {  	(pc) =	sbr.rel $0x88, $3  }
0x1: {  	(tag) =	ssettag $0x0;
	lr =	simm.s32 $0x1  }
0x2: {  	[smem:$0x3F85] =	sst lr;
	_ =	strace $0xD0000000  }
0x3: {  	_ = 	snop  }
0x4: {  	_ = 	snop  }
0x5: {  	_ = 	snop  }
0x6: {  	_ = 	snop  }
0x7: {  	_ = 	snop  }
__scs_overlays_trampoline_lowered:
0x8: {  	[smem:$0x3F94] =	sst s0  }
0x9: {  	[smem:$0x3F95] =	sst s1  }
0xa: {  	[smem:$0x3F96] =	sst s2  }
0xb: {  	[smem:$0x3F97] =	sst s3  }
0xc: {  	[smem:$0x3F98] =	sst s4  }
0xd: {  	[smem:$0x3F99] =	sst s5  }
0xe: {  	[smem:$0x3F9A] =	sst s6  }
0xf: {  	[smem:$0x3F9B] =	sst s7  }
0x10: {  	[smem:$0x3F9C] =	sst s8  }
0x11: {  	[smem:$0x3F9D] =	sst s9;
	s0 =	simm.s32 @!p0 $0x0  }
0x12: {  	s1 =	sld [smem:$0x3F83];
	s0 =	simm.s32 @p0 $0x1  }
0x13: {  	[smem:$0x3F9E] =	sst s0;
	s0 =	simm.s32 @!p1 $0x0  }
0x14: {  	s2 =	sld [smem:$0x3F82];
	s0 =	simm.s32 @p1 $0x1  }
0x15: {  	[smem:$0x3F9F] =	sst s0;
	s0 =	simm.s32 @!p2 $0x0  }
0x16: {  	s3 =	sld [smem:$0x3FDB];
	s0 =	simm.s32 @p2 $0x1  }
0x17: {  	s4 =	simm.s32 $0x1BF5;
	[smem:$0x3FA1] =	sst s0  }
0x18: {  	s0 =	sld [smem:$0x3F84];
	_ =	swait.ge [sflag:s4], $0x0  }
0x19: {  	s7 =	sld [smem:$0x3F85]  }
0x1a: {  	s8 =	sadd.s32 $0xFFFFE003, lr  }
0x1b: {  	s9 =	sadd.s32 $0xFFFFFEF7, lr;
	s5 =	simm.s32 $0xFFFFFFFF;
	p2 =	slt.u32 s8, $0xFFFFF086  }
0x1c: {  	p1 =	slt.u32 s9, $0xF7A;
	s5 =	simm.s32 @!p2 $0x0  }
0x1d: {  	s5 =	simm.s32 @p1 $0x1;
	p0 =	seq.s32 s7, s2  }
0x1e: {  	s7 =	smul.u32 @!p0 $0xF7A, s2;
	p2 =	seq.s32 @!p0 s5, $0x0  }
0x1f: {  	s9 =	smul.u32 $0xF7A, s1;
	s8 =	simm.s32 @!p0 $0x1BF5;
	p2 =	por !p2, p0  }
0x20: {  	[sflag:s8] =	ssyncset.s32 @!p0 $0xFFFFF086;
	s6 =	sadd.s32 @!p0 s3, s7;
	s7 =	simm.s32 @!p0 $0x108  }
0x21: {  	s3 =	sadd.s32 s3, s9;
	s6 =	sadd.s32 @!p0 $0x88, s6;
	s7 =	simm.s32 @p2 $0x1082  }
0x22: {  	[simem:s7], [sflag:s8] =	dma.local @!p0 [hbm:s6], $0xF7A  }
0x23: {  	s9 =	sor.u32 $0xD0000000, s2;
	s6 =	simm.s32 $0x108;
	_ =	swait.ge @!p0 [sflag:s8], $0x0  }
0x24: {  	s3 =	sadd.s32 $0x88, s3;
	s6 =	simm.s32 @!p1 $0x1082;
	[sflag:s4] =	ssyncset.s32 $0xFFFFF086  }
0x25: {  	[simem:s6], [sflag:s4] =	dma.local [hbm:s3], $0xF7A  }
0x26: {  	[smem:$0x3F85] =	sst s1;
	(tag) =	ssettag s2;
	_ =	strace s9  }
0x27: {  	s1 =	sld [smem:$0x3F95]  }
0x28: {  	s2 =	sld [smem:$0x3F96]  }
0x29: {  	s4 =	sld [smem:$0x3F98]  }
0x2a: {  	p0 =	seq.s32 s5, $0x0;
	s5 =	sld [smem:$0x3F99]  }
0x2b: {  	s6 =	sld [smem:$0x3F9A]  }
0x2c: {  	s7 =	sld [smem:$0x3F9B]  }
0x2d: {  	s3 =	simm.s32 $0x108;
	s8 =	sld [smem:$0x3F9C]  }
0x2e: {  	s3 =	simm.s32 @!p0 $0x1082;
	s9 =	sld [smem:$0x3F9D]  }
0x2f: {  	lr =	sadd.s32 s0, s3;
	s0 =	sld [smem:$0x3F94]  }
0x30: {  	s3 =	sld [smem:$0x3F97]  }
0x31: {  	[smem:$0x3FA0] =	sst s10  }
0x32: {  	s10 =	sld [smem:$0x3F9E];
	_ =	sdelay $0x3  }
0x33: {  	p0 =	seq.s32 s10, $0x1;
	s10 =	sld [smem:$0x3FA0];
	_ =	sdelay $0x3  }
0x34: {  	[smem:$0x3FA0] =	sst s10  }
0x35: {  	s10 =	sld [smem:$0x3F9F];
	_ =	sdelay $0x3  }
0x36: {  	p1 =	seq.s32 s10, $0x1;
	s10 =	sld [smem:$0x3FA0];
	_ =	sdelay $0x3  }
0x37: {  	[smem:$0x3FA0] =	sst s10  }
0x38: {  	s10 =	sld [smem:$0x3FA1]  }
0x39: {  	_ = 	snop;
	(pc) =	sbr.ind lr, $3  }
0x3a: {  	_ = 	snop  }
0x3b: {  	_ = 	snop  }
0x3c: {  	p2 =	seq.s32 s10, $0x1;
	s10 =	sld [smem:$0x3FA0]  }
0x3d: {  	_ =	shalt  }
0x3e: {  	_ =	shalt  }
0x3f: {  	_ =	shalt  }
0x40: {  	_ =	shalt  }
0x41: {  	_ =	shalt  }
0x42: {  	_ =	shalt  }
0x43: {  	_ =	shalt  }
0x44: {  	_ =	shalt  }
0x45: {  	_ =	shalt  }
0x46: {  	_ =	shalt  }
0x47: {  	_ =	shalt  }
0x48: {  	_ =	shalt  }
0x49: {  	_ =	shalt  }
0x4a: {  	_ =	shalt  }
0x4b: {  	_ =	shalt  }
0x4c: {  	_ =	shalt  }
0x4d: {  	_ =	shalt  }
0x4e: {  	_ =	shalt  }
0x4f: {  	_ =	shalt  }
0x50: {  	_ =	shalt  }
0x51: {  	_ =	shalt  }
0x52: {  	_ =	shalt  }
0x53: {  	_ =	shalt  }
0x54: {  	_ =	shalt  }
0x55: {  	_ =	shalt  }
0x56: {  	_ =	shalt  }
0x57: {  	_ =	shalt  }
0x58: {  	_ =	shalt  }
0x59: {  	_ =	shalt  }
0x5a: {  	_ =	shalt  }
0x5b: {  	_ =	shalt  }
0x5c: {  	_ =	shalt  }
0x5d: {  	_ =	shalt  }
0x5e: {  	_ =	shalt  }
0x5f: {  	_ =	shalt  }
0x60: {  	_ =	shalt  }
0x61: {  	_ =	shalt  }
0x62: {  	_ =	shalt  }
0x63: {  	_ =	shalt  }
0x64: {  	_ =	shalt  }
0x65: {  	_ =	shalt  }
0x66: {  	_ =	shalt  }
0x67: {  	_ =	shalt  }
0x68: {  	_ =	shalt  }
0x69: {  	_ =	shalt  }
0x6a: {  	_ =	shalt  }
0x6b: {  	_ =	shalt  }
0x6c: {  	_ =	shalt  }
0x6d: {  	_ =	shalt  }
0x6e: {  	_ =	shalt  }
0x6f: {  	_ =	shalt  }
0x70: {  	_ =	shalt  }
0x71: {  	_ =	shalt  }
0x72: {  	_ =	shalt  }
0x73: {  	_ =	shalt  }
0x74: {  	_ =	shalt  }
0x75: {  	_ =	shalt  }
0x76: {  	_ =	shalt  }
0x77: {  	_ =	shalt  }
0x78: {  	_ =	shalt  }
0x79: {  	_ =	shalt  }
0x7a: {  	_ =	shalt  }
0x7b: {  	_ =	shalt  }
0x7c: {  	_ =	shalt  }
0x7d: {  	_ =	shalt  }
0x7e: {  	_ =	shalt  }
0x7f: {  	_ =	shalt  }
0x80: {  	_ =	shalt  }
0x81: {  	_ =	shalt  }
0x82: {  	_ =	shalt  }
0x83: {  	_ =	shalt  }
0x84: {  	_ =	shalt  }
0x85: {  	_ =	shalt  }
0x86: {  	_ =	shalt  }
0x87: {  	_ =	shalt  }
.Lfunc_end0:
.L_simem_size_0:
called_computation.1_lowered:
.L_overlay_start_0:
0x88: {  	s2 =	sld [smem:$0x3FD9]  }
0x89: {  	s3 =	sld [smem:$0x3FFE];
	_ =	sdelay $0x1  }
0x8a: {  	s1 =	srdreg.scid  }
0x8b: {  	s0 =	sand.u32 $0x1, s1  }
0x8c: {  	s17 =	sshll.u32 s0, $0xA;
	s2 =	sadd.s32 s3, s2  }
0x8d: {  	s2 =	sadd.s32 s2, s17  }
0x8e: {  	[smem:$0x3FAC] =	sst s2  }
0x8f: {  	_ = 	snop  }
0x90: {  	s2 =	sld [smem:$0x3FC8];
	(tm) =	ssettm $0x1  }
0x91: {  	s18 =	sld [smem:$0x3FFB];
	_ =	sdelay $0x3  }
0x92: {  	_ =	strace s18  }
0x93: {  	s3 =	sld [smem:$0x3FFC];
	_ =	sdelay $0x3  }
0x94: {  	_ =	strace s3  }
0x95: {  	s3 =	sld [smem:$0x3FFD];
	_ =	sdelay $0x3  }
0x96: {  	_ =	strace s3  }
0x97: {  	_ =	strace $0x8FFFFFFF  }
0x98: {  	s19 =	sld [smem:$0x3FDB];
	_ =	sdelay $0x1  }
0x99: {  	s4 =	simm.s32 $_scs_section_size  }
0x9a: {  	s5 =	simm.s32 $_size__tile_overlayer_lowered;
	s6 =	simm.s32 $_tile_overlayer_lowered  }
0x9b: {  	s22 =	simm.s32 $0x1BFF;
	s21 =	sshll.u32 s6, $0x1;
	s3 =	sadd.s32 s4, s19  }
0x9c: {  	s7 =	simm.s32 $0x0;
	s20 =	sshll.u32 s5, $0x1;
	s5 =	sadd.s32 s21, s3  }
0x9d: {  	[timem:s7], [sflag:s22] =	dma.local [hbm:s5], s20  }
0x9e: {  	_ =	swait.ge [sflag:s22], s20  }
0x9f: {  	s4 =	ssub.s32 $0x0, s20;
	[sflag:s22] =	ssyncset.done $0x0  }
0xa0: {  	[sflag:s22] =	ssyncadd.s32 s4;
	_ =	sdelay $0x1  }
0xa1: {  	s23 =	simm.s32 $0x1B8B  }
0xa2: {  	_ =	swait.ge [sflag:s23], $0x1  }
0xa3: {  	[sflag:s23] =	ssyncset.done $0x0  }
0xa4: {  	s25 =	simm.s32 $0x1B8E;
	s24 =	sld [smem:$0x3FFE];
	[sflag:s23] =	ssyncadd.s32 $0xFFFFFFFF  }
0xa5: {  	s26 =	simm.s32 $execute0_lowered;
	[smem:$0x3FD2] =	sst s25  }
0xa6: {  	s5 =	sshll.u32 s26, $0x1;
	_ =	strace $0x80000049;
	[dreg:$0x1] =	wrdreg $0xFFFFFFFF  }
0xa7: {  	s28 =	simm.s32 $_size_execute0_lowered;
	s3 =	sadd.s32 s3, s5;
	[dreg:$0x0] =	wrdreg $0x0  }
0xa8: {  	s5 =	sshll.u32 s28, $0x1;
	[dreg:$0x2] =	wrdreg s3  }
0xa9: {  	[dreg:$0x3] =	wrdreg s5  }
0xaa: {  	[dreg:$0x4] =	wrdreg $0xC0  }
0xab: {  	_ =	task [dreg:s7], $0x5FFFF  }
0xac: {  	[dreg:$0x1] =	wrdreg $0xFFFFFFFF  }
0xad: {  	[dreg:$0x0] =	wrdreg $0x60  }
0xae: {  	[dreg:$0x2] =	wrdreg s24  }
0xaf: {  	[dreg:$0x3] =	wrdreg s2  }
0xb0: {  	[dreg:$0x4] =	wrdreg $0x8C000  }
0xb1: {  	[dreg:$0x5] =	wrdreg $0x9  }
0xb2: {  	_ =	task.clear_ibuf [dreg:s7], $0x6FFFF;
	_ =	strace $0x90000049  }
0xb3: {  	s29 =	simm.s32 $0x9;
	_ =	strace $0x8000004B  }
0xb4: {  	_ =	swait.ge [sflag:s29], $0x1  }
0xb5: {  	[sflag:s29] =	ssyncadd.s32 $0xFFFFFFFF  }
0xb6: {  	_ =	strace $0x9000004B  }
0xb7: {  	_ =	sfence  }
0xb8: {  	s30 =	sld [smem:$0x0];
	_ =	sdelay $0x2  }
0xb9: {  	s31 =	sshll.u32 s1, $0xD;
	s1 =	sshrl.u32 s1, $0x2  }
0xba: {  	s3 =	sand.u32 $0x4000, s31;
	s1 =	sadd.s32 s1, s30  }
0xbb: {  	s0 =	sor.u32 s3, s0;
	s1 =	sshll.u32 s1, $0x11  }
0xbc: {  	s0 =	sor.u32 s1, s0  }
0xbd: {  	s0 =	sadd.s32 $0x8F2B, s0  }
0xbe: {  	[sflag:s0] =	ssyncadd.remote.s32 $0x1  }
0xbf: {  	_ =	sfence.sel $0xFFFF  }
0xc0: {  	[dreg:$0x0] =	wrdreg $0xFFFFFFFF;
	(pc) =	sbr.abs _section_cstart, $3  }
0xc1: {  	[dreg:$0x1] =	wrdreg $0xFFFFFFFF  }
0xc2: {  	_ =	task.clear_ibuf [dreg:s7], $0x2FFFF;
	_ =	strace $0x9FFFFFFF  }
0xc3: {  	(tm) =	ssettm $0x7FFFFFFF  }
tec
execute0_lowered:
.L_overlay_start_1:
0x0: {  	(tag) =	ssettag $0x1  }
0x1: {  	s0 =	rddreg [dreg:$0x0]  }
0x2: {  	s1 =	rddreg [dreg:$0x1]  }
0x3: {  	s3 =	rddreg [dreg:$0x2];
	s4 =	simm.s32 $0x0  }
0x4: {  	s14 =	stileid.u32;
	s2 =	srdreg.scid;
	s15 =	simm.s32 $0x100  }
0x5: {  	s17 =	simm.s32 $0x80;
	s18 =	simm.s32 $0x400;
	s19 =	simm.s32 $0x3  }
0x6: {  	s20 =	simm.s32 $0x5;
	[smem:$0x7FF] =	sst s4;
	s5 =	smul.u32 $0x280, s14  }
0x7: {  	s2 =	sand.u32 $0x1, s2;
	s6 =	sadd.s32 $0x4600, s0;
	s25 =	smul.u32 $0x9E0, s14  }
0x8: {  	_ =	strace $0x8000004A;
	s7 =	smul.u32 $0x138800, s2;
	s9 =	sshll.u32 s2, $0x4  }
0x9: {  	s21 =	ssub.s32 $0x2, s2;
	s2 =	smul.u32 $0x9E00, s2;
	s8 =	smin.u32 s5, $0x2490  }
0xa: {  	s12 =	sor.u32 s14, s9;
	s10 =	sshrl.u32 s21, $0x1;
	s14 =	simm.s32 $0x4  }
0xb: {  	s11 =	sshll.u32 s8, $0x7;
	s9 =	smul.u32 $0x4E, s12;
	s13 =	smax.u32 s12, $0x1C  }
0xc: {  	s22 =	ssub.s32 s21, s10;
	p0 =	sgt.u32 s12, $0x1B;
	s29 =	smin.u32 s12, $0x1C  }
0xd: {  	s30 =	sadd.s32 s25, s2;
	s21 =	simm.s32 $0x4400;
	s7 =	sadd.s32 s7, s11  }
0xe: {  	s31 =	sshll.u32 s29, $0x5;
	s16 =	sadd.s32 s11, s3;
	s11 =	smax.u32 s22, $0x1  }
0xf: {  	s22 =	simm.s32 $0x1;
	s7 =	sshrl.u32 s7, $0x3;
	s23 =	sadd.s32 s9, s13  }
0x10: {  	s9 =	simm.s32 $0x4F;
	s2 =	ssub.s32 s30, s31;
	s13 =	simm.s32 $0x8400  }
0x11: {  	s0 =	sadd.s32 s7, s0;
	s8 =	sshll.u32 s23, $0x5;
	s9 =	simm.s32 @!p0 $0x4E  }
0x12: {  	s24 =	sadd.s32 s1, s8;
	[dreg:$0x4] =	wrdreg s9;
	s0 =	sadd.s32 $0x2B800, s0  }
0x13: {  	s25 =	sshrl.u32 s16, $0x3;
	s8 =	sadd.s32 $0xFFFFFC80, s24;
	[dreg:$0x8] =	wrdreg s0  }
0x14: {  	s23 =	simm.s32 $0x6;
	s26 =	sadd.s32 $0xFFFFFCA0, s24;
	[dreg:$0x5] =	wrdreg s8  }
0x15: {  	p0 =	slt.u32 s12, $0x1C;
	s28 =	sadd.s32 $0xFFFFFCC0, s24;
	[dreg:$0x6] =	wrdreg s26  }
0x16: {  	v0 =	vimm.f32 $0.0e+00;
	s24 =	simm.s32 $0x2;
	[dreg:$0x7] =	wrdreg s28;
	s26 =	simm.s32 $0x0  }
.LBB2_1:
0x17: {  	[tilespmem:$0x8400] =	vst v0  }
0x18: {  	[tilespmem:$0x8410] =	vst v0  }
0x19: {  	[tilespmem:$0x8420] =	vst v0  }
0x1a: {  	[tilespmem:$0x8430] =	vst v0  }
0x1b: {  	[tilespmem:$0x8440] =	vst v0  }
0x1c: {  	[tilespmem:$0x8450] =	vst v0  }
0x1d: {  	[tilespmem:$0x8460] =	vst v0  }
0x1e: {  	[tilespmem:$0x8470] =	vst v0  }
0x1f: {  	[tilespmem:$0x8480] =	vst v0  }
0x20: {  	[tilespmem:$0x8490] =	vst v0  }
0x21: {  	[tilespmem:$0x84A0] =	vst v0  }
0x22: {  	[tilespmem:$0x84B0] =	vst v0  }
0x23: {  	[tilespmem:$0x84C0] =	vst v0  }
0x24: {  	[tilespmem:$0x84D0] =	vst v0  }
0x25: {  	[tilespmem:$0x84E0] =	vst v0  }
0x26: {  	[tilespmem:$0x84F0] =	vst v0  }
0x27: {  	[tilespmem:$0x8500] =	vst v0  }
0x28: {  	[tilespmem:$0x8510] =	vst v0  }
0x29: {  	[tilespmem:$0x8520] =	vst v0  }
0x2a: {  	[tilespmem:$0x8530] =	vst v0  }
0x2b: {  	[tilespmem:$0x8540] =	vst v0  }
0x2c: {  	[tilespmem:$0x8550] =	vst v0  }
0x2d: {  	[tilespmem:$0x8560] =	vst v0  }
0x2e: {  	[tilespmem:$0x8570] =	vst v0  }
0x2f: {  	[tilespmem:$0x8580] =	vst v0  }
0x30: {  	[tilespmem:$0x8590] =	vst v0  }
0x31: {  	[tilespmem:$0x85A0] =	vst v0  }
0x32: {  	[tilespmem:$0x85B0] =	vst v0  }
0x33: {  	[tilespmem:$0x85C0] =	vst v0  }
0x34: {  	[tilespmem:$0x85D0] =	vst v0  }
0x35: {  	[tilespmem:$0x85E0] =	vst v0  }
0x36: {  	[tilespmem:$0x85F0] =	vst v0  }
0x37: {  	[tilespmem:$0x8600] =	vst v0  }
0x38: {  	[tilespmem:$0x8610] =	vst v0  }
0x39: {  	[tilespmem:$0x8620] =	vst v0  }
0x3a: {  	[tilespmem:$0x8630] =	vst v0  }
0x3b: {  	[tilespmem:$0x8640] =	vst v0  }
0x3c: {  	[tilespmem:$0x8650] =	vst v0  }
0x3d: {  	[tilespmem:$0x8660] =	vst v0  }
0x3e: {  	[tilespmem:$0x8670] =	vst v0  }
0x3f: {  	[tilespmem:$0x8680] =	vst v0  }
0x40: {  	[tilespmem:$0x8690] =	vst v0  }
0x41: {  	[tilespmem:$0x86A0] =	vst v0  }
0x42: {  	[tilespmem:$0x86B0] =	vst v0  }
0x43: {  	[tilespmem:$0x86C0] =	vst v0  }
0x44: {  	[tilespmem:$0x86D0] =	vst v0  }
0x45: {  	[tilespmem:$0x86E0] =	vst v0  }
0x46: {  	[tilespmem:$0x86F0] =	vst v0  }
0x47: {  	[tilespmem:$0x8700] =	vst v0  }
0x48: {  	[tilespmem:$0x8710] =	vst v0  }
0x49: {  	[tilespmem:$0x8720] =	vst v0  }
0x4a: {  	[tilespmem:$0x8730] =	vst v0  }
0x4b: {  	[tilespmem:$0x8740] =	vst v0  }
0x4c: {  	[tilespmem:$0x8750] =	vst v0  }
0x4d: {  	[tilespmem:$0x8760] =	vst v0  }
0x4e: {  	[tilespmem:$0x8770] =	vst v0  }
0x4f: {  	[tilespmem:$0x8780] =	vst v0  }
0x50: {  	[tilespmem:$0x8790] =	vst v0  }
0x51: {  	[tilespmem:$0x87A0] =	vst v0  }
0x52: {  	[tilespmem:$0x87B0] =	vst v0  }
0x53: {  	[tilespmem:$0x87C0] =	vst v0  }
0x54: {  	[tilespmem:$0x87D0] =	vst v0  }
0x55: {  	[tilespmem:$0x87E0] =	vst v0  }
0x56: {  	[tilespmem:$0x87F0] =	vst v0  }
0x57: {  	[tilespmem:$0x8800] =	vst v0  }
0x58: {  	[tilespmem:$0x8810] =	vst v0  }
0x59: {  	[tilespmem:$0x8820] =	vst v0  }
0x5a: {  	[tilespmem:$0x8830] =	vst v0  }
0x5b: {  	[tilespmem:$0x8840] =	vst v0  }
0x5c: {  	[tilespmem:$0x8850] =	vst v0  }
0x5d: {  	[tilespmem:$0x8860] =	vst v0  }
0x5e: {  	[tilespmem:$0x8870] =	vst v0  }
0x5f: {  	[tilespmem:$0x8880] =	vst v0  }
0x60: {  	[tilespmem:$0x8890] =	vst v0  }
0x61: {  	[tilespmem:$0x88A0] =	vst v0  }
0x62: {  	[tilespmem:$0x88B0] =	vst v0  }
0x63: {  	[tilespmem:$0x88C0] =	vst v0  }
0x64: {  	[tilespmem:$0x88D0] =	vst v0  }
0x65: {  	[tilespmem:$0x88E0] =	vst v0  }
0x66: {  	[tilespmem:$0x88F0] =	vst v0  }
0x67: {  	[tilespmem:$0x8900] =	vst v0  }
0x68: {  	[tilespmem:$0x8910] =	vst v0  }
0x69: {  	[tilespmem:$0x8920] =	vst v0  }
0x6a: {  	[tilespmem:$0x8930] =	vst v0  }
0x6b: {  	[tilespmem:$0x8940] =	vst v0  }
0x6c: {  	[tilespmem:$0x8950] =	vst v0  }
0x6d: {  	[tilespmem:$0x8960] =	vst v0  }
0x6e: {  	[tilespmem:$0x8970] =	vst v0  }
0x6f: {  	[tilespmem:$0x8980] =	vst v0  }
0x70: {  	[tilespmem:$0x8990] =	vst v0  }
0x71: {  	[tilespmem:$0x89A0] =	vst v0  }
0x72: {  	[tilespmem:$0x89B0] =	vst v0  }
0x73: {  	[tilespmem:$0x89C0] =	vst v0  }
0x74: {  	[tilespmem:$0x89D0] =	vst v0  }
0x75: {  	[tilespmem:$0x89E0] =	vst v0  }
0x76: {  	[tilespmem:$0x89F0] =	vst v0  }
0x77: {  	[tilespmem:$0x8A00] =	vst v0  }
0x78: {  	[tilespmem:$0x8A10] =	vst v0  }
0x79: {  	[tilespmem:$0x8A20] =	vst v0  }
0x7a: {  	[tilespmem:$0x8A30] =	vst v0  }
0x7b: {  	[tilespmem:$0x8A40] =	vst v0  }
0x7c: {  	[tilespmem:$0x8A50] =	vst v0  }
0x7d: {  	[tilespmem:$0x8A60] =	vst v0  }
0x7e: {  	[tilespmem:$0x8A70] =	vst v0  }
0x7f: {  	[tilespmem:$0x8A80] =	vst v0  }
0x80: {  	[tilespmem:$0x8A90] =	vst v0  }
0x81: {  	[tilespmem:$0x8AA0] =	vst v0  }
0x82: {  	[tilespmem:$0x8AB0] =	vst v0  }
0x83: {  	[tilespmem:$0x8AC0] =	vst v0  }
0x84: {  	[tilespmem:$0x8AD0] =	vst v0  }
0x85: {  	[tilespmem:$0x8AE0] =	vst v0  }
0x86: {  	[tilespmem:$0x8AF0] =	vst v0  }
0x87: {  	[tilespmem:$0x8B00] =	vst v0  }
0x88: {  	[tilespmem:$0x8B10] =	vst v0  }
0x89: {  	[tilespmem:$0x8B20] =	vst v0  }
0x8a: {  	[tilespmem:$0x8B30] =	vst v0  }
0x8b: {  	[tilespmem:$0x8B40] =	vst v0  }
0x8c: {  	[tilespmem:$0x8B50] =	vst v0  }
0x8d: {  	[tilespmem:$0x8B60] =	vst v0  }
0x8e: {  	[tilespmem:$0x8B70] =	vst v0  }
0x8f: {  	[tilespmem:$0x8B80] =	vst v0  }
0x90: {  	[tilespmem:$0x8B90] =	vst v0  }
0x91: {  	[tilespmem:$0x8BA0] =	vst v0  }
0x92: {  	[tilespmem:$0x8BB0] =	vst v0  }
0x93: {  	[tilespmem:$0x8BC0] =	vst v0;
	s0 =	sadd.s32 $0x0, s5  }
0x94: {  	[tilespmem:$0x8BD0] =	vst v0;
	s0 =	smin.u32 s0, $0x2700  }
0x95: {  	[tilespmem:$0x8BE0] =	vst v0;
	s7 =	sshll.u32 s0, $0x7  }
0x96: {  	[tilespmem:$0x8BF0] =	vst v0;
	s0 =	simm.s32 $0x10;
	s7 =	sadd.s32 s7, s3  }
.LBB2_2:
0x97: {  	[spmem:s7] =	stream.linear.scatter [tilespmem:s13], [sflag:$0x3], $0x800, $0x38;
	[tilespmem:$0x1C480] =	vst v63  }
0x98: {  	s7 =	smov.u32 s0;
	p1 =	sne.s32 s0, $0x270  }
.Ltmp0:
0x99: {  	s0 =	sadd.s32 $0x10, s0;
	(pc) =	sbr.rel @p1 .LBB2_2-.Ltmp0, $4  }
0x9a: {  	s7 =	sadd.s32 s7, s5  }
0x9b: {  	s7 =	smin.u32 s7, $0x2700  }
0x9c: {  	s7 =	sshll.u32 s7, $0x7  }
0x9d: {  	s7 =	sadd.s32 s7, s3  }
0x9e: {  	[spmem:s7] =	stream.linear.scatter [tilespmem:s13], [sflag:$0x3], $0x800, $0x38;
	[tilespmem:$0x1C480] =	vst v63  }
0x9f: {  	s0 =	rddreg [dreg:$0x5]  }
0xa0: {  	[tilespmem:s4], [sflag:$0x4] =	stream.linear.gather [hbm4b:s0+s4], $0x100, $0x38;
	[tilespmem:$0x1C480] =	vst v63  }
0xa1: {  	_ =	swait.ge [sflag:s14], $0x100  }
0xa2: {  	[sflag:s14] =	ssyncset.done $0x0  }
0xa3: {  	s29 =	rddreg [dreg:$0x6];
	[sflag:s14] =	ssyncadd.s32 $0xFFFFFF00  }
0xa4: {  	[tilespmem:s15], [sflag:$0x5] =	stream.linear.gather [hbm4b:s29+s4], $0x100, $0x38;
	[tilespmem:$0x1C480] =	vst v63  }
0xa5: {  	s31 =	simm.s32 $0x200;
	s30 =	rddreg [dreg:$0x7]  }
0xa6: {  	[tilespmem:s31], [sflag:$0x4] =	stream.linear.gather [hbm4b:s30+s4], $0x100, $0x38;
	[tilespmem:$0x1C480] =	vst v63  }
0xa7: {  	_ = 	snop  }
0xa8: {  	[tilespmem:s18], [sflag:$0x1] =	stream.indirect.gather [hbm4b:s6+s17], $0x80, s4, s17, $0xb8;
	[tilespmem:$0x1C480] =	vst v63  }
0xa9: {  	_ =	swait.ge [sflag:s19], $0x800  }
0xaa: {  	s0 =	simm.s32 $0x27;
	[sflag:s19] =	ssyncset.done $0x0  }
.LBB2_4:
0xab: {  	p1 =	sne.s32 s0, $0x1;
	s0 =	sadd.s32 $0xFFFFFFFF, s0;
	[sflag:s19] =	ssyncadd.s32 $0xFFFFF800  }
.Ltmp1:
0xac: {  	(pc) =	sbr.rel @p1 .LBB2_4-.Ltmp1, $3  }
0xad: {  	_ =	sdelay $0x1  }
0xae: {  	_ =	swait.ge [sflag:s19], $0x800  }
0xaf: {  	[sflag:s19] =	ssyncset.done $0x0  }
0xb0: {  	[sflag:s19] =	ssyncadd.s32 $0xFFFFF800  }
0xb1: {  	s0 =	simm.s32 $0xC00;
	[bflag:$0x0] =	sbarrier.arrive $0xFFFF  }
0xb2: {  	s7 =	simm.s32 $0x0;
	s12 =	sadd.s32 $0x60, s2;
	_ =	swait.ge [sflag:s20], $0x100  }
0xb3: {  	s0 =	sand.u32 $0xC00, s0;
	s28 =	sand.u32 $0x200, s7;
	[sflag:s20] =	ssyncset.done $0x0  }
0xb4: {  	s12 =	sand.u32 $0x1FFFFFE0, s12;
	s16 =	sor.u32 $0x100, s28;
	[sflag:s20] =	ssyncadd.s32 $0xFFFFFF00  }
0xb5: {  	[tilespmem:s21], [sflag:$0x2] =	stream.indirect.gather [hbm4b:s6+s17], $0x80, s16, s17, $0xb8;
	[tilespmem:$0x1C480] =	vst v63  }
0xb6: {  	s0 =	sshrl.u32 s0, $0x2;
	s12 =	sadd.s32 s1, s12  }
0xb7: {  	[tilespmem:s0], [sflag:$0x5] =	stream.linear.gather [hbm4b:s12+s4], $0x100, $0x38;
	[tilespmem:$0x1C480] =	vst v63  }
0xb8: {  	_ =	swait.ge [sflag:s22], $0x4000  }
0xb9: {  	[sflag:s22] =	ssyncset.done $0x0  }
0xba: {  	s12 =	sor.u32 $0x80, s28;
	[sflag:s22] =	ssyncadd.s32 $0xFFFFC000  }
0xbb: {  	[spmem:s3] =	stream.indirect.scatter.add.f32 [tilespmem:s18], [sflag:$0x6], $0x80, s12, s17, $0xb8;
	[tilespmem:$0x1C480] =	vst v63  }
0xbc: {  	_ =	swait.ge [sflag:s23], $0x4000  }
0xbd: {  	[sflag:s23] =	ssyncset.done $0x0  }
0xbe: {  	s31 =	simm.s32 $0x4;
	[sflag:s23] =	ssyncadd.s32 $0xFFFFC000  }
0xbf: {  	s29 =	simm.s32 $0x800;
	s16 =	sxor.u32 $0xFFFFFFFF, s7;
	_ =	swait.ge [sflag:s14], $0x100  }
0xc0: {  	s30 =	simm.s32 $0x200;
	s0 =	sand.u32 $0x800, s16;
	[sflag:s14] =	ssyncset.done $0x0  }
0xc1: {  	s16 =	smov.u32 s2;
	s0 =	sshrl.u32 s0, $0x2;
	[sflag:s14] =	ssyncadd.s32 $0xFFFFFF00  }
0xc2: {  	[tilespmem:s18], [sflag:$0x1] =	stream.indirect.gather [hbm4b:s6+s17], $0x80, s0, s17, $0xb8;
	[tilespmem:$0x1C480] =	vst v63  }
0xc3: {  	s12 =	smov.u32 s2;
	s7 =	rddreg [dreg:$0x4];
	s0 =	simm.s32 $0x6  }
.LBB2_6:
0xc4: {  	p2 =	sge.u32 s31, s7  }
0xc5: {  	s8 =	sadd.s32 @!p2 $0x80, s12  }
0xc6: {  	s8 =	sand.u32 @!p2 $0x1FFFFFE0, s8  }
0xc7: {  	s9 =	simm.s32 @!p2 $0x0;
	s8 =	sadd.s32 @!p2 s1, s8  }
0xc8: {  	[tilespmem:s28], [sflag:$0x4] =	stream.linear.gather @!p2 [hbm4b:s8+s9], $0x100, $0x38;
	[tilespmem:$0x1C480] =	vst v63  }
0xc9: {  	_ =	swait.ge [sflag:s24], $0x4000  }
0xca: {  	[sflag:s24] =	ssyncset.done $0x0  }
0xcb: {  	s10 =	sadd.s32 $0x180, s28;
	[sflag:s24] =	ssyncadd.s32 $0xFFFFC000  }
0xcc: {  	[spmem:s3] =	stream.indirect.scatter.add.f32 [tilespmem:s21], [sflag:$0x6], $0x80, s10, s17, $0xb8;
	[tilespmem:$0x1C480] =	vst v63  }
0xcd: {  	_ =	swait.ge [sflag:s23], $0x4000  }
0xce: {  	[sflag:s23] =	ssyncset.done $0x0  }
0xcf: {  	s16 =	sadd.s32 $0x40, s16;
	s7 =	smov.u32 s29;
	[sflag:s23] =	ssyncadd.s32 $0xFFFFC000  }
0xd0: {  	s9 =	sadd.s32 $0xC00, s7;
	s28 =	sand.u32 $0x200, s30;
	_ =	swait.ge [sflag:s20], $0x100  }
0xd1: {  	s8 =	sand.u32 $0xC00, s9;
	s10 =	sadd.s32 $0x60, s16;
	[sflag:s20] =	ssyncset.done $0x0  }
0xd2: {  	s9 =	sor.u32 $0x100, s28;
	s10 =	sand.u32 $0x1FFFFFE0, s10;
	[sflag:s20] =	ssyncadd.s32 $0xFFFFFF00  }
0xd3: {  	[tilespmem:s21], [sflag:$0x2] =	stream.indirect.gather [hbm4b:s6+s17], $0x80, s9, s17, $0xb8;
	[tilespmem:$0x1C480] =	vst v63  }
0xd4: {  	s8 =	sshrl.u32 s8, $0x2;
	s10 =	sadd.s32 s1, s10  }
0xd5: {  	[tilespmem:s8], [sflag:$0x5] =	stream.linear.gather [hbm4b:s10+s4], $0x100, $0x38;
	[tilespmem:$0x1C480] =	vst v63  }
0xd6: {  	_ =	swait.ge [sflag:s22], $0x4000  }
0xd7: {  	[sflag:s22] =	ssyncset.done $0x0  }
0xd8: {  	s9 =	sor.u32 $0x80, s28;
	[sflag:s22] =	ssyncadd.s32 $0xFFFFC000  }
0xd9: {  	[spmem:s3] =	stream.indirect.scatter.add.f32 [tilespmem:s18], [sflag:$0x6], $0x80, s9, s17, $0xb8;
	[tilespmem:$0x1C480] =	vst v63  }
0xda: {  	s29 =	sadd.s32 $0x800, s29;
	_ =	swait.ge [sflag:s23], $0x4000  }
0xdb: {  	s31 =	smov.u32 s0;
	p1 =	sne.s32 s29, $0x13000;
	[sflag:s23] =	ssyncset.done $0x0  }
.Ltmp2:
0xdc: {  	s0 =	sadd.s32 $0x2, s0;
	[sflag:s23] =	ssyncadd.s32 $0xFFFFC000;
	(pc) =	sbr.rel @p1 .LBB2_6-.Ltmp2, $4  }
0xdd: {  	s12 =	smov.u32 s16;
	s7 =	sxor.u32 $0xFFFFFFFF, s7;
	_ =	swait.ge [sflag:s14], $0x100  }
0xde: {  	s30 =	sadd.s32 $0x200, s30;
	s10 =	sand.u32 $0x800, s7;
	[sflag:s14] =	ssyncset.done $0x0  }
0xdf: {  	s8 =	sshrl.u32 s10, $0x2;
	s7 =	rddreg [dreg:$0x4];
	[sflag:s14] =	ssyncadd.s32 $0xFFFFFF00  }
0xe0: {  	[tilespmem:s18], [sflag:$0x1] =	stream.indirect.gather [hbm4b:s6+s17], $0x80, s8, s17, $0xb8;
	[tilespmem:$0x1C480] =	vst v63  }
0xe1: {  	p1 =	sge.u32 s31, s7  }
0xe2: {  	s0 =	sadd.s32 @!p1 $0x80, s12  }
0xe3: {  	s0 =	sand.u32 @!p1 $0x1FFFFFE0, s0  }
0xe4: {  	s7 =	simm.s32 @!p1 $0x0;
	s0 =	sadd.s32 @!p1 s1, s0  }
0xe5: {  	[tilespmem:s28], [sflag:$0x4] =	stream.linear.gather @!p1 [hbm4b:s0+s7], $0x100, $0x38;
	[tilespmem:$0x1C480] =	vst v63  }
0xe6: {  	_ =	swait.ge [sflag:s24], $0x4000  }
0xe7: {  	[sflag:s24] =	ssyncset.done $0x0  }
0xe8: {  	s29 =	sadd.s32 $0x180, s28;
	[sflag:s24] =	ssyncadd.s32 $0xFFFFC000  }
0xe9: {  	[spmem:s3] =	stream.indirect.scatter.add.f32 [tilespmem:s21], [sflag:$0x6], $0x80, s29, s17, $0xb8;
	[tilespmem:$0x1C480] =	vst v63  }
0xea: {  	_ =	swait.ge [sflag:s23], $0x4000  }
0xeb: {  	[sflag:s23] =	ssyncset.done $0x0  }
0xec: {  	[sflag:s23] =	ssyncadd.s32 $0xFFFFC000  }
0xed: {  	_ =	swait.ge [sflag:s20], $0x100  }
0xee: {  	[sflag:s20] =	ssyncset.done $0x0  }
0xef: {  	[sflag:s20] =	ssyncadd.s32 $0xFFFFFF00  }
0xf0: {  	[tilespmem:s21], [sflag:$0x2] =	stream.indirect.gather [hbm4b:s6+s17], $0x80, s15, s17, $0xb8;
	[tilespmem:$0x1C480] =	vst v63  }
0xf1: {  	_ =	swait.ge [sflag:s22], $0x4000  }
0xf2: {  	[sflag:s22] =	ssyncset.done $0x0  }
0xf3: {  	[sflag:s22] =	ssyncadd.s32 $0xFFFFC000  }
0xf4: {  	[spmem:s3] =	stream.indirect.scatter.add.f32 [tilespmem:s18], [sflag:$0x6], $0x80, s17, s17, $0xb8;
	[tilespmem:$0x1C480] =	vst v63  }
0xf5: {  	_ =	swait.ge [sflag:s23], $0x4000  }
0xf6: {  	[sflag:s23] =	ssyncset.done $0x0  }
0xf7: {  	s0 =	simm.s32 @p0 $0x2;
	[sflag:s23] =	ssyncadd.s32 $0xFFFFC000  }
0xf8: {  	_ =	swait.ge @p0 [sflag:s0], $0x4000  }
0xf9: {  	s8 =	simm.s32 @p0 $0x4400;
	[sflag:s0] =	ssyncset.done @p0 $0x0  }
0xfa: {  	s7 =	simm.s32 @p0 $0x180;
	[sflag:s0] =	ssyncadd.s32 @p0 $0xFFFFC000;
	s0 =	simm.s32 @p0 $0x80  }
0xfb: {  	[spmem:s3] =	stream.indirect.scatter.add.f32 @p0 [tilespmem:s8], [sflag:$0x6], $0x80, s7, s0, $0xb8;
	[tilespmem:$0x1C480] =	vst v63  }
0xfc: {  	s0 =	simm.s32 @!p0 $0x4  }
0xfd: {  	_ =	swait.ge @!p0 [sflag:s0], $0x100  }
0xfe: {  	s7 =	simm.s32 @!p0 $0x200;
	[sflag:s0] =	ssyncset.done @!p0 $0x0  }
0xff: {  	s8 =	simm.s32 @!p0 $0x400;
	[sflag:s0] =	ssyncadd.s32 @!p0 $0xFFFFFF00;
	s0 =	simm.s32 @!p0 $0x80  }
0x100: {  	[tilespmem:s8], [sflag:$0x1] =	stream.indirect.gather @!p0 [hbm4b:s6+s0], $0x80, s7, s0, $0xb8;
	[tilespmem:$0x1C480] =	vst v63  }
0x101: {  	s7 =	simm.s32 @!p0 $0x2  }
0x102: {  	_ =	swait.ge @!p0 [sflag:s7], $0x4000  }
0x103: {  	[sflag:s7] =	ssyncset.done @!p0 $0x0  }
0x104: {  	s9 =	simm.s32 @!p0 $0x4400;
	[sflag:s7] =	ssyncadd.s32 @!p0 $0xFFFFC000;
	s7 =	simm.s32 @!p0 $0x180  }
0x105: {  	[spmem:s3] =	stream.indirect.scatter.add.f32 @!p0 [tilespmem:s9], [sflag:$0x6], $0x80, s7, s0, $0xb8;
	[tilespmem:$0x1C480] =	vst v63  }
0x106: {  	s7 =	simm.s32 @!p0 $0x6  }
0x107: {  	_ =	swait.ge @!p0 [sflag:s7], $0x4000  }
0x108: {  	[sflag:s7] =	ssyncset.done @!p0 $0x0  }
0x109: {  	[sflag:s7] =	ssyncadd.s32 @!p0 $0xFFFFC000;
	s7 =	simm.s32 @!p0 $0x1  }
0x10a: {  	_ =	swait.ge @!p0 [sflag:s7], $0x4000  }
0x10b: {  	[sflag:s7] =	ssyncset.done @!p0 $0x0  }
0x10c: {  	[sflag:s7] =	ssyncadd.s32 @!p0 $0xFFFFC000;
	s7 =	simm.s32 @!p0 $0x280  }
0x10d: {  	[spmem:s3] =	stream.indirect.scatter.add.f32 @!p0 [tilespmem:s8], [sflag:$0x6], $0x80, s7, s0, $0xb8;
	[tilespmem:$0x1C480] =	vst v63  }
0x10e: {  	_ =	swait.ge [sflag:s23], $0x4000  }
0x10f: {  	[sflag:s23] =	ssyncset.done $0x0  }
0x110: {  	s30 =	stileid.u32;
	s26 =	sadd.s32 $0x1, s26;
	[sflag:s23] =	ssyncadd.s32 $0xFFFFC000  }
0x111: {  	p1 =	sne.s32 s26, s11;
	s0 =	sshll.u32 s30, $0x6;
	[bflag:$0x0] =	sbarrier.arrive $0xFFFF  }
.Ltmp3:
0x112: {  	s0 =	sor.u32 $0x1C06, s0;
	s31 =	rddreg [dreg:$0x8];
	(pc) =	sbr.rel @p1 .LBB2_1-.Ltmp3, $4  }
0x113: {  	[hbm:s31], [sflag:s0] =	dma.local [spmem:s25], $0x2800  }
0x114: {  	_ =	swait.ge [sflag:s23], $0x2800  }
0x115: {  	[sflag:s23] =	ssyncset.done $0x0  }
0x116: {  	[sflag:s23] =	ssyncadd.s32 $0xFFFFD800  }
0x117: {  	_ =	sfence.sel $0x180000  }
0x118: {  	[bflag:$0x0] =	sbarrier.arrive $0xFFFF  }
0x119: {  	_ =	strace $0x9000004A  }
0x11a: {  	s0 =	stileid.u32;
	[bflag:$0x2] =	sbarrier.arrive $0xFFFF  }
0x11b: {  	p0 =	sne.s32 s0, $0x0;
	s0 =	rddreg [dreg:$0x3]  }
0x11c: {  	s0 =	sadd.s32 @!p0 $0x100000, s0  }
0x11d: {  	[sflag:s0] =	ssyncadd.tile.s32 @!p0 $0x1;
	_ =	shalt  }
.Lfunc_end2:
_tile_overlayer_lowered:
.L_overlay_start_2:
0x11e: {  	(tag) =	ssettag $0x2  }
0x11f: {  	s0 =	rddreg [dreg:$0x0];
	s2 =	stileid.u32  }
0x120: {  	s1 =	rddreg [dreg:$0x1];
	p0 =	sne.s32 s2, $0x0  }
0x121: {  	s3 =	rddreg [dreg:$0x2];
	[bflag:$0x3] =	sbarrier.arrive $0xFFFF;
	s2 =	simm.s32 @!p0 $0x1C06  }
0x122: {  	[timem:s3], [sflag:s2] =	dma.local @!p0 [hbm:s0], s1  }
0x123: {  	s0 =	simm.s32 @!p0 $0x6  }
0x124: {  	_ =	swait.ge @!p0 [sflag:s0], s1  }
0x125: {  	s1 =	ssub.s32 @!p0 $0x0, s1;
	[sflag:s0] =	ssyncset.done @!p0 $0x0  }
0x126: {  	[sflag:s0] =	ssyncadd.s32 @!p0 s1  }
0x127: {  	[bflag:$0x3] =	sbarrier.arrive $0xFFFF  }
0x128: {  	_ =	shalt  }

// kernel: kernel.7.cloned.1.call-start
scs
__scs_entry_jumppad:
0x0: {  	(pc) =	sbr.rel $0x88, $3  }
0x1: {  	(tag) =	ssettag $0x0;
	lr =	simm.s32 $0x1  }
0x2: {  	[smem:$0x3F85] =	sst lr;
	_ =	strace $0xD0000000  }
0x3: {  	_ = 	snop  }
0x4: {  	_ = 	snop  }
0x5: {  	_ = 	snop  }
0x6: {  	_ = 	snop  }
0x7: {  	_ = 	snop  }
__scs_overlays_trampoline_lowered:
0x8: {  	[smem:$0x3F94] =	sst s0  }
0x9: {  	[smem:$0x3F95] =	sst s1  }
0xa: {  	[smem:$0x3F96] =	sst s2  }
0xb: {  	[smem:$0x3F97] =	sst s3  }
0xc: {  	[smem:$0x3F98] =	sst s4  }
0xd: {  	[smem:$0x3F99] =	sst s5  }
0xe: {  	[smem:$0x3F9A] =	sst s6  }
0xf: {  	[smem:$0x3F9B] =	sst s7  }
0x10: {  	[smem:$0x3F9C] =	sst s8  }
0x11: {  	[smem:$0x3F9D] =	sst s9;
	s0 =	simm.s32 @!p0 $0x0  }
0x12: {  	s1 =	sld [smem:$0x3F83];
	s0 =	simm.s32 @p0 $0x1  }
0x13: {  	[smem:$0x3F9E] =	sst s0;
	s0 =	simm.s32 @!p1 $0x0  }
0x14: {  	s2 =	sld [smem:$0x3F82];
	s0 =	simm.s32 @p1 $0x1  }
0x15: {  	[smem:$0x3F9F] =	sst s0;
	s0 =	simm.s32 @!p2 $0x0  }
0x16: {  	s3 =	sld [smem:$0x3FDB];
	s0 =	simm.s32 @p2 $0x1  }
0x17: {  	s4 =	simm.s32 $0x1BF5;
	[smem:$0x3FA1] =	sst s0  }
0x18: {  	s0 =	sld [smem:$0x3F84];
	_ =	swait.ge [sflag:s4], $0x0  }
0x19: {  	s7 =	sld [smem:$0x3F85]  }
0x1a: {  	s8 =	sadd.s32 $0xFFFFE003, lr  }
0x1b: {  	s9 =	sadd.s32 $0xFFFFFEF7, lr;
	s5 =	simm.s32 $0xFFFFFFFF;
	p2 =	slt.u32 s8, $0xFFFFF086  }
0x1c: {  	p1 =	slt.u32 s9, $0xF7A;
	s5 =	simm.s32 @!p2 $0x0  }
0x1d: {  	s5 =	simm.s32 @p1 $0x1;
	p0 =	seq.s32 s7, s2  }
0x1e: {  	s7 =	smul.u32 @!p0 $0xF7A, s2;
	p2 =	seq.s32 @!p0 s5, $0x0  }
0x1f: {  	s9 =	smul.u32 $0xF7A, s1;
	s8 =	simm.s32 @!p0 $0x1BF5;
	p2 =	por !p2, p0  }
0x20: {  	[sflag:s8] =	ssyncset.s32 @!p0 $0xFFFFF086;
	s6 =	sadd.s32 @!p0 s3, s7;
	s7 =	simm.s32 @!p0 $0x108  }
0x21: {  	s3 =	sadd.s32 s3, s9;
	s6 =	sadd.s32 @!p0 $0x88, s6;
	s7 =	simm.s32 @p2 $0x1082  }
0x22: {  	[simem:s7], [sflag:s8] =	dma.local @!p0 [hbm:s6], $0xF7A  }
0x23: {  	s9 =	sor.u32 $0xD0000000, s2;
	s6 =	simm.s32 $0x108;
	_ =	swait.ge @!p0 [sflag:s8], $0x0  }
0x24: {  	s3 =	sadd.s32 $0x88, s3;
	s6 =	simm.s32 @!p1 $0x1082;
	[sflag:s4] =	ssyncset.s32 $0xFFFFF086  }
0x25: {  	[simem:s6], [sflag:s4] =	dma.local [hbm:s3], $0xF7A  }
0x26: {  	[smem:$0x3F85] =	sst s1;
	(tag) =	ssettag s2;
	_ =	strace s9  }
0x27: {  	s1 =	sld [smem:$0x3F95]  }
0x28: {  	s2 =	sld [smem:$0x3F96]  }
0x29: {  	s4 =	sld [smem:$0x3F98]  }
0x2a: {  	p0 =	seq.s32 s5, $0x0;
	s5 =	sld [smem:$0x3F99]  }
0x2b: {  	s6 =	sld [smem:$0x3F9A]  }
0x2c: {  	s7 =	sld [smem:$0x3F9B]  }
0x2d: {  	s3 =	simm.s32 $0x108;
	s8 =	sld [smem:$0x3F9C]  }
0x2e: {  	s3 =	simm.s32 @!p0 $0x1082;
	s9 =	sld [smem:$0x3F9D]  }
0x2f: {  	lr =	sadd.s32 s0, s3;
	s0 =	sld [smem:$0x3F94]  }
0x30: {  	s3 =	sld [smem:$0x3F97]  }
0x31: {  	[smem:$0x3FA0] =	sst s10  }
0x32: {  	s10 =	sld [smem:$0x3F9E];
	_ =	sdelay $0x3  }
0x33: {  	p0 =	seq.s32 s10, $0x1;
	s10 =	sld [smem:$0x3FA0];
	_ =	sdelay $0x3  }
0x34: {  	[smem:$0x3FA0] =	sst s10  }
0x35: {  	s10 =	sld [smem:$0x3F9F];
	_ =	sdelay $0x3  }
0x36: {  	p1 =	seq.s32 s10, $0x1;
	s10 =	sld [smem:$0x3FA0];
	_ =	sdelay $0x3  }
0x37: {  	[smem:$0x3FA0] =	sst s10  }
0x38: {  	s10 =	sld [smem:$0x3FA1]  }
0x39: {  	_ = 	snop;
	(pc) =	sbr.ind lr, $3  }
0x3a: {  	_ = 	snop  }
0x3b: {  	_ = 	snop  }
0x3c: {  	p2 =	seq.s32 s10, $0x1;
	s10 =	sld [smem:$0x3FA0]  }
0x3d: {  	_ =	shalt  }
0x3e: {  	_ =	shalt  }
0x3f: {  	_ =	shalt  }
0x40: {  	_ =	shalt  }
0x41: {  	_ =	shalt  }
0x42: {  	_ =	shalt  }
0x43: {  	_ =	shalt  }
0x44: {  	_ =	shalt  }
0x45: {  	_ =	shalt  }
0x46: {  	_ =	shalt  }
0x47: {  	_ =	shalt  }
0x48: {  	_ =	shalt  }
0x49: {  	_ =	shalt  }
0x4a: {  	_ =	shalt  }
0x4b: {  	_ =	shalt  }
0x4c: {  	_ =	shalt  }
0x4d: {  	_ =	shalt  }
0x4e: {  	_ =	shalt  }
0x4f: {  	_ =	shalt  }
0x50: {  	_ =	shalt  }
0x51: {  	_ =	shalt  }
0x52: {  	_ =	shalt  }
0x53: {  	_ =	shalt  }
0x54: {  	_ =	shalt  }
0x55: {  	_ =	shalt  }
0x56: {  	_ =	shalt  }
0x57: {  	_ =	shalt  }
0x58: {  	_ =	shalt  }
0x59: {  	_ =	shalt  }
0x5a: {  	_ =	shalt  }
0x5b: {  	_ =	shalt  }
0x5c: {  	_ =	shalt  }
0x5d: {  	_ =	shalt  }
0x5e: {  	_ =	shalt  }
0x5f: {  	_ =	shalt  }
0x60: {  	_ =	shalt  }
0x61: {  	_ =	shalt  }
0x62: {  	_ =	shalt  }
0x63: {  	_ =	shalt  }
0x64: {  	_ =	shalt  }
0x65: {  	_ =	shalt  }
0x66: {  	_ =	shalt  }
0x67: {  	_ =	shalt  }
0x68: {  	_ =	shalt  }
0x69: {  	_ =	shalt  }
0x6a: {  	_ =	shalt  }
0x6b: {  	_ =	shalt  }
0x6c: {  	_ =	shalt  }
0x6d: {  	_ =	shalt  }
0x6e: {  	_ =	shalt  }
0x6f: {  	_ =	shalt  }
0x70: {  	_ =	shalt  }
0x71: {  	_ =	shalt  }
0x72: {  	_ =	shalt  }
0x73: {  	_ =	shalt  }
0x74: {  	_ =	shalt  }
0x75: {  	_ =	shalt  }
0x76: {  	_ =	shalt  }
0x77: {  	_ =	shalt  }
0x78: {  	_ =	shalt  }
0x79: {  	_ =	shalt  }
0x7a: {  	_ =	shalt  }
0x7b: {  	_ =	shalt  }
0x7c: {  	_ =	shalt  }
0x7d: {  	_ =	shalt  }
0x7e: {  	_ =	shalt  }
0x7f: {  	_ =	shalt  }
0x80: {  	_ =	shalt  }
0x81: {  	_ =	shalt  }
0x82: {  	_ =	shalt  }
0x83: {  	_ =	shalt  }
0x84: {  	_ =	shalt  }
0x85: {  	_ =	shalt  }
0x86: {  	_ =	shalt  }
0x87: {  	_ =	shalt  }
.Lfunc_end0:
.L_simem_size_0:
called_computation_lowered:
.L_overlay_start_0:
0x88: {  	s2 =	sld [smem:$0x3FD9]  }
0x89: {  	s3 =	sld [smem:$0x3FFE];
	_ =	sdelay $0x1  }
0x8a: {  	s1 =	srdreg.scid  }
0x8b: {  	s0 =	sand.u32 $0x1, s1  }
0x8c: {  	s17 =	sshll.u32 s0, $0xA;
	s2 =	sadd.s32 s3, s2  }
0x8d: {  	s2 =	sadd.s32 s2, s17  }
0x8e: {  	[smem:$0x3FAC] =	sst s2  }
0x8f: {  	_ = 	snop  }
0x90: {  	s2 =	sld [smem:$0x3FC8];
	(tm) =	ssettm $0x1  }
0x91: {  	s18 =	sld [smem:$0x3FFB];
	_ =	sdelay $0x3  }
0x92: {  	_ =	strace s18  }
0x93: {  	s3 =	sld [smem:$0x3FFC];
	_ =	sdelay $0x3  }
0x94: {  	_ =	strace s3  }
0x95: {  	s3 =	sld [smem:$0x3FFD];
	_ =	sdelay $0x3  }
0x96: {  	_ =	strace s3  }
0x97: {  	_ =	strace $0x8FFFFFFF  }
0x98: {  	s19 =	sld [smem:$0x3FDB];
	_ =	sdelay $0x1  }
0x99: {  	s4 =	simm.s32 $_scs_section_size  }
0x9a: {  	s5 =	simm.s32 $_size__tile_overlayer_lowered;
	s6 =	simm.s32 $_tile_overlayer_lowered  }
0x9b: {  	s22 =	simm.s32 $0x1BFF;
	s21 =	sshll.u32 s6, $0x1;
	s3 =	sadd.s32 s4, s19  }
0x9c: {  	s7 =	simm.s32 $0x0;
	s20 =	sshll.u32 s5, $0x1;
	s5 =	sadd.s32 s21, s3  }
0x9d: {  	[timem:s7], [sflag:s22] =	dma.local [hbm:s5], s20  }
0x9e: {  	_ =	swait.ge [sflag:s22], s20  }
0x9f: {  	s4 =	ssub.s32 $0x0, s20;
	[sflag:s22] =	ssyncset.done $0x0  }
0xa0: {  	[sflag:s22] =	ssyncadd.s32 s4;
	_ =	sdelay $0x1  }
0xa1: {  	s23 =	simm.s32 $0x1B8B  }
0xa2: {  	_ =	swait.ge [sflag:s23], $0x1  }
0xa3: {  	[sflag:s23] =	ssyncset.done $0x0  }
0xa4: {  	s25 =	simm.s32 $0x1B8E;
	s24 =	sld [smem:$0x3FFE];
	[sflag:s23] =	ssyncadd.s32 $0xFFFFFFFF  }
0xa5: {  	s26 =	simm.s32 $execute0_lowered;
	[smem:$0x3FD2] =	sst s25  }
0xa6: {  	s5 =	sshll.u32 s26, $0x1;
	_ =	strace $0x80000046;
	[dreg:$0x1] =	wrdreg $0xFFFFFFFF  }
0xa7: {  	s28 =	simm.s32 $_size_execute0_lowered;
	s3 =	sadd.s32 s3, s5;
	[dreg:$0x0] =	wrdreg $0x0  }
0xa8: {  	s5 =	sshll.u32 s28, $0x1;
	[dreg:$0x2] =	wrdreg s3  }
0xa9: {  	[dreg:$0x3] =	wrdreg s5  }
0xaa: {  	[dreg:$0x4] =	wrdreg $0xC0  }
0xab: {  	_ =	task [dreg:s7], $0x5FFFF  }
0xac: {  	[dreg:$0x1] =	wrdreg $0xFFFFFFFF  }
0xad: {  	[dreg:$0x0] =	wrdreg $0x60  }
0xae: {  	[dreg:$0x2] =	wrdreg s24  }
0xaf: {  	[dreg:$0x3] =	wrdreg s2  }
0xb0: {  	[dreg:$0x4] =	wrdreg $0x8C000  }
0xb1: {  	[dreg:$0x5] =	wrdreg $0x9  }
0xb2: {  	_ =	task.clear_ibuf [dreg:s7], $0x6FFFF;
	_ =	strace $0x90000046  }
0xb3: {  	s29 =	simm.s32 $0x9;
	_ =	strace $0x80000048  }
0xb4: {  	_ =	swait.ge [sflag:s29], $0x1  }
0xb5: {  	[sflag:s29] =	ssyncadd.s32 $0xFFFFFFFF  }
0xb6: {  	_ =	strace $0x90000048  }
0xb7: {  	_ =	sfence  }
0xb8: {  	s30 =	sld [smem:$0x0];
	_ =	sdelay $0x2  }
0xb9: {  	s31 =	sshll.u32 s1, $0xD;
	s1 =	sshrl.u32 s1, $0x2  }
0xba: {  	s3 =	sand.u32 $0x4000, s31;
	s1 =	sadd.s32 s1, s30  }
0xbb: {  	s0 =	sor.u32 s3, s0;
	s1 =	sshll.u32 s1, $0x11  }
0xbc: {  	s0 =	sor.u32 s1, s0  }
0xbd: {  	s0 =	sadd.s32 $0x8F2B, s0  }
0xbe: {  	[sflag:s0] =	ssyncadd.remote.s32 $0x1  }
0xbf: {  	_ =	sfence.sel $0xFFFF  }
0xc0: {  	[dreg:$0x0] =	wrdreg $0xFFFFFFFF;
	(pc) =	sbr.abs _section_cstart, $3  }
0xc1: {  	[dreg:$0x1] =	wrdreg $0xFFFFFFFF  }
0xc2: {  	_ =	task.clear_ibuf [dreg:s7], $0x2FFFF;
	_ =	strace $0x9FFFFFFF  }
0xc3: {  	(tm) =	ssettm $0x7FFFFFFF  }
tec
execute0_lowered:
.L_overlay_start_1:
0x0: {  	(tag) =	ssettag $0x1  }
0x1: {  	s0 =	rddreg [dreg:$0x0]  }
0x2: {  	s1 =	rddreg [dreg:$0x1]  }
0x3: {  	s3 =	rddreg [dreg:$0x2];
	s4 =	simm.s32 $0x0  }
0x4: {  	s14 =	stileid.u32;
	s2 =	srdreg.scid;
	s15 =	simm.s32 $0x100  }
0x5: {  	s17 =	simm.s32 $0x80;
	s18 =	simm.s32 $0x400;
	s19 =	simm.s32 $0x3  }
0x6: {  	s20 =	simm.s32 $0x5;
	[smem:$0x7FF] =	sst s4;
	s5 =	smul.u32 $0x280, s14  }
0x7: {  	s2 =	sand.u32 $0x1, s2;
	s6 =	sadd.s32 $0x4600, s0;
	s25 =	smul.u32 $0x9E0, s14  }
0x8: {  	_ =	strace $0x80000047;
	s7 =	smul.u32 $0x138800, s2;
	s9 =	sshll.u32 s2, $0x4  }
0x9: {  	s21 =	ssub.s32 $0x2, s2;
	s2 =	smul.u32 $0x9E00, s2;
	s8 =	smin.u32 s5, $0x2490  }
0xa: {  	s12 =	sor.u32 s14, s9;
	s10 =	sshrl.u32 s21, $0x1;
	s14 =	simm.s32 $0x4  }
0xb: {  	s11 =	sshll.u32 s8, $0x7;
	s9 =	smul.u32 $0x4E, s12;
	s13 =	smax.u32 s12, $0x1C  }
0xc: {  	s22 =	ssub.s32 s21, s10;
	p0 =	sgt.u32 s12, $0x1B;
	s29 =	smin.u32 s12, $0x1C  }
0xd: {  	s30 =	sadd.s32 s25, s2;
	s21 =	simm.s32 $0x4400;
	s7 =	sadd.s32 s7, s11  }
0xe: {  	s31 =	sshll.u32 s29, $0x5;
	s16 =	sadd.s32 s11, s3;
	s11 =	smax.u32 s22, $0x1  }
0xf: {  	s22 =	simm.s32 $0x1;
	s7 =	sshrl.u32 s7, $0x3;
	s23 =	sadd.s32 s9, s13  }
0x10: {  	s9 =	simm.s32 $0x4F;
	s2 =	ssub.s32 s30, s31;
	s13 =	simm.s32 $0x8400  }
0x11: {  	s0 =	sadd.s32 s7, s0;
	s8 =	sshll.u32 s23, $0x5;
	s9 =	simm.s32 @!p0 $0x4E  }
0x12: {  	s24 =	sadd.s32 s1, s8;
	[dreg:$0x4] =	wrdreg s9;
	s0 =	sadd.s32 $0x2B800, s0  }
0x13: {  	s25 =	sshrl.u32 s16, $0x3;
	s8 =	sadd.s32 $0xFFFFFC80, s24;
	[dreg:$0x8] =	wrdreg s0  }
0x14: {  	s23 =	simm.s32 $0x6;
	s26 =	sadd.s32 $0xFFFFFCA0, s24;
	[dreg:$0x5] =	wrdreg s8  }
0x15: {  	p0 =	slt.u32 s12, $0x1C;
	s28 =	sadd.s32 $0xFFFFFCC0, s24;
	[dreg:$0x6] =	wrdreg s26  }
0x16: {  	v0 =	vimm.f32 $0.0e+00;
	s24 =	simm.s32 $0x2;
	[dreg:$0x7] =	wrdreg s28;
	s26 =	simm.s32 $0x0  }
.LBB2_1:
0x17: {  	[tilespmem:$0x8400] =	vst v0  }
0x18: {  	[tilespmem:$0x8410] =	vst v0  }
0x19: {  	[tilespmem:$0x8420] =	vst v0  }
0x1a: {  	[tilespmem:$0x8430] =	vst v0  }
0x1b: {  	[tilespmem:$0x8440] =	vst v0  }
0x1c: {  	[tilespmem:$0x8450] =	vst v0  }
0x1d: {  	[tilespmem:$0x8460] =	vst v0  }
0x1e: {  	[tilespmem:$0x8470] =	vst v0  }
0x1f: {  	[tilespmem:$0x8480] =	vst v0  }
0x20: {  	[tilespmem:$0x8490] =	vst v0  }
0x21: {  	[tilespmem:$0x84A0] =	vst v0  }
0x22: {  	[tilespmem:$0x84B0] =	vst v0  }
0x23: {  	[tilespmem:$0x84C0] =	vst v0  }
0x24: {  	[tilespmem:$0x84D0] =	vst v0  }
0x25: {  	[tilespmem:$0x84E0] =	vst v0  }
0x26: {  	[tilespmem:$0x84F0] =	vst v0  }
0x27: {  	[tilespmem:$0x8500] =	vst v0  }
0x28: {  	[tilespmem:$0x8510] =	vst v0  }
0x29: {  	[tilespmem:$0x8520] =	vst v0  }
0x2a: {  	[tilespmem:$0x8530] =	vst v0  }
0x2b: {  	[tilespmem:$0x8540] =	vst v0  }
0x2c: {  	[tilespmem:$0x8550] =	vst v0  }
0x2d: {  	[tilespmem:$0x8560] =	vst v0  }
0x2e: {  	[tilespmem:$0x8570] =	vst v0  }
0x2f: {  	[tilespmem:$0x8580] =	vst v0  }
0x30: {  	[tilespmem:$0x8590] =	vst v0  }
0x31: {  	[tilespmem:$0x85A0] =	vst v0  }
0x32: {  	[tilespmem:$0x85B0] =	vst v0  }
0x33: {  	[tilespmem:$0x85C0] =	vst v0  }
0x34: {  	[tilespmem:$0x85D0] =	vst v0  }
0x35: {  	[tilespmem:$0x85E0] =	vst v0  }
0x36: {  	[tilespmem:$0x85F0] =	vst v0  }
0x37: {  	[tilespmem:$0x8600] =	vst v0  }
0x38: {  	[tilespmem:$0x8610] =	vst v0  }
0x39: {  	[tilespmem:$0x8620] =	vst v0  }
0x3a: {  	[tilespmem:$0x8630] =	vst v0  }
0x3b: {  	[tilespmem:$0x8640] =	vst v0  }
0x3c: {  	[tilespmem:$0x8650] =	vst v0  }
0x3d: {  	[tilespmem:$0x8660] =	vst v0  }
0x3e: {  	[tilespmem:$0x8670] =	vst v0  }
0x3f: {  	[tilespmem:$0x8680] =	vst v0  }
0x40: {  	[tilespmem:$0x8690] =	vst v0  }
0x41: {  	[tilespmem:$0x86A0] =	vst v0  }
0x42: {  	[tilespmem:$0x86B0] =	vst v0  }
0x43: {  	[tilespmem:$0x86C0] =	vst v0  }
0x44: {  	[tilespmem:$0x86D0] =	vst v0  }
0x45: {  	[tilespmem:$0x86E0] =	vst v0  }
0x46: {  	[tilespmem:$0x86F0] =	vst v0  }
0x47: {  	[tilespmem:$0x8700] =	vst v0  }
0x48: {  	[tilespmem:$0x8710] =	vst v0  }
0x49: {  	[tilespmem:$0x8720] =	vst v0  }
0x4a: {  	[tilespmem:$0x8730] =	vst v0  }
0x4b: {  	[tilespmem:$0x8740] =	vst v0  }
0x4c: {  	[tilespmem:$0x8750] =	vst v0  }
0x4d: {  	[tilespmem:$0x8760] =	vst v0  }
0x4e: {  	[tilespmem:$0x8770] =	vst v0  }
0x4f: {  	[tilespmem:$0x8780] =	vst v0  }
0x50: {  	[tilespmem:$0x8790] =	vst v0  }
0x51: {  	[tilespmem:$0x87A0] =	vst v0  }
0x52: {  	[tilespmem:$0x87B0] =	vst v0  }
0x53: {  	[tilespmem:$0x87C0] =	vst v0  }
0x54: {  	[tilespmem:$0x87D0] =	vst v0  }
0x55: {  	[tilespmem:$0x87E0] =	vst v0  }
0x56: {  	[tilespmem:$0x87F0] =	vst v0  }
0x57: {  	[tilespmem:$0x8800] =	vst v0  }
0x58: {  	[tilespmem:$0x8810] =	vst v0  }
0x59: {  	[tilespmem:$0x8820] =	vst v0  }
0x5a: {  	[tilespmem:$0x8830] =	vst v0  }
0x5b: {  	[tilespmem:$0x8840] =	vst v0  }
0x5c: {  	[tilespmem:$0x8850] =	vst v0  }
0x5d: {  	[tilespmem:$0x8860] =	vst v0  }
0x5e: {  	[tilespmem:$0x8870] =	vst v0  }
0x5f: {  	[tilespmem:$0x8880] =	vst v0  }
0x60: {  	[tilespmem:$0x8890] =	vst v0  }
0x61: {  	[tilespmem:$0x88A0] =	vst v0  }
0x62: {  	[tilespmem:$0x88B0] =	vst v0  }
0x63: {  	[tilespmem:$0x88C0] =	vst v0  }
0x64: {  	[tilespmem:$0x88D0] =	vst v0  }
0x65: {  	[tilespmem:$0x88E0] =	vst v0  }
0x66: {  	[tilespmem:$0x88F0] =	vst v0  }
0x67: {  	[tilespmem:$0x8900] =	vst v0  }
0x68: {  	[tilespmem:$0x8910] =	vst v0  }
0x69: {  	[tilespmem:$0x8920] =	vst v0  }
0x6a: {  	[tilespmem:$0x8930] =	vst v0  }
0x6b: {  	[tilespmem:$0x8940] =	vst v0  }
0x6c: {  	[tilespmem:$0x8950] =	vst v0  }
0x6d: {  	[tilespmem:$0x8960] =	vst v0  }
0x6e: {  	[tilespmem:$0x8970] =	vst v0  }
0x6f: {  	[tilespmem:$0x8980] =	vst v0  }
0x70: {  	[tilespmem:$0x8990] =	vst v0  }
0x71: {  	[tilespmem:$0x89A0] =	vst v0  }
0x72: {  	[tilespmem:$0x89B0] =	vst v0  }
0x73: {  	[tilespmem:$0x89C0] =	vst v0  }
0x74: {  	[tilespmem:$0x89D0] =	vst v0  }
0x75: {  	[tilespmem:$0x89E0] =	vst v0  }
0x76: {  	[tilespmem:$0x89F0] =	vst v0  }
0x77: {  	[tilespmem:$0x8A00] =	vst v0  }
0x78: {  	[tilespmem:$0x8A10] =	vst v0  }
0x79: {  	[tilespmem:$0x8A20] =	vst v0  }
0x7a: {  	[tilespmem:$0x8A30] =	vst v0  }
0x7b: {  	[tilespmem:$0x8A40] =	vst v0  }
0x7c: {  	[tilespmem:$0x8A50] =	vst v0  }
0x7d: {  	[tilespmem:$0x8A60] =	vst v0  }
0x7e: {  	[tilespmem:$0x8A70] =	vst v0  }
0x7f: {  	[tilespmem:$0x8A80] =	vst v0  }
0x80: {  	[tilespmem:$0x8A90] =	vst v0  }
0x81: {  	[tilespmem:$0x8AA0] =	vst v0  }
0x82: {  	[tilespmem:$0x8AB0] =	vst v0  }
0x83: {  	[tilespmem:$0x8AC0] =	vst v0  }
0x84: {  	[tilespmem:$0x8AD0] =	vst v0  }
0x85: {  	[tilespmem:$0x8AE0] =	vst v0  }
0x86: {  	[tilespmem:$0x8AF0] =	vst v0  }
0x87: {  	[tilespmem:$0x8B00] =	vst v0  }
0x88: {  	[tilespmem:$0x8B10] =	vst v0  }
0x89: {  	[tilespmem:$0x8B20] =	vst v0  }
0x8a: {  	[tilespmem:$0x8B30] =	vst v0  }
0x8b: {  	[tilespmem:$0x8B40] =	vst v0  }
0x8c: {  	[tilespmem:$0x8B50] =	vst v0  }
0x8d: {  	[tilespmem:$0x8B60] =	vst v0  }
0x8e: {  	[tilespmem:$0x8B70] =	vst v0  }
0x8f: {  	[tilespmem:$0x8B80] =	vst v0  }
0x90: {  	[tilespmem:$0x8B90] =	vst v0  }
0x91: {  	[tilespmem:$0x8BA0] =	vst v0  }
0x92: {  	[tilespmem:$0x8BB0] =	vst v0  }
0x93: {  	[tilespmem:$0x8BC0] =	vst v0;
	s0 =	sadd.s32 $0x0, s5  }
0x94: {  	[tilespmem:$0x8BD0] =	vst v0;
	s0 =	smin.u32 s0, $0x2700  }
0x95: {  	[tilespmem:$0x8BE0] =	vst v0;
	s7 =	sshll.u32 s0, $0x7  }
0x96: {  	[tilespmem:$0x8BF0] =	vst v0;
	s0 =	simm.s32 $0x10;
	s7 =	sadd.s32 s7, s3  }
.LBB2_2:
0x97: {  	[spmem:s7] =	stream.linear.scatter [tilespmem:s13], [sflag:$0x3], $0x800, $0x38;
	[tilespmem:$0x1C480] =	vst v63  }
0x98: {  	s7 =	smov.u32 s0;
	p1 =	sne.s32 s0, $0x270  }
.Ltmp0:
0x99: {  	s0 =	sadd.s32 $0x10, s0;
	(pc) =	sbr.rel @p1 .LBB2_2-.Ltmp0, $4  }
0x9a: {  	s7 =	sadd.s32 s7, s5  }
0x9b: {  	s7 =	smin.u32 s7, $0x2700  }
0x9c: {  	s7 =	sshll.u32 s7, $0x7  }
0x9d: {  	s7 =	sadd.s32 s7, s3  }
0x9e: {  	[spmem:s7] =	stream.linear.scatter [tilespmem:s13], [sflag:$0x3], $0x800, $0x38;
	[tilespmem:$0x1C480] =	vst v63  }
0x9f: {  	s0 =	rddreg [dreg:$0x5]  }
0xa0: {  	[tilespmem:s4], [sflag:$0x4] =	stream.linear.gather [hbm4b:s0+s4], $0x100, $0x38;
	[tilespmem:$0x1C480] =	vst v63  }
0xa1: {  	_ =	swait.ge [sflag:s14], $0x100  }
0xa2: {  	[sflag:s14] =	ssyncset.done $0x0  }
0xa3: {  	s29 =	rddreg [dreg:$0x6];
	[sflag:s14] =	ssyncadd.s32 $0xFFFFFF00  }
0xa4: {  	[tilespmem:s15], [sflag:$0x5] =	stream.linear.gather [hbm4b:s29+s4], $0x100, $0x38;
	[tilespmem:$0x1C480] =	vst v63  }
0xa5: {  	s31 =	simm.s32 $0x200;
	s30 =	rddreg [dreg:$0x7]  }
0xa6: {  	[tilespmem:s31], [sflag:$0x4] =	stream.linear.gather [hbm4b:s30+s4], $0x100, $0x38;
	[tilespmem:$0x1C480] =	vst v63  }
0xa7: {  	_ = 	snop  }
0xa8: {  	[tilespmem:s18], [sflag:$0x1] =	stream.indirect.gather [hbm4b:s6+s17], $0x80, s4, s17, $0xb8;
	[tilespmem:$0x1C480] =	vst v63  }
0xa9: {  	_ =	swait.ge [sflag:s19], $0x800  }
0xaa: {  	s0 =	simm.s32 $0x27;
	[sflag:s19] =	ssyncset.done $0x0  }
.LBB2_4:
0xab: {  	p1 =	sne.s32 s0, $0x1;
	s0 =	sadd.s32 $0xFFFFFFFF, s0;
	[sflag:s19] =	ssyncadd.s32 $0xFFFFF800  }
.Ltmp1:
0xac: {  	(pc) =	sbr.rel @p1 .LBB2_4-.Ltmp1, $3  }
0xad: {  	_ =	sdelay $0x1  }
0xae: {  	_ =	swait.ge [sflag:s19], $0x800  }
0xaf: {  	[sflag:s19] =	ssyncset.done $0x0  }
0xb0: {  	[sflag:s19] =	ssyncadd.s32 $0xFFFFF800  }
0xb1: {  	s0 =	simm.s32 $0xC00;
	[bflag:$0x0] =	sbarrier.arrive $0xFFFF  }
0xb2: {  	s7 =	simm.s32 $0x0;
	s12 =	sadd.s32 $0x60, s2;
	_ =	swait.ge [sflag:s20], $0x100  }
0xb3: {  	s0 =	sand.u32 $0xC00, s0;
	s28 =	sand.u32 $0x200, s7;
	[sflag:s20] =	ssyncset.done $0x0  }
0xb4: {  	s12 =	sand.u32 $0x1FFFFFE0, s12;
	s16 =	sor.u32 $0x100, s28;
	[sflag:s20] =	ssyncadd.s32 $0xFFFFFF00  }
0xb5: {  	[tilespmem:s21], [sflag:$0x2] =	stream.indirect.gather [hbm4b:s6+s17], $0x80, s16, s17, $0xb8;
	[tilespmem:$0x1C480] =	vst v63  }
0xb6: {  	s0 =	sshrl.u32 s0, $0x2;
	s12 =	sadd.s32 s1, s12  }
0xb7: {  	[tilespmem:s0], [sflag:$0x5] =	stream.linear.gather [hbm4b:s12+s4], $0x100, $0x38;
	[tilespmem:$0x1C480] =	vst v63  }
0xb8: {  	_ =	swait.ge [sflag:s22], $0x4000  }
0xb9: {  	[sflag:s22] =	ssyncset.done $0x0  }
0xba: {  	s12 =	sor.u32 $0x80, s28;
	[sflag:s22] =	ssyncadd.s32 $0xFFFFC000  }
0xbb: {  	[spmem:s3] =	stream.indirect.scatter.add.f32 [tilespmem:s18], [sflag:$0x6], $0x80, s12, s17, $0xb8;
	[tilespmem:$0x1C480] =	vst v63  }
0xbc: {  	_ =	swait.ge [sflag:s23], $0x4000  }
0xbd: {  	[sflag:s23] =	ssyncset.done $0x0  }
0xbe: {  	s31 =	simm.s32 $0x4;
	[sflag:s23] =	ssyncadd.s32 $0xFFFFC000  }
0xbf: {  	s29 =	simm.s32 $0x800;
	s16 =	sxor.u32 $0xFFFFFFFF, s7;
	_ =	swait.ge [sflag:s14], $0x100  }
0xc0: {  	s30 =	simm.s32 $0x200;
	s0 =	sand.u32 $0x800, s16;
	[sflag:s14] =	ssyncset.done $0x0  }
0xc1: {  	s16 =	smov.u32 s2;
	s0 =	sshrl.u32 s0, $0x2;
	[sflag:s14] =	ssyncadd.s32 $0xFFFFFF00  }
0xc2: {  	[tilespmem:s18], [sflag:$0x1] =	stream.indirect.gather [hbm4b:s6+s17], $0x80, s0, s17, $0xb8;
	[tilespmem:$0x1C480] =	vst v63  }
0xc3: {  	s12 =	smov.u32 s2;
	s7 =	rddreg [dreg:$0x4];
	s0 =	simm.s32 $0x6  }
.LBB2_6:
0xc4: {  	p2 =	sge.u32 s31, s7  }
0xc5: {  	s8 =	sadd.s32 @!p2 $0x80, s12  }
0xc6: {  	s8 =	sand.u32 @!p2 $0x1FFFFFE0, s8  }
0xc7: {  	s9 =	simm.s32 @!p2 $0x0;
	s8 =	sadd.s32 @!p2 s1, s8  }
0xc8: {  	[tilespmem:s28], [sflag:$0x4] =	stream.linear.gather @!p2 [hbm4b:s8+s9], $0x100, $0x38;
	[tilespmem:$0x1C480] =	vst v63  }
0xc9: {  	_ =	swait.ge [sflag:s24], $0x4000  }
0xca: {  	[sflag:s24] =	ssyncset.done $0x0  }
0xcb: {  	s10 =	sadd.s32 $0x180, s28;
	[sflag:s24] =	ssyncadd.s32 $0xFFFFC000  }
0xcc: {  	[spmem:s3] =	stream.indirect.scatter.add.f32 [tilespmem:s21], [sflag:$0x6], $0x80, s10, s17, $0xb8;
	[tilespmem:$0x1C480] =	vst v63  }
0xcd: {  	_ =	swait.ge [sflag:s23], $0x4000  }
0xce: {  	[sflag:s23] =	ssyncset.done $0x0  }
0xcf: {  	s16 =	sadd.s32 $0x40, s16;
	s7 =	smov.u32 s29;
	[sflag:s23] =	ssyncadd.s32 $0xFFFFC000  }
0xd0: {  	s9 =	sadd.s32 $0xC00, s7;
	s28 =	sand.u32 $0x200, s30;
	_ =	swait.ge [sflag:s20], $0x100  }
0xd1: {  	s8 =	sand.u32 $0xC00, s9;
	s10 =	sadd.s32 $0x60, s16;
	[sflag:s20] =	ssyncset.done $0x0  }
0xd2: {  	s9 =	sor.u32 $0x100, s28;
	s10 =	sand.u32 $0x1FFFFFE0, s10;
	[sflag:s20] =	ssyncadd.s32 $0xFFFFFF00  }
0xd3: {  	[tilespmem:s21], [sflag:$0x2] =	stream.indirect.gather [hbm4b:s6+s17], $0x80, s9, s17, $0xb8;
	[tilespmem:$0x1C480] =	vst v63  }
0xd4: {  	s8 =	sshrl.u32 s8, $0x2;
	s10 =	sadd.s32 s1, s10  }
0xd5: {  	[tilespmem:s8], [sflag:$0x5] =	stream.linear.gather [hbm4b:s10+s4], $0x100, $0x38;
	[tilespmem:$0x1C480] =	vst v63  }
0xd6: {  	_ =	swait.ge [sflag:s22], $0x4000  }
0xd7: {  	[sflag:s22] =	ssyncset.done $0x0  }
0xd8: {  	s9 =	sor.u32 $0x80, s28;
	[sflag:s22] =	ssyncadd.s32 $0xFFFFC000  }
0xd9: {  	[spmem:s3] =	stream.indirect.scatter.add.f32 [tilespmem:s18], [sflag:$0x6], $0x80, s9, s17, $0xb8;
	[tilespmem:$0x1C480] =	vst v63  }
0xda: {  	s29 =	sadd.s32 $0x800, s29;
	_ =	swait.ge [sflag:s23], $0x4000  }
0xdb: {  	s31 =	smov.u32 s0;
	p1 =	sne.s32 s29, $0x13000;
	[sflag:s23] =	ssyncset.done $0x0  }
.Ltmp2:
0xdc: {  	s0 =	sadd.s32 $0x2, s0;
	[sflag:s23] =	ssyncadd.s32 $0xFFFFC000;
	(pc) =	sbr.rel @p1 .LBB2_6-.Ltmp2, $4  }
0xdd: {  	s12 =	smov.u32 s16;
	s7 =	sxor.u32 $0xFFFFFFFF, s7;
	_ =	swait.ge [sflag:s14], $0x100  }
0xde: {  	s30 =	sadd.s32 $0x200, s30;
	s10 =	sand.u32 $0x800, s7;
	[sflag:s14] =	ssyncset.done $0x0  }
0xdf: {  	s8 =	sshrl.u32 s10, $0x2;
	s7 =	rddreg [dreg:$0x4];
	[sflag:s14] =	ssyncadd.s32 $0xFFFFFF00  }
0xe0: {  	[tilespmem:s18], [sflag:$0x1] =	stream.indirect.gather [hbm4b:s6+s17], $0x80, s8, s17, $0xb8;
	[tilespmem:$0x1C480] =	vst v63  }
0xe1: {  	p1 =	sge.u32 s31, s7  }
0xe2: {  	s0 =	sadd.s32 @!p1 $0x80, s12  }
0xe3: {  	s0 =	sand.u32 @!p1 $0x1FFFFFE0, s0  }
0xe4: {  	s7 =	simm.s32 @!p1 $0x0;
	s0 =	sadd.s32 @!p1 s1, s0  }
0xe5: {  	[tilespmem:s28], [sflag:$0x4] =	stream.linear.gather @!p1 [hbm4b:s0+s7], $0x100, $0x38;
	[tilespmem:$0x1C480] =	vst v63  }
0xe6: {  	_ =	swait.ge [sflag:s24], $0x4000  }
0xe7: {  	[sflag:s24] =	ssyncset.done $0x0  }
0xe8: {  	s29 =	sadd.s32 $0x180, s28;
	[sflag:s24] =	ssyncadd.s32 $0xFFFFC000  }
0xe9: {  	[spmem:s3] =	stream.indirect.scatter.add.f32 [tilespmem:s21], [sflag:$0x6], $0x80, s29, s17, $0xb8;
	[tilespmem:$0x1C480] =	vst v63  }
0xea: {  	_ =	swait.ge [sflag:s23], $0x4000  }
0xeb: {  	[sflag:s23] =	ssyncset.done $0x0  }
0xec: {  	[sflag:s23] =	ssyncadd.s32 $0xFFFFC000  }
0xed: {  	_ =	swait.ge [sflag:s20], $0x100  }
0xee: {  	[sflag:s20] =	ssyncset.done $0x0  }
0xef: {  	[sflag:s20] =	ssyncadd.s32 $0xFFFFFF00  }
0xf0: {  	[tilespmem:s21], [sflag:$0x2] =	stream.indirect.gather [hbm4b:s6+s17], $0x80, s15, s17, $0xb8;
	[tilespmem:$0x1C480] =	vst v63  }
0xf1: {  	_ =	swait.ge [sflag:s22], $0x4000  }
0xf2: {  	[sflag:s22] =	ssyncset.done $0x0  }
0xf3: {  	[sflag:s22] =	ssyncadd.s32 $0xFFFFC000  }
0xf4: {  	[spmem:s3] =	stream.indirect.scatter.add.f32 [tilespmem:s18], [sflag:$0x6], $0x80, s17, s17, $0xb8;
	[tilespmem:$0x1C480] =	vst v63  }
0xf5: {  	_ =	swait.ge [sflag:s23], $0x4000  }
0xf6: {  	[sflag:s23] =	ssyncset.done $0x0  }
0xf7: {  	s0 =	simm.s32 @p0 $0x2;
	[sflag:s23] =	ssyncadd.s32 $0xFFFFC000  }
0xf8: {  	_ =	swait.ge @p0 [sflag:s0], $0x4000  }
0xf9: {  	s8 =	simm.s32 @p0 $0x4400;
	[sflag:s0] =	ssyncset.done @p0 $0x0  }
0xfa: {  	s7 =	simm.s32 @p0 $0x180;
	[sflag:s0] =	ssyncadd.s32 @p0 $0xFFFFC000;
	s0 =	simm.s32 @p0 $0x80  }
0xfb: {  	[spmem:s3] =	stream.indirect.scatter.add.f32 @p0 [tilespmem:s8], [sflag:$0x6], $0x80, s7, s0, $0xb8;
	[tilespmem:$0x1C480] =	vst v63  }
0xfc: {  	s0 =	simm.s32 @!p0 $0x4  }
0xfd: {  	_ =	swait.ge @!p0 [sflag:s0], $0x100  }
0xfe: {  	s7 =	simm.s32 @!p0 $0x200;
	[sflag:s0] =	ssyncset.done @!p0 $0x0  }
0xff: {  	s8 =	simm.s32 @!p0 $0x400;
	[sflag:s0] =	ssyncadd.s32 @!p0 $0xFFFFFF00;
	s0 =	simm.s32 @!p0 $0x80  }
0x100: {  	[tilespmem:s8], [sflag:$0x1] =	stream.indirect.gather @!p0 [hbm4b:s6+s0], $0x80, s7, s0, $0xb8;
	[tilespmem:$0x1C480] =	vst v63  }
0x101: {  	s7 =	simm.s32 @!p0 $0x2  }
0x102: {  	_ =	swait.ge @!p0 [sflag:s7], $0x4000  }
0x103: {  	[sflag:s7] =	ssyncset.done @!p0 $0x0  }
0x104: {  	s9 =	simm.s32 @!p0 $0x4400;
	[sflag:s7] =	ssyncadd.s32 @!p0 $0xFFFFC000;
	s7 =	simm.s32 @!p0 $0x180  }
0x105: {  	[spmem:s3] =	stream.indirect.scatter.add.f32 @!p0 [tilespmem:s9], [sflag:$0x6], $0x80, s7, s0, $0xb8;
	[tilespmem:$0x1C480] =	vst v63  }
0x106: {  	s7 =	simm.s32 @!p0 $0x6  }
0x107: {  	_ =	swait.ge @!p0 [sflag:s7], $0x4000  }
0x108: {  	[sflag:s7] =	ssyncset.done @!p0 $0x0  }
0x109: {  	[sflag:s7] =	ssyncadd.s32 @!p0 $0xFFFFC000;
	s7 =	simm.s32 @!p0 $0x1  }
0x10a: {  	_ =	swait.ge @!p0 [sflag:s7], $0x4000  }
0x10b: {  	[sflag:s7] =	ssyncset.done @!p0 $0x0  }
0x10c: {  	[sflag:s7] =	ssyncadd.s32 @!p0 $0xFFFFC000;
	s7 =	simm.s32 @!p0 $0x280  }
0x10d: {  	[spmem:s3] =	stream.indirect.scatter.add.f32 @!p0 [tilespmem:s8], [sflag:$0x6], $0x80, s7, s0, $0xb8;
	[tilespmem:$0x1C480] =	vst v63  }
0x10e: {  	_ =	swait.ge [sflag:s23], $0x4000  }
0x10f: {  	[sflag:s23] =	ssyncset.done $0x0  }
0x110: {  	s30 =	stileid.u32;
	s26 =	sadd.s32 $0x1, s26;
	[sflag:s23] =	ssyncadd.s32 $0xFFFFC000  }
0x111: {  	p1 =	sne.s32 s26, s11;
	s0 =	sshll.u32 s30, $0x6;
	[bflag:$0x0] =	sbarrier.arrive $0xFFFF  }
.Ltmp3:
0x112: {  	s0 =	sor.u32 $0x1C06, s0;
	s31 =	rddreg [dreg:$0x8];
	(pc) =	sbr.rel @p1 .LBB2_1-.Ltmp3, $4  }
0x113: {  	[hbm:s31], [sflag:s0] =	dma.local [spmem:s25], $0x2800  }
0x114: {  	_ =	swait.ge [sflag:s23], $0x2800  }
0x115: {  	[sflag:s23] =	ssyncset.done $0x0  }
0x116: {  	[sflag:s23] =	ssyncadd.s32 $0xFFFFD800  }
0x117: {  	_ =	sfence.sel $0x180000  }
0x118: {  	[bflag:$0x0] =	sbarrier.arrive $0xFFFF  }
0x119: {  	_ =	strace $0x90000047  }
0x11a: {  	s0 =	stileid.u32;
	[bflag:$0x2] =	sbarrier.arrive $0xFFFF  }
0x11b: {  	p0 =	sne.s32 s0, $0x0;
	s0 =	rddreg [dreg:$0x3]  }
0x11c: {  	s0 =	sadd.s32 @!p0 $0x100000, s0  }
0x11d: {  	[sflag:s0] =	ssyncadd.tile.s32 @!p0 $0x1;
	_ =	shalt  }
.Lfunc_end2:
_tile_overlayer_lowered:
.L_overlay_start_2:
0x11e: {  	(tag) =	ssettag $0x2  }
0x11f: {  	s0 =	rddreg [dreg:$0x0];
	s2 =	stileid.u32  }
0x120: {  	s1 =	rddreg [dreg:$0x1];
	p0 =	sne.s32 s2, $0x0  }
0x121: {  	s3 =	rddreg [dreg:$0x2];
	[bflag:$0x3] =	sbarrier.arrive $0xFFFF;
	s2 =	simm.s32 @!p0 $0x1C06  }
0x122: {  	[timem:s3], [sflag:s2] =	dma.local @!p0 [hbm:s0], s1  }
0x123: {  	s0 =	simm.s32 @!p0 $0x6  }
0x124: {  	_ =	swait.ge @!p0 [sflag:s0], s1  }
0x125: {  	s1 =	ssub.s32 @!p0 $0x0, s1;
	[sflag:s0] =	ssyncset.done @!p0 $0x0  }
0x126: {  	[sflag:s0] =	ssyncadd.s32 @!p0 s1  }
0x127: {  	[bflag:$0x3] =	sbarrier.arrive $0xFFFF  }
0x128: {  	_ =	shalt  }

</sc_bundles>
